<compile_context>
chip_gen: v7x
topology: tpu7x:2x2x1
jax: 0.10.2.dev20260603
libtpu: 0.0.44.dev20260713+nightly
codegen_flags: <defaults>
</compile_context>

<pallas_src>
import functools

import jax
import jax.numpy as jnp
from jax import lax
from jax.experimental import pallas as pl
from jax.experimental.pallas import tpu as pltpu
from jax.experimental.pallas import tpu_sc as plsc

EPS = 1e-5
NC = 2
NS = 16
L = 16
EC = 80
PD = 5
PF = 3

_HI = lax.Precision.HIGHEST


def _dot(a, b):
    return jnp.dot(a, b, precision=_HI, preferred_element_type=jnp.float32)



def _pre_body(x_ref, encW_ref, encb_ref, emb_ref, l1W_ref, l1b_ref,
              l2W_ref, l2b_ref, h_ref, t1_ref, t2_ref):
    h_ref[...] = _dot(x_ref[...], encW_ref[...]) + encb_ref[...]
    emb = emb_ref[...]
    t1_ref[...] = _dot(emb, l1W_ref[...]) + l1b_ref[...]
    t2_ref[...] = _dot(emb, l2W_ref[...]) + l2b_ref[...]


def _mlp(u, W1, b1, g, be, W2, b2):
    v = _dot(u, W1) + b1
    m = jnp.mean(v, axis=0, keepdims=True)
    var = jnp.mean((v - m) ** 2, axis=0, keepdims=True)
    v = g * (v - m) / jnp.sqrt(var + EPS) + be
    v = jnp.maximum(v, 0.0)
    return _dot(v, W2) + b2


def _mid_body(h_ref, p_ref, W1_ref, b1_ref, g_ref, be_ref, W2_ref, b2_ref,
              o_ref):
    u = h_ref[...] + p_ref[0, :, :] + p_ref[1, :, :]
    w = _mlp(u, W1_ref[...], b1_ref[...], g_ref[...], be_ref[...],
             W2_ref[...], b2_ref[...])
    o_ref[...] = jnp.maximum(w, 0.0)


def _final_body(h_ref, p_ref, W1_ref, b1_ref, g_ref, be_ref, W2_ref, b2_ref,
                batch_ref, headW_ref, headb_ref, clfW_ref, clfb_ref, o_ref):
    u = h_ref[...] + p_ref[0, :, :] + p_ref[1, :, :]
    h2 = _mlp(u, W1_ref[...], b1_ref[...], g_ref[...], be_ref[...],
              W2_ref[...], b2_ref[...])
    n, _ = h2.shape
    G = o_ref.shape[0]
    onehot = (batch_ref[...] == lax.broadcasted_iota(jnp.int32, (n, G), 1))
    pooled = _dot(onehot.astype(jnp.float32).T, h2)
    z = jnp.maximum(_dot(pooled, headW_ref[...]) + headb_ref[...], 0.0)
    o_ref[...] = _dot(z, clfW_ref[...]) + clfb_ref[...]



def _edge_pass(h, src2, dst2, typ2, t):
    N, H = h.shape
    R = t.shape[0]
    nrows_all = src2.shape[0]
    W = NC * NS
    assert nrows_all % W == 0
    nch = nrows_all // W
    assert nch % PD == 0
    niter = nch // PD
    nfb = H // L
    rpa = (N // NS) // 8 * 8
    rem = N - rpa * NS
    assert rem % 8 == 0 and rem <= EC
    nzc = rpa // EC
    zrem = rpa - nzc * EC

    mesh = plsc.VectorSubcoreMesh(core_axis_name="c", subcore_axis_name="s")

    @functools.partial(
        pl.kernel,
        out_type=jax.ShapeDtypeStruct((NC, N, H), jnp.float32),
        mesh=mesh,
        scratch_types=[
            pltpu.VMEM((nch, EC), jnp.int32),
            pltpu.VMEM((nch, EC), jnp.int32),
            pltpu.VMEM((nch, EC), jnp.int32),
            pltpu.VMEM((PD, EC, H), jnp.float32),
            pltpu.VMEM((PD, EC, H), jnp.float32),
            pltpu.VMEM((R, H), jnp.float32),
            pltpu.VMEM_SHARED((N, H), jnp.float32),
            pltpu.VMEM_SHARED((R, H), jnp.float32),
            pltpu.SemaphoreType.DMA((PD,)),
            pltpu.SemaphoreType.DMA((PD,)),
            pltpu.SemaphoreType.DMA((PD,)),
        ],
        compiler_params=pltpu.CompilerParams(use_tc_tiling_on_sc=False),
    )
    def k(h_hbm, src_hbm, dst_hbm, typ_hbm, t_hbm, out_hbm,
          sidxall, didxall, tidxall, rows, trows, tvm, aggr, tspm,
          semg, semt, sems):
        cid = lax.axis_index("c")
        sid = lax.axis_index("s")
        wid = cid * NS + sid
        crow0 = wid * nch

        @pl.when(sid == 0)
        def _():
            pltpu.sync_copy(t_hbm, tvm)
            pltpu.sync_copy(tvm, tspm)

        pltpu.sync_copy(src_hbm.at[pl.ds(crow0, nch)], sidxall)
        pltpu.sync_copy(dst_hbm.at[pl.ds(crow0, nch)], didxall)
        pltpu.sync_copy(typ_hbm.at[pl.ds(crow0, nch)], tidxall)

        zero = jnp.zeros((L,), jnp.float32)

        def zrow(i, carry):
            r = i // nfb
            col = (i % nfb) * L
            rows[0, r, pl.ds(col, L)] = zero
            return carry

        lax.fori_loop(0, EC * nfb, zrow, 0)
        for i in range(nzc):
            pltpu.sync_copy(rows.at[0],
                            aggr.at[pl.ds(sid * rpa + i * EC, EC)])
        if zrem:
            pltpu.sync_copy(rows.at[0, pl.ds(0, zrem)],
                            aggr.at[pl.ds(sid * rpa + nzc * EC, zrem)])

        @pl.when(sid == NS - 1)
        def _():
            pltpu.sync_copy(rows.at[0, pl.ds(0, rem)],
                            aggr.at[pl.ds(NS * rpa, rem)])

        plsc.subcore_barrier()

        def fire(c, b):
            pltpu.async_copy(h_hbm.at[sidxall.at[c]], rows.at[b],
                             semg.at[b])
            pltpu.async_copy(tspm.at[tidxall.at[c]], trows.at[b],
                             semt.at[b])

        def wait_gather(c, b):
            pltpu.make_async_copy(h_hbm.at[sidxall.at[c]], rows.at[b],
                                  semg.at[b]).wait()
            pltpu.make_async_copy(tspm.at[tidxall.at[c]], trows.at[b],
                                  semt.at[b]).wait()

        def scatter(c, b):
            pltpu.async_copy(rows.at[b], aggr.at[didxall.at[c]], sems.at[b],
                             add=True)

        def wait_scatter(c, b):
            pltpu.make_async_copy(rows.at[b], aggr.at[didxall.at[c]],
                                  sems.at[b]).wait()

        def compute(b):
            @plsc.parallel_loop(0, EC, unroll=2)
            def _(r):
                for j in range(nfb):
                    s = pl.ds(j * L, L)
                    rows[b, r, s] = jnp.maximum(rows[b, r, s] + trows[b, r, s],
                                                0.0)

        for c0 in range(PF):
            fire(c0, c0)

        def step(kk, carry):
            cbase = kk * PD
            for b in range(PD):
                c = cbase + b
                cf = c + PF
                bf = (b + PF) % PD

                @pl.when(cf < nch)
                def _():
                    @pl.when(cf >= PD)
                    def _():
                        wait_scatter(cf - PD, bf)

                    fire(cf, bf)

                wait_gather(c, b)
                compute(b)
                scatter(c, b)
            return carry

        lax.fori_loop(0, niter, step, 0)
        for b in range(PD):
            wait_scatter(nch - PD + b, b)

        plsc.subcore_barrier()
        pltpu.sync_copy(aggr.at[pl.ds(sid * rpa, rpa)],
                        out_hbm.at[cid, pl.ds(sid * rpa, rpa)])

        @pl.when(sid == NS - 1)
        def _():
            pltpu.sync_copy(aggr.at[pl.ds(NS * rpa, rem)],
                            out_hbm.at[cid, pl.ds(NS * rpa, rem)])

    return k(h, src2, dst2, typ2, t)



def kernel(x, edge_index, edge_type, batch, enc_W, enc_b, edge_emb,
           c1_linW, c1_linb, c1_W1, c1_b1, c1_g, c1_be, c1_W2, c1_b2,
           c2_linW, c2_linb, c2_W1, c2_b1, c2_g, c2_be, c2_W2, c2_b2,
           head_W, head_b, clf_W, clf_b):
    N, _ = x.shape
    H = enc_W.shape[1]
    G = 128
    OUT = clf_W.shape[1]
    src2 = edge_index[0].reshape(-1, EC)
    dst2 = edge_index[1].reshape(-1, EC)
    typ2 = edge_type.reshape(-1, EC)

    row = lambda v: v.reshape(1, -1)

    h0, t1, t2 = pl.pallas_call(
        _pre_body,
        out_shape=(
            jax.ShapeDtypeStruct((N, H), jnp.float32),
            jax.ShapeDtypeStruct((edge_emb.shape[0], H), jnp.float32),
            jax.ShapeDtypeStruct((edge_emb.shape[0], H), jnp.float32),
        ),
    )(x, enc_W, row(enc_b), edge_emb, c1_linW, row(c1_linb), c2_linW,
      row(c2_linb))

    p1 = _edge_pass(h0, src2, dst2, typ2, t1)

    h1 = pl.pallas_call(
        _mid_body,
        out_shape=jax.ShapeDtypeStruct((N, H), jnp.float32),
    )(h0, p1, c1_W1, row(c1_b1), row(c1_g), row(c1_be), c1_W2, row(c1_b2))

    p2 = _edge_pass(h1, src2, dst2, typ2, t2)

    out = pl.pallas_call(
        _final_body,
        out_shape=jax.ShapeDtypeStruct((G, OUT), jnp.float32),
    )(h1, p2, c2_W1, row(c2_b1), row(c2_g), row(c2_be), c2_W2, row(c2_b2),
      batch.reshape(-1, 1), head_W, row(head_b), clf_W, row(clf_b))

    return out

# --- scband reference (transcript-rebuilt; emitter-appended) ---
"""Pipeline reference for scband-gine-net-graph-13657996001717 (READ-ONLY COPY).

The authoritative reference and input builder live on the scoring server;
editing this copy changes nothing except your own understanding.
"""

import jax, jax.numpy as jnp
import numpy as np

N = 10000; E = 320000; IN = 128; H = 64; OUT = 10; R = 16; G = 128
EPS = 1e-5


def _init(key, shape, fan_in):
    return jax.random.normal(key, shape, dtype=jnp.float32) / np.sqrt(float(fan_in))


def setup_inputs(seed: int = 0):
    key = jax.random.key(seed)
    ks = jax.random.split(key, 32)
    inp = {}
    inp["x"] = jax.random.normal(ks[0], (N, IN), dtype=jnp.float32)
    inp["edge_index"] = jax.random.randint(ks[1], (2, E), 0, N, dtype=jnp.int32)
    inp["edge_type"] = jax.random.randint(ks[2], (E,), 0, R, dtype=jnp.int32)
    inp["batch"] = jnp.sort(jax.random.randint(ks[3], (N,), 0, G, dtype=jnp.int32))
    inp["enc_W"] = _init(ks[4], (IN, H), IN)
    inp["enc_b"] = jnp.zeros((H,), jnp.float32)
    inp["edge_emb"] = _init(ks[5], (R, H), 1.0)
    i = 6
    for c in (1, 2):
        inp[f"c{c}_linW"] = _init(ks[i], (H, H), H); i += 1
        inp[f"c{c}_linb"] = jnp.zeros((H,), jnp.float32)
        inp[f"c{c}_W1"] = _init(ks[i], (H, H), H); i += 1
        inp[f"c{c}_b1"] = jnp.zeros((H,), jnp.float32)
        inp[f"c{c}_g"] = jnp.ones((H,), jnp.float32)
        inp[f"c{c}_be"] = jnp.zeros((H,), jnp.float32)
        inp[f"c{c}_W2"] = _init(ks[i], (H, H), H); i += 1
        inp[f"c{c}_b2"] = jnp.zeros((H,), jnp.float32)
    inp["head_W"] = _init(ks[i], (H, H), H); i += 1
    inp["head_b"] = jnp.zeros((H,), jnp.float32)
    inp["clf_W"] = _init(ks[i], (H, OUT), H); i += 1
    inp["clf_b"] = jnp.zeros((OUT,), jnp.float32)
    return inp


def _bn(h, g, b):
    m = h.mean(axis=0)
    v = h.var(axis=0)
    return g * (h - m) / jnp.sqrt(v + EPS) + b


def _gine(x, src, dst, ea, linW, linb, W1, b1, g, be, W2, b2):
    # GINEConv: message = relu(x_j + lin(edge_attr)); aggregate = add; update = MLP((1+eps)*x_i + aggr), eps=0
    e = ea @ linW + linb
    msg = jax.nn.relu(x[src] + e)
    aggr = jax.ops.segment_sum(msg, dst, num_segments=N)
    h = x + aggr
    h = h @ W1 + b1
    h = jax.nn.relu(_bn(h, g, be))
    return h @ W2 + b2


def reference(x, edge_index, edge_type, batch, enc_W, enc_b, edge_emb,
              c1_linW, c1_linb, c1_W1, c1_b1, c1_g, c1_be, c1_W2, c1_b2,
              c2_linW, c2_linb, c2_W1, c2_b1, c2_g, c2_be, c2_W2, c2_b2,
              head_W, head_b, clf_W, clf_b):
    src = edge_index[0]
    dst = edge_index[1]
    h = x @ enc_W + enc_b                      # Linear encoder (x is float)
    ea = edge_emb[edge_type]                   # EdgeEncoder embedding lookup
    h = _gine(h, src, dst, ea, c1_linW, c1_linb, c1_W1, c1_b1, c1_g, c1_be, c1_W2, c1_b2)
    h = jax.nn.relu(h)                         # dropout p=0 -> identity, then relu
    h = _gine(h, src, dst, ea, c2_linW, c2_linb, c2_W1, c2_b1, c2_g, c2_be, c2_W2, c2_b2)
    pooled = jax.ops.segment_sum(h, batch, num_segments=G)  # global_add_pool
    z = jax.nn.relu(pooled @ head_W + head_b)
    return z @ clf_W + clf_b

if __name__ == "__main__":
    import jax
    _d = setup_inputs()
    print(jax.jit(kernel)(*tuple(_d.values())))

</pallas_src>

<mosaic_0001>
#map = affine_map<(d0, d1) -> (0, 0)>
#map1 = affine_map<(d0, d1) -> (0, 0, 0)>
module attributes {stable_mosaic.version = 14 : i64} {
  func.func @k(%arg0: i32, %arg1: i32, %arg2: memref<10000x64xf32, #tpu.memory_space<hbm>>, %arg3: memref<4000x80xi32, #tpu.memory_space<hbm>>, %arg4: memref<4000x80xi32, #tpu.memory_space<hbm>>, %arg5: memref<4000x80xi32, #tpu.memory_space<hbm>>, %arg6: memref<16x64xf32, #tpu.memory_space<hbm>>, %arg7: memref<2x10000x64xf32, #tpu.memory_space<hbm>>, %arg8: memref<125x80xi32, #tpu.memory_space<vmem>>, %arg9: memref<125x80xi32, #tpu.memory_space<vmem>>, %arg10: memref<125x80xi32, #tpu.memory_space<vmem>>, %arg11: memref<5x80x64xf32, #tpu.memory_space<vmem>>, %arg12: memref<5x80x64xf32, #tpu.memory_space<vmem>>, %arg13: memref<16x64xf32, #tpu.memory_space<vmem>>, %arg14: memref<10000x64xf32, #tpu.memory_space<vmem_shared>>, %arg15: memref<16x64xf32, #tpu.memory_space<vmem_shared>>, %arg16: memref<5x!tpu.dma_semaphore, #tpu.memory_space<semaphore_mem>>, %arg17: memref<5x!tpu.dma_semaphore, #tpu.memory_space<semaphore_mem>>, %arg18: memref<5x!tpu.dma_semaphore, #tpu.memory_space<semaphore_mem>>) attributes {dimension_semantics = [#tpu.dimension_semantics<core_parallel>, #tpu.dimension_semantics<subcore_parallel>], iteration_bounds = array<i64: 2, 16>, scalar_prefetch = 0 : i64, scratch_operands = 11 : i64, tpu.core_type = #tpu.core_type<sc_vector_subcore>, window_params = [{transform_indices = #map}, {transform_indices = #map}, {transform_indices = #map}, {transform_indices = #map}, {transform_indices = #map}, {transform_indices = #map1}]} {
    %mul3A = arith.constant 16 : i32
    %mul3A_0 = arith.muli %arg0, %mul3A : i32
    %add3A = arith.addi %mul3A_0, %arg1 : i32
    %mul3A_1 = arith.constant 125 : i32
    %mul3A_2 = arith.muli %add3A, %mul3A_1 : i32
    %eq3A = arith.constant 0 : i32
    %eq3A_3 = arith.cmpi eq, %arg1, %eq3A : i32
    %convert_element_type3A = arith.extui %eq3A_3 : i1 to i32
    %cond3A = arith.constant 0 : i32
    %cond3A_4 = arith.cmpi ne, %convert_element_type3A, %cond3A : i32
    scf.if %cond3A_4 {
      "tpu.region"() ({
        %run_scoped3A_234 = tpu.sem_alloc : memref<!tpu.dma_semaphore, #tpu.memory_space<semaphore_mem>>
        tpu.enqueue_dma source(%arg6 : memref<16x64xf32, #tpu.memory_space<hbm>>) target(%arg13 : memref<16x64xf32, #tpu.memory_space<vmem>>) target_semaphore(%run_scoped3A_234 : memref<!tpu.dma_semaphore, #tpu.memory_space<semaphore_mem>>)
        tpu.wait_dma2 semaphore(%run_scoped3A_234 : memref<!tpu.dma_semaphore, #tpu.memory_space<semaphore_mem>>) src(%arg6 : memref<16x64xf32, #tpu.memory_space<hbm>>) dst(%arg13 : memref<16x64xf32, #tpu.memory_space<vmem>>)
        tpu.yield
      }) : () -> ()
      "tpu.region"() ({
        %run_scoped3A_234 = tpu.sem_alloc : memref<!tpu.dma_semaphore, #tpu.memory_space<semaphore_mem>>
        tpu.enqueue_dma source(%arg13 : memref<16x64xf32, #tpu.memory_space<vmem>>) target(%arg15 : memref<16x64xf32, #tpu.memory_space<vmem_shared>>) target_semaphore(%run_scoped3A_234 : memref<!tpu.dma_semaphore, #tpu.memory_space<semaphore_mem>>)
        tpu.wait_dma2 semaphore(%run_scoped3A_234 : memref<!tpu.dma_semaphore, #tpu.memory_space<semaphore_mem>>) src(%arg13 : memref<16x64xf32, #tpu.memory_space<vmem>>) dst(%arg15 : memref<16x64xf32, #tpu.memory_space<vmem_shared>>)
        tpu.yield
      }) : () -> ()
    } else {
    }
    "tpu.region"() ({
      %run_scoped3A_234 = tpu.sem_alloc : memref<!tpu.dma_semaphore, #tpu.memory_space<semaphore_mem>>
      %dma_start3A_235 = arith.constant 0 : i32
      %dma_start3A_236 = tpu.memref_slice %arg3[%mul3A_2, %dma_start3A_235] : memref<4000x80xi32, #tpu.memory_space<hbm>> -> memref<125x80xi32, #tpu.memory_space<hbm>>
      %dma_start3A_237 = arith.constant 0 : i32
      %dma_start3A_238 = tpu.memref_slice %arg3[%mul3A_2, %dma_start3A_237] : memref<4000x80xi32, #tpu.memory_space<hbm>> -> memref<125x80xi32, #tpu.memory_space<hbm>>
      tpu.enqueue_dma source(%dma_start3A_238 : memref<125x80xi32, #tpu.memory_space<hbm>>) target(%arg8 : memref<125x80xi32, #tpu.memory_space<vmem>>) target_semaphore(%run_scoped3A_234 : memref<!tpu.dma_semaphore, #tpu.memory_space<semaphore_mem>>)
      %dma_wait3A_239 = arith.constant 0 : i32
      %dma_wait3A_240 = tpu.memref_slice %arg3[%mul3A_2, %dma_wait3A_239] : memref<4000x80xi32, #tpu.memory_space<hbm>> -> memref<125x80xi32, #tpu.memory_space<hbm>>
      %dma_wait3A_241 = arith.constant 0 : i32
      %dma_wait3A_242 = tpu.memref_slice %arg3[%mul3A_2, %dma_wait3A_241] : memref<4000x80xi32, #tpu.memory_space<hbm>> -> memref<125x80xi32, #tpu.memory_space<hbm>>
      tpu.wait_dma2 semaphore(%run_scoped3A_234 : memref<!tpu.dma_semaphore, #tpu.memory_space<semaphore_mem>>) src(%dma_wait3A_242 : memref<125x80xi32, #tpu.memory_space<hbm>>) dst(%arg8 : memref<125x80xi32, #tpu.memory_space<vmem>>)
      tpu.yield
    }) : () -> ()
    "tpu.region"() ({
      %run_scoped3A_234 = tpu.sem_alloc : memref<!tpu.dma_semaphore, #tpu.memory_space<semaphore_mem>>
      %dma_start3A_235 = arith.constant 0 : i32
      %dma_start3A_236 = tpu.memref_slice %arg4[%mul3A_2, %dma_start3A_235] : memref<4000x80xi32, #tpu.memory_space<hbm>> -> memref<125x80xi32, #tpu.memory_space<hbm>>
      %dma_start3A_237 = arith.constant 0 : i32
      %dma_start3A_238 = tpu.memref_slice %arg4[%mul3A_2, %dma_start3A_237] : memref<4000x80xi32, #tpu.memory_space<hbm>> -> memref<125x80xi32, #tpu.memory_space<hbm>>
      tpu.enqueue_dma source(%dma_start3A_238 : memref<125x80xi32, #tpu.memory_space<hbm>>) target(%arg9 : memref<125x80xi32, #tpu.memory_space<vmem>>) target_semaphore(%run_scoped3A_234 : memref<!tpu.dma_semaphore, #tpu.memory_space<semaphore_mem>>)
      %dma_wait3A_239 = arith.constant 0 : i32
      %dma_wait3A_240 = tpu.memref_slice %arg4[%mul3A_2, %dma_wait3A_239] : memref<4000x80xi32, #tpu.memory_space<hbm>> -> memref<125x80xi32, #tpu.memory_space<hbm>>
      %dma_wait3A_241 = arith.constant 0 : i32
      %dma_wait3A_242 = tpu.memref_slice %arg4[%mul3A_2, %dma_wait3A_241] : memref<4000x80xi32, #tpu.memory_space<hbm>> -> memref<125x80xi32, #tpu.memory_space<hbm>>
      tpu.wait_dma2 semaphore(%run_scoped3A_234 : memref<!tpu.dma_semaphore, #tpu.memory_space<semaphore_mem>>) src(%dma_wait3A_242 : memref<125x80xi32, #tpu.memory_space<hbm>>) dst(%arg9 : memref<125x80xi32, #tpu.memory_space<vmem>>)
      tpu.yield
    }) : () -> ()
    "tpu.region"() ({
      %run_scoped3A_234 = tpu.sem_alloc : memref<!tpu.dma_semaphore, #tpu.memory_space<semaphore_mem>>
      %dma_start3A_235 = arith.constant 0 : i32
      %dma_start3A_236 = tpu.memref_slice %arg5[%mul3A_2, %dma_start3A_235] : memref<4000x80xi32, #tpu.memory_space<hbm>> -> memref<125x80xi32, #tpu.memory_space<hbm>>
      %dma_start3A_237 = arith.constant 0 : i32
      %dma_start3A_238 = tpu.memref_slice %arg5[%mul3A_2, %dma_start3A_237] : memref<4000x80xi32, #tpu.memory_space<hbm>> -> memref<125x80xi32, #tpu.memory_space<hbm>>
      tpu.enqueue_dma source(%dma_start3A_238 : memref<125x80xi32, #tpu.memory_space<hbm>>) target(%arg10 : memref<125x80xi32, #tpu.memory_space<vmem>>) target_semaphore(%run_scoped3A_234 : memref<!tpu.dma_semaphore, #tpu.memory_space<semaphore_mem>>)
      %dma_wait3A_239 = arith.constant 0 : i32
      %dma_wait3A_240 = tpu.memref_slice %arg5[%mul3A_2, %dma_wait3A_239] : memref<4000x80xi32, #tpu.memory_space<hbm>> -> memref<125x80xi32, #tpu.memory_space<hbm>>
      %dma_wait3A_241 = arith.constant 0 : i32
      %dma_wait3A_242 = tpu.memref_slice %arg5[%mul3A_2, %dma_wait3A_241] : memref<4000x80xi32, #tpu.memory_space<hbm>> -> memref<125x80xi32, #tpu.memory_space<hbm>>
      tpu.wait_dma2 semaphore(%run_scoped3A_234 : memref<!tpu.dma_semaphore, #tpu.memory_space<semaphore_mem>>) src(%dma_wait3A_242 : memref<125x80xi32, #tpu.memory_space<hbm>>) dst(%arg10 : memref<125x80xi32, #tpu.memory_space<vmem>>)
      tpu.yield
    }) : () -> ()
    %broadcast_in_dim3A = arith.constant 0.000000e+00 : f32
    %broadcast_in_dim3A_5 = vector.broadcast %broadcast_in_dim3A : f32 to vector<16xf32>
    %scan3A = arith.constant 0 : i32
    %scan3A_6 = arith.constant 0 : i32
    %scan3A_7 = arith.constant 320 : i32
    %scan3A_8 = arith.addi %scan3A_6, %scan3A_7 : i32
    %scan3A_9 = arith.constant 1 : i32
    scf.for %scan3A_234 = %scan3A_6 to %scan3A_8 step %scan3A_9  : i32 {
      %jit3A = arith.constant 4 : i32
      %div3A = arith.divsi %scan3A_234, %jit3A : i32
      %sign3A = arith.constant 0 : i32
      %sign3A_235 = arith.cmpi sgt, %scan3A_234, %sign3A : i32
      %sign3A_236 = arith.extui %sign3A_235 : i1 to i32
      %sign3A_237 = arith.constant 0 : i32
      %sign3A_238 = arith.cmpi slt, %scan3A_234, %sign3A_237 : i32
      %sign3A_239 = arith.extui %sign3A_238 : i1 to i32
      %sign3A_240 = arith.subi %sign3A_236, %sign3A_239 : i32
      %sign3A_241 = arith.constant 0 : i32
      %sign3A_242 = arith.cmpi sgt, %jit3A, %sign3A_241 : i32
      %sign3A_243 = arith.extui %sign3A_242 : i1 to i32
      %sign3A_244 = arith.constant 0 : i32
      %sign3A_245 = arith.cmpi slt, %jit3A, %sign3A_244 : i32
      %sign3A_246 = arith.extui %sign3A_245 : i1 to i32
      %sign3A_247 = arith.subi %sign3A_243, %sign3A_246 : i32
      %ne3A = arith.cmpi ne, %sign3A_240, %sign3A_247 : i32
      %rem3A = arith.remsi %scan3A_234, %jit3A : i32
      %ne3A_248 = arith.constant 0 : i32
      %ne3A_249 = arith.cmpi ne, %rem3A, %ne3A_248 : i32
      %and3A = arith.andi %ne3A, %ne3A_249 : i1
      %sub3A = arith.constant 1 : i32
      %sub3A_250 = arith.subi %div3A, %sub3A : i32
      %select_n3A = arith.select %and3A, %sub3A_250, %div3A : i32
      %jit3A_251 = arith.constant 4 : i32
      %eq3A_252 = arith.constant 0 : i32
      %eq3A_253 = arith.cmpi eq, %jit3A_251, %eq3A_252 : i32
      %jit3A_254 = arith.constant 1 : i32
      %select_n3A_255 = arith.select %eq3A_253, %jit3A_254, %jit3A_251 : i32
      %rem3A_256 = arith.remsi %scan3A_234, %select_n3A_255 : i32
      %ne3A_257 = arith.constant 0 : i32
      %ne3A_258 = arith.cmpi ne, %rem3A_256, %ne3A_257 : i32
      %lt3A = arith.constant 0 : i32
      %lt3A_259 = arith.cmpi slt, %rem3A_256, %lt3A : i32
      %lt3A_260 = arith.constant 0 : i32
      %lt3A_261 = arith.cmpi slt, %select_n3A_255, %lt3A_260 : i32
      %ne3A_262 = arith.xori %lt3A_259, %lt3A_261 : i1
      %and3A_263 = arith.andi %ne3A_262, %ne3A_258 : i1
      %add3A_264 = arith.addi %rem3A_256, %select_n3A_255 : i32
      %select_n3A_265 = arith.select %and3A_263, %add3A_264, %rem3A_256 : i32
      %mul3A_266 = arith.constant 16 : i32
      %mul3A_267 = arith.muli %select_n3A_265, %mul3A_266 : i32
      %swap3A = arith.constant 0 : i32
      %swap3A_268 = arith.index_cast %swap3A : i32 to index
      %swap3A_269 = arith.index_cast %select_n3A : i32 to index
      %swap3A_270 = arith.index_cast %mul3A_267 : i32 to index
      %swap3A_271 = tpu.vector_load %arg11[%swap3A_268, %swap3A_269, %swap3A_270] {strides = array<i32>} : memref<5x80x64xf32, #tpu.memory_space<vmem>>, vector<1x1x16xf32>,
      %swap3A_272 = vector.shape_cast %swap3A_271 : vector<1x1x16xf32> to vector<16xf32>
      %swap3A_273 = vector.shape_cast %broadcast_in_dim3A_5 : vector<16xf32> to vector<1x1x16xf32>
      tpu.vector_store %arg11[%swap3A_268, %swap3A_269, %swap3A_270], %swap3A_273 {strides = array<i32>} : memref<5x80x64xf32, #tpu.memory_space<vmem>>, vector<1x1x16xf32>,
    }
    %scan3A_10 = arith.constant 320 : i32
    %mul3A_11 = arith.constant 624 : i32
    %mul3A_12 = arith.muli %arg1, %mul3A_11 : i32
    %add3A_13 = arith.constant 0 : i32
    %add3A_14 = arith.addi %mul3A_12, %add3A_13 : i32
    %run_scoped3A = arith.constant 0 : i32
    "tpu.region"() ({
      %run_scoped3A_234 = tpu.sem_alloc : memref<!tpu.dma_semaphore, #tpu.memory_space<semaphore_mem>>
      %dma_start3A_235 = arith.constant 0 : i32
      %dma_start3A_236 = arith.constant 0 : i32
      %dma_start3A_237 = tpu.memref_slice %arg11[%run_scoped3A, %dma_start3A_235, %dma_start3A_236] : memref<5x80x64xf32, #tpu.memory_space<vmem>> -> memref<1x80x64xf32, #tpu.memory_space<vmem>>
      %dma_start3A_238 = tpu.memref_squeeze %dma_start3A_237 : memref<1x80x64xf32, #tpu.memory_space<vmem>> -> memref<80x64xf32, #tpu.memory_space<vmem>>
      %dma_start3A_239 = arith.constant 0 : i32
      %dma_start3A_240 = tpu.memref_slice %arg14[%add3A_14, %dma_start3A_239] : memref<10000x64xf32, #tpu.memory_space<vmem_shared>> -> memref<80x64xf32, #tpu.memory_space<vmem_shared>>
      %dma_start3A_241 = arith.constant 0 : i32
      %dma_start3A_242 = tpu.memref_slice %arg14[%add3A_14, %dma_start3A_241] : memref<10000x64xf32, #tpu.memory_space<vmem_shared>> -> memref<80x64xf32, #tpu.memory_space<vmem_shared>>
      %dma_start3A_243 = arith.constant 0 : i32
      %dma_start3A_244 = arith.constant 0 : i32
      %dma_start3A_245 = tpu.memref_slice %arg11[%run_scoped3A, %dma_start3A_243, %dma_start3A_244] : memref<5x80x64xf32, #tpu.memory_space<vmem>> -> memref<1x80x64xf32, #tpu.memory_space<vmem>>
      %dma_start3A_246 = tpu.memref_squeeze %dma_start3A_245 : memref<1x80x64xf32, #tpu.memory_space<vmem>> -> memref<80x64xf32, #tpu.memory_space<vmem>>
      tpu.enqueue_dma source(%dma_start3A_246 : memref<80x64xf32, #tpu.memory_space<vmem>>) target(%dma_start3A_242 : memref<80x64xf32, #tpu.memory_space<vmem_shared>>) target_semaphore(%run_scoped3A_234 : memref<!tpu.dma_semaphore, #tpu.memory_space<semaphore_mem>>)
      %dma_wait3A_247 = arith.constant 0 : i32
      %dma_wait3A_248 = arith.constant 0 : i32
      %dma_wait3A_249 = tpu.memref_slice %arg11[%run_scoped3A, %dma_wait3A_247, %dma_wait3A_248] : memref<5x80x64xf32, #tpu.memory_space<vmem>> -> memref<1x80x64xf32, #tpu.memory_space<vmem>>
      %dma_wait3A_250 = tpu.memref_squeeze %dma_wait3A_249 : memref<1x80x64xf32, #tpu.memory_space<vmem>> -> memref<80x64xf32, #tpu.memory_space<vmem>>
      %dma_wait3A_251 = arith.constant 0 : i32
      %dma_wait3A_252 = tpu.memref_slice %arg14[%add3A_14, %dma_wait3A_251] : memref<10000x64xf32, #tpu.memory_space<vmem_shared>> -> memref<80x64xf32, #tpu.memory_space<vmem_shared>>
      %dma_wait3A_253 = arith.constant 0 : i32
      %dma_wait3A_254 = tpu.memref_slice %arg14[%add3A_14, %dma_wait3A_253] : memref<10000x64xf32, #tpu.memory_space<vmem_shared>> -> memref<80x64xf32, #tpu.memory_space<vmem_shared>>
      %dma_wait3A_255 = arith.constant 0 : i32
      %dma_wait3A_256 = arith.constant 0 : i32
      %dma_wait3A_257 = tpu.memref_slice %arg11[%run_scoped3A, %dma_wait3A_255, %dma_wait3A_256] : memref<5x80x64xf32, #tpu.memory_space<vmem>> -> memref<1x80x64xf32, #tpu.memory_space<vmem>>
      %dma_wait3A_258 = tpu.memref_squeeze %dma_wait3A_257 : memref<1x80x64xf32, #tpu.memory_space<vmem>> -> memref<80x64xf32, #tpu.memory_space<vmem>>
      tpu.wait_dma2 semaphore(%run_scoped3A_234 : memref<!tpu.dma_semaphore, #tpu.memory_space<semaphore_mem>>) src(%dma_wait3A_258 : memref<80x64xf32, #tpu.memory_space<vmem>>) dst(%dma_wait3A_254 : memref<80x64xf32, #tpu.memory_space<vmem_shared>>)
      tpu.yield
    }) : () -> ()
    %mul3A_15 = arith.constant 624 : i32
    %mul3A_16 = arith.muli %arg1, %mul3A_15 : i32
    %add3A_17 = arith.constant 80 : i32
    %add3A_18 = arith.addi %mul3A_16, %add3A_17 : i32
    %run_scoped3A_19 = arith.constant 0 : i32
    "tpu.region"() ({
      %run_scoped3A_234 = tpu.sem_alloc : memref<!tpu.dma_semaphore, #tpu.memory_space<semaphore_mem>>
      %dma_start3A_235 = arith.constant 0 : i32
      %dma_start3A_236 = arith.constant 0 : i32
      %dma_start3A_237 = tpu.memref_slice %arg11[%run_scoped3A_19, %dma_start3A_235, %dma_start3A_236] : memref<5x80x64xf32, #tpu.memory_space<vmem>> -> memref<1x80x64xf32, #tpu.memory_space<vmem>>
      %dma_start3A_238 = tpu.memref_squeeze %dma_start3A_237 : memref<1x80x64xf32, #tpu.memory_space<vmem>> -> memref<80x64xf32, #tpu.memory_space<vmem>>
      %dma_start3A_239 = arith.constant 0 : i32
      %dma_start3A_240 = tpu.memref_slice %arg14[%add3A_18, %dma_start3A_239] : memref<10000x64xf32, #tpu.memory_space<vmem_shared>> -> memref<80x64xf32, #tpu.memory_space<vmem_shared>>
      %dma_start3A_241 = arith.constant 0 : i32
      %dma_start3A_242 = tpu.memref_slice %arg14[%add3A_18, %dma_start3A_241] : memref<10000x64xf32, #tpu.memory_space<vmem_shared>> -> memref<80x64xf32, #tpu.memory_space<vmem_shared>>
      %dma_start3A_243 = arith.constant 0 : i32
      %dma_start3A_244 = arith.constant 0 : i32
      %dma_start3A_245 = tpu.memref_slice %arg11[%run_scoped3A_19, %dma_start3A_243, %dma_start3A_244] : memref<5x80x64xf32, #tpu.memory_space<vmem>> -> memref<1x80x64xf32, #tpu.memory_space<vmem>>
      %dma_start3A_246 = tpu.memref_squeeze %dma_start3A_245 : memref<1x80x64xf32, #tpu.memory_space<vmem>> -> memref<80x64xf32, #tpu.memory_space<vmem>>
      tpu.enqueue_dma source(%dma_start3A_246 : memref<80x64xf32, #tpu.memory_space<vmem>>) target(%dma_start3A_242 : memref<80x64xf32, #tpu.memory_space<vmem_shared>>) target_semaphore(%run_scoped3A_234 : memref<!tpu.dma_semaphore, #tpu.memory_space<semaphore_mem>>)
      %dma_wait3A_247 = arith.constant 0 : i32
      %dma_wait3A_248 = arith.constant 0 : i32
      %dma_wait3A_249 = tpu.memref_slice %arg11[%run_scoped3A_19, %dma_wait3A_247, %dma_wait3A_248] : memref<5x80x64xf32, #tpu.memory_space<vmem>> -> memref<1x80x64xf32, #tpu.memory_space<vmem>>
      %dma_wait3A_250 = tpu.memref_squeeze %dma_wait3A_249 : memref<1x80x64xf32, #tpu.memory_space<vmem>> -> memref<80x64xf32, #tpu.memory_space<vmem>>
      %dma_wait3A_251 = arith.constant 0 : i32
      %dma_wait3A_252 = tpu.memref_slice %arg14[%add3A_18, %dma_wait3A_251] : memref<10000x64xf32, #tpu.memory_space<vmem_shared>> -> memref<80x64xf32, #tpu.memory_space<vmem_shared>>
      %dma_wait3A_253 = arith.constant 0 : i32
      %dma_wait3A_254 = tpu.memref_slice %arg14[%add3A_18, %dma_wait3A_253] : memref<10000x64xf32, #tpu.memory_space<vmem_shared>> -> memref<80x64xf32, #tpu.memory_space<vmem_shared>>
      %dma_wait3A_255 = arith.constant 0 : i32
      %dma_wait3A_256 = arith.constant 0 : i32
      %dma_wait3A_257 = tpu.memref_slice %arg11[%run_scoped3A_19, %dma_wait3A_255, %dma_wait3A_256] : memref<5x80x64xf32, #tpu.memory_space<vmem>> -> memref<1x80x64xf32, #tpu.memory_space<vmem>>
      %dma_wait3A_258 = tpu.memref_squeeze %dma_wait3A_257 : memref<1x80x64xf32, #tpu.memory_space<vmem>> -> memref<80x64xf32, #tpu.memory_space<vmem>>
      tpu.wait_dma2 semaphore(%run_scoped3A_234 : memref<!tpu.dma_semaphore, #tpu.memory_space<semaphore_mem>>) src(%dma_wait3A_258 : memref<80x64xf32, #tpu.memory_space<vmem>>) dst(%dma_wait3A_254 : memref<80x64xf32, #tpu.memory_space<vmem_shared>>)
      tpu.yield
    }) : () -> ()
    %mul3A_20 = arith.constant 624 : i32
    %mul3A_21 = arith.muli %arg1, %mul3A_20 : i32
    %add3A_22 = arith.constant 160 : i32
    %add3A_23 = arith.addi %mul3A_21, %add3A_22 : i32
    %run_scoped3A_24 = arith.constant 0 : i32
    "tpu.region"() ({
      %run_scoped3A_234 = tpu.sem_alloc : memref<!tpu.dma_semaphore, #tpu.memory_space<semaphore_mem>>
      %dma_start3A_235 = arith.constant 0 : i32
      %dma_start3A_236 = arith.constant 0 : i32
      %dma_start3A_237 = tpu.memref_slice %arg11[%run_scoped3A_24, %dma_start3A_235, %dma_start3A_236] : memref<5x80x64xf32, #tpu.memory_space<vmem>> -> memref<1x80x64xf32, #tpu.memory_space<vmem>>
      %dma_start3A_238 = tpu.memref_squeeze %dma_start3A_237 : memref<1x80x64xf32, #tpu.memory_space<vmem>> -> memref<80x64xf32, #tpu.memory_space<vmem>>
      %dma_start3A_239 = arith.constant 0 : i32
      %dma_start3A_240 = tpu.memref_slice %arg14[%add3A_23, %dma_start3A_239] : memref<10000x64xf32, #tpu.memory_space<vmem_shared>> -> memref<80x64xf32, #tpu.memory_space<vmem_shared>>
      %dma_start3A_241 = arith.constant 0 : i32
      %dma_start3A_242 = tpu.memref_slice %arg14[%add3A_23, %dma_start3A_241] : memref<10000x64xf32, #tpu.memory_space<vmem_shared>> -> memref<80x64xf32, #tpu.memory_space<vmem_shared>>
      %dma_start3A_243 = arith.constant 0 : i32
      %dma_start3A_244 = arith.constant 0 : i32
      %dma_start3A_245 = tpu.memref_slice %arg11[%run_scoped3A_24, %dma_start3A_243, %dma_start3A_244] : memref<5x80x64xf32, #tpu.memory_space<vmem>> -> memref<1x80x64xf32, #tpu.memory_space<vmem>>
      %dma_start3A_246 = tpu.memref_squeeze %dma_start3A_245 : memref<1x80x64xf32, #tpu.memory_space<vmem>> -> memref<80x64xf32, #tpu.memory_space<vmem>>
      tpu.enqueue_dma source(%dma_start3A_246 : memref<80x64xf32, #tpu.memory_space<vmem>>) target(%dma_start3A_242 : memref<80x64xf32, #tpu.memory_space<vmem_shared>>) target_semaphore(%run_scoped3A_234 : memref<!tpu.dma_semaphore, #tpu.memory_space<semaphore_mem>>)
      %dma_wait3A_247 = arith.constant 0 : i32
      %dma_wait3A_248 = arith.constant 0 : i32
      %dma_wait3A_249 = tpu.memref_slice %arg11[%run_scoped3A_24, %dma_wait3A_247, %dma_wait3A_248] : memref<5x80x64xf32, #tpu.memory_space<vmem>> -> memref<1x80x64xf32, #tpu.memory_space<vmem>>
      %dma_wait3A_250 = tpu.memref_squeeze %dma_wait3A_249 : memref<1x80x64xf32, #tpu.memory_space<vmem>> -> memref<80x64xf32, #tpu.memory_space<vmem>>
      %dma_wait3A_251 = arith.constant 0 : i32
      %dma_wait3A_252 = tpu.memref_slice %arg14[%add3A_23, %dma_wait3A_251] : memref<10000x64xf32, #tpu.memory_space<vmem_shared>> -> memref<80x64xf32, #tpu.memory_space<vmem_shared>>
      %dma_wait3A_253 = arith.constant 0 : i32
      %dma_wait3A_254 = tpu.memref_slice %arg14[%add3A_23, %dma_wait3A_253] : memref<10000x64xf32, #tpu.memory_space<vmem_shared>> -> memref<80x64xf32, #tpu.memory_space<vmem_shared>>
      %dma_wait3A_255 = arith.constant 0 : i32
      %dma_wait3A_256 = arith.constant 0 : i32
      %dma_wait3A_257 = tpu.memref_slice %arg11[%run_scoped3A_24, %dma_wait3A_255, %dma_wait3A_256] : memref<5x80x64xf32, #tpu.memory_space<vmem>> -> memref<1x80x64xf32, #tpu.memory_space<vmem>>
      %dma_wait3A_258 = tpu.memref_squeeze %dma_wait3A_257 : memref<1x80x64xf32, #tpu.memory_space<vmem>> -> memref<80x64xf32, #tpu.memory_space<vmem>>
      tpu.wait_dma2 semaphore(%run_scoped3A_234 : memref<!tpu.dma_semaphore, #tpu.memory_space<semaphore_mem>>) src(%dma_wait3A_258 : memref<80x64xf32, #tpu.memory_space<vmem>>) dst(%dma_wait3A_254 : memref<80x64xf32, #tpu.memory_space<vmem_shared>>)
      tpu.yield
    }) : () -> ()
    %mul3A_25 = arith.constant 624 : i32
    %mul3A_26 = arith.muli %arg1, %mul3A_25 : i32
    %add3A_27 = arith.constant 240 : i32
    %add3A_28 = arith.addi %mul3A_26, %add3A_27 : i32
    %run_scoped3A_29 = arith.constant 0 : i32
    "tpu.region"() ({
      %run_scoped3A_234 = tpu.sem_alloc : memref<!tpu.dma_semaphore, #tpu.memory_space<semaphore_mem>>
      %dma_start3A_235 = arith.constant 0 : i32
      %dma_start3A_236 = arith.constant 0 : i32
      %dma_start3A_237 = tpu.memref_slice %arg11[%run_scoped3A_29, %dma_start3A_235, %dma_start3A_236] : memref<5x80x64xf32, #tpu.memory_space<vmem>> -> memref<1x80x64xf32, #tpu.memory_space<vmem>>
      %dma_start3A_238 = tpu.memref_squeeze %dma_start3A_237 : memref<1x80x64xf32, #tpu.memory_space<vmem>> -> memref<80x64xf32, #tpu.memory_space<vmem>>
      %dma_start3A_239 = arith.constant 0 : i32
      %dma_start3A_240 = tpu.memref_slice %arg14[%add3A_28, %dma_start3A_239] : memref<10000x64xf32, #tpu.memory_space<vmem_shared>> -> memref<80x64xf32, #tpu.memory_space<vmem_shared>>
      %dma_start3A_241 = arith.constant 0 : i32
      %dma_start3A_242 = tpu.memref_slice %arg14[%add3A_28, %dma_start3A_241] : memref<10000x64xf32, #tpu.memory_space<vmem_shared>> -> memref<80x64xf32, #tpu.memory_space<vmem_shared>>
      %dma_start3A_243 = arith.constant 0 : i32
      %dma_start3A_244 = arith.constant 0 : i32
      %dma_start3A_245 = tpu.memref_slice %arg11[%run_scoped3A_29, %dma_start3A_243, %dma_start3A_244] : memref<5x80x64xf32, #tpu.memory_space<vmem>> -> memref<1x80x64xf32, #tpu.memory_space<vmem>>
      %dma_start3A_246 = tpu.memref_squeeze %dma_start3A_245 : memref<1x80x64xf32, #tpu.memory_space<vmem>> -> memref<80x64xf32, #tpu.memory_space<vmem>>
      tpu.enqueue_dma source(%dma_start3A_246 : memref<80x64xf32, #tpu.memory_space<vmem>>) target(%dma_start3A_242 : memref<80x64xf32, #tpu.memory_space<vmem_shared>>) target_semaphore(%run_scoped3A_234 : memref<!tpu.dma_semaphore, #tpu.memory_space<semaphore_mem>>)
      %dma_wait3A_247 = arith.constant 0 : i32
      %dma_wait3A_248 = arith.constant 0 : i32
      %dma_wait3A_249 = tpu.memref_slice %arg11[%run_scoped3A_29, %dma_wait3A_247, %dma_wait3A_248] : memref<5x80x64xf32, #tpu.memory_space<vmem>> -> memref<1x80x64xf32, #tpu.memory_space<vmem>>
      %dma_wait3A_250 = tpu.memref_squeeze %dma_wait3A_249 : memref<1x80x64xf32, #tpu.memory_space<vmem>> -> memref<80x64xf32, #tpu.memory_space<vmem>>
      %dma_wait3A_251 = arith.constant 0 : i32
      %dma_wait3A_252 = tpu.memref_slice %arg14[%add3A_28, %dma_wait3A_251] : memref<10000x64xf32, #tpu.memory_space<vmem_shared>> -> memref<80x64xf32, #tpu.memory_space<vmem_shared>>
      %dma_wait3A_253 = arith.constant 0 : i32
      %dma_wait3A_254 = tpu.memref_slice %arg14[%add3A_28, %dma_wait3A_253] : memref<10000x64xf32, #tpu.memory_space<vmem_shared>> -> memref<80x64xf32, #tpu.memory_space<vmem_shared>>
      %dma_wait3A_255 = arith.constant 0 : i32
      %dma_wait3A_256 = arith.constant 0 : i32
      %dma_wait3A_257 = tpu.memref_slice %arg11[%run_scoped3A_29, %dma_wait3A_255, %dma_wait3A_256] : memref<5x80x64xf32, #tpu.memory_space<vmem>> -> memref<1x80x64xf32, #tpu.memory_space<vmem>>
      %dma_wait3A_258 = tpu.memref_squeeze %dma_wait3A_257 : memref<1x80x64xf32, #tpu.memory_space<vmem>> -> memref<80x64xf32, #tpu.memory_space<vmem>>
      tpu.wait_dma2 semaphore(%run_scoped3A_234 : memref<!tpu.dma_semaphore, #tpu.memory_space<semaphore_mem>>) src(%dma_wait3A_258 : memref<80x64xf32, #tpu.memory_space<vmem>>) dst(%dma_wait3A_254 : memref<80x64xf32, #tpu.memory_space<vmem_shared>>)
      tpu.yield
    }) : () -> ()
    %mul3A_30 = arith.constant 624 : i32
    %mul3A_31 = arith.muli %arg1, %mul3A_30 : i32
    %add3A_32 = arith.constant 320 : i32
    %add3A_33 = arith.addi %mul3A_31, %add3A_32 : i32
    %run_scoped3A_34 = arith.constant 0 : i32
    "tpu.region"() ({
      %run_scoped3A_234 = tpu.sem_alloc : memref<!tpu.dma_semaphore, #tpu.memory_space<semaphore_mem>>
      %dma_start3A_235 = arith.constant 0 : i32
      %dma_start3A_236 = arith.constant 0 : i32
      %dma_start3A_237 = tpu.memref_slice %arg11[%run_scoped3A_34, %dma_start3A_235, %dma_start3A_236] : memref<5x80x64xf32, #tpu.memory_space<vmem>> -> memref<1x80x64xf32, #tpu.memory_space<vmem>>
      %dma_start3A_238 = tpu.memref_squeeze %dma_start3A_237 : memref<1x80x64xf32, #tpu.memory_space<vmem>> -> memref<80x64xf32, #tpu.memory_space<vmem>>
      %dma_start3A_239 = arith.constant 0 : i32
      %dma_start3A_240 = tpu.memref_slice %arg14[%add3A_33, %dma_start3A_239] : memref<10000x64xf32, #tpu.memory_space<vmem_shared>> -> memref<80x64xf32, #tpu.memory_space<vmem_shared>>
      %dma_start3A_241 = arith.constant 0 : i32
      %dma_start3A_242 = tpu.memref_slice %arg14[%add3A_33, %dma_start3A_241] : memref<10000x64xf32, #tpu.memory_space<vmem_shared>> -> memref<80x64xf32, #tpu.memory_space<vmem_shared>>
      %dma_start3A_243 = arith.constant 0 : i32
      %dma_start3A_244 = arith.constant 0 : i32
      %dma_start3A_245 = tpu.memref_slice %arg11[%run_scoped3A_34, %dma_start3A_243, %dma_start3A_244] : memref<5x80x64xf32, #tpu.memory_space<vmem>> -> memref<1x80x64xf32, #tpu.memory_space<vmem>>
      %dma_start3A_246 = tpu.memref_squeeze %dma_start3A_245 : memref<1x80x64xf32, #tpu.memory_space<vmem>> -> memref<80x64xf32, #tpu.memory_space<vmem>>
      tpu.enqueue_dma source(%dma_start3A_246 : memref<80x64xf32, #tpu.memory_space<vmem>>) target(%dma_start3A_242 : memref<80x64xf32, #tpu.memory_space<vmem_shared>>) target_semaphore(%run_scoped3A_234 : memref<!tpu.dma_semaphore, #tpu.memory_space<semaphore_mem>>)
      %dma_wait3A_247 = arith.constant 0 : i32
      %dma_wait3A_248 = arith.constant 0 : i32
      %dma_wait3A_249 = tpu.memref_slice %arg11[%run_scoped3A_34, %dma_wait3A_247, %dma_wait3A_248] : memref<5x80x64xf32, #tpu.memory_space<vmem>> -> memref<1x80x64xf32, #tpu.memory_space<vmem>>
      %dma_wait3A_250 = tpu.memref_squeeze %dma_wait3A_249 : memref<1x80x64xf32, #tpu.memory_space<vmem>> -> memref<80x64xf32, #tpu.memory_space<vmem>>
      %dma_wait3A_251 = arith.constant 0 : i32
      %dma_wait3A_252 = tpu.memref_slice %arg14[%add3A_33, %dma_wait3A_251] : memref<10000x64xf32, #tpu.memory_space<vmem_shared>> -> memref<80x64xf32, #tpu.memory_space<vmem_shared>>
      %dma_wait3A_253 = arith.constant 0 : i32
      %dma_wait3A_254 = tpu.memref_slice %arg14[%add3A_33, %dma_wait3A_253] : memref<10000x64xf32, #tpu.memory_space<vmem_shared>> -> memref<80x64xf32, #tpu.memory_space<vmem_shared>>
      %dma_wait3A_255 = arith.constant 0 : i32
      %dma_wait3A_256 = arith.constant 0 : i32
      %dma_wait3A_257 = tpu.memref_slice %arg11[%run_scoped3A_34, %dma_wait3A_255, %dma_wait3A_256] : memref<5x80x64xf32, #tpu.memory_space<vmem>> -> memref<1x80x64xf32, #tpu.memory_space<vmem>>
      %dma_wait3A_258 = tpu.memref_squeeze %dma_wait3A_257 : memref<1x80x64xf32, #tpu.memory_space<vmem>> -> memref<80x64xf32, #tpu.memory_space<vmem>>
      tpu.wait_dma2 semaphore(%run_scoped3A_234 : memref<!tpu.dma_semaphore, #tpu.memory_space<semaphore_mem>>) src(%dma_wait3A_258 : memref<80x64xf32, #tpu.memory_space<vmem>>) dst(%dma_wait3A_254 : memref<80x64xf32, #tpu.memory_space<vmem_shared>>)
      tpu.yield
    }) : () -> ()
    %mul3A_35 = arith.constant 624 : i32
    %mul3A_36 = arith.muli %arg1, %mul3A_35 : i32
    %add3A_37 = arith.constant 400 : i32
    %add3A_38 = arith.addi %mul3A_36, %add3A_37 : i32
    %run_scoped3A_39 = arith.constant 0 : i32
    "tpu.region"() ({
      %run_scoped3A_234 = tpu.sem_alloc : memref<!tpu.dma_semaphore, #tpu.memory_space<semaphore_mem>>
      %dma_start3A_235 = arith.constant 0 : i32
      %dma_start3A_236 = arith.constant 0 : i32
      %dma_start3A_237 = tpu.memref_slice %arg11[%run_scoped3A_39, %dma_start3A_235, %dma_start3A_236] : memref<5x80x64xf32, #tpu.memory_space<vmem>> -> memref<1x80x64xf32, #tpu.memory_space<vmem>>
      %dma_start3A_238 = tpu.memref_squeeze %dma_start3A_237 : memref<1x80x64xf32, #tpu.memory_space<vmem>> -> memref<80x64xf32, #tpu.memory_space<vmem>>
      %dma_start3A_239 = arith.constant 0 : i32
      %dma_start3A_240 = tpu.memref_slice %arg14[%add3A_38, %dma_start3A_239] : memref<10000x64xf32, #tpu.memory_space<vmem_shared>> -> memref<80x64xf32, #tpu.memory_space<vmem_shared>>
      %dma_start3A_241 = arith.constant 0 : i32
      %dma_start3A_242 = tpu.memref_slice %arg14[%add3A_38, %dma_start3A_241] : memref<10000x64xf32, #tpu.memory_space<vmem_shared>> -> memref<80x64xf32, #tpu.memory_space<vmem_shared>>
      %dma_start3A_243 = arith.constant 0 : i32
      %dma_start3A_244 = arith.constant 0 : i32
      %dma_start3A_245 = tpu.memref_slice %arg11[%run_scoped3A_39, %dma_start3A_243, %dma_start3A_244] : memref<5x80x64xf32, #tpu.memory_space<vmem>> -> memref<1x80x64xf32, #tpu.memory_space<vmem>>
      %dma_start3A_246 = tpu.memref_squeeze %dma_start3A_245 : memref<1x80x64xf32, #tpu.memory_space<vmem>> -> memref<80x64xf32, #tpu.memory_space<vmem>>
      tpu.enqueue_dma source(%dma_start3A_246 : memref<80x64xf32, #tpu.memory_space<vmem>>) target(%dma_start3A_242 : memref<80x64xf32, #tpu.memory_space<vmem_shared>>) target_semaphore(%run_scoped3A_234 : memref<!tpu.dma_semaphore, #tpu.memory_space<semaphore_mem>>)
      %dma_wait3A_247 = arith.constant 0 : i32
      %dma_wait3A_248 = arith.constant 0 : i32
      %dma_wait3A_249 = tpu.memref_slice %arg11[%run_scoped3A_39, %dma_wait3A_247, %dma_wait3A_248] : memref<5x80x64xf32, #tpu.memory_space<vmem>> -> memref<1x80x64xf32, #tpu.memory_space<vmem>>
      %dma_wait3A_250 = tpu.memref_squeeze %dma_wait3A_249 : memref<1x80x64xf32, #tpu.memory_space<vmem>> -> memref<80x64xf32, #tpu.memory_space<vmem>>
      %dma_wait3A_251 = arith.constant 0 : i32
      %dma_wait3A_252 = tpu.memref_slice %arg14[%add3A_38, %dma_wait3A_251] : memref<10000x64xf32, #tpu.memory_space<vmem_shared>> -> memref<80x64xf32, #tpu.memory_space<vmem_shared>>
      %dma_wait3A_253 = arith.constant 0 : i32
      %dma_wait3A_254 = tpu.memref_slice %arg14[%add3A_38, %dma_wait3A_253] : memref<10000x64xf32, #tpu.memory_space<vmem_shared>> -> memref<80x64xf32, #tpu.memory_space<vmem_shared>>
      %dma_wait3A_255 = arith.constant 0 : i32
      %dma_wait3A_256 = arith.constant 0 : i32
      %dma_wait3A_257 = tpu.memref_slice %arg11[%run_scoped3A_39, %dma_wait3A_255, %dma_wait3A_256] : memref<5x80x64xf32, #tpu.memory_space<vmem>> -> memref<1x80x64xf32, #tpu.memory_space<vmem>>
      %dma_wait3A_258 = tpu.memref_squeeze %dma_wait3A_257 : memref<1x80x64xf32, #tpu.memory_space<vmem>> -> memref<80x64xf32, #tpu.memory_space<vmem>>
      tpu.wait_dma2 semaphore(%run_scoped3A_234 : memref<!tpu.dma_semaphore, #tpu.memory_space<semaphore_mem>>) src(%dma_wait3A_258 : memref<80x64xf32, #tpu.memory_space<vmem>>) dst(%dma_wait3A_254 : memref<80x64xf32, #tpu.memory_space<vmem_shared>>)
      tpu.yield
    }) : () -> ()
    %mul3A_40 = arith.constant 624 : i32
    %mul3A_41 = arith.muli %arg1, %mul3A_40 : i32
    %add3A_42 = arith.constant 480 : i32
    %add3A_43 = arith.addi %mul3A_41, %add3A_42 : i32
    %run_scoped3A_44 = arith.constant 0 : i32
    "tpu.region"() ({
      %run_scoped3A_234 = tpu.sem_alloc : memref<!tpu.dma_semaphore, #tpu.memory_space<semaphore_mem>>
      %dma_start3A_235 = arith.constant 0 : i32
      %dma_start3A_236 = arith.constant 0 : i32
      %dma_start3A_237 = tpu.memref_slice %arg11[%run_scoped3A_44, %dma_start3A_235, %dma_start3A_236] : memref<5x80x64xf32, #tpu.memory_space<vmem>> -> memref<1x80x64xf32, #tpu.memory_space<vmem>>
      %dma_start3A_238 = tpu.memref_squeeze %dma_start3A_237 : memref<1x80x64xf32, #tpu.memory_space<vmem>> -> memref<80x64xf32, #tpu.memory_space<vmem>>
      %dma_start3A_239 = arith.constant 0 : i32
      %dma_start3A_240 = tpu.memref_slice %arg14[%add3A_43, %dma_start3A_239] : memref<10000x64xf32, #tpu.memory_space<vmem_shared>> -> memref<80x64xf32, #tpu.memory_space<vmem_shared>>
      %dma_start3A_241 = arith.constant 0 : i32
      %dma_start3A_242 = tpu.memref_slice %arg14[%add3A_43, %dma_start3A_241] : memref<10000x64xf32, #tpu.memory_space<vmem_shared>> -> memref<80x64xf32, #tpu.memory_space<vmem_shared>>
      %dma_start3A_243 = arith.constant 0 : i32
      %dma_start3A_244 = arith.constant 0 : i32
      %dma_start3A_245 = tpu.memref_slice %arg11[%run_scoped3A_44, %dma_start3A_243, %dma_start3A_244] : memref<5x80x64xf32, #tpu.memory_space<vmem>> -> memref<1x80x64xf32, #tpu.memory_space<vmem>>
      %dma_start3A_246 = tpu.memref_squeeze %dma_start3A_245 : memref<1x80x64xf32, #tpu.memory_space<vmem>> -> memref<80x64xf32, #tpu.memory_space<vmem>>
      tpu.enqueue_dma source(%dma_start3A_246 : memref<80x64xf32, #tpu.memory_space<vmem>>) target(%dma_start3A_242 : memref<80x64xf32, #tpu.memory_space<vmem_shared>>) target_semaphore(%run_scoped3A_234 : memref<!tpu.dma_semaphore, #tpu.memory_space<semaphore_mem>>)
      %dma_wait3A_247 = arith.constant 0 : i32
      %dma_wait3A_248 = arith.constant 0 : i32
      %dma_wait3A_249 = tpu.memref_slice %arg11[%run_scoped3A_44, %dma_wait3A_247, %dma_wait3A_248] : memref<5x80x64xf32, #tpu.memory_space<vmem>> -> memref<1x80x64xf32, #tpu.memory_space<vmem>>
      %dma_wait3A_250 = tpu.memref_squeeze %dma_wait3A_249 : memref<1x80x64xf32, #tpu.memory_space<vmem>> -> memref<80x64xf32, #tpu.memory_space<vmem>>
      %dma_wait3A_251 = arith.constant 0 : i32
      %dma_wait3A_252 = tpu.memref_slice %arg14[%add3A_43, %dma_wait3A_251] : memref<10000x64xf32, #tpu.memory_space<vmem_shared>> -> memref<80x64xf32, #tpu.memory_space<vmem_shared>>
      %dma_wait3A_253 = arith.constant 0 : i32
      %dma_wait3A_254 = tpu.memref_slice %arg14[%add3A_43, %dma_wait3A_253] : memref<10000x64xf32, #tpu.memory_space<vmem_shared>> -> memref<80x64xf32, #tpu.memory_space<vmem_shared>>
      %dma_wait3A_255 = arith.constant 0 : i32
      %dma_wait3A_256 = arith.constant 0 : i32
      %dma_wait3A_257 = tpu.memref_slice %arg11[%run_scoped3A_44, %dma_wait3A_255, %dma_wait3A_256] : memref<5x80x64xf32, #tpu.memory_space<vmem>> -> memref<1x80x64xf32, #tpu.memory_space<vmem>>
      %dma_wait3A_258 = tpu.memref_squeeze %dma_wait3A_257 : memref<1x80x64xf32, #tpu.memory_space<vmem>> -> memref<80x64xf32, #tpu.memory_space<vmem>>
      tpu.wait_dma2 semaphore(%run_scoped3A_234 : memref<!tpu.dma_semaphore, #tpu.memory_space<semaphore_mem>>) src(%dma_wait3A_258 : memref<80x64xf32, #tpu.memory_space<vmem>>) dst(%dma_wait3A_254 : memref<80x64xf32, #tpu.memory_space<vmem_shared>>)
      tpu.yield
    }) : () -> ()
    %mul3A_45 = arith.constant 624 : i32
    %mul3A_46 = arith.muli %arg1, %mul3A_45 : i32
    %add3A_47 = arith.constant 560 : i32
    %add3A_48 = arith.addi %mul3A_46, %add3A_47 : i32
    %run_scoped3A_49 = arith.constant 0 : i32
    "tpu.region"() ({
      %run_scoped3A_234 = tpu.sem_alloc : memref<!tpu.dma_semaphore, #tpu.memory_space<semaphore_mem>>
      %dma_start3A_235 = arith.constant 0 : i32
      %dma_start3A_236 = arith.constant 0 : i32
      %dma_start3A_237 = tpu.memref_slice %arg11[%run_scoped3A_49, %dma_start3A_235, %dma_start3A_236] : memref<5x80x64xf32, #tpu.memory_space<vmem>> -> memref<1x64x64xf32, #tpu.memory_space<vmem>>
      %dma_start3A_238 = tpu.memref_squeeze %dma_start3A_237 : memref<1x64x64xf32, #tpu.memory_space<vmem>> -> memref<64x64xf32, #tpu.memory_space<vmem>>
      %dma_start3A_239 = arith.constant 0 : i32
      %dma_start3A_240 = tpu.memref_slice %arg14[%add3A_48, %dma_start3A_239] : memref<10000x64xf32, #tpu.memory_space<vmem_shared>> -> memref<64x64xf32, #tpu.memory_space<vmem_shared>>
      %dma_start3A_241 = arith.constant 0 : i32
      %dma_start3A_242 = tpu.memref_slice %arg14[%add3A_48, %dma_start3A_241] : memref<10000x64xf32, #tpu.memory_space<vmem_shared>> -> memref<64x64xf32, #tpu.memory_space<vmem_shared>>
      %dma_start3A_243 = arith.constant 0 : i32
      %dma_start3A_244 = arith.constant 0 : i32
      %dma_start3A_245 = tpu.memref_slice %arg11[%run_scoped3A_49, %dma_start3A_243, %dma_start3A_244] : memref<5x80x64xf32, #tpu.memory_space<vmem>> -> memref<1x64x64xf32, #tpu.memory_space<vmem>>
      %dma_start3A_246 = tpu.memref_squeeze %dma_start3A_245 : memref<1x64x64xf32, #tpu.memory_space<vmem>> -> memref<64x64xf32, #tpu.memory_space<vmem>>
      tpu.enqueue_dma source(%dma_start3A_246 : memref<64x64xf32, #tpu.memory_space<vmem>>) target(%dma_start3A_242 : memref<64x64xf32, #tpu.memory_space<vmem_shared>>) target_semaphore(%run_scoped3A_234 : memref<!tpu.dma_semaphore, #tpu.memory_space<semaphore_mem>>)
      %dma_wait3A_247 = arith.constant 0 : i32
      %dma_wait3A_248 = arith.constant 0 : i32
      %dma_wait3A_249 = tpu.memref_slice %arg11[%run_scoped3A_49, %dma_wait3A_247, %dma_wait3A_248] : memref<5x80x64xf32, #tpu.memory_space<vmem>> -> memref<1x64x64xf32, #tpu.memory_space<vmem>>
      %dma_wait3A_250 = tpu.memref_squeeze %dma_wait3A_249 : memref<1x64x64xf32, #tpu.memory_space<vmem>> -> memref<64x64xf32, #tpu.memory_space<vmem>>
      %dma_wait3A_251 = arith.constant 0 : i32
      %dma_wait3A_252 = tpu.memref_slice %arg14[%add3A_48, %dma_wait3A_251] : memref<10000x64xf32, #tpu.memory_space<vmem_shared>> -> memref<64x64xf32, #tpu.memory_space<vmem_shared>>
      %dma_wait3A_253 = arith.constant 0 : i32
      %dma_wait3A_254 = tpu.memref_slice %arg14[%add3A_48, %dma_wait3A_253] : memref<10000x64xf32, #tpu.memory_space<vmem_shared>> -> memref<64x64xf32, #tpu.memory_space<vmem_shared>>
      %dma_wait3A_255 = arith.constant 0 : i32
      %dma_wait3A_256 = arith.constant 0 : i32
      %dma_wait3A_257 = tpu.memref_slice %arg11[%run_scoped3A_49, %dma_wait3A_255, %dma_wait3A_256] : memref<5x80x64xf32, #tpu.memory_space<vmem>> -> memref<1x64x64xf32, #tpu.memory_space<vmem>>
      %dma_wait3A_258 = tpu.memref_squeeze %dma_wait3A_257 : memref<1x64x64xf32, #tpu.memory_space<vmem>> -> memref<64x64xf32, #tpu.memory_space<vmem>>
      tpu.wait_dma2 semaphore(%run_scoped3A_234 : memref<!tpu.dma_semaphore, #tpu.memory_space<semaphore_mem>>) src(%dma_wait3A_258 : memref<64x64xf32, #tpu.memory_space<vmem>>) dst(%dma_wait3A_254 : memref<64x64xf32, #tpu.memory_space<vmem_shared>>)
      tpu.yield
    }) : () -> ()
    %eq3A_50 = arith.constant 15 : i32
    %eq3A_51 = arith.cmpi eq, %arg1, %eq3A_50 : i32
    %convert_element_type3A_52 = arith.extui %eq3A_51 : i1 to i32
    %cond3A_53 = arith.constant 0 : i32
    %cond3A_54 = arith.cmpi ne, %convert_element_type3A_52, %cond3A_53 : i32
    scf.if %cond3A_54 {
      %run_scoped3A_234 = arith.constant 0 : i32
      "tpu.region"() ({
        %run_scoped3A_235 = tpu.sem_alloc : memref<!tpu.dma_semaphore, #tpu.memory_space<semaphore_mem>>
        %dma_start3A_236 = arith.constant 0 : i32
        %dma_start3A_237 = arith.constant 0 : i32
        %dma_start3A_238 = tpu.memref_slice %arg11[%run_scoped3A_234, %dma_start3A_236, %dma_start3A_237] : memref<5x80x64xf32, #tpu.memory_space<vmem>> -> memref<1x16x64xf32, #tpu.memory_space<vmem>>
        %dma_start3A_239 = tpu.memref_squeeze %dma_start3A_238 : memref<1x16x64xf32, #tpu.memory_space<vmem>> -> memref<16x64xf32, #tpu.memory_space<vmem>>
        %dma_start3A_240 = arith.constant 9984 : i32
        %dma_start3A_241 = arith.constant 0 : i32
        %dma_start3A_242 = tpu.memref_slice %arg14[%dma_start3A_240, %dma_start3A_241] : memref<10000x64xf32, #tpu.memory_space<vmem_shared>> -> memref<16x64xf32, #tpu.memory_space<vmem_shared>>
        %dma_start3A_243 = arith.constant 9984 : i32
        %dma_start3A_244 = arith.constant 0 : i32
        %dma_start3A_245 = tpu.memref_slice %arg14[%dma_start3A_243, %dma_start3A_244] : memref<10000x64xf32, #tpu.memory_space<vmem_shared>> -> memref<16x64xf32, #tpu.memory_space<vmem_shared>>
        %dma_start3A_246 = arith.constant 0 : i32
        %dma_start3A_247 = arith.constant 0 : i32
        %dma_start3A_248 = tpu.memref_slice %arg11[%run_scoped3A_234, %dma_start3A_246, %dma_start3A_247] : memref<5x80x64xf32, #tpu.memory_space<vmem>> -> memref<1x16x64xf32, #tpu.memory_space<vmem>>
        %dma_start3A_249 = tpu.memref_squeeze %dma_start3A_248 : memref<1x16x64xf32, #tpu.memory_space<vmem>> -> memref<16x64xf32, #tpu.memory_space<vmem>>
        tpu.enqueue_dma source(%dma_start3A_249 : memref<16x64xf32, #tpu.memory_space<vmem>>) target(%dma_start3A_245 : memref<16x64xf32, #tpu.memory_space<vmem_shared>>) target_semaphore(%run_scoped3A_235 : memref<!tpu.dma_semaphore, #tpu.memory_space<semaphore_mem>>)
        %dma_wait3A_250 = arith.constant 0 : i32
        %dma_wait3A_251 = arith.constant 0 : i32
        %dma_wait3A_252 = tpu.memref_slice %arg11[%run_scoped3A_234, %dma_wait3A_250, %dma_wait3A_251] : memref<5x80x64xf32, #tpu.memory_space<vmem>> -> memref<1x16x64xf32, #tpu.memory_space<vmem>>
        %dma_wait3A_253 = tpu.memref_squeeze %dma_wait3A_252 : memref<1x16x64xf32, #tpu.memory_space<vmem>> -> memref<16x64xf32, #tpu.memory_space<vmem>>
        %dma_wait3A_254 = arith.constant 9984 : i32
        %dma_wait3A_255 = arith.constant 0 : i32
        %dma_wait3A_256 = tpu.memref_slice %arg14[%dma_wait3A_254, %dma_wait3A_255] : memref<10000x64xf32, #tpu.memory_space<vmem_shared>> -> memref<16x64xf32, #tpu.memory_space<vmem_shared>>
        %dma_wait3A_257 = arith.constant 9984 : i32
        %dma_wait3A_258 = arith.constant 0 : i32
        %dma_wait3A_259 = tpu.memref_slice %arg14[%dma_wait3A_257, %dma_wait3A_258] : memref<10000x64xf32, #tpu.memory_space<vmem_shared>> -> memref<16x64xf32, #tpu.memory_space<vmem_shared>>
        %dma_wait3A_260 = arith.constant 0 : i32
        %dma_wait3A_261 = arith.constant 0 : i32
        %dma_wait3A_262 = tpu.memref_slice %arg11[%run_scoped3A_234, %dma_wait3A_260, %dma_wait3A_261] : memref<5x80x64xf32, #tpu.memory_space<vmem>> -> memref<1x16x64xf32, #tpu.memory_space<vmem>>
        %dma_wait3A_263 = tpu.memref_squeeze %dma_wait3A_262 : memref<1x16x64xf32, #tpu.memory_space<vmem>> -> memref<16x64xf32, #tpu.memory_space<vmem>>
        tpu.wait_dma2 semaphore(%run_scoped3A_235 : memref<!tpu.dma_semaphore, #tpu.memory_space<semaphore_mem>>) src(%dma_wait3A_263 : memref<16x64xf32, #tpu.memory_space<vmem>>) dst(%dma_wait3A_259 : memref<16x64xf32, #tpu.memory_space<vmem_shared>>)
        tpu.yield
      }) : () -> ()
    } else {
    }
    %barrier3A = arith.constant 0 : index
    tpu.barrier barrier_id(%barrier3A)
    %dma_start3A = arith.constant 0 : i32
    %dma_start3A_55 = arith.constant 0 : i32
    %dma_start3A_56 = arith.constant 0 : i32
    %dma_start3A_57 = arith.constant 0 : i32
    %dma_start3A_58 = arith.constant 0 : i32
    %dma_start3A_59 = tpu.memref_slice %arg11[%dma_start3A_55, %dma_start3A_57, %dma_start3A_58] : memref<5x80x64xf32, #tpu.memory_space<vmem>> -> memref<1x80x64xf32, #tpu.memory_space<vmem>>
    %dma_start3A_60 = tpu.memref_squeeze %dma_start3A_59 : memref<1x80x64xf32, #tpu.memory_space<vmem>> -> memref<80x64xf32, #tpu.memory_space<vmem>>
    %dma_start3A_61 = arith.constant 0 : i32
    %dma_start3A_62 = tpu.memref_slice %arg8[%dma_start3A, %dma_start3A_61] : memref<125x80xi32, #tpu.memory_space<vmem>> -> memref<1x80xi32, #tpu.memory_space<vmem>>
    %dma_start3A_63 = tpu.memref_squeeze %dma_start3A_62 : memref<1x80xi32, #tpu.memory_space<vmem>> -> memref<80xi32, #tpu.memory_space<vmem>>
    %dma_start3A_64 = arith.constant 0 : i32
    %dma_start3A_65 = arith.constant 0 : i32
    %dma_start3A_66 = tpu.memref_slice %arg2[%dma_start3A_64, %dma_start3A_65] : memref<10000x64xf32, #tpu.memory_space<hbm>> -> memref<10000x64xf32, #tpu.memory_space<hbm>>
    %dma_start3A_67 = tpu.memref_slice %arg16[%dma_start3A_56] : memref<5x!tpu.dma_semaphore, #tpu.memory_space<semaphore_mem>> -> memref<1x!tpu.dma_semaphore, #tpu.memory_space<semaphore_mem>>
    %dma_start3A_68 = tpu.memref_squeeze %dma_start3A_67 : memref<1x!tpu.dma_semaphore, #tpu.memory_space<semaphore_mem>> -> memref<!tpu.dma_semaphore, #tpu.memory_space<semaphore_mem>>
    tpu.enqueue_indirect_dma source(%dma_start3A_66 : memref<10000x64xf32, #tpu.memory_space<hbm>>) target(%dma_start3A_60 : memref<80x64xf32, #tpu.memory_space<vmem>>) offsets(%dma_start3A_63 : memref<80xi32, #tpu.memory_space<vmem>>) semaphore(%dma_start3A_68 : memref<!tpu.dma_semaphore, #tpu.memory_space<semaphore_mem>>)
    %dma_start3A_69 = arith.constant 0 : i32
    %dma_start3A_70 = arith.constant 0 : i32
    %dma_start3A_71 = arith.constant 0 : i32
    %dma_start3A_72 = arith.constant 0 : i32
    %dma_start3A_73 = arith.constant 0 : i32
    %dma_start3A_74 = tpu.memref_slice %arg12[%dma_start3A_70, %dma_start3A_72, %dma_start3A_73] : memref<5x80x64xf32, #tpu.memory_space<vmem>> -> memref<1x80x64xf32, #tpu.memory_space<vmem>>
    %dma_start3A_75 = tpu.memref_squeeze %dma_start3A_74 : memref<1x80x64xf32, #tpu.memory_space<vmem>> -> memref<80x64xf32, #tpu.memory_space<vmem>>
    %dma_start3A_76 = arith.constant 0 : i32
    %dma_start3A_77 = tpu.memref_slice %arg10[%dma_start3A_69, %dma_start3A_76] : memref<125x80xi32, #tpu.memory_space<vmem>> -> memref<1x80xi32, #tpu.memory_space<vmem>>
    %dma_start3A_78 = tpu.memref_squeeze %dma_start3A_77 : memref<1x80xi32, #tpu.memory_space<vmem>> -> memref<80xi32, #tpu.memory_space<vmem>>
    %dma_start3A_79 = arith.constant 0 : i32
    %dma_start3A_80 = arith.constant 0 : i32
    %dma_start3A_81 = tpu.memref_slice %arg15[%dma_start3A_79, %dma_start3A_80] : memref<16x64xf32, #tpu.memory_space<vmem_shared>> -> memref<16x64xf32, #tpu.memory_space<vmem_shared>>
    %dma_start3A_82 = tpu.memref_slice %arg17[%dma_start3A_71] : memref<5x!tpu.dma_semaphore, #tpu.memory_space<semaphore_mem>> -> memref<1x!tpu.dma_semaphore, #tpu.memory_space<semaphore_mem>>
    %dma_start3A_83 = tpu.memref_squeeze %dma_start3A_82 : memref<1x!tpu.dma_semaphore, #tpu.memory_space<semaphore_mem>> -> memref<!tpu.dma_semaphore, #tpu.memory_space<semaphore_mem>>
    tpu.enqueue_indirect_dma source(%dma_start3A_81 : memref<16x64xf32, #tpu.memory_space<vmem_shared>>) target(%dma_start3A_75 : memref<80x64xf32, #tpu.memory_space<vmem>>) offsets(%dma_start3A_78 : memref<80xi32, #tpu.memory_space<vmem>>) semaphore(%dma_start3A_83 : memref<!tpu.dma_semaphore, #tpu.memory_space<semaphore_mem>>)
    %dma_start3A_84 = arith.constant 1 : i32
    %dma_start3A_85 = arith.constant 1 : i32
    %dma_start3A_86 = arith.constant 1 : i32
    %dma_start3A_87 = arith.constant 0 : i32
    %dma_start3A_88 = arith.constant 0 : i32
    %dma_start3A_89 = tpu.memref_slice %arg11[%dma_start3A_85, %dma_start3A_87, %dma_start3A_88] : memref<5x80x64xf32, #tpu.memory_space<vmem>> -> memref<1x80x64xf32, #tpu.memory_space<vmem>>
    %dma_start3A_90 = tpu.memref_squeeze %dma_start3A_89 : memref<1x80x64xf32, #tpu.memory_space<vmem>> -> memref<80x64xf32, #tpu.memory_space<vmem>>
    %dma_start3A_91 = arith.constant 0 : i32
    %dma_start3A_92 = tpu.memref_slice %arg8[%dma_start3A_84, %dma_start3A_91] : memref<125x80xi32, #tpu.memory_space<vmem>> -> memref<1x80xi32, #tpu.memory_space<vmem>>
    %dma_start3A_93 = tpu.memref_squeeze %dma_start3A_92 : memref<1x80xi32, #tpu.memory_space<vmem>> -> memref<80xi32, #tpu.memory_space<vmem>>
    %dma_start3A_94 = arith.constant 0 : i32
    %dma_start3A_95 = arith.constant 0 : i32
    %dma_start3A_96 = tpu.memref_slice %arg2[%dma_start3A_94, %dma_start3A_95] : memref<10000x64xf32, #tpu.memory_space<hbm>> -> memref<10000x64xf32, #tpu.memory_space<hbm>>
    %dma_start3A_97 = tpu.memref_slice %arg16[%dma_start3A_86] : memref<5x!tpu.dma_semaphore, #tpu.memory_space<semaphore_mem>> -> memref<1x!tpu.dma_semaphore, #tpu.memory_space<semaphore_mem>>
    %dma_start3A_98 = tpu.memref_squeeze %dma_start3A_97 : memref<1x!tpu.dma_semaphore, #tpu.memory_space<semaphore_mem>> -> memref<!tpu.dma_semaphore, #tpu.memory_space<semaphore_mem>>
    tpu.enqueue_indirect_dma source(%dma_start3A_96 : memref<10000x64xf32, #tpu.memory_space<hbm>>) target(%dma_start3A_90 : memref<80x64xf32, #tpu.memory_space<vmem>>) offsets(%dma_start3A_93 : memref<80xi32, #tpu.memory_space<vmem>>) semaphore(%dma_start3A_98 : memref<!tpu.dma_semaphore, #tpu.memory_space<semaphore_mem>>)
    %dma_start3A_99 = arith.constant 1 : i32
    %dma_start3A_100 = arith.constant 1 : i32
    %dma_start3A_101 = arith.constant 1 : i32
    %dma_start3A_102 = arith.constant 0 : i32
    %dma_start3A_103 = arith.constant 0 : i32
    %dma_start3A_104 = tpu.memref_slice %arg12[%dma_start3A_100, %dma_start3A_102, %dma_start3A_103] : memref<5x80x64xf32, #tpu.memory_space<vmem>> -> memref<1x80x64xf32, #tpu.memory_space<vmem>>
    %dma_start3A_105 = tpu.memref_squeeze %dma_start3A_104 : memref<1x80x64xf32, #tpu.memory_space<vmem>> -> memref<80x64xf32, #tpu.memory_space<vmem>>
    %dma_start3A_106 = arith.constant 0 : i32
    %dma_start3A_107 = tpu.memref_slice %arg10[%dma_start3A_99, %dma_start3A_106] : memref<125x80xi32, #tpu.memory_space<vmem>> -> memref<1x80xi32, #tpu.memory_space<vmem>>
    %dma_start3A_108 = tpu.memref_squeeze %dma_start3A_107 : memref<1x80xi32, #tpu.memory_space<vmem>> -> memref<80xi32, #tpu.memory_space<vmem>>
    %dma_start3A_109 = arith.constant 0 : i32
    %dma_start3A_110 = arith.constant 0 : i32
    %dma_start3A_111 = tpu.memref_slice %arg15[%dma_start3A_109, %dma_start3A_110] : memref<16x64xf32, #tpu.memory_space<vmem_shared>> -> memref<16x64xf32, #tpu.memory_space<vmem_shared>>
    %dma_start3A_112 = tpu.memref_slice %arg17[%dma_start3A_101] : memref<5x!tpu.dma_semaphore, #tpu.memory_space<semaphore_mem>> -> memref<1x!tpu.dma_semaphore, #tpu.memory_space<semaphore_mem>>
    %dma_start3A_113 = tpu.memref_squeeze %dma_start3A_112 : memref<1x!tpu.dma_semaphore, #tpu.memory_space<semaphore_mem>> -> memref<!tpu.dma_semaphore, #tpu.memory_space<semaphore_mem>>
    tpu.enqueue_indirect_dma source(%dma_start3A_111 : memref<16x64xf32, #tpu.memory_space<vmem_shared>>) target(%dma_start3A_105 : memref<80x64xf32, #tpu.memory_space<vmem>>) offsets(%dma_start3A_108 : memref<80xi32, #tpu.memory_space<vmem>>) semaphore(%dma_start3A_113 : memref<!tpu.dma_semaphore, #tpu.memory_space<semaphore_mem>>)
    %dma_start3A_114 = arith.constant 2 : i32
    %dma_start3A_115 = arith.constant 2 : i32
    %dma_start3A_116 = arith.constant 2 : i32
    %dma_start3A_117 = arith.constant 0 : i32
    %dma_start3A_118 = arith.constant 0 : i32
    %dma_start3A_119 = tpu.memref_slice %arg11[%dma_start3A_115, %dma_start3A_117, %dma_start3A_118] : memref<5x80x64xf32, #tpu.memory_space<vmem>> -> memref<1x80x64xf32, #tpu.memory_space<vmem>>
    %dma_start3A_120 = tpu.memref_squeeze %dma_start3A_119 : memref<1x80x64xf32, #tpu.memory_space<vmem>> -> memref<80x64xf32, #tpu.memory_space<vmem>>
    %dma_start3A_121 = arith.constant 0 : i32
    %dma_start3A_122 = tpu.memref_slice %arg8[%dma_start3A_114, %dma_start3A_121] : memref<125x80xi32, #tpu.memory_space<vmem>> -> memref<1x80xi32, #tpu.memory_space<vmem>>
    %dma_start3A_123 = tpu.memref_squeeze %dma_start3A_122 : memref<1x80xi32, #tpu.memory_space<vmem>> -> memref<80xi32, #tpu.memory_space<vmem>>
    %dma_start3A_124 = arith.constant 0 : i32
    %dma_start3A_125 = arith.constant 0 : i32
    %dma_start3A_126 = tpu.memref_slice %arg2[%dma_start3A_124, %dma_start3A_125] : memref<10000x64xf32, #tpu.memory_space<hbm>> -> memref<10000x64xf32, #tpu.memory_space<hbm>>
    %dma_start3A_127 = tpu.memref_slice %arg16[%dma_start3A_116] : memref<5x!tpu.dma_semaphore, #tpu.memory_space<semaphore_mem>> -> memref<1x!tpu.dma_semaphore, #tpu.memory_space<semaphore_mem>>
    %dma_start3A_128 = tpu.memref_squeeze %dma_start3A_127 : memref<1x!tpu.dma_semaphore, #tpu.memory_space<semaphore_mem>> -> memref<!tpu.dma_semaphore, #tpu.memory_space<semaphore_mem>>
    tpu.enqueue_indirect_dma source(%dma_start3A_126 : memref<10000x64xf32, #tpu.memory_space<hbm>>) target(%dma_start3A_120 : memref<80x64xf32, #tpu.memory_space<vmem>>) offsets(%dma_start3A_123 : memref<80xi32, #tpu.memory_space<vmem>>) semaphore(%dma_start3A_128 : memref<!tpu.dma_semaphore, #tpu.memory_space<semaphore_mem>>)
    %dma_start3A_129 = arith.constant 2 : i32
    %dma_start3A_130 = arith.constant 2 : i32
    %dma_start3A_131 = arith.constant 2 : i32
    %dma_start3A_132 = arith.constant 0 : i32
    %dma_start3A_133 = arith.constant 0 : i32
    %dma_start3A_134 = tpu.memref_slice %arg12[%dma_start3A_130, %dma_start3A_132, %dma_start3A_133] : memref<5x80x64xf32, #tpu.memory_space<vmem>> -> memref<1x80x64xf32, #tpu.memory_space<vmem>>
    %dma_start3A_135 = tpu.memref_squeeze %dma_start3A_134 : memref<1x80x64xf32, #tpu.memory_space<vmem>> -> memref<80x64xf32, #tpu.memory_space<vmem>>
    %dma_start3A_136 = arith.constant 0 : i32
    %dma_start3A_137 = tpu.memref_slice %arg10[%dma_start3A_129, %dma_start3A_136] : memref<125x80xi32, #tpu.memory_space<vmem>> -> memref<1x80xi32, #tpu.memory_space<vmem>>
    %dma_start3A_138 = tpu.memref_squeeze %dma_start3A_137 : memref<1x80xi32, #tpu.memory_space<vmem>> -> memref<80xi32, #tpu.memory_space<vmem>>
    %dma_start3A_139 = arith.constant 0 : i32
    %dma_start3A_140 = arith.constant 0 : i32
    %dma_start3A_141 = tpu.memref_slice %arg15[%dma_start3A_139, %dma_start3A_140] : memref<16x64xf32, #tpu.memory_space<vmem_shared>> -> memref<16x64xf32, #tpu.memory_space<vmem_shared>>
    %dma_start3A_142 = tpu.memref_slice %arg17[%dma_start3A_131] : memref<5x!tpu.dma_semaphore, #tpu.memory_space<semaphore_mem>> -> memref<1x!tpu.dma_semaphore, #tpu.memory_space<semaphore_mem>>
    %dma_start3A_143 = tpu.memref_squeeze %dma_start3A_142 : memref<1x!tpu.dma_semaphore, #tpu.memory_space<semaphore_mem>> -> memref<!tpu.dma_semaphore, #tpu.memory_space<semaphore_mem>>
    tpu.enqueue_indirect_dma source(%dma_start3A_141 : memref<16x64xf32, #tpu.memory_space<vmem_shared>>) target(%dma_start3A_135 : memref<80x64xf32, #tpu.memory_space<vmem>>) offsets(%dma_start3A_138 : memref<80xi32, #tpu.memory_space<vmem>>) semaphore(%dma_start3A_143 : memref<!tpu.dma_semaphore, #tpu.memory_space<semaphore_mem>>)
    %scan3A_144 = arith.constant 0 : i32
    %scan3A_145 = arith.constant 0 : i32
    %scan3A_146 = arith.constant 25 : i32
    %scan3A_147 = arith.addi %scan3A_145, %scan3A_146 : i32
    %scan3A_148 = arith.constant 1 : i32
    scf.for %scan3A_234 = %scan3A_145 to %scan3A_147 step %scan3A_148  : i32 {
      %mul3A_235 = arith.constant 5 : i32
      %mul3A_236 = arith.muli %scan3A_234, %mul3A_235 : i32
      %add3A_237 = arith.constant 0 : i32
      %add3A_238 = arith.addi %mul3A_236, %add3A_237 : i32
      %add3A_239 = arith.constant 3 : i32
      %add3A_240 = arith.addi %add3A_238, %add3A_239 : i32
      %lt3A = arith.constant 125 : i32
      %lt3A_241 = arith.cmpi slt, %add3A_240, %lt3A : i32
      %convert_element_type3A_242 = arith.extui %lt3A_241 : i1 to i32
      %cond3A_243 = arith.constant 0 : i32
      %cond3A_244 = arith.cmpi ne, %convert_element_type3A_242, %cond3A_243 : i32
      scf.if %cond3A_244 {
        %ge3A = arith.constant 5 : i32
        %ge3A_505 = arith.cmpi sge, %add3A_240, %ge3A : i32
        %convert_element_type3A_506 = arith.extui %ge3A_505 : i1 to i32
        %cond3A_507 = arith.constant 0 : i32
        %cond3A_508 = arith.cmpi ne, %convert_element_type3A_506, %cond3A_507 : i32
        scf.if %cond3A_508 {
          %sub3A = arith.constant 5 : i32
          %sub3A_537 = arith.subi %add3A_240, %sub3A : i32
          %dma_wait3A_538 = arith.constant 3 : i32
          %dma_wait3A_539 = arith.constant 3 : i32
          %dma_wait3A_540 = arith.constant 0 : i32
          %dma_wait3A_541 = arith.constant 0 : i32
          %dma_wait3A_542 = tpu.memref_slice %arg11[%dma_wait3A_538, %dma_wait3A_540, %dma_wait3A_541] : memref<5x80x64xf32, #tpu.memory_space<vmem>> -> memref<1x80x64xf32, #tpu.memory_space<vmem>>
          %dma_wait3A_543 = tpu.memref_squeeze %dma_wait3A_542 : memref<1x80x64xf32, #tpu.memory_space<vmem>> -> memref<80x64xf32, #tpu.memory_space<vmem>>
          %dma_wait3A_544 = arith.constant 0 : i32
          %dma_wait3A_545 = tpu.memref_slice %arg9[%sub3A_537, %dma_wait3A_544] : memref<125x80xi32, #tpu.memory_space<vmem>> -> memref<1x80xi32, #tpu.memory_space<vmem>>
          %dma_wait3A_546 = tpu.memref_squeeze %dma_wait3A_545 : memref<1x80xi32, #tpu.memory_space<vmem>> -> memref<80xi32, #tpu.memory_space<vmem>>
          %dma_wait3A_547 = arith.constant 0 : i32
          %dma_wait3A_548 = arith.constant 0 : i32
          %dma_wait3A_549 = tpu.memref_slice %arg14[%dma_wait3A_547, %dma_wait3A_548] : memref<10000x64xf32, #tpu.memory_space<vmem_shared>> -> memref<10000x64xf32, #tpu.memory_space<vmem_shared>>
          %dma_wait3A_550 = tpu.memref_slice %arg18[%dma_wait3A_539] : memref<5x!tpu.dma_semaphore, #tpu.memory_space<semaphore_mem>> -> memref<1x!tpu.dma_semaphore, #tpu.memory_space<semaphore_mem>>
          %dma_wait3A_551 = tpu.memref_squeeze %dma_wait3A_550 : memref<1x!tpu.dma_semaphore, #tpu.memory_space<semaphore_mem>> -> memref<!tpu.dma_semaphore, #tpu.memory_space<semaphore_mem>>
          tpu.wait_indirect_dma semaphore(%dma_wait3A_551 : memref<!tpu.dma_semaphore, #tpu.memory_space<semaphore_mem>>) src(%dma_wait3A_543 : memref<80x64xf32, #tpu.memory_space<vmem>>) dst(%dma_wait3A_549 : memref<10000x64xf32, #tpu.memory_space<vmem_shared>>)
        } else {
        }
        %dma_start3A_509 = arith.constant 3 : i32
        %dma_start3A_510 = arith.constant 3 : i32
        %dma_start3A_511 = arith.constant 0 : i32
        %dma_start3A_512 = arith.constant 0 : i32
        %dma_start3A_513 = tpu.memref_slice %arg11[%dma_start3A_509, %dma_start3A_511, %dma_start3A_512] : memref<5x80x64xf32, #tpu.memory_space<vmem>> -> memref<1x80x64xf32, #tpu.memory_space<vmem>>
        %dma_start3A_514 = tpu.memref_squeeze %dma_start3A_513 : memref<1x80x64xf32, #tpu.memory_space<vmem>> -> memref<80x64xf32, #tpu.memory_space<vmem>>
        %dma_start3A_515 = arith.constant 0 : i32
        %dma_start3A_516 = tpu.memref_slice %arg8[%add3A_240, %dma_start3A_515] : memref<125x80xi32, #tpu.memory_space<vmem>> -> memref<1x80xi32, #tpu.memory_space<vmem>>
        %dma_start3A_517 = tpu.memref_squeeze %dma_start3A_516 : memref<1x80xi32, #tpu.memory_space<vmem>> -> memref<80xi32, #tpu.memory_space<vmem>>
        %dma_start3A_518 = arith.constant 0 : i32
        %dma_start3A_519 = arith.constant 0 : i32
        %dma_start3A_520 = tpu.memref_slice %arg2[%dma_start3A_518, %dma_start3A_519] : memref<10000x64xf32, #tpu.memory_space<hbm>> -> memref<10000x64xf32, #tpu.memory_space<hbm>>
        %dma_start3A_521 = tpu.memref_slice %arg16[%dma_start3A_510] : memref<5x!tpu.dma_semaphore, #tpu.memory_space<semaphore_mem>> -> memref<1x!tpu.dma_semaphore, #tpu.memory_space<semaphore_mem>>
        %dma_start3A_522 = tpu.memref_squeeze %dma_start3A_521 : memref<1x!tpu.dma_semaphore, #tpu.memory_space<semaphore_mem>> -> memref<!tpu.dma_semaphore, #tpu.memory_space<semaphore_mem>>
        tpu.enqueue_indirect_dma source(%dma_start3A_520 : memref<10000x64xf32, #tpu.memory_space<hbm>>) target(%dma_start3A_514 : memref<80x64xf32, #tpu.memory_space<vmem>>) offsets(%dma_start3A_517 : memref<80xi32, #tpu.memory_space<vmem>>) semaphore(%dma_start3A_522 : memref<!tpu.dma_semaphore, #tpu.memory_space<semaphore_mem>>)
        %dma_start3A_523 = arith.constant 3 : i32
        %dma_start3A_524 = arith.constant 3 : i32
        %dma_start3A_525 = arith.constant 0 : i32
        %dma_start3A_526 = arith.constant 0 : i32
        %dma_start3A_527 = tpu.memref_slice %arg12[%dma_start3A_523, %dma_start3A_525, %dma_start3A_526] : memref<5x80x64xf32, #tpu.memory_space<vmem>> -> memref<1x80x64xf32, #tpu.memory_space<vmem>>
        %dma_start3A_528 = tpu.memref_squeeze %dma_start3A_527 : memref<1x80x64xf32, #tpu.memory_space<vmem>> -> memref<80x64xf32, #tpu.memory_space<vmem>>
        %dma_start3A_529 = arith.constant 0 : i32
        %dma_start3A_530 = tpu.memref_slice %arg10[%add3A_240, %dma_start3A_529] : memref<125x80xi32, #tpu.memory_space<vmem>> -> memref<1x80xi32, #tpu.memory_space<vmem>>
        %dma_start3A_531 = tpu.memref_squeeze %dma_start3A_530 : memref<1x80xi32, #tpu.memory_space<vmem>> -> memref<80xi32, #tpu.memory_space<vmem>>
        %dma_start3A_532 = arith.constant 0 : i32
        %dma_start3A_533 = arith.constant 0 : i32
        %dma_start3A_534 = tpu.memref_slice %arg15[%dma_start3A_532, %dma_start3A_533] : memref<16x64xf32, #tpu.memory_space<vmem_shared>> -> memref<16x64xf32, #tpu.memory_space<vmem_shared>>
        %dma_start3A_535 = tpu.memref_slice %arg17[%dma_start3A_524] : memref<5x!tpu.dma_semaphore, #tpu.memory_space<semaphore_mem>> -> memref<1x!tpu.dma_semaphore, #tpu.memory_space<semaphore_mem>>
        %dma_start3A_536 = tpu.memref_squeeze %dma_start3A_535 : memref<1x!tpu.dma_semaphore, #tpu.memory_space<semaphore_mem>> -> memref<!tpu.dma_semaphore, #tpu.memory_space<semaphore_mem>>
        tpu.enqueue_indirect_dma source(%dma_start3A_534 : memref<16x64xf32, #tpu.memory_space<vmem_shared>>) target(%dma_start3A_528 : memref<80x64xf32, #tpu.memory_space<vmem>>) offsets(%dma_start3A_531 : memref<80xi32, #tpu.memory_space<vmem>>) semaphore(%dma_start3A_536 : memref<!tpu.dma_semaphore, #tpu.memory_space<semaphore_mem>>)
      } else {
      }
      %dma_wait3A_245 = arith.constant 0 : i32
      %dma_wait3A_246 = arith.constant 0 : i32
      %dma_wait3A_247 = arith.constant 0 : i32
      %dma_wait3A_248 = arith.constant 0 : i32
      %dma_wait3A_249 = tpu.memref_slice %arg11[%dma_wait3A_245, %dma_wait3A_247, %dma_wait3A_248] : memref<5x80x64xf32, #tpu.memory_space<vmem>> -> memref<1x80x64xf32, #tpu.memory_space<vmem>>
      %dma_wait3A_250 = tpu.memref_squeeze %dma_wait3A_249 : memref<1x80x64xf32, #tpu.memory_space<vmem>> -> memref<80x64xf32, #tpu.memory_space<vmem>>
      %dma_wait3A_251 = arith.constant 0 : i32
      %dma_wait3A_252 = tpu.memref_slice %arg8[%add3A_238, %dma_wait3A_251] : memref<125x80xi32, #tpu.memory_space<vmem>> -> memref<1x80xi32, #tpu.memory_space<vmem>>
      %dma_wait3A_253 = tpu.memref_squeeze %dma_wait3A_252 : memref<1x80xi32, #tpu.memory_space<vmem>> -> memref<80xi32, #tpu.memory_space<vmem>>
      %dma_wait3A_254 = arith.constant 0 : i32
      %dma_wait3A_255 = arith.constant 0 : i32
      %dma_wait3A_256 = tpu.memref_slice %arg2[%dma_wait3A_254, %dma_wait3A_255] : memref<10000x64xf32, #tpu.memory_space<hbm>> -> memref<10000x64xf32, #tpu.memory_space<hbm>>
      %dma_wait3A_257 = tpu.memref_slice %arg16[%dma_wait3A_246] : memref<5x!tpu.dma_semaphore, #tpu.memory_space<semaphore_mem>> -> memref<1x!tpu.dma_semaphore, #tpu.memory_space<semaphore_mem>>
      %dma_wait3A_258 = tpu.memref_squeeze %dma_wait3A_257 : memref<1x!tpu.dma_semaphore, #tpu.memory_space<semaphore_mem>> -> memref<!tpu.dma_semaphore, #tpu.memory_space<semaphore_mem>>
      tpu.wait_indirect_dma semaphore(%dma_wait3A_258 : memref<!tpu.dma_semaphore, #tpu.memory_space<semaphore_mem>>) src(%dma_wait3A_256 : memref<10000x64xf32, #tpu.memory_space<hbm>>) dst(%dma_wait3A_250 : memref<80x64xf32, #tpu.memory_space<vmem>>)
      %dma_wait3A_259 = arith.constant 0 : i32
      %dma_wait3A_260 = arith.constant 0 : i32
      %dma_wait3A_261 = arith.constant 0 : i32
      %dma_wait3A_262 = arith.constant 0 : i32
      %dma_wait3A_263 = tpu.memref_slice %arg12[%dma_wait3A_259, %dma_wait3A_261, %dma_wait3A_262] : memref<5x80x64xf32, #tpu.memory_space<vmem>> -> memref<1x80x64xf32, #tpu.memory_space<vmem>>
      %dma_wait3A_264 = tpu.memref_squeeze %dma_wait3A_263 : memref<1x80x64xf32, #tpu.memory_space<vmem>> -> memref<80x64xf32, #tpu.memory_space<vmem>>
      %dma_wait3A_265 = arith.constant 0 : i32
      %dma_wait3A_266 = tpu.memref_slice %arg10[%add3A_238, %dma_wait3A_265] : memref<125x80xi32, #tpu.memory_space<vmem>> -> memref<1x80xi32, #tpu.memory_space<vmem>>
      %dma_wait3A_267 = tpu.memref_squeeze %dma_wait3A_266 : memref<1x80xi32, #tpu.memory_space<vmem>> -> memref<80xi32, #tpu.memory_space<vmem>>
      %dma_wait3A_268 = arith.constant 0 : i32
      %dma_wait3A_269 = arith.constant 0 : i32
      %dma_wait3A_270 = tpu.memref_slice %arg15[%dma_wait3A_268, %dma_wait3A_269] : memref<16x64xf32, #tpu.memory_space<vmem_shared>> -> memref<16x64xf32, #tpu.memory_space<vmem_shared>>
      %dma_wait3A_271 = tpu.memref_slice %arg17[%dma_wait3A_260] : memref<5x!tpu.dma_semaphore, #tpu.memory_space<semaphore_mem>> -> memref<1x!tpu.dma_semaphore, #tpu.memory_space<semaphore_mem>>
      %dma_wait3A_272 = tpu.memref_squeeze %dma_wait3A_271 : memref<1x!tpu.dma_semaphore, #tpu.memory_space<semaphore_mem>> -> memref<!tpu.dma_semaphore, #tpu.memory_space<semaphore_mem>>
      tpu.wait_indirect_dma semaphore(%dma_wait3A_272 : memref<!tpu.dma_semaphore, #tpu.memory_space<semaphore_mem>>) src(%dma_wait3A_270 : memref<16x64xf32, #tpu.memory_space<vmem_shared>>) dst(%dma_wait3A_264 : memref<80x64xf32, #tpu.memory_space<vmem>>)
      %parallel_loop3A = arith.constant 0 : i32
      %parallel_loop3A_273 = arith.constant 80 : i32
      %parallel_loop3A_274 = arith.constant 1 : i32
      scf.for %parallel_loop3A_505 = %parallel_loop3A to %parallel_loop3A_273 step %parallel_loop3A_274  : i32 {
        %parallel_loop3A_506 = arith.constant 0 : i32
        %parallel_loop3A_507 = arith.index_cast %parallel_loop3A_506 : i32 to index
        %parallel_loop3A_508 = arith.index_cast %parallel_loop3A_505 : i32 to index
        %parallel_loop3A_509 = arith.constant 0 : index
        %parallel_loop3A_510 = tpu.vector_load %arg11[%parallel_loop3A_507, %parallel_loop3A_508, %parallel_loop3A_509] {strides = array<i32>} : memref<5x80x64xf32, #tpu.memory_space<vmem>>, vector<1x1x16xf32>,
        %parallel_loop3A_511 = vector.shape_cast %parallel_loop3A_510 : vector<1x1x16xf32> to vector<16xf32>
        %parallel_loop3A_512 = arith.constant 0 : i32
        %parallel_loop3A_513 = arith.index_cast %parallel_loop3A_512 : i32 to index
        %parallel_loop3A_514 = arith.index_cast %parallel_loop3A_505 : i32 to index
        %parallel_loop3A_515 = arith.constant 0 : index
        %parallel_loop3A_516 = tpu.vector_load %arg12[%parallel_loop3A_513, %parallel_loop3A_514, %parallel_loop3A_515] {strides = array<i32>} : memref<5x80x64xf32, #tpu.memory_space<vmem>>, vector<1x1x16xf32>,
        %parallel_loop3A_517 = vector.shape_cast %parallel_loop3A_516 : vector<1x1x16xf32> to vector<16xf32>
        %parallel_loop3A_518 = arith.addf %parallel_loop3A_511, %parallel_loop3A_517 : vector<16xf32>
        %parallel_loop3A_519 = arith.constant 0.000000e+00 : f32
        %parallel_loop3A_520 = vector.broadcast %parallel_loop3A_519 : f32 to vector<16xf32>
        %parallel_loop3A_521 = arith.maximumf %parallel_loop3A_518, %parallel_loop3A_520 : vector<16xf32>
        %parallel_loop3A_522 = arith.constant 0 : i32
        %parallel_loop3A_523 = arith.index_cast %parallel_loop3A_522 : i32 to index
        %parallel_loop3A_524 = arith.index_cast %parallel_loop3A_505 : i32 to index
        %parallel_loop3A_525 = arith.constant 0 : index
        %parallel_loop3A_526 = tpu.vector_load %arg11[%parallel_loop3A_523, %parallel_loop3A_524, %parallel_loop3A_525] {strides = array<i32>} : memref<5x80x64xf32, #tpu.memory_space<vmem>>, vector<1x1x16xf32>,
        %parallel_loop3A_527 = vector.shape_cast %parallel_loop3A_526 : vector<1x1x16xf32> to vector<16xf32>
        %parallel_loop3A_528 = vector.shape_cast %parallel_loop3A_521 : vector<16xf32> to vector<1x1x16xf32>
        tpu.vector_store %arg11[%parallel_loop3A_523, %parallel_loop3A_524, %parallel_loop3A_525], %parallel_loop3A_528 {strides = array<i32>} : memref<5x80x64xf32, #tpu.memory_space<vmem>>, vector<1x1x16xf32>,
        %parallel_loop3A_529 = arith.constant 0 : i32
        %parallel_loop3A_530 = arith.index_cast %parallel_loop3A_529 : i32 to index
        %parallel_loop3A_531 = arith.index_cast %parallel_loop3A_505 : i32 to index
        %parallel_loop3A_532 = arith.constant 16 : index
        %parallel_loop3A_533 = tpu.vector_load %arg11[%parallel_loop3A_530, %parallel_loop3A_531, %parallel_loop3A_532] {strides = array<i32>} : memref<5x80x64xf32, #tpu.memory_space<vmem>>, vector<1x1x16xf32>,
        %parallel_loop3A_534 = vector.shape_cast %parallel_loop3A_533 : vector<1x1x16xf32> to vector<16xf32>
        %parallel_loop3A_535 = arith.constant 0 : i32
        %parallel_loop3A_536 = arith.index_cast %parallel_loop3A_535 : i32 to index
        %parallel_loop3A_537 = arith.index_cast %parallel_loop3A_505 : i32 to index
        %parallel_loop3A_538 = arith.constant 16 : index
        %parallel_loop3A_539 = tpu.vector_load %arg12[%parallel_loop3A_536, %parallel_loop3A_537, %parallel_loop3A_538] {strides = array<i32>} : memref<5x80x64xf32, #tpu.memory_space<vmem>>, vector<1x1x16xf32>,
        %parallel_loop3A_540 = vector.shape_cast %parallel_loop3A_539 : vector<1x1x16xf32> to vector<16xf32>
        %parallel_loop3A_541 = arith.addf %parallel_loop3A_534, %parallel_loop3A_540 : vector<16xf32>
        %parallel_loop3A_542 = arith.constant 0.000000e+00 : f32
        %parallel_loop3A_543 = vector.broadcast %parallel_loop3A_542 : f32 to vector<16xf32>
        %parallel_loop3A_544 = arith.maximumf %parallel_loop3A_541, %parallel_loop3A_543 : vector<16xf32>
        %parallel_loop3A_545 = arith.constant 0 : i32
        %parallel_loop3A_546 = arith.index_cast %parallel_loop3A_545 : i32 to index
        %parallel_loop3A_547 = arith.index_cast %parallel_loop3A_505 : i32 to index
        %parallel_loop3A_548 = arith.constant 16 : index
        %parallel_loop3A_549 = tpu.vector_load %arg11[%parallel_loop3A_546, %parallel_loop3A_547, %parallel_loop3A_548] {strides = array<i32>} : memref<5x80x64xf32, #tpu.memory_space<vmem>>, vector<1x1x16xf32>,
        %parallel_loop3A_550 = vector.shape_cast %parallel_loop3A_549 : vector<1x1x16xf32> to vector<16xf32>
        %parallel_loop3A_551 = vector.shape_cast %parallel_loop3A_544 : vector<16xf32> to vector<1x1x16xf32>
        tpu.vector_store %arg11[%parallel_loop3A_546, %parallel_loop3A_547, %parallel_loop3A_548], %parallel_loop3A_551 {strides = array<i32>} : memref<5x80x64xf32, #tpu.memory_space<vmem>>, vector<1x1x16xf32>,
        %parallel_loop3A_552 = arith.constant 0 : i32
        %parallel_loop3A_553 = arith.index_cast %parallel_loop3A_552 : i32 to index
        %parallel_loop3A_554 = arith.index_cast %parallel_loop3A_505 : i32 to index
        %parallel_loop3A_555 = arith.constant 32 : index
        %parallel_loop3A_556 = tpu.vector_load %arg11[%parallel_loop3A_553, %parallel_loop3A_554, %parallel_loop3A_555] {strides = array<i32>} : memref<5x80x64xf32, #tpu.memory_space<vmem>>, vector<1x1x16xf32>,
        %parallel_loop3A_557 = vector.shape_cast %parallel_loop3A_556 : vector<1x1x16xf32> to vector<16xf32>
        %parallel_loop3A_558 = arith.constant 0 : i32
        %parallel_loop3A_559 = arith.index_cast %parallel_loop3A_558 : i32 to index
        %parallel_loop3A_560 = arith.index_cast %parallel_loop3A_505 : i32 to index
        %parallel_loop3A_561 = arith.constant 32 : index
        %parallel_loop3A_562 = tpu.vector_load %arg12[%parallel_loop3A_559, %parallel_loop3A_560, %parallel_loop3A_561] {strides = array<i32>} : memref<5x80x64xf32, #tpu.memory_space<vmem>>, vector<1x1x16xf32>,
        %parallel_loop3A_563 = vector.shape_cast %parallel_loop3A_562 : vector<1x1x16xf32> to vector<16xf32>
        %parallel_loop3A_564 = arith.addf %parallel_loop3A_557, %parallel_loop3A_563 : vector<16xf32>
        %parallel_loop3A_565 = arith.constant 0.000000e+00 : f32
        %parallel_loop3A_566 = vector.broadcast %parallel_loop3A_565 : f32 to vector<16xf32>
        %parallel_loop3A_567 = arith.maximumf %parallel_loop3A_564, %parallel_loop3A_566 : vector<16xf32>
        %parallel_loop3A_568 = arith.constant 0 : i32
        %parallel_loop3A_569 = arith.index_cast %parallel_loop3A_568 : i32 to index
        %parallel_loop3A_570 = arith.index_cast %parallel_loop3A_505 : i32 to index
        %parallel_loop3A_571 = arith.constant 32 : index
        %parallel_loop3A_572 = tpu.vector_load %arg11[%parallel_loop3A_569, %parallel_loop3A_570, %parallel_loop3A_571] {strides = array<i32>} : memref<5x80x64xf32, #tpu.memory_space<vmem>>, vector<1x1x16xf32>,
        %parallel_loop3A_573 = vector.shape_cast %parallel_loop3A_572 : vector<1x1x16xf32> to vector<16xf32>
        %parallel_loop3A_574 = vector.shape_cast %parallel_loop3A_567 : vector<16xf32> to vector<1x1x16xf32>
        tpu.vector_store %arg11[%parallel_loop3A_569, %parallel_loop3A_570, %parallel_loop3A_571], %parallel_loop3A_574 {strides = array<i32>} : memref<5x80x64xf32, #tpu.memory_space<vmem>>, vector<1x1x16xf32>,
        %parallel_loop3A_575 = arith.constant 0 : i32
        %parallel_loop3A_576 = arith.index_cast %parallel_loop3A_575 : i32 to index
        %parallel_loop3A_577 = arith.index_cast %parallel_loop3A_505 : i32 to index
        %parallel_loop3A_578 = arith.constant 48 : index
        %parallel_loop3A_579 = tpu.vector_load %arg11[%parallel_loop3A_576, %parallel_loop3A_577, %parallel_loop3A_578] {strides = array<i32>} : memref<5x80x64xf32, #tpu.memory_space<vmem>>, vector<1x1x16xf32>,
        %parallel_loop3A_580 = vector.shape_cast %parallel_loop3A_579 : vector<1x1x16xf32> to vector<16xf32>
        %parallel_loop3A_581 = arith.constant 0 : i32
        %parallel_loop3A_582 = arith.index_cast %parallel_loop3A_581 : i32 to index
        %parallel_loop3A_583 = arith.index_cast %parallel_loop3A_505 : i32 to index
        %parallel_loop3A_584 = arith.constant 48 : index
        %parallel_loop3A_585 = tpu.vector_load %arg12[%parallel_loop3A_582, %parallel_loop3A_583, %parallel_loop3A_584] {strides = array<i32>} : memref<5x80x64xf32, #tpu.memory_space<vmem>>, vector<1x1x16xf32>,
        %parallel_loop3A_586 = vector.shape_cast %parallel_loop3A_585 : vector<1x1x16xf32> to vector<16xf32>
        %parallel_loop3A_587 = arith.addf %parallel_loop3A_580, %parallel_loop3A_586 : vector<16xf32>
        %parallel_loop3A_588 = arith.constant 0.000000e+00 : f32
        %parallel_loop3A_589 = vector.broadcast %parallel_loop3A_588 : f32 to vector<16xf32>
        %parallel_loop3A_590 = arith.maximumf %parallel_loop3A_587, %parallel_loop3A_589 : vector<16xf32>
        %parallel_loop3A_591 = arith.constant 0 : i32
        %parallel_loop3A_592 = arith.index_cast %parallel_loop3A_591 : i32 to index
        %parallel_loop3A_593 = arith.index_cast %parallel_loop3A_505 : i32 to index
        %parallel_loop3A_594 = arith.constant 48 : index
        %parallel_loop3A_595 = tpu.vector_load %arg11[%parallel_loop3A_592, %parallel_loop3A_593, %parallel_loop3A_594] {strides = array<i32>} : memref<5x80x64xf32, #tpu.memory_space<vmem>>, vector<1x1x16xf32>,
        %parallel_loop3A_596 = vector.shape_cast %parallel_loop3A_595 : vector<1x1x16xf32> to vector<16xf32>
        %parallel_loop3A_597 = vector.shape_cast %parallel_loop3A_590 : vector<16xf32> to vector<1x1x16xf32>
        tpu.vector_store %arg11[%parallel_loop3A_592, %parallel_loop3A_593, %parallel_loop3A_594], %parallel_loop3A_597 {strides = array<i32>} : memref<5x80x64xf32, #tpu.memory_space<vmem>>, vector<1x1x16xf32>,
      } {sc.loop_unroll_factor = 2 : i64, sc.parallel_access}
      %dma_start3A_275 = arith.constant 0 : i32
      %dma_start3A_276 = arith.constant 0 : i32
      %dma_start3A_277 = arith.constant 0 : i32
      %dma_start3A_278 = arith.constant 0 : i32
      %dma_start3A_279 = tpu.memref_slice %arg11[%dma_start3A_275, %dma_start3A_277, %dma_start3A_278] : memref<5x80x64xf32, #tpu.memory_space<vmem>> -> memref<1x80x64xf32, #tpu.memory_space<vmem>>
      %dma_start3A_280 = tpu.memref_squeeze %dma_start3A_279 : memref<1x80x64xf32, #tpu.memory_space<vmem>> -> memref<80x64xf32, #tpu.memory_space<vmem>>
      %dma_start3A_281 = arith.constant 0 : i32
      %dma_start3A_282 = tpu.memref_slice %arg9[%add3A_238, %dma_start3A_281] : memref<125x80xi32, #tpu.memory_space<vmem>> -> memref<1x80xi32, #tpu.memory_space<vmem>>
      %dma_start3A_283 = tpu.memref_squeeze %dma_start3A_282 : memref<1x80xi32, #tpu.memory_space<vmem>> -> memref<80xi32, #tpu.memory_space<vmem>>
      %dma_start3A_284 = arith.constant 0 : i32
      %dma_start3A_285 = arith.constant 0 : i32
      %dma_start3A_286 = tpu.memref_slice %arg14[%dma_start3A_284, %dma_start3A_285] : memref<10000x64xf32, #tpu.memory_space<vmem_shared>> -> memref<10000x64xf32, #tpu.memory_space<vmem_shared>>
      %dma_start3A_287 = tpu.memref_slice %arg18[%dma_start3A_276] : memref<5x!tpu.dma_semaphore, #tpu.memory_space<semaphore_mem>> -> memref<1x!tpu.dma_semaphore, #tpu.memory_space<semaphore_mem>>
      %dma_start3A_288 = tpu.memref_squeeze %dma_start3A_287 : memref<1x!tpu.dma_semaphore, #tpu.memory_space<semaphore_mem>> -> memref<!tpu.dma_semaphore, #tpu.memory_space<semaphore_mem>>
      tpu.enqueue_indirect_dma source(%dma_start3A_280 : memref<80x64xf32, #tpu.memory_space<vmem>>) target(%dma_start3A_286 : memref<10000x64xf32, #tpu.memory_space<vmem_shared>>) offsets(%dma_start3A_283 : memref<80xi32, #tpu.memory_space<vmem>>) semaphore(%dma_start3A_288 : memref<!tpu.dma_semaphore, #tpu.memory_space<semaphore_mem>>) {add = true}
      %add3A_289 = arith.constant 1 : i32
      %add3A_290 = arith.addi %mul3A_236, %add3A_289 : i32
      %add3A_291 = arith.constant 3 : i32
      %add3A_292 = arith.addi %add3A_290, %add3A_291 : i32
      %lt3A_293 = arith.constant 125 : i32
      %lt3A_294 = arith.cmpi slt, %add3A_292, %lt3A_293 : i32
      %convert_element_type3A_295 = arith.extui %lt3A_294 : i1 to i32
      %cond3A_296 = arith.constant 0 : i32
      %cond3A_297 = arith.cmpi ne, %convert_element_type3A_295, %cond3A_296 : i32
      scf.if %cond3A_297 {
        %ge3A = arith.constant 5 : i32
        %ge3A_505 = arith.cmpi sge, %add3A_292, %ge3A : i32
        %convert_element_type3A_506 = arith.extui %ge3A_505 : i1 to i32
        %cond3A_507 = arith.constant 0 : i32
        %cond3A_508 = arith.cmpi ne, %convert_element_type3A_506, %cond3A_507 : i32
        scf.if %cond3A_508 {
          %sub3A = arith.constant 5 : i32
          %sub3A_537 = arith.subi %add3A_292, %sub3A : i32
          %dma_wait3A_538 = arith.constant 4 : i32
          %dma_wait3A_539 = arith.constant 4 : i32
          %dma_wait3A_540 = arith.constant 0 : i32
          %dma_wait3A_541 = arith.constant 0 : i32
          %dma_wait3A_542 = tpu.memref_slice %arg11[%dma_wait3A_538, %dma_wait3A_540, %dma_wait3A_541] : memref<5x80x64xf32, #tpu.memory_space<vmem>> -> memref<1x80x64xf32, #tpu.memory_space<vmem>>
          %dma_wait3A_543 = tpu.memref_squeeze %dma_wait3A_542 : memref<1x80x64xf32, #tpu.memory_space<vmem>> -> memref<80x64xf32, #tpu.memory_space<vmem>>
          %dma_wait3A_544 = arith.constant 0 : i32
          %dma_wait3A_545 = tpu.memref_slice %arg9[%sub3A_537, %dma_wait3A_544] : memref<125x80xi32, #tpu.memory_space<vmem>> -> memref<1x80xi32, #tpu.memory_space<vmem>>
          %dma_wait3A_546 = tpu.memref_squeeze %dma_wait3A_545 : memref<1x80xi32, #tpu.memory_space<vmem>> -> memref<80xi32, #tpu.memory_space<vmem>>
          %dma_wait3A_547 = arith.constant 0 : i32
          %dma_wait3A_548 = arith.constant 0 : i32
          %dma_wait3A_549 = tpu.memref_slice %arg14[%dma_wait3A_547, %dma_wait3A_548] : memref<10000x64xf32, #tpu.memory_space<vmem_shared>> -> memref<10000x64xf32, #tpu.memory_space<vmem_shared>>
          %dma_wait3A_550 = tpu.memref_slice %arg18[%dma_wait3A_539] : memref<5x!tpu.dma_semaphore, #tpu.memory_space<semaphore_mem>> -> memref<1x!tpu.dma_semaphore, #tpu.memory_space<semaphore_mem>>
          %dma_wait3A_551 = tpu.memref_squeeze %dma_wait3A_550 : memref<1x!tpu.dma_semaphore, #tpu.memory_space<semaphore_mem>> -> memref<!tpu.dma_semaphore, #tpu.memory_space<semaphore_mem>>
          tpu.wait_indirect_dma semaphore(%dma_wait3A_551 : memref<!tpu.dma_semaphore, #tpu.memory_space<semaphore_mem>>) src(%dma_wait3A_543 : memref<80x64xf32, #tpu.memory_space<vmem>>) dst(%dma_wait3A_549 : memref<10000x64xf32, #tpu.memory_space<vmem_shared>>)
        } else {
        }
        %dma_start3A_509 = arith.constant 4 : i32
        %dma_start3A_510 = arith.constant 4 : i32
        %dma_start3A_511 = arith.constant 0 : i32
        %dma_start3A_512 = arith.constant 0 : i32
        %dma_start3A_513 = tpu.memref_slice %arg11[%dma_start3A_509, %dma_start3A_511, %dma_start3A_512] : memref<5x80x64xf32, #tpu.memory_space<vmem>> -> memref<1x80x64xf32, #tpu.memory_space<vmem>>
        %dma_start3A_514 = tpu.memref_squeeze %dma_start3A_513 : memref<1x80x64xf32, #tpu.memory_space<vmem>> -> memref<80x64xf32, #tpu.memory_space<vmem>>
        %dma_start3A_515 = arith.constant 0 : i32
        %dma_start3A_516 = tpu.memref_slice %arg8[%add3A_292, %dma_start3A_515] : memref<125x80xi32, #tpu.memory_space<vmem>> -> memref<1x80xi32, #tpu.memory_space<vmem>>
        %dma_start3A_517 = tpu.memref_squeeze %dma_start3A_516 : memref<1x80xi32, #tpu.memory_space<vmem>> -> memref<80xi32, #tpu.memory_space<vmem>>
        %dma_start3A_518 = arith.constant 0 : i32
        %dma_start3A_519 = arith.constant 0 : i32
        %dma_start3A_520 = tpu.memref_slice %arg2[%dma_start3A_518, %dma_start3A_519] : memref<10000x64xf32, #tpu.memory_space<hbm>> -> memref<10000x64xf32, #tpu.memory_space<hbm>>
        %dma_start3A_521 = tpu.memref_slice %arg16[%dma_start3A_510] : memref<5x!tpu.dma_semaphore, #tpu.memory_space<semaphore_mem>> -> memref<1x!tpu.dma_semaphore, #tpu.memory_space<semaphore_mem>>
        %dma_start3A_522 = tpu.memref_squeeze %dma_start3A_521 : memref<1x!tpu.dma_semaphore, #tpu.memory_space<semaphore_mem>> -> memref<!tpu.dma_semaphore, #tpu.memory_space<semaphore_mem>>
        tpu.enqueue_indirect_dma source(%dma_start3A_520 : memref<10000x64xf32, #tpu.memory_space<hbm>>) target(%dma_start3A_514 : memref<80x64xf32, #tpu.memory_space<vmem>>) offsets(%dma_start3A_517 : memref<80xi32, #tpu.memory_space<vmem>>) semaphore(%dma_start3A_522 : memref<!tpu.dma_semaphore, #tpu.memory_space<semaphore_mem>>)
        %dma_start3A_523 = arith.constant 4 : i32
        %dma_start3A_524 = arith.constant 4 : i32
        %dma_start3A_525 = arith.constant 0 : i32
        %dma_start3A_526 = arith.constant 0 : i32
        %dma_start3A_527 = tpu.memref_slice %arg12[%dma_start3A_523, %dma_start3A_525, %dma_start3A_526] : memref<5x80x64xf32, #tpu.memory_space<vmem>> -> memref<1x80x64xf32, #tpu.memory_space<vmem>>
        %dma_start3A_528 = tpu.memref_squeeze %dma_start3A_527 : memref<1x80x64xf32, #tpu.memory_space<vmem>> -> memref<80x64xf32, #tpu.memory_space<vmem>>
        %dma_start3A_529 = arith.constant 0 : i32
        %dma_start3A_530 = tpu.memref_slice %arg10[%add3A_292, %dma_start3A_529] : memref<125x80xi32, #tpu.memory_space<vmem>> -> memref<1x80xi32, #tpu.memory_space<vmem>>
        %dma_start3A_531 = tpu.memref_squeeze %dma_start3A_530 : memref<1x80xi32, #tpu.memory_space<vmem>> -> memref<80xi32, #tpu.memory_space<vmem>>
        %dma_start3A_532 = arith.constant 0 : i32
        %dma_start3A_533 = arith.constant 0 : i32
        %dma_start3A_534 = tpu.memref_slice %arg15[%dma_start3A_532, %dma_start3A_533] : memref<16x64xf32, #tpu.memory_space<vmem_shared>> -> memref<16x64xf32, #tpu.memory_space<vmem_shared>>
        %dma_start3A_535 = tpu.memref_slice %arg17[%dma_start3A_524] : memref<5x!tpu.dma_semaphore, #tpu.memory_space<semaphore_mem>> -> memref<1x!tpu.dma_semaphore, #tpu.memory_space<semaphore_mem>>
        %dma_start3A_536 = tpu.memref_squeeze %dma_start3A_535 : memref<1x!tpu.dma_semaphore, #tpu.memory_space<semaphore_mem>> -> memref<!tpu.dma_semaphore, #tpu.memory_space<semaphore_mem>>
        tpu.enqueue_indirect_dma source(%dma_start3A_534 : memref<16x64xf32, #tpu.memory_space<vmem_shared>>) target(%dma_start3A_528 : memref<80x64xf32, #tpu.memory_space<vmem>>) offsets(%dma_start3A_531 : memref<80xi32, #tpu.memory_space<vmem>>) semaphore(%dma_start3A_536 : memref<!tpu.dma_semaphore, #tpu.memory_space<semaphore_mem>>)
      } else {
      }
      %dma_wait3A_298 = arith.constant 1 : i32
      %dma_wait3A_299 = arith.constant 1 : i32
      %dma_wait3A_300 = arith.constant 0 : i32
      %dma_wait3A_301 = arith.constant 0 : i32
      %dma_wait3A_302 = tpu.memref_slice %arg11[%dma_wait3A_298, %dma_wait3A_300, %dma_wait3A_301] : memref<5x80x64xf32, #tpu.memory_space<vmem>> -> memref<1x80x64xf32, #tpu.memory_space<vmem>>
      %dma_wait3A_303 = tpu.memref_squeeze %dma_wait3A_302 : memref<1x80x64xf32, #tpu.memory_space<vmem>> -> memref<80x64xf32, #tpu.memory_space<vmem>>
      %dma_wait3A_304 = arith.constant 0 : i32
      %dma_wait3A_305 = tpu.memref_slice %arg8[%add3A_290, %dma_wait3A_304] : memref<125x80xi32, #tpu.memory_space<vmem>> -> memref<1x80xi32, #tpu.memory_space<vmem>>
      %dma_wait3A_306 = tpu.memref_squeeze %dma_wait3A_305 : memref<1x80xi32, #tpu.memory_space<vmem>> -> memref<80xi32, #tpu.memory_space<vmem>>
      %dma_wait3A_307 = arith.constant 0 : i32
      %dma_wait3A_308 = arith.constant 0 : i32
      %dma_wait3A_309 = tpu.memref_slice %arg2[%dma_wait3A_307, %dma_wait3A_308] : memref<10000x64xf32, #tpu.memory_space<hbm>> -> memref<10000x64xf32, #tpu.memory_space<hbm>>
      %dma_wait3A_310 = tpu.memref_slice %arg16[%dma_wait3A_299] : memref<5x!tpu.dma_semaphore, #tpu.memory_space<semaphore_mem>> -> memref<1x!tpu.dma_semaphore, #tpu.memory_space<semaphore_mem>>
      %dma_wait3A_311 = tpu.memref_squeeze %dma_wait3A_310 : memref<1x!tpu.dma_semaphore, #tpu.memory_space<semaphore_mem>> -> memref<!tpu.dma_semaphore, #tpu.memory_space<semaphore_mem>>
      tpu.wait_indirect_dma semaphore(%dma_wait3A_311 : memref<!tpu.dma_semaphore, #tpu.memory_space<semaphore_mem>>) src(%dma_wait3A_309 : memref<10000x64xf32, #tpu.memory_space<hbm>>) dst(%dma_wait3A_303 : memref<80x64xf32, #tpu.memory_space<vmem>>)
      %dma_wait3A_312 = arith.constant 1 : i32
      %dma_wait3A_313 = arith.constant 1 : i32
      %dma_wait3A_314 = arith.constant 0 : i32
      %dma_wait3A_315 = arith.constant 0 : i32
      %dma_wait3A_316 = tpu.memref_slice %arg12[%dma_wait3A_312, %dma_wait3A_314, %dma_wait3A_315] : memref<5x80x64xf32, #tpu.memory_space<vmem>> -> memref<1x80x64xf32, #tpu.memory_space<vmem>>
      %dma_wait3A_317 = tpu.memref_squeeze %dma_wait3A_316 : memref<1x80x64xf32, #tpu.memory_space<vmem>> -> memref<80x64xf32, #tpu.memory_space<vmem>>
      %dma_wait3A_318 = arith.constant 0 : i32
      %dma_wait3A_319 = tpu.memref_slice %arg10[%add3A_290, %dma_wait3A_318] : memref<125x80xi32, #tpu.memory_space<vmem>> -> memref<1x80xi32, #tpu.memory_space<vmem>>
      %dma_wait3A_320 = tpu.memref_squeeze %dma_wait3A_319 : memref<1x80xi32, #tpu.memory_space<vmem>> -> memref<80xi32, #tpu.memory_space<vmem>>
      %dma_wait3A_321 = arith.constant 0 : i32
      %dma_wait3A_322 = arith.constant 0 : i32
      %dma_wait3A_323 = tpu.memref_slice %arg15[%dma_wait3A_321, %dma_wait3A_322] : memref<16x64xf32, #tpu.memory_space<vmem_shared>> -> memref<16x64xf32, #tpu.memory_space<vmem_shared>>
      %dma_wait3A_324 = tpu.memref_slice %arg17[%dma_wait3A_313] : memref<5x!tpu.dma_semaphore, #tpu.memory_space<semaphore_mem>> -> memref<1x!tpu.dma_semaphore, #tpu.memory_space<semaphore_mem>>
      %dma_wait3A_325 = tpu.memref_squeeze %dma_wait3A_324 : memref<1x!tpu.dma_semaphore, #tpu.memory_space<semaphore_mem>> -> memref<!tpu.dma_semaphore, #tpu.memory_space<semaphore_mem>>
      tpu.wait_indirect_dma semaphore(%dma_wait3A_325 : memref<!tpu.dma_semaphore, #tpu.memory_space<semaphore_mem>>) src(%dma_wait3A_323 : memref<16x64xf32, #tpu.memory_space<vmem_shared>>) dst(%dma_wait3A_317 : memref<80x64xf32, #tpu.memory_space<vmem>>)
      %parallel_loop3A_326 = arith.constant 0 : i32
      %parallel_loop3A_327 = arith.constant 80 : i32
      %parallel_loop3A_328 = arith.constant 1 : i32
      scf.for %parallel_loop3A_505 = %parallel_loop3A_326 to %parallel_loop3A_327 step %parallel_loop3A_328  : i32 {
        %parallel_loop3A_506 = arith.constant 1 : i32
        %parallel_loop3A_507 = arith.index_cast %parallel_loop3A_506 : i32 to index
        %parallel_loop3A_508 = arith.index_cast %parallel_loop3A_505 : i32 to index
        %parallel_loop3A_509 = arith.constant 0 : index
        %parallel_loop3A_510 = tpu.vector_load %arg11[%parallel_loop3A_507, %parallel_loop3A_508, %parallel_loop3A_509] {strides = array<i32>} : memref<5x80x64xf32, #tpu.memory_space<vmem>>, vector<1x1x16xf32>,
        %parallel_loop3A_511 = vector.shape_cast %parallel_loop3A_510 : vector<1x1x16xf32> to vector<16xf32>
        %parallel_loop3A_512 = arith.constant 1 : i32
        %parallel_loop3A_513 = arith.index_cast %parallel_loop3A_512 : i32 to index
        %parallel_loop3A_514 = arith.index_cast %parallel_loop3A_505 : i32 to index
        %parallel_loop3A_515 = arith.constant 0 : index
        %parallel_loop3A_516 = tpu.vector_load %arg12[%parallel_loop3A_513, %parallel_loop3A_514, %parallel_loop3A_515] {strides = array<i32>} : memref<5x80x64xf32, #tpu.memory_space<vmem>>, vector<1x1x16xf32>,
        %parallel_loop3A_517 = vector.shape_cast %parallel_loop3A_516 : vector<1x1x16xf32> to vector<16xf32>
        %parallel_loop3A_518 = arith.addf %parallel_loop3A_511, %parallel_loop3A_517 : vector<16xf32>
        %parallel_loop3A_519 = arith.constant 0.000000e+00 : f32
        %parallel_loop3A_520 = vector.broadcast %parallel_loop3A_519 : f32 to vector<16xf32>
        %parallel_loop3A_521 = arith.maximumf %parallel_loop3A_518, %parallel_loop3A_520 : vector<16xf32>
        %parallel_loop3A_522 = arith.constant 1 : i32
        %parallel_loop3A_523 = arith.index_cast %parallel_loop3A_522 : i32 to index
        %parallel_loop3A_524 = arith.index_cast %parallel_loop3A_505 : i32 to index
        %parallel_loop3A_525 = arith.constant 0 : index
        %parallel_loop3A_526 = tpu.vector_load %arg11[%parallel_loop3A_523, %parallel_loop3A_524, %parallel_loop3A_525] {strides = array<i32>} : memref<5x80x64xf32, #tpu.memory_space<vmem>>, vector<1x1x16xf32>,
        %parallel_loop3A_527 = vector.shape_cast %parallel_loop3A_526 : vector<1x1x16xf32> to vector<16xf32>
        %parallel_loop3A_528 = vector.shape_cast %parallel_loop3A_521 : vector<16xf32> to vector<1x1x16xf32>
        tpu.vector_store %arg11[%parallel_loop3A_523, %parallel_loop3A_524, %parallel_loop3A_525], %parallel_loop3A_528 {strides = array<i32>} : memref<5x80x64xf32, #tpu.memory_space<vmem>>, vector<1x1x16xf32>,
        %parallel_loop3A_529 = arith.constant 1 : i32
        %parallel_loop3A_530 = arith.index_cast %parallel_loop3A_529 : i32 to index
        %parallel_loop3A_531 = arith.index_cast %parallel_loop3A_505 : i32 to index
        %parallel_loop3A_532 = arith.constant 16 : index
        %parallel_loop3A_533 = tpu.vector_load %arg11[%parallel_loop3A_530, %parallel_loop3A_531, %parallel_loop3A_532] {strides = array<i32>} : memref<5x80x64xf32, #tpu.memory_space<vmem>>, vector<1x1x16xf32>,
        %parallel_loop3A_534 = vector.shape_cast %parallel_loop3A_533 : vector<1x1x16xf32> to vector<16xf32>
        %parallel_loop3A_535 = arith.constant 1 : i32
        %parallel_loop3A_536 = arith.index_cast %parallel_loop3A_535 : i32 to index
        %parallel_loop3A_537 = arith.index_cast %parallel_loop3A_505 : i32 to index
        %parallel_loop3A_538 = arith.constant 16 : index
        %parallel_loop3A_539 = tpu.vector_load %arg12[%parallel_loop3A_536, %parallel_loop3A_537, %parallel_loop3A_538] {strides = array<i32>} : memref<5x80x64xf32, #tpu.memory_space<vmem>>, vector<1x1x16xf32>,
        %parallel_loop3A_540 = vector.shape_cast %parallel_loop3A_539 : vector<1x1x16xf32> to vector<16xf32>
        %parallel_loop3A_541 = arith.addf %parallel_loop3A_534, %parallel_loop3A_540 : vector<16xf32>
        %parallel_loop3A_542 = arith.constant 0.000000e+00 : f32
        %parallel_loop3A_543 = vector.broadcast %parallel_loop3A_542 : f32 to vector<16xf32>
        %parallel_loop3A_544 = arith.maximumf %parallel_loop3A_541, %parallel_loop3A_543 : vector<16xf32>
        %parallel_loop3A_545 = arith.constant 1 : i32
        %parallel_loop3A_546 = arith.index_cast %parallel_loop3A_545 : i32 to index
        %parallel_loop3A_547 = arith.index_cast %parallel_loop3A_505 : i32 to index
        %parallel_loop3A_548 = arith.constant 16 : index
        %parallel_loop3A_549 = tpu.vector_load %arg11[%parallel_loop3A_546, %parallel_loop3A_547, %parallel_loop3A_548] {strides = array<i32>} : memref<5x80x64xf32, #tpu.memory_space<vmem>>, vector<1x1x16xf32>,
        %parallel_loop3A_550 = vector.shape_cast %parallel_loop3A_549 : vector<1x1x16xf32> to vector<16xf32>
        %parallel_loop3A_551 = vector.shape_cast %parallel_loop3A_544 : vector<16xf32> to vector<1x1x16xf32>
        tpu.vector_store %arg11[%parallel_loop3A_546, %parallel_loop3A_547, %parallel_loop3A_548], %parallel_loop3A_551 {strides = array<i32>} : memref<5x80x64xf32, #tpu.memory_space<vmem>>, vector<1x1x16xf32>,
        %parallel_loop3A_552 = arith.constant 1 : i32
        %parallel_loop3A_553 = arith.index_cast %parallel_loop3A_552 : i32 to index
        %parallel_loop3A_554 = arith.index_cast %parallel_loop3A_505 : i32 to index
        %parallel_loop3A_555 = arith.constant 32 : index
        %parallel_loop3A_556 = tpu.vector_load %arg11[%parallel_loop3A_553, %parallel_loop3A_554, %parallel_loop3A_555] {strides = array<i32>} : memref<5x80x64xf32, #tpu.memory_space<vmem>>, vector<1x1x16xf32>,
        %parallel_loop3A_557 = vector.shape_cast %parallel_loop3A_556 : vector<1x1x16xf32> to vector<16xf32>
        %parallel_loop3A_558 = arith.constant 1 : i32
        %parallel_loop3A_559 = arith.index_cast %parallel_loop3A_558 : i32 to index
        %parallel_loop3A_560 = arith.index_cast %parallel_loop3A_505 : i32 to index
        %parallel_loop3A_561 = arith.constant 32 : index
        %parallel_loop3A_562 = tpu.vector_load %arg12[%parallel_loop3A_559, %parallel_loop3A_560, %parallel_loop3A_561] {strides = array<i32>} : memref<5x80x64xf32, #tpu.memory_space<vmem>>, vector<1x1x16xf32>,
        %parallel_loop3A_563 = vector.shape_cast %parallel_loop3A_562 : vector<1x1x16xf32> to vector<16xf32>
        %parallel_loop3A_564 = arith.addf %parallel_loop3A_557, %parallel_loop3A_563 : vector<16xf32>
        %parallel_loop3A_565 = arith.constant 0.000000e+00 : f32
        %parallel_loop3A_566 = vector.broadcast %parallel_loop3A_565 : f32 to vector<16xf32>
        %parallel_loop3A_567 = arith.maximumf %parallel_loop3A_564, %parallel_loop3A_566 : vector<16xf32>
        %parallel_loop3A_568 = arith.constant 1 : i32
        %parallel_loop3A_569 = arith.index_cast %parallel_loop3A_568 : i32 to index
        %parallel_loop3A_570 = arith.index_cast %parallel_loop3A_505 : i32 to index
        %parallel_loop3A_571 = arith.constant 32 : index
        %parallel_loop3A_572 = tpu.vector_load %arg11[%parallel_loop3A_569, %parallel_loop3A_570, %parallel_loop3A_571] {strides = array<i32>} : memref<5x80x64xf32, #tpu.memory_space<vmem>>, vector<1x1x16xf32>,
        %parallel_loop3A_573 = vector.shape_cast %parallel_loop3A_572 : vector<1x1x16xf32> to vector<16xf32>
        %parallel_loop3A_574 = vector.shape_cast %parallel_loop3A_567 : vector<16xf32> to vector<1x1x16xf32>
        tpu.vector_store %arg11[%parallel_loop3A_569, %parallel_loop3A_570, %parallel_loop3A_571], %parallel_loop3A_574 {strides = array<i32>} : memref<5x80x64xf32, #tpu.memory_space<vmem>>, vector<1x1x16xf32>,
        %parallel_loop3A_575 = arith.constant 1 : i32
        %parallel_loop3A_576 = arith.index_cast %parallel_loop3A_575 : i32 to index
        %parallel_loop3A_577 = arith.index_cast %parallel_loop3A_505 : i32 to index
        %parallel_loop3A_578 = arith.constant 48 : index
        %parallel_loop3A_579 = tpu.vector_load %arg11[%parallel_loop3A_576, %parallel_loop3A_577, %parallel_loop3A_578] {strides = array<i32>} : memref<5x80x64xf32, #tpu.memory_space<vmem>>, vector<1x1x16xf32>,
        %parallel_loop3A_580 = vector.shape_cast %parallel_loop3A_579 : vector<1x1x16xf32> to vector<16xf32>
        %parallel_loop3A_581 = arith.constant 1 : i32
        %parallel_loop3A_582 = arith.index_cast %parallel_loop3A_581 : i32 to index
        %parallel_loop3A_583 = arith.index_cast %parallel_loop3A_505 : i32 to index
        %parallel_loop3A_584 = arith.constant 48 : index
        %parallel_loop3A_585 = tpu.vector_load %arg12[%parallel_loop3A_582, %parallel_loop3A_583, %parallel_loop3A_584] {strides = array<i32>} : memref<5x80x64xf32, #tpu.memory_space<vmem>>, vector<1x1x16xf32>,
        %parallel_loop3A_586 = vector.shape_cast %parallel_loop3A_585 : vector<1x1x16xf32> to vector<16xf32>
        %parallel_loop3A_587 = arith.addf %parallel_loop3A_580, %parallel_loop3A_586 : vector<16xf32>
        %parallel_loop3A_588 = arith.constant 0.000000e+00 : f32
        %parallel_loop3A_589 = vector.broadcast %parallel_loop3A_588 : f32 to vector<16xf32>
        %parallel_loop3A_590 = arith.maximumf %parallel_loop3A_587, %parallel_loop3A_589 : vector<16xf32>
        %parallel_loop3A_591 = arith.constant 1 : i32
        %parallel_loop3A_592 = arith.index_cast %parallel_loop3A_591 : i32 to index
        %parallel_loop3A_593 = arith.index_cast %parallel_loop3A_505 : i32 to index
        %parallel_loop3A_594 = arith.constant 48 : index
        %parallel_loop3A_595 = tpu.vector_load %arg11[%parallel_loop3A_592, %parallel_loop3A_593, %parallel_loop3A_594] {strides = array<i32>} : memref<5x80x64xf32, #tpu.memory_space<vmem>>, vector<1x1x16xf32>,
        %parallel_loop3A_596 = vector.shape_cast %parallel_loop3A_595 : vector<1x1x16xf32> to vector<16xf32>
        %parallel_loop3A_597 = vector.shape_cast %parallel_loop3A_590 : vector<16xf32> to vector<1x1x16xf32>
        tpu.vector_store %arg11[%parallel_loop3A_592, %parallel_loop3A_593, %parallel_loop3A_594], %parallel_loop3A_597 {strides = array<i32>} : memref<5x80x64xf32, #tpu.memory_space<vmem>>, vector<1x1x16xf32>,
      } {sc.loop_unroll_factor = 2 : i64, sc.parallel_access}
      %dma_start3A_329 = arith.constant 1 : i32
      %dma_start3A_330 = arith.constant 1 : i32
      %dma_start3A_331 = arith.constant 0 : i32
      %dma_start3A_332 = arith.constant 0 : i32
      %dma_start3A_333 = tpu.memref_slice %arg11[%dma_start3A_329, %dma_start3A_331, %dma_start3A_332] : memref<5x80x64xf32, #tpu.memory_space<vmem>> -> memref<1x80x64xf32, #tpu.memory_space<vmem>>
      %dma_start3A_334 = tpu.memref_squeeze %dma_start3A_333 : memref<1x80x64xf32, #tpu.memory_space<vmem>> -> memref<80x64xf32, #tpu.memory_space<vmem>>
      %dma_start3A_335 = arith.constant 0 : i32
      %dma_start3A_336 = tpu.memref_slice %arg9[%add3A_290, %dma_start3A_335] : memref<125x80xi32, #tpu.memory_space<vmem>> -> memref<1x80xi32, #tpu.memory_space<vmem>>
      %dma_start3A_337 = tpu.memref_squeeze %dma_start3A_336 : memref<1x80xi32, #tpu.memory_space<vmem>> -> memref<80xi32, #tpu.memory_space<vmem>>
      %dma_start3A_338 = arith.constant 0 : i32
      %dma_start3A_339 = arith.constant 0 : i32
      %dma_start3A_340 = tpu.memref_slice %arg14[%dma_start3A_338, %dma_start3A_339] : memref<10000x64xf32, #tpu.memory_space<vmem_shared>> -> memref<10000x64xf32, #tpu.memory_space<vmem_shared>>
      %dma_start3A_341 = tpu.memref_slice %arg18[%dma_start3A_330] : memref<5x!tpu.dma_semaphore, #tpu.memory_space<semaphore_mem>> -> memref<1x!tpu.dma_semaphore, #tpu.memory_space<semaphore_mem>>
      %dma_start3A_342 = tpu.memref_squeeze %dma_start3A_341 : memref<1x!tpu.dma_semaphore, #tpu.memory_space<semaphore_mem>> -> memref<!tpu.dma_semaphore, #tpu.memory_space<semaphore_mem>>
      tpu.enqueue_indirect_dma source(%dma_start3A_334 : memref<80x64xf32, #tpu.memory_space<vmem>>) target(%dma_start3A_340 : memref<10000x64xf32, #tpu.memory_space<vmem_shared>>) offsets(%dma_start3A_337 : memref<80xi32, #tpu.memory_space<vmem>>) semaphore(%dma_start3A_342 : memref<!tpu.dma_semaphore, #tpu.memory_space<semaphore_mem>>) {add = true}
      %add3A_343 = arith.constant 2 : i32
      %add3A_344 = arith.addi %mul3A_236, %add3A_343 : i32
      %add3A_345 = arith.constant 3 : i32
      %add3A_346 = arith.addi %add3A_344, %add3A_345 : i32
      %lt3A_347 = arith.constant 125 : i32
      %lt3A_348 = arith.cmpi slt, %add3A_346, %lt3A_347 : i32
      %convert_element_type3A_349 = arith.extui %lt3A_348 : i1 to i32
      %cond3A_350 = arith.constant 0 : i32
      %cond3A_351 = arith.cmpi ne, %convert_element_type3A_349, %cond3A_350 : i32
      scf.if %cond3A_351 {
        %ge3A = arith.constant 5 : i32
        %ge3A_505 = arith.cmpi sge, %add3A_346, %ge3A : i32
        %convert_element_type3A_506 = arith.extui %ge3A_505 : i1 to i32
        %cond3A_507 = arith.constant 0 : i32
        %cond3A_508 = arith.cmpi ne, %convert_element_type3A_506, %cond3A_507 : i32
        scf.if %cond3A_508 {
          %sub3A = arith.constant 5 : i32
          %sub3A_537 = arith.subi %add3A_346, %sub3A : i32
          %dma_wait3A_538 = arith.constant 0 : i32
          %dma_wait3A_539 = arith.constant 0 : i32
          %dma_wait3A_540 = arith.constant 0 : i32
          %dma_wait3A_541 = arith.constant 0 : i32
          %dma_wait3A_542 = tpu.memref_slice %arg11[%dma_wait3A_538, %dma_wait3A_540, %dma_wait3A_541] : memref<5x80x64xf32, #tpu.memory_space<vmem>> -> memref<1x80x64xf32, #tpu.memory_space<vmem>>
          %dma_wait3A_543 = tpu.memref_squeeze %dma_wait3A_542 : memref<1x80x64xf32, #tpu.memory_space<vmem>> -> memref<80x64xf32, #tpu.memory_space<vmem>>
          %dma_wait3A_544 = arith.constant 0 : i32
          %dma_wait3A_545 = tpu.memref_slice %arg9[%sub3A_537, %dma_wait3A_544] : memref<125x80xi32, #tpu.memory_space<vmem>> -> memref<1x80xi32, #tpu.memory_space<vmem>>
          %dma_wait3A_546 = tpu.memref_squeeze %dma_wait3A_545 : memref<1x80xi32, #tpu.memory_space<vmem>> -> memref<80xi32, #tpu.memory_space<vmem>>
          %dma_wait3A_547 = arith.constant 0 : i32
          %dma_wait3A_548 = arith.constant 0 : i32
          %dma_wait3A_549 = tpu.memref_slice %arg14[%dma_wait3A_547, %dma_wait3A_548] : memref<10000x64xf32, #tpu.memory_space<vmem_shared>> -> memref<10000x64xf32, #tpu.memory_space<vmem_shared>>
          %dma_wait3A_550 = tpu.memref_slice %arg18[%dma_wait3A_539] : memref<5x!tpu.dma_semaphore, #tpu.memory_space<semaphore_mem>> -> memref<1x!tpu.dma_semaphore, #tpu.memory_space<semaphore_mem>>
          %dma_wait3A_551 = tpu.memref_squeeze %dma_wait3A_550 : memref<1x!tpu.dma_semaphore, #tpu.memory_space<semaphore_mem>> -> memref<!tpu.dma_semaphore, #tpu.memory_space<semaphore_mem>>
          tpu.wait_indirect_dma semaphore(%dma_wait3A_551 : memref<!tpu.dma_semaphore, #tpu.memory_space<semaphore_mem>>) src(%dma_wait3A_543 : memref<80x64xf32, #tpu.memory_space<vmem>>) dst(%dma_wait3A_549 : memref<10000x64xf32, #tpu.memory_space<vmem_shared>>)
        } else {
        }
        %dma_start3A_509 = arith.constant 0 : i32
        %dma_start3A_510 = arith.constant 0 : i32
        %dma_start3A_511 = arith.constant 0 : i32
        %dma_start3A_512 = arith.constant 0 : i32
        %dma_start3A_513 = tpu.memref_slice %arg11[%dma_start3A_509, %dma_start3A_511, %dma_start3A_512] : memref<5x80x64xf32, #tpu.memory_space<vmem>> -> memref<1x80x64xf32, #tpu.memory_space<vmem>>
        %dma_start3A_514 = tpu.memref_squeeze %dma_start3A_513 : memref<1x80x64xf32, #tpu.memory_space<vmem>> -> memref<80x64xf32, #tpu.memory_space<vmem>>
        %dma_start3A_515 = arith.constant 0 : i32
        %dma_start3A_516 = tpu.memref_slice %arg8[%add3A_346, %dma_start3A_515] : memref<125x80xi32, #tpu.memory_space<vmem>> -> memref<1x80xi32, #tpu.memory_space<vmem>>
        %dma_start3A_517 = tpu.memref_squeeze %dma_start3A_516 : memref<1x80xi32, #tpu.memory_space<vmem>> -> memref<80xi32, #tpu.memory_space<vmem>>
        %dma_start3A_518 = arith.constant 0 : i32
        %dma_start3A_519 = arith.constant 0 : i32
        %dma_start3A_520 = tpu.memref_slice %arg2[%dma_start3A_518, %dma_start3A_519] : memref<10000x64xf32, #tpu.memory_space<hbm>> -> memref<10000x64xf32, #tpu.memory_space<hbm>>
        %dma_start3A_521 = tpu.memref_slice %arg16[%dma_start3A_510] : memref<5x!tpu.dma_semaphore, #tpu.memory_space<semaphore_mem>> -> memref<1x!tpu.dma_semaphore, #tpu.memory_space<semaphore_mem>>
        %dma_start3A_522 = tpu.memref_squeeze %dma_start3A_521 : memref<1x!tpu.dma_semaphore, #tpu.memory_space<semaphore_mem>> -> memref<!tpu.dma_semaphore, #tpu.memory_space<semaphore_mem>>
        tpu.enqueue_indirect_dma source(%dma_start3A_520 : memref<10000x64xf32, #tpu.memory_space<hbm>>) target(%dma_start3A_514 : memref<80x64xf32, #tpu.memory_space<vmem>>) offsets(%dma_start3A_517 : memref<80xi32, #tpu.memory_space<vmem>>) semaphore(%dma_start3A_522 : memref<!tpu.dma_semaphore, #tpu.memory_space<semaphore_mem>>)
        %dma_start3A_523 = arith.constant 0 : i32
        %dma_start3A_524 = arith.constant 0 : i32
        %dma_start3A_525 = arith.constant 0 : i32
        %dma_start3A_526 = arith.constant 0 : i32
        %dma_start3A_527 = tpu.memref_slice %arg12[%dma_start3A_523, %dma_start3A_525, %dma_start3A_526] : memref<5x80x64xf32, #tpu.memory_space<vmem>> -> memref<1x80x64xf32, #tpu.memory_space<vmem>>
        %dma_start3A_528 = tpu.memref_squeeze %dma_start3A_527 : memref<1x80x64xf32, #tpu.memory_space<vmem>> -> memref<80x64xf32, #tpu.memory_space<vmem>>
        %dma_start3A_529 = arith.constant 0 : i32
        %dma_start3A_530 = tpu.memref_slice %arg10[%add3A_346, %dma_start3A_529] : memref<125x80xi32, #tpu.memory_space<vmem>> -> memref<1x80xi32, #tpu.memory_space<vmem>>
        %dma_start3A_531 = tpu.memref_squeeze %dma_start3A_530 : memref<1x80xi32, #tpu.memory_space<vmem>> -> memref<80xi32, #tpu.memory_space<vmem>>
        %dma_start3A_532 = arith.constant 0 : i32
        %dma_start3A_533 = arith.constant 0 : i32
        %dma_start3A_534 = tpu.memref_slice %arg15[%dma_start3A_532, %dma_start3A_533] : memref<16x64xf32, #tpu.memory_space<vmem_shared>> -> memref<16x64xf32, #tpu.memory_space<vmem_shared>>
        %dma_start3A_535 = tpu.memref_slice %arg17[%dma_start3A_524] : memref<5x!tpu.dma_semaphore, #tpu.memory_space<semaphore_mem>> -> memref<1x!tpu.dma_semaphore, #tpu.memory_space<semaphore_mem>>
        %dma_start3A_536 = tpu.memref_squeeze %dma_start3A_535 : memref<1x!tpu.dma_semaphore, #tpu.memory_space<semaphore_mem>> -> memref<!tpu.dma_semaphore, #tpu.memory_space<semaphore_mem>>
        tpu.enqueue_indirect_dma source(%dma_start3A_534 : memref<16x64xf32, #tpu.memory_space<vmem_shared>>) target(%dma_start3A_528 : memref<80x64xf32, #tpu.memory_space<vmem>>) offsets(%dma_start3A_531 : memref<80xi32, #tpu.memory_space<vmem>>) semaphore(%dma_start3A_536 : memref<!tpu.dma_semaphore, #tpu.memory_space<semaphore_mem>>)
      } else {
      }
      %dma_wait3A_352 = arith.constant 2 : i32
      %dma_wait3A_353 = arith.constant 2 : i32
      %dma_wait3A_354 = arith.constant 0 : i32
      %dma_wait3A_355 = arith.constant 0 : i32
      %dma_wait3A_356 = tpu.memref_slice %arg11[%dma_wait3A_352, %dma_wait3A_354, %dma_wait3A_355] : memref<5x80x64xf32, #tpu.memory_space<vmem>> -> memref<1x80x64xf32, #tpu.memory_space<vmem>>
      %dma_wait3A_357 = tpu.memref_squeeze %dma_wait3A_356 : memref<1x80x64xf32, #tpu.memory_space<vmem>> -> memref<80x64xf32, #tpu.memory_space<vmem>>
      %dma_wait3A_358 = arith.constant 0 : i32
      %dma_wait3A_359 = tpu.memref_slice %arg8[%add3A_344, %dma_wait3A_358] : memref<125x80xi32, #tpu.memory_space<vmem>> -> memref<1x80xi32, #tpu.memory_space<vmem>>
      %dma_wait3A_360 = tpu.memref_squeeze %dma_wait3A_359 : memref<1x80xi32, #tpu.memory_space<vmem>> -> memref<80xi32, #tpu.memory_space<vmem>>
      %dma_wait3A_361 = arith.constant 0 : i32
      %dma_wait3A_362 = arith.constant 0 : i32
      %dma_wait3A_363 = tpu.memref_slice %arg2[%dma_wait3A_361, %dma_wait3A_362] : memref<10000x64xf32, #tpu.memory_space<hbm>> -> memref<10000x64xf32, #tpu.memory_space<hbm>>
      %dma_wait3A_364 = tpu.memref_slice %arg16[%dma_wait3A_353] : memref<5x!tpu.dma_semaphore, #tpu.memory_space<semaphore_mem>> -> memref<1x!tpu.dma_semaphore, #tpu.memory_space<semaphore_mem>>
      %dma_wait3A_365 = tpu.memref_squeeze %dma_wait3A_364 : memref<1x!tpu.dma_semaphore, #tpu.memory_space<semaphore_mem>> -> memref<!tpu.dma_semaphore, #tpu.memory_space<semaphore_mem>>
      tpu.wait_indirect_dma semaphore(%dma_wait3A_365 : memref<!tpu.dma_semaphore, #tpu.memory_space<semaphore_mem>>) src(%dma_wait3A_363 : memref<10000x64xf32, #tpu.memory_space<hbm>>) dst(%dma_wait3A_357 : memref<80x64xf32, #tpu.memory_space<vmem>>)
      %dma_wait3A_366 = arith.constant 2 : i32
      %dma_wait3A_367 = arith.constant 2 : i32
      %dma_wait3A_368 = arith.constant 0 : i32
      %dma_wait3A_369 = arith.constant 0 : i32
      %dma_wait3A_370 = tpu.memref_slice %arg12[%dma_wait3A_366, %dma_wait3A_368, %dma_wait3A_369] : memref<5x80x64xf32, #tpu.memory_space<vmem>> -> memref<1x80x64xf32, #tpu.memory_space<vmem>>
      %dma_wait3A_371 = tpu.memref_squeeze %dma_wait3A_370 : memref<1x80x64xf32, #tpu.memory_space<vmem>> -> memref<80x64xf32, #tpu.memory_space<vmem>>
      %dma_wait3A_372 = arith.constant 0 : i32
      %dma_wait3A_373 = tpu.memref_slice %arg10[%add3A_344, %dma_wait3A_372] : memref<125x80xi32, #tpu.memory_space<vmem>> -> memref<1x80xi32, #tpu.memory_space<vmem>>
      %dma_wait3A_374 = tpu.memref_squeeze %dma_wait3A_373 : memref<1x80xi32, #tpu.memory_space<vmem>> -> memref<80xi32, #tpu.memory_space<vmem>>
      %dma_wait3A_375 = arith.constant 0 : i32
      %dma_wait3A_376 = arith.constant 0 : i32
      %dma_wait3A_377 = tpu.memref_slice %arg15[%dma_wait3A_375, %dma_wait3A_376] : memref<16x64xf32, #tpu.memory_space<vmem_shared>> -> memref<16x64xf32, #tpu.memory_space<vmem_shared>>
      %dma_wait3A_378 = tpu.memref_slice %arg17[%dma_wait3A_367] : memref<5x!tpu.dma_semaphore, #tpu.memory_space<semaphore_mem>> -> memref<1x!tpu.dma_semaphore, #tpu.memory_space<semaphore_mem>>
      %dma_wait3A_379 = tpu.memref_squeeze %dma_wait3A_378 : memref<1x!tpu.dma_semaphore, #tpu.memory_space<semaphore_mem>> -> memref<!tpu.dma_semaphore, #tpu.memory_space<semaphore_mem>>
      tpu.wait_indirect_dma semaphore(%dma_wait3A_379 : memref<!tpu.dma_semaphore, #tpu.memory_space<semaphore_mem>>) src(%dma_wait3A_377 : memref<16x64xf32, #tpu.memory_space<vmem_shared>>) dst(%dma_wait3A_371 : memref<80x64xf32, #tpu.memory_space<vmem>>)
      %parallel_loop3A_380 = arith.constant 0 : i32
      %parallel_loop3A_381 = arith.constant 80 : i32
      %parallel_loop3A_382 = arith.constant 1 : i32
      scf.for %parallel_loop3A_505 = %parallel_loop3A_380 to %parallel_loop3A_381 step %parallel_loop3A_382  : i32 {
        %parallel_loop3A_506 = arith.constant 2 : i32
        %parallel_loop3A_507 = arith.index_cast %parallel_loop3A_506 : i32 to index
        %parallel_loop3A_508 = arith.index_cast %parallel_loop3A_505 : i32 to index
        %parallel_loop3A_509 = arith.constant 0 : index
        %parallel_loop3A_510 = tpu.vector_load %arg11[%parallel_loop3A_507, %parallel_loop3A_508, %parallel_loop3A_509] {strides = array<i32>} : memref<5x80x64xf32, #tpu.memory_space<vmem>>, vector<1x1x16xf32>,
        %parallel_loop3A_511 = vector.shape_cast %parallel_loop3A_510 : vector<1x1x16xf32> to vector<16xf32>
        %parallel_loop3A_512 = arith.constant 2 : i32
        %parallel_loop3A_513 = arith.index_cast %parallel_loop3A_512 : i32 to index
        %parallel_loop3A_514 = arith.index_cast %parallel_loop3A_505 : i32 to index
        %parallel_loop3A_515 = arith.constant 0 : index
        %parallel_loop3A_516 = tpu.vector_load %arg12[%parallel_loop3A_513, %parallel_loop3A_514, %parallel_loop3A_515] {strides = array<i32>} : memref<5x80x64xf32, #tpu.memory_space<vmem>>, vector<1x1x16xf32>,
        %parallel_loop3A_517 = vector.shape_cast %parallel_loop3A_516 : vector<1x1x16xf32> to vector<16xf32>
        %parallel_loop3A_518 = arith.addf %parallel_loop3A_511, %parallel_loop3A_517 : vector<16xf32>
        %parallel_loop3A_519 = arith.constant 0.000000e+00 : f32
        %parallel_loop3A_520 = vector.broadcast %parallel_loop3A_519 : f32 to vector<16xf32>
        %parallel_loop3A_521 = arith.maximumf %parallel_loop3A_518, %parallel_loop3A_520 : vector<16xf32>
        %parallel_loop3A_522 = arith.constant 2 : i32
        %parallel_loop3A_523 = arith.index_cast %parallel_loop3A_522 : i32 to index
        %parallel_loop3A_524 = arith.index_cast %parallel_loop3A_505 : i32 to index
        %parallel_loop3A_525 = arith.constant 0 : index
        %parallel_loop3A_526 = tpu.vector_load %arg11[%parallel_loop3A_523, %parallel_loop3A_524, %parallel_loop3A_525] {strides = array<i32>} : memref<5x80x64xf32, #tpu.memory_space<vmem>>, vector<1x1x16xf32>,
        %parallel_loop3A_527 = vector.shape_cast %parallel_loop3A_526 : vector<1x1x16xf32> to vector<16xf32>
        %parallel_loop3A_528 = vector.shape_cast %parallel_loop3A_521 : vector<16xf32> to vector<1x1x16xf32>
        tpu.vector_store %arg11[%parallel_loop3A_523, %parallel_loop3A_524, %parallel_loop3A_525], %parallel_loop3A_528 {strides = array<i32>} : memref<5x80x64xf32, #tpu.memory_space<vmem>>, vector<1x1x16xf32>,
        %parallel_loop3A_529 = arith.constant 2 : i32
        %parallel_loop3A_530 = arith.index_cast %parallel_loop3A_529 : i32 to index
        %parallel_loop3A_531 = arith.index_cast %parallel_loop3A_505 : i32 to index
        %parallel_loop3A_532 = arith.constant 16 : index
        %parallel_loop3A_533 = tpu.vector_load %arg11[%parallel_loop3A_530, %parallel_loop3A_531, %parallel_loop3A_532] {strides = array<i32>} : memref<5x80x64xf32, #tpu.memory_space<vmem>>, vector<1x1x16xf32>,
        %parallel_loop3A_534 = vector.shape_cast %parallel_loop3A_533 : vector<1x1x16xf32> to vector<16xf32>
        %parallel_loop3A_535 = arith.constant 2 : i32
        %parallel_loop3A_536 = arith.index_cast %parallel_loop3A_535 : i32 to index
        %parallel_loop3A_537 = arith.index_cast %parallel_loop3A_505 : i32 to index
        %parallel_loop3A_538 = arith.constant 16 : index
        %parallel_loop3A_539 = tpu.vector_load %arg12[%parallel_loop3A_536, %parallel_loop3A_537, %parallel_loop3A_538] {strides = array<i32>} : memref<5x80x64xf32, #tpu.memory_space<vmem>>, vector<1x1x16xf32>,
        %parallel_loop3A_540 = vector.shape_cast %parallel_loop3A_539 : vector<1x1x16xf32> to vector<16xf32>
        %parallel_loop3A_541 = arith.addf %parallel_loop3A_534, %parallel_loop3A_540 : vector<16xf32>
        %parallel_loop3A_542 = arith.constant 0.000000e+00 : f32
        %parallel_loop3A_543 = vector.broadcast %parallel_loop3A_542 : f32 to vector<16xf32>
        %parallel_loop3A_544 = arith.maximumf %parallel_loop3A_541, %parallel_loop3A_543 : vector<16xf32>
        %parallel_loop3A_545 = arith.constant 2 : i32
        %parallel_loop3A_546 = arith.index_cast %parallel_loop3A_545 : i32 to index
        %parallel_loop3A_547 = arith.index_cast %parallel_loop3A_505 : i32 to index
        %parallel_loop3A_548 = arith.constant 16 : index
        %parallel_loop3A_549 = tpu.vector_load %arg11[%parallel_loop3A_546, %parallel_loop3A_547, %parallel_loop3A_548] {strides = array<i32>} : memref<5x80x64xf32, #tpu.memory_space<vmem>>, vector<1x1x16xf32>,
        %parallel_loop3A_550 = vector.shape_cast %parallel_loop3A_549 : vector<1x1x16xf32> to vector<16xf32>
        %parallel_loop3A_551 = vector.shape_cast %parallel_loop3A_544 : vector<16xf32> to vector<1x1x16xf32>
        tpu.vector_store %arg11[%parallel_loop3A_546, %parallel_loop3A_547, %parallel_loop3A_548], %parallel_loop3A_551 {strides = array<i32>} : memref<5x80x64xf32, #tpu.memory_space<vmem>>, vector<1x1x16xf32>,
        %parallel_loop3A_552 = arith.constant 2 : i32
        %parallel_loop3A_553 = arith.index_cast %parallel_loop3A_552 : i32 to index
        %parallel_loop3A_554 = arith.index_cast %parallel_loop3A_505 : i32 to index
        %parallel_loop3A_555 = arith.constant 32 : index
        %parallel_loop3A_556 = tpu.vector_load %arg11[%parallel_loop3A_553, %parallel_loop3A_554, %parallel_loop3A_555] {strides = array<i32>} : memref<5x80x64xf32, #tpu.memory_space<vmem>>, vector<1x1x16xf32>,
        %parallel_loop3A_557 = vector.shape_cast %parallel_loop3A_556 : vector<1x1x16xf32> to vector<16xf32>
        %parallel_loop3A_558 = arith.constant 2 : i32
        %parallel_loop3A_559 = arith.index_cast %parallel_loop3A_558 : i32 to index
        %parallel_loop3A_560 = arith.index_cast %parallel_loop3A_505 : i32 to index
        %parallel_loop3A_561 = arith.constant 32 : index
        %parallel_loop3A_562 = tpu.vector_load %arg12[%parallel_loop3A_559, %parallel_loop3A_560, %parallel_loop3A_561] {strides = array<i32>} : memref<5x80x64xf32, #tpu.memory_space<vmem>>, vector<1x1x16xf32>,
        %parallel_loop3A_563 = vector.shape_cast %parallel_loop3A_562 : vector<1x1x16xf32> to vector<16xf32>
        %parallel_loop3A_564 = arith.addf %parallel_loop3A_557, %parallel_loop3A_563 : vector<16xf32>
        %parallel_loop3A_565 = arith.constant 0.000000e+00 : f32
        %parallel_loop3A_566 = vector.broadcast %parallel_loop3A_565 : f32 to vector<16xf32>
        %parallel_loop3A_567 = arith.maximumf %parallel_loop3A_564, %parallel_loop3A_566 : vector<16xf32>
        %parallel_loop3A_568 = arith.constant 2 : i32
        %parallel_loop3A_569 = arith.index_cast %parallel_loop3A_568 : i32 to index
        %parallel_loop3A_570 = arith.index_cast %parallel_loop3A_505 : i32 to index
        %parallel_loop3A_571 = arith.constant 32 : index
        %parallel_loop3A_572 = tpu.vector_load %arg11[%parallel_loop3A_569, %parallel_loop3A_570, %parallel_loop3A_571] {strides = array<i32>} : memref<5x80x64xf32, #tpu.memory_space<vmem>>, vector<1x1x16xf32>,
        %parallel_loop3A_573 = vector.shape_cast %parallel_loop3A_572 : vector<1x1x16xf32> to vector<16xf32>
        %parallel_loop3A_574 = vector.shape_cast %parallel_loop3A_567 : vector<16xf32> to vector<1x1x16xf32>
        tpu.vector_store %arg11[%parallel_loop3A_569, %parallel_loop3A_570, %parallel_loop3A_571], %parallel_loop3A_574 {strides = array<i32>} : memref<5x80x64xf32, #tpu.memory_space<vmem>>, vector<1x1x16xf32>,
        %parallel_loop3A_575 = arith.constant 2 : i32
        %parallel_loop3A_576 = arith.index_cast %parallel_loop3A_575 : i32 to index
        %parallel_loop3A_577 = arith.index_cast %parallel_loop3A_505 : i32 to index
        %parallel_loop3A_578 = arith.constant 48 : index
        %parallel_loop3A_579 = tpu.vector_load %arg11[%parallel_loop3A_576, %parallel_loop3A_577, %parallel_loop3A_578] {strides = array<i32>} : memref<5x80x64xf32, #tpu.memory_space<vmem>>, vector<1x1x16xf32>,
        %parallel_loop3A_580 = vector.shape_cast %parallel_loop3A_579 : vector<1x1x16xf32> to vector<16xf32>
        %parallel_loop3A_581 = arith.constant 2 : i32
        %parallel_loop3A_582 = arith.index_cast %parallel_loop3A_581 : i32 to index
        %parallel_loop3A_583 = arith.index_cast %parallel_loop3A_505 : i32 to index
        %parallel_loop3A_584 = arith.constant 48 : index
        %parallel_loop3A_585 = tpu.vector_load %arg12[%parallel_loop3A_582, %parallel_loop3A_583, %parallel_loop3A_584] {strides = array<i32>} : memref<5x80x64xf32, #tpu.memory_space<vmem>>, vector<1x1x16xf32>,
        %parallel_loop3A_586 = vector.shape_cast %parallel_loop3A_585 : vector<1x1x16xf32> to vector<16xf32>
        %parallel_loop3A_587 = arith.addf %parallel_loop3A_580, %parallel_loop3A_586 : vector<16xf32>
        %parallel_loop3A_588 = arith.constant 0.000000e+00 : f32
        %parallel_loop3A_589 = vector.broadcast %parallel_loop3A_588 : f32 to vector<16xf32>
        %parallel_loop3A_590 = arith.maximumf %parallel_loop3A_587, %parallel_loop3A_589 : vector<16xf32>
        %parallel_loop3A_591 = arith.constant 2 : i32
        %parallel_loop3A_592 = arith.index_cast %parallel_loop3A_591 : i32 to index
        %parallel_loop3A_593 = arith.index_cast %parallel_loop3A_505 : i32 to index
        %parallel_loop3A_594 = arith.constant 48 : index
        %parallel_loop3A_595 = tpu.vector_load %arg11[%parallel_loop3A_592, %parallel_loop3A_593, %parallel_loop3A_594] {strides = array<i32>} : memref<5x80x64xf32, #tpu.memory_space<vmem>>, vector<1x1x16xf32>,
        %parallel_loop3A_596 = vector.shape_cast %parallel_loop3A_595 : vector<1x1x16xf32> to vector<16xf32>
        %parallel_loop3A_597 = vector.shape_cast %parallel_loop3A_590 : vector<16xf32> to vector<1x1x16xf32>
        tpu.vector_store %arg11[%parallel_loop3A_592, %parallel_loop3A_593, %parallel_loop3A_594], %parallel_loop3A_597 {strides = array<i32>} : memref<5x80x64xf32, #tpu.memory_space<vmem>>, vector<1x1x16xf32>,
      } {sc.loop_unroll_factor = 2 : i64, sc.parallel_access}
      %dma_start3A_383 = arith.constant 2 : i32
      %dma_start3A_384 = arith.constant 2 : i32
      %dma_start3A_385 = arith.constant 0 : i32
      %dma_start3A_386 = arith.constant 0 : i32
      %dma_start3A_387 = tpu.memref_slice %arg11[%dma_start3A_383, %dma_start3A_385, %dma_start3A_386] : memref<5x80x64xf32, #tpu.memory_space<vmem>> -> memref<1x80x64xf32, #tpu.memory_space<vmem>>
      %dma_start3A_388 = tpu.memref_squeeze %dma_start3A_387 : memref<1x80x64xf32, #tpu.memory_space<vmem>> -> memref<80x64xf32, #tpu.memory_space<vmem>>
      %dma_start3A_389 = arith.constant 0 : i32
      %dma_start3A_390 = tpu.memref_slice %arg9[%add3A_344, %dma_start3A_389] : memref<125x80xi32, #tpu.memory_space<vmem>> -> memref<1x80xi32, #tpu.memory_space<vmem>>
      %dma_start3A_391 = tpu.memref_squeeze %dma_start3A_390 : memref<1x80xi32, #tpu.memory_space<vmem>> -> memref<80xi32, #tpu.memory_space<vmem>>
      %dma_start3A_392 = arith.constant 0 : i32
      %dma_start3A_393 = arith.constant 0 : i32
      %dma_start3A_394 = tpu.memref_slice %arg14[%dma_start3A_392, %dma_start3A_393] : memref<10000x64xf32, #tpu.memory_space<vmem_shared>> -> memref<10000x64xf32, #tpu.memory_space<vmem_shared>>
      %dma_start3A_395 = tpu.memref_slice %arg18[%dma_start3A_384] : memref<5x!tpu.dma_semaphore, #tpu.memory_space<semaphore_mem>> -> memref<1x!tpu.dma_semaphore, #tpu.memory_space<semaphore_mem>>
      %dma_start3A_396 = tpu.memref_squeeze %dma_start3A_395 : memref<1x!tpu.dma_semaphore, #tpu.memory_space<semaphore_mem>> -> memref<!tpu.dma_semaphore, #tpu.memory_space<semaphore_mem>>
      tpu.enqueue_indirect_dma source(%dma_start3A_388 : memref<80x64xf32, #tpu.memory_space<vmem>>) target(%dma_start3A_394 : memref<10000x64xf32, #tpu.memory_space<vmem_shared>>) offsets(%dma_start3A_391 : memref<80xi32, #tpu.memory_space<vmem>>) semaphore(%dma_start3A_396 : memref<!tpu.dma_semaphore, #tpu.memory_space<semaphore_mem>>) {add = true}
      %add3A_397 = arith.constant 3 : i32
      %add3A_398 = arith.addi %mul3A_236, %add3A_397 : i32
      %add3A_399 = arith.constant 3 : i32
      %add3A_400 = arith.addi %add3A_398, %add3A_399 : i32
      %lt3A_401 = arith.constant 125 : i32
      %lt3A_402 = arith.cmpi slt, %add3A_400, %lt3A_401 : i32
      %convert_element_type3A_403 = arith.extui %lt3A_402 : i1 to i32
      %cond3A_404 = arith.constant 0 : i32
      %cond3A_405 = arith.cmpi ne, %convert_element_type3A_403, %cond3A_404 : i32
      scf.if %cond3A_405 {
        %ge3A = arith.constant 5 : i32
        %ge3A_505 = arith.cmpi sge, %add3A_400, %ge3A : i32
        %convert_element_type3A_506 = arith.extui %ge3A_505 : i1 to i32
        %cond3A_507 = arith.constant 0 : i32
        %cond3A_508 = arith.cmpi ne, %convert_element_type3A_506, %cond3A_507 : i32
        scf.if %cond3A_508 {
          %sub3A = arith.constant 5 : i32
          %sub3A_537 = arith.subi %add3A_400, %sub3A : i32
          %dma_wait3A_538 = arith.constant 1 : i32
          %dma_wait3A_539 = arith.constant 1 : i32
          %dma_wait3A_540 = arith.constant 0 : i32
          %dma_wait3A_541 = arith.constant 0 : i32
          %dma_wait3A_542 = tpu.memref_slice %arg11[%dma_wait3A_538, %dma_wait3A_540, %dma_wait3A_541] : memref<5x80x64xf32, #tpu.memory_space<vmem>> -> memref<1x80x64xf32, #tpu.memory_space<vmem>>
          %dma_wait3A_543 = tpu.memref_squeeze %dma_wait3A_542 : memref<1x80x64xf32, #tpu.memory_space<vmem>> -> memref<80x64xf32, #tpu.memory_space<vmem>>
          %dma_wait3A_544 = arith.constant 0 : i32
          %dma_wait3A_545 = tpu.memref_slice %arg9[%sub3A_537, %dma_wait3A_544] : memref<125x80xi32, #tpu.memory_space<vmem>> -> memref<1x80xi32, #tpu.memory_space<vmem>>
          %dma_wait3A_546 = tpu.memref_squeeze %dma_wait3A_545 : memref<1x80xi32, #tpu.memory_space<vmem>> -> memref<80xi32, #tpu.memory_space<vmem>>
          %dma_wait3A_547 = arith.constant 0 : i32
          %dma_wait3A_548 = arith.constant 0 : i32
          %dma_wait3A_549 = tpu.memref_slice %arg14[%dma_wait3A_547, %dma_wait3A_548] : memref<10000x64xf32, #tpu.memory_space<vmem_shared>> -> memref<10000x64xf32, #tpu.memory_space<vmem_shared>>
          %dma_wait3A_550 = tpu.memref_slice %arg18[%dma_wait3A_539] : memref<5x!tpu.dma_semaphore, #tpu.memory_space<semaphore_mem>> -> memref<1x!tpu.dma_semaphore, #tpu.memory_space<semaphore_mem>>
          %dma_wait3A_551 = tpu.memref_squeeze %dma_wait3A_550 : memref<1x!tpu.dma_semaphore, #tpu.memory_space<semaphore_mem>> -> memref<!tpu.dma_semaphore, #tpu.memory_space<semaphore_mem>>
          tpu.wait_indirect_dma semaphore(%dma_wait3A_551 : memref<!tpu.dma_semaphore, #tpu.memory_space<semaphore_mem>>) src(%dma_wait3A_543 : memref<80x64xf32, #tpu.memory_space<vmem>>) dst(%dma_wait3A_549 : memref<10000x64xf32, #tpu.memory_space<vmem_shared>>)
        } else {
        }
        %dma_start3A_509 = arith.constant 1 : i32
        %dma_start3A_510 = arith.constant 1 : i32
        %dma_start3A_511 = arith.constant 0 : i32
        %dma_start3A_512 = arith.constant 0 : i32
        %dma_start3A_513 = tpu.memref_slice %arg11[%dma_start3A_509, %dma_start3A_511, %dma_start3A_512] : memref<5x80x64xf32, #tpu.memory_space<vmem>> -> memref<1x80x64xf32, #tpu.memory_space<vmem>>
        %dma_start3A_514 = tpu.memref_squeeze %dma_start3A_513 : memref<1x80x64xf32, #tpu.memory_space<vmem>> -> memref<80x64xf32, #tpu.memory_space<vmem>>
        %dma_start3A_515 = arith.constant 0 : i32
        %dma_start3A_516 = tpu.memref_slice %arg8[%add3A_400, %dma_start3A_515] : memref<125x80xi32, #tpu.memory_space<vmem>> -> memref<1x80xi32, #tpu.memory_space<vmem>>
        %dma_start3A_517 = tpu.memref_squeeze %dma_start3A_516 : memref<1x80xi32, #tpu.memory_space<vmem>> -> memref<80xi32, #tpu.memory_space<vmem>>
        %dma_start3A_518 = arith.constant 0 : i32
        %dma_start3A_519 = arith.constant 0 : i32
        %dma_start3A_520 = tpu.memref_slice %arg2[%dma_start3A_518, %dma_start3A_519] : memref<10000x64xf32, #tpu.memory_space<hbm>> -> memref<10000x64xf32, #tpu.memory_space<hbm>>
        %dma_start3A_521 = tpu.memref_slice %arg16[%dma_start3A_510] : memref<5x!tpu.dma_semaphore, #tpu.memory_space<semaphore_mem>> -> memref<1x!tpu.dma_semaphore, #tpu.memory_space<semaphore_mem>>
        %dma_start3A_522 = tpu.memref_squeeze %dma_start3A_521 : memref<1x!tpu.dma_semaphore, #tpu.memory_space<semaphore_mem>> -> memref<!tpu.dma_semaphore, #tpu.memory_space<semaphore_mem>>
        tpu.enqueue_indirect_dma source(%dma_start3A_520 : memref<10000x64xf32, #tpu.memory_space<hbm>>) target(%dma_start3A_514 : memref<80x64xf32, #tpu.memory_space<vmem>>) offsets(%dma_start3A_517 : memref<80xi32, #tpu.memory_space<vmem>>) semaphore(%dma_start3A_522 : memref<!tpu.dma_semaphore, #tpu.memory_space<semaphore_mem>>)
        %dma_start3A_523 = arith.constant 1 : i32
        %dma_start3A_524 = arith.constant 1 : i32
        %dma_start3A_525 = arith.constant 0 : i32
        %dma_start3A_526 = arith.constant 0 : i32
        %dma_start3A_527 = tpu.memref_slice %arg12[%dma_start3A_523, %dma_start3A_525, %dma_start3A_526] : memref<5x80x64xf32, #tpu.memory_space<vmem>> -> memref<1x80x64xf32, #tpu.memory_space<vmem>>
        %dma_start3A_528 = tpu.memref_squeeze %dma_start3A_527 : memref<1x80x64xf32, #tpu.memory_space<vmem>> -> memref<80x64xf32, #tpu.memory_space<vmem>>
        %dma_start3A_529 = arith.constant 0 : i32
        %dma_start3A_530 = tpu.memref_slice %arg10[%add3A_400, %dma_start3A_529] : memref<125x80xi32, #tpu.memory_space<vmem>> -> memref<1x80xi32, #tpu.memory_space<vmem>>
        %dma_start3A_531 = tpu.memref_squeeze %dma_start3A_530 : memref<1x80xi32, #tpu.memory_space<vmem>> -> memref<80xi32, #tpu.memory_space<vmem>>
        %dma_start3A_532 = arith.constant 0 : i32
        %dma_start3A_533 = arith.constant 0 : i32
        %dma_start3A_534 = tpu.memref_slice %arg15[%dma_start3A_532, %dma_start3A_533] : memref<16x64xf32, #tpu.memory_space<vmem_shared>> -> memref<16x64xf32, #tpu.memory_space<vmem_shared>>
        %dma_start3A_535 = tpu.memref_slice %arg17[%dma_start3A_524] : memref<5x!tpu.dma_semaphore, #tpu.memory_space<semaphore_mem>> -> memref<1x!tpu.dma_semaphore, #tpu.memory_space<semaphore_mem>>
        %dma_start3A_536 = tpu.memref_squeeze %dma_start3A_535 : memref<1x!tpu.dma_semaphore, #tpu.memory_space<semaphore_mem>> -> memref<!tpu.dma_semaphore, #tpu.memory_space<semaphore_mem>>
        tpu.enqueue_indirect_dma source(%dma_start3A_534 : memref<16x64xf32, #tpu.memory_space<vmem_shared>>) target(%dma_start3A_528 : memref<80x64xf32, #tpu.memory_space<vmem>>) offsets(%dma_start3A_531 : memref<80xi32, #tpu.memory_space<vmem>>) semaphore(%dma_start3A_536 : memref<!tpu.dma_semaphore, #tpu.memory_space<semaphore_mem>>)
      } else {
      }
      %dma_wait3A_406 = arith.constant 3 : i32
      %dma_wait3A_407 = arith.constant 3 : i32
      %dma_wait3A_408 = arith.constant 0 : i32
      %dma_wait3A_409 = arith.constant 0 : i32
      %dma_wait3A_410 = tpu.memref_slice %arg11[%dma_wait3A_406, %dma_wait3A_408, %dma_wait3A_409] : memref<5x80x64xf32, #tpu.memory_space<vmem>> -> memref<1x80x64xf32, #tpu.memory_space<vmem>>
      %dma_wait3A_411 = tpu.memref_squeeze %dma_wait3A_410 : memref<1x80x64xf32, #tpu.memory_space<vmem>> -> memref<80x64xf32, #tpu.memory_space<vmem>>
      %dma_wait3A_412 = arith.constant 0 : i32
      %dma_wait3A_413 = tpu.memref_slice %arg8[%add3A_398, %dma_wait3A_412] : memref<125x80xi32, #tpu.memory_space<vmem>> -> memref<1x80xi32, #tpu.memory_space<vmem>>
      %dma_wait3A_414 = tpu.memref_squeeze %dma_wait3A_413 : memref<1x80xi32, #tpu.memory_space<vmem>> -> memref<80xi32, #tpu.memory_space<vmem>>
      %dma_wait3A_415 = arith.constant 0 : i32
      %dma_wait3A_416 = arith.constant 0 : i32
      %dma_wait3A_417 = tpu.memref_slice %arg2[%dma_wait3A_415, %dma_wait3A_416] : memref<10000x64xf32, #tpu.memory_space<hbm>> -> memref<10000x64xf32, #tpu.memory_space<hbm>>
      %dma_wait3A_418 = tpu.memref_slice %arg16[%dma_wait3A_407] : memref<5x!tpu.dma_semaphore, #tpu.memory_space<semaphore_mem>> -> memref<1x!tpu.dma_semaphore, #tpu.memory_space<semaphore_mem>>
      %dma_wait3A_419 = tpu.memref_squeeze %dma_wait3A_418 : memref<1x!tpu.dma_semaphore, #tpu.memory_space<semaphore_mem>> -> memref<!tpu.dma_semaphore, #tpu.memory_space<semaphore_mem>>
      tpu.wait_indirect_dma semaphore(%dma_wait3A_419 : memref<!tpu.dma_semaphore, #tpu.memory_space<semaphore_mem>>) src(%dma_wait3A_417 : memref<10000x64xf32, #tpu.memory_space<hbm>>) dst(%dma_wait3A_411 : memref<80x64xf32, #tpu.memory_space<vmem>>)
      %dma_wait3A_420 = arith.constant 3 : i32
      %dma_wait3A_421 = arith.constant 3 : i32
      %dma_wait3A_422 = arith.constant 0 : i32
      %dma_wait3A_423 = arith.constant 0 : i32
      %dma_wait3A_424 = tpu.memref_slice %arg12[%dma_wait3A_420, %dma_wait3A_422, %dma_wait3A_423] : memref<5x80x64xf32, #tpu.memory_space<vmem>> -> memref<1x80x64xf32, #tpu.memory_space<vmem>>
      %dma_wait3A_425 = tpu.memref_squeeze %dma_wait3A_424 : memref<1x80x64xf32, #tpu.memory_space<vmem>> -> memref<80x64xf32, #tpu.memory_space<vmem>>
      %dma_wait3A_426 = arith.constant 0 : i32
      %dma_wait3A_427 = tpu.memref_slice %arg10[%add3A_398, %dma_wait3A_426] : memref<125x80xi32, #tpu.memory_space<vmem>> -> memref<1x80xi32, #tpu.memory_space<vmem>>
      %dma_wait3A_428 = tpu.memref_squeeze %dma_wait3A_427 : memref<1x80xi32, #tpu.memory_space<vmem>> -> memref<80xi32, #tpu.memory_space<vmem>>
      %dma_wait3A_429 = arith.constant 0 : i32
      %dma_wait3A_430 = arith.constant 0 : i32
      %dma_wait3A_431 = tpu.memref_slice %arg15[%dma_wait3A_429, %dma_wait3A_430] : memref<16x64xf32, #tpu.memory_space<vmem_shared>> -> memref<16x64xf32, #tpu.memory_space<vmem_shared>>
      %dma_wait3A_432 = tpu.memref_slice %arg17[%dma_wait3A_421] : memref<5x!tpu.dma_semaphore, #tpu.memory_space<semaphore_mem>> -> memref<1x!tpu.dma_semaphore, #tpu.memory_space<semaphore_mem>>
      %dma_wait3A_433 = tpu.memref_squeeze %dma_wait3A_432 : memref<1x!tpu.dma_semaphore, #tpu.memory_space<semaphore_mem>> -> memref<!tpu.dma_semaphore, #tpu.memory_space<semaphore_mem>>
      tpu.wait_indirect_dma semaphore(%dma_wait3A_433 : memref<!tpu.dma_semaphore, #tpu.memory_space<semaphore_mem>>) src(%dma_wait3A_431 : memref<16x64xf32, #tpu.memory_space<vmem_shared>>) dst(%dma_wait3A_425 : memref<80x64xf32, #tpu.memory_space<vmem>>)
      %parallel_loop3A_434 = arith.constant 0 : i32
      %parallel_loop3A_435 = arith.constant 80 : i32
      %parallel_loop3A_436 = arith.constant 1 : i32
      scf.for %parallel_loop3A_505 = %parallel_loop3A_434 to %parallel_loop3A_435 step %parallel_loop3A_436  : i32 {
        %parallel_loop3A_506 = arith.constant 3 : i32
        %parallel_loop3A_507 = arith.index_cast %parallel_loop3A_506 : i32 to index
        %parallel_loop3A_508 = arith.index_cast %parallel_loop3A_505 : i32 to index
        %parallel_loop3A_509 = arith.constant 0 : index
        %parallel_loop3A_510 = tpu.vector_load %arg11[%parallel_loop3A_507, %parallel_loop3A_508, %parallel_loop3A_509] {strides = array<i32>} : memref<5x80x64xf32, #tpu.memory_space<vmem>>, vector<1x1x16xf32>,
        %parallel_loop3A_511 = vector.shape_cast %parallel_loop3A_510 : vector<1x1x16xf32> to vector<16xf32>
        %parallel_loop3A_512 = arith.constant 3 : i32
        %parallel_loop3A_513 = arith.index_cast %parallel_loop3A_512 : i32 to index
        %parallel_loop3A_514 = arith.index_cast %parallel_loop3A_505 : i32 to index
        %parallel_loop3A_515 = arith.constant 0 : index
        %parallel_loop3A_516 = tpu.vector_load %arg12[%parallel_loop3A_513, %parallel_loop3A_514, %parallel_loop3A_515] {strides = array<i32>} : memref<5x80x64xf32, #tpu.memory_space<vmem>>, vector<1x1x16xf32>,
        %parallel_loop3A_517 = vector.shape_cast %parallel_loop3A_516 : vector<1x1x16xf32> to vector<16xf32>
        %parallel_loop3A_518 = arith.addf %parallel_loop3A_511, %parallel_loop3A_517 : vector<16xf32>
        %parallel_loop3A_519 = arith.constant 0.000000e+00 : f32
        %parallel_loop3A_520 = vector.broadcast %parallel_loop3A_519 : f32 to vector<16xf32>
        %parallel_loop3A_521 = arith.maximumf %parallel_loop3A_518, %parallel_loop3A_520 : vector<16xf32>
        %parallel_loop3A_522 = arith.constant 3 : i32
        %parallel_loop3A_523 = arith.index_cast %parallel_loop3A_522 : i32 to index
        %parallel_loop3A_524 = arith.index_cast %parallel_loop3A_505 : i32 to index
        %parallel_loop3A_525 = arith.constant 0 : index
        %parallel_loop3A_526 = tpu.vector_load %arg11[%parallel_loop3A_523, %parallel_loop3A_524, %parallel_loop3A_525] {strides = array<i32>} : memref<5x80x64xf32, #tpu.memory_space<vmem>>, vector<1x1x16xf32>,
        %parallel_loop3A_527 = vector.shape_cast %parallel_loop3A_526 : vector<1x1x16xf32> to vector<16xf32>
        %parallel_loop3A_528 = vector.shape_cast %parallel_loop3A_521 : vector<16xf32> to vector<1x1x16xf32>
        tpu.vector_store %arg11[%parallel_loop3A_523, %parallel_loop3A_524, %parallel_loop3A_525], %parallel_loop3A_528 {strides = array<i32>} : memref<5x80x64xf32, #tpu.memory_space<vmem>>, vector<1x1x16xf32>,
        %parallel_loop3A_529 = arith.constant 3 : i32
        %parallel_loop3A_530 = arith.index_cast %parallel_loop3A_529 : i32 to index
        %parallel_loop3A_531 = arith.index_cast %parallel_loop3A_505 : i32 to index
        %parallel_loop3A_532 = arith.constant 16 : index
        %parallel_loop3A_533 = tpu.vector_load %arg11[%parallel_loop3A_530, %parallel_loop3A_531, %parallel_loop3A_532] {strides = array<i32>} : memref<5x80x64xf32, #tpu.memory_space<vmem>>, vector<1x1x16xf32>,
        %parallel_loop3A_534 = vector.shape_cast %parallel_loop3A_533 : vector<1x1x16xf32> to vector<16xf32>
        %parallel_loop3A_535 = arith.constant 3 : i32
        %parallel_loop3A_536 = arith.index_cast %parallel_loop3A_535 : i32 to index
        %parallel_loop3A_537 = arith.index_cast %parallel_loop3A_505 : i32 to index
        %parallel_loop3A_538 = arith.constant 16 : index
        %parallel_loop3A_539 = tpu.vector_load %arg12[%parallel_loop3A_536, %parallel_loop3A_537, %parallel_loop3A_538] {strides = array<i32>} : memref<5x80x64xf32, #tpu.memory_space<vmem>>, vector<1x1x16xf32>,
        %parallel_loop3A_540 = vector.shape_cast %parallel_loop3A_539 : vector<1x1x16xf32> to vector<16xf32>
        %parallel_loop3A_541 = arith.addf %parallel_loop3A_534, %parallel_loop3A_540 : vector<16xf32>
        %parallel_loop3A_542 = arith.constant 0.000000e+00 : f32
        %parallel_loop3A_543 = vector.broadcast %parallel_loop3A_542 : f32 to vector<16xf32>
        %parallel_loop3A_544 = arith.maximumf %parallel_loop3A_541, %parallel_loop3A_543 : vector<16xf32>
        %parallel_loop3A_545 = arith.constant 3 : i32
        %parallel_loop3A_546 = arith.index_cast %parallel_loop3A_545 : i32 to index
        %parallel_loop3A_547 = arith.index_cast %parallel_loop3A_505 : i32 to index
        %parallel_loop3A_548 = arith.constant 16 : index
        %parallel_loop3A_549 = tpu.vector_load %arg11[%parallel_loop3A_546, %parallel_loop3A_547, %parallel_loop3A_548] {strides = array<i32>} : memref<5x80x64xf32, #tpu.memory_space<vmem>>, vector<1x1x16xf32>,
        %parallel_loop3A_550 = vector.shape_cast %parallel_loop3A_549 : vector<1x1x16xf32> to vector<16xf32>
        %parallel_loop3A_551 = vector.shape_cast %parallel_loop3A_544 : vector<16xf32> to vector<1x1x16xf32>
        tpu.vector_store %arg11[%parallel_loop3A_546, %parallel_loop3A_547, %parallel_loop3A_548], %parallel_loop3A_551 {strides = array<i32>} : memref<5x80x64xf32, #tpu.memory_space<vmem>>, vector<1x1x16xf32>,
        %parallel_loop3A_552 = arith.constant 3 : i32
        %parallel_loop3A_553 = arith.index_cast %parallel_loop3A_552 : i32 to index
        %parallel_loop3A_554 = arith.index_cast %parallel_loop3A_505 : i32 to index
        %parallel_loop3A_555 = arith.constant 32 : index
        %parallel_loop3A_556 = tpu.vector_load %arg11[%parallel_loop3A_553, %parallel_loop3A_554, %parallel_loop3A_555] {strides = array<i32>} : memref<5x80x64xf32, #tpu.memory_space<vmem>>, vector<1x1x16xf32>,
        %parallel_loop3A_557 = vector.shape_cast %parallel_loop3A_556 : vector<1x1x16xf32> to vector<16xf32>
        %parallel_loop3A_558 = arith.constant 3 : i32
        %parallel_loop3A_559 = arith.index_cast %parallel_loop3A_558 : i32 to index
        %parallel_loop3A_560 = arith.index_cast %parallel_loop3A_505 : i32 to index
        %parallel_loop3A_561 = arith.constant 32 : index
        %parallel_loop3A_562 = tpu.vector_load %arg12[%parallel_loop3A_559, %parallel_loop3A_560, %parallel_loop3A_561] {strides = array<i32>} : memref<5x80x64xf32, #tpu.memory_space<vmem>>, vector<1x1x16xf32>,
        %parallel_loop3A_563 = vector.shape_cast %parallel_loop3A_562 : vector<1x1x16xf32> to vector<16xf32>
        %parallel_loop3A_564 = arith.addf %parallel_loop3A_557, %parallel_loop3A_563 : vector<16xf32>
        %parallel_loop3A_565 = arith.constant 0.000000e+00 : f32
        %parallel_loop3A_566 = vector.broadcast %parallel_loop3A_565 : f32 to vector<16xf32>
        %parallel_loop3A_567 = arith.maximumf %parallel_loop3A_564, %parallel_loop3A_566 : vector<16xf32>
        %parallel_loop3A_568 = arith.constant 3 : i32
        %parallel_loop3A_569 = arith.index_cast %parallel_loop3A_568 : i32 to index
        %parallel_loop3A_570 = arith.index_cast %parallel_loop3A_505 : i32 to index
        %parallel_loop3A_571 = arith.constant 32 : index
        %parallel_loop3A_572 = tpu.vector_load %arg11[%parallel_loop3A_569, %parallel_loop3A_570, %parallel_loop3A_571] {strides = array<i32>} : memref<5x80x64xf32, #tpu.memory_space<vmem>>, vector<1x1x16xf32>,
        %parallel_loop3A_573 = vector.shape_cast %parallel_loop3A_572 : vector<1x1x16xf32> to vector<16xf32>
        %parallel_loop3A_574 = vector.shape_cast %parallel_loop3A_567 : vector<16xf32> to vector<1x1x16xf32>
        tpu.vector_store %arg11[%parallel_loop3A_569, %parallel_loop3A_570, %parallel_loop3A_571], %parallel_loop3A_574 {strides = array<i32>} : memref<5x80x64xf32, #tpu.memory_space<vmem>>, vector<1x1x16xf32>,
        %parallel_loop3A_575 = arith.constant 3 : i32
        %parallel_loop3A_576 = arith.index_cast %parallel_loop3A_575 : i32 to index
        %parallel_loop3A_577 = arith.index_cast %parallel_loop3A_505 : i32 to index
        %parallel_loop3A_578 = arith.constant 48 : index
        %parallel_loop3A_579 = tpu.vector_load %arg11[%parallel_loop3A_576, %parallel_loop3A_577, %parallel_loop3A_578] {strides = array<i32>} : memref<5x80x64xf32, #tpu.memory_space<vmem>>, vector<1x1x16xf32>,
        %parallel_loop3A_580 = vector.shape_cast %parallel_loop3A_579 : vector<1x1x16xf32> to vector<16xf32>
        %parallel_loop3A_581 = arith.constant 3 : i32
        %parallel_loop3A_582 = arith.index_cast %parallel_loop3A_581 : i32 to index
        %parallel_loop3A_583 = arith.index_cast %parallel_loop3A_505 : i32 to index
        %parallel_loop3A_584 = arith.constant 48 : index
        %parallel_loop3A_585 = tpu.vector_load %arg12[%parallel_loop3A_582, %parallel_loop3A_583, %parallel_loop3A_584] {strides = array<i32>} : memref<5x80x64xf32, #tpu.memory_space<vmem>>, vector<1x1x16xf32>,
        %parallel_loop3A_586 = vector.shape_cast %parallel_loop3A_585 : vector<1x1x16xf32> to vector<16xf32>
        %parallel_loop3A_587 = arith.addf %parallel_loop3A_580, %parallel_loop3A_586 : vector<16xf32>
        %parallel_loop3A_588 = arith.constant 0.000000e+00 : f32
        %parallel_loop3A_589 = vector.broadcast %parallel_loop3A_588 : f32 to vector<16xf32>
        %parallel_loop3A_590 = arith.maximumf %parallel_loop3A_587, %parallel_loop3A_589 : vector<16xf32>
        %parallel_loop3A_591 = arith.constant 3 : i32
        %parallel_loop3A_592 = arith.index_cast %parallel_loop3A_591 : i32 to index
        %parallel_loop3A_593 = arith.index_cast %parallel_loop3A_505 : i32 to index
        %parallel_loop3A_594 = arith.constant 48 : index
        %parallel_loop3A_595 = tpu.vector_load %arg11[%parallel_loop3A_592, %parallel_loop3A_593, %parallel_loop3A_594] {strides = array<i32>} : memref<5x80x64xf32, #tpu.memory_space<vmem>>, vector<1x1x16xf32>,
        %parallel_loop3A_596 = vector.shape_cast %parallel_loop3A_595 : vector<1x1x16xf32> to vector<16xf32>
        %parallel_loop3A_597 = vector.shape_cast %parallel_loop3A_590 : vector<16xf32> to vector<1x1x16xf32>
        tpu.vector_store %arg11[%parallel_loop3A_592, %parallel_loop3A_593, %parallel_loop3A_594], %parallel_loop3A_597 {strides = array<i32>} : memref<5x80x64xf32, #tpu.memory_space<vmem>>, vector<1x1x16xf32>,
      } {sc.loop_unroll_factor = 2 : i64, sc.parallel_access}
      %dma_start3A_437 = arith.constant 3 : i32
      %dma_start3A_438 = arith.constant 3 : i32
      %dma_start3A_439 = arith.constant 0 : i32
      %dma_start3A_440 = arith.constant 0 : i32
      %dma_start3A_441 = tpu.memref_slice %arg11[%dma_start3A_437, %dma_start3A_439, %dma_start3A_440] : memref<5x80x64xf32, #tpu.memory_space<vmem>> -> memref<1x80x64xf32, #tpu.memory_space<vmem>>
      %dma_start3A_442 = tpu.memref_squeeze %dma_start3A_441 : memref<1x80x64xf32, #tpu.memory_space<vmem>> -> memref<80x64xf32, #tpu.memory_space<vmem>>
      %dma_start3A_443 = arith.constant 0 : i32
      %dma_start3A_444 = tpu.memref_slice %arg9[%add3A_398, %dma_start3A_443] : memref<125x80xi32, #tpu.memory_space<vmem>> -> memref<1x80xi32, #tpu.memory_space<vmem>>
      %dma_start3A_445 = tpu.memref_squeeze %dma_start3A_444 : memref<1x80xi32, #tpu.memory_space<vmem>> -> memref<80xi32, #tpu.memory_space<vmem>>
      %dma_start3A_446 = arith.constant 0 : i32
      %dma_start3A_447 = arith.constant 0 : i32
      %dma_start3A_448 = tpu.memref_slice %arg14[%dma_start3A_446, %dma_start3A_447] : memref<10000x64xf32, #tpu.memory_space<vmem_shared>> -> memref<10000x64xf32, #tpu.memory_space<vmem_shared>>
      %dma_start3A_449 = tpu.memref_slice %arg18[%dma_start3A_438] : memref<5x!tpu.dma_semaphore, #tpu.memory_space<semaphore_mem>> -> memref<1x!tpu.dma_semaphore, #tpu.memory_space<semaphore_mem>>
      %dma_start3A_450 = tpu.memref_squeeze %dma_start3A_449 : memref<1x!tpu.dma_semaphore, #tpu.memory_space<semaphore_mem>> -> memref<!tpu.dma_semaphore, #tpu.memory_space<semaphore_mem>>
      tpu.enqueue_indirect_dma source(%dma_start3A_442 : memref<80x64xf32, #tpu.memory_space<vmem>>) target(%dma_start3A_448 : memref<10000x64xf32, #tpu.memory_space<vmem_shared>>) offsets(%dma_start3A_445 : memref<80xi32, #tpu.memory_space<vmem>>) semaphore(%dma_start3A_450 : memref<!tpu.dma_semaphore, #tpu.memory_space<semaphore_mem>>) {add = true}
      %add3A_451 = arith.constant 4 : i32
      %add3A_452 = arith.addi %mul3A_236, %add3A_451 : i32
      %add3A_453 = arith.constant 3 : i32
      %add3A_454 = arith.addi %add3A_452, %add3A_453 : i32
      %lt3A_455 = arith.constant 125 : i32
      %lt3A_456 = arith.cmpi slt, %add3A_454, %lt3A_455 : i32
      %convert_element_type3A_457 = arith.extui %lt3A_456 : i1 to i32
      %cond3A_458 = arith.constant 0 : i32
      %cond3A_459 = arith.cmpi ne, %convert_element_type3A_457, %cond3A_458 : i32
      scf.if %cond3A_459 {
        %ge3A = arith.constant 5 : i32
        %ge3A_505 = arith.cmpi sge, %add3A_454, %ge3A : i32
        %convert_element_type3A_506 = arith.extui %ge3A_505 : i1 to i32
        %cond3A_507 = arith.constant 0 : i32
        %cond3A_508 = arith.cmpi ne, %convert_element_type3A_506, %cond3A_507 : i32
        scf.if %cond3A_508 {
          %sub3A = arith.constant 5 : i32
          %sub3A_537 = arith.subi %add3A_454, %sub3A : i32
          %dma_wait3A_538 = arith.constant 2 : i32
          %dma_wait3A_539 = arith.constant 2 : i32
          %dma_wait3A_540 = arith.constant 0 : i32
          %dma_wait3A_541 = arith.constant 0 : i32
          %dma_wait3A_542 = tpu.memref_slice %arg11[%dma_wait3A_538, %dma_wait3A_540, %dma_wait3A_541] : memref<5x80x64xf32, #tpu.memory_space<vmem>> -> memref<1x80x64xf32, #tpu.memory_space<vmem>>
          %dma_wait3A_543 = tpu.memref_squeeze %dma_wait3A_542 : memref<1x80x64xf32, #tpu.memory_space<vmem>> -> memref<80x64xf32, #tpu.memory_space<vmem>>
          %dma_wait3A_544 = arith.constant 0 : i32
          %dma_wait3A_545 = tpu.memref_slice %arg9[%sub3A_537, %dma_wait3A_544] : memref<125x80xi32, #tpu.memory_space<vmem>> -> memref<1x80xi32, #tpu.memory_space<vmem>>
          %dma_wait3A_546 = tpu.memref_squeeze %dma_wait3A_545 : memref<1x80xi32, #tpu.memory_space<vmem>> -> memref<80xi32, #tpu.memory_space<vmem>>
          %dma_wait3A_547 = arith.constant 0 : i32
          %dma_wait3A_548 = arith.constant 0 : i32
          %dma_wait3A_549 = tpu.memref_slice %arg14[%dma_wait3A_547, %dma_wait3A_548] : memref<10000x64xf32, #tpu.memory_space<vmem_shared>> -> memref<10000x64xf32, #tpu.memory_space<vmem_shared>>
          %dma_wait3A_550 = tpu.memref_slice %arg18[%dma_wait3A_539] : memref<5x!tpu.dma_semaphore, #tpu.memory_space<semaphore_mem>> -> memref<1x!tpu.dma_semaphore, #tpu.memory_space<semaphore_mem>>
          %dma_wait3A_551 = tpu.memref_squeeze %dma_wait3A_550 : memref<1x!tpu.dma_semaphore, #tpu.memory_space<semaphore_mem>> -> memref<!tpu.dma_semaphore, #tpu.memory_space<semaphore_mem>>
          tpu.wait_indirect_dma semaphore(%dma_wait3A_551 : memref<!tpu.dma_semaphore, #tpu.memory_space<semaphore_mem>>) src(%dma_wait3A_543 : memref<80x64xf32, #tpu.memory_space<vmem>>) dst(%dma_wait3A_549 : memref<10000x64xf32, #tpu.memory_space<vmem_shared>>)
        } else {
        }
        %dma_start3A_509 = arith.constant 2 : i32
        %dma_start3A_510 = arith.constant 2 : i32
        %dma_start3A_511 = arith.constant 0 : i32
        %dma_start3A_512 = arith.constant 0 : i32
        %dma_start3A_513 = tpu.memref_slice %arg11[%dma_start3A_509, %dma_start3A_511, %dma_start3A_512] : memref<5x80x64xf32, #tpu.memory_space<vmem>> -> memref<1x80x64xf32, #tpu.memory_space<vmem>>
        %dma_start3A_514 = tpu.memref_squeeze %dma_start3A_513 : memref<1x80x64xf32, #tpu.memory_space<vmem>> -> memref<80x64xf32, #tpu.memory_space<vmem>>
        %dma_start3A_515 = arith.constant 0 : i32
        %dma_start3A_516 = tpu.memref_slice %arg8[%add3A_454, %dma_start3A_515] : memref<125x80xi32, #tpu.memory_space<vmem>> -> memref<1x80xi32, #tpu.memory_space<vmem>>
        %dma_start3A_517 = tpu.memref_squeeze %dma_start3A_516 : memref<1x80xi32, #tpu.memory_space<vmem>> -> memref<80xi32, #tpu.memory_space<vmem>>
        %dma_start3A_518 = arith.constant 0 : i32
        %dma_start3A_519 = arith.constant 0 : i32
        %dma_start3A_520 = tpu.memref_slice %arg2[%dma_start3A_518, %dma_start3A_519] : memref<10000x64xf32, #tpu.memory_space<hbm>> -> memref<10000x64xf32, #tpu.memory_space<hbm>>
        %dma_start3A_521 = tpu.memref_slice %arg16[%dma_start3A_510] : memref<5x!tpu.dma_semaphore, #tpu.memory_space<semaphore_mem>> -> memref<1x!tpu.dma_semaphore, #tpu.memory_space<semaphore_mem>>
        %dma_start3A_522 = tpu.memref_squeeze %dma_start3A_521 : memref<1x!tpu.dma_semaphore, #tpu.memory_space<semaphore_mem>> -> memref<!tpu.dma_semaphore, #tpu.memory_space<semaphore_mem>>
        tpu.enqueue_indirect_dma source(%dma_start3A_520 : memref<10000x64xf32, #tpu.memory_space<hbm>>) target(%dma_start3A_514 : memref<80x64xf32, #tpu.memory_space<vmem>>) offsets(%dma_start3A_517 : memref<80xi32, #tpu.memory_space<vmem>>) semaphore(%dma_start3A_522 : memref<!tpu.dma_semaphore, #tpu.memory_space<semaphore_mem>>)
        %dma_start3A_523 = arith.constant 2 : i32
        %dma_start3A_524 = arith.constant 2 : i32
        %dma_start3A_525 = arith.constant 0 : i32
        %dma_start3A_526 = arith.constant 0 : i32
        %dma_start3A_527 = tpu.memref_slice %arg12[%dma_start3A_523, %dma_start3A_525, %dma_start3A_526] : memref<5x80x64xf32, #tpu.memory_space<vmem>> -> memref<1x80x64xf32, #tpu.memory_space<vmem>>
        %dma_start3A_528 = tpu.memref_squeeze %dma_start3A_527 : memref<1x80x64xf32, #tpu.memory_space<vmem>> -> memref<80x64xf32, #tpu.memory_space<vmem>>
        %dma_start3A_529 = arith.constant 0 : i32
        %dma_start3A_530 = tpu.memref_slice %arg10[%add3A_454, %dma_start3A_529] : memref<125x80xi32, #tpu.memory_space<vmem>> -> memref<1x80xi32, #tpu.memory_space<vmem>>
        %dma_start3A_531 = tpu.memref_squeeze %dma_start3A_530 : memref<1x80xi32, #tpu.memory_space<vmem>> -> memref<80xi32, #tpu.memory_space<vmem>>
        %dma_start3A_532 = arith.constant 0 : i32
        %dma_start3A_533 = arith.constant 0 : i32
        %dma_start3A_534 = tpu.memref_slice %arg15[%dma_start3A_532, %dma_start3A_533] : memref<16x64xf32, #tpu.memory_space<vmem_shared>> -> memref<16x64xf32, #tpu.memory_space<vmem_shared>>
        %dma_start3A_535 = tpu.memref_slice %arg17[%dma_start3A_524] : memref<5x!tpu.dma_semaphore, #tpu.memory_space<semaphore_mem>> -> memref<1x!tpu.dma_semaphore, #tpu.memory_space<semaphore_mem>>
        %dma_start3A_536 = tpu.memref_squeeze %dma_start3A_535 : memref<1x!tpu.dma_semaphore, #tpu.memory_space<semaphore_mem>> -> memref<!tpu.dma_semaphore, #tpu.memory_space<semaphore_mem>>
        tpu.enqueue_indirect_dma source(%dma_start3A_534 : memref<16x64xf32, #tpu.memory_space<vmem_shared>>) target(%dma_start3A_528 : memref<80x64xf32, #tpu.memory_space<vmem>>) offsets(%dma_start3A_531 : memref<80xi32, #tpu.memory_space<vmem>>) semaphore(%dma_start3A_536 : memref<!tpu.dma_semaphore, #tpu.memory_space<semaphore_mem>>)
      } else {
      }
      %dma_wait3A_460 = arith.constant 4 : i32
      %dma_wait3A_461 = arith.constant 4 : i32
      %dma_wait3A_462 = arith.constant 0 : i32
      %dma_wait3A_463 = arith.constant 0 : i32
      %dma_wait3A_464 = tpu.memref_slice %arg11[%dma_wait3A_460, %dma_wait3A_462, %dma_wait3A_463] : memref<5x80x64xf32, #tpu.memory_space<vmem>> -> memref<1x80x64xf32, #tpu.memory_space<vmem>>
      %dma_wait3A_465 = tpu.memref_squeeze %dma_wait3A_464 : memref<1x80x64xf32, #tpu.memory_space<vmem>> -> memref<80x64xf32, #tpu.memory_space<vmem>>
      %dma_wait3A_466 = arith.constant 0 : i32
      %dma_wait3A_467 = tpu.memref_slice %arg8[%add3A_452, %dma_wait3A_466] : memref<125x80xi32, #tpu.memory_space<vmem>> -> memref<1x80xi32, #tpu.memory_space<vmem>>
      %dma_wait3A_468 = tpu.memref_squeeze %dma_wait3A_467 : memref<1x80xi32, #tpu.memory_space<vmem>> -> memref<80xi32, #tpu.memory_space<vmem>>
      %dma_wait3A_469 = arith.constant 0 : i32
      %dma_wait3A_470 = arith.constant 0 : i32
      %dma_wait3A_471 = tpu.memref_slice %arg2[%dma_wait3A_469, %dma_wait3A_470] : memref<10000x64xf32, #tpu.memory_space<hbm>> -> memref<10000x64xf32, #tpu.memory_space<hbm>>
      %dma_wait3A_472 = tpu.memref_slice %arg16[%dma_wait3A_461] : memref<5x!tpu.dma_semaphore, #tpu.memory_space<semaphore_mem>> -> memref<1x!tpu.dma_semaphore, #tpu.memory_space<semaphore_mem>>
      %dma_wait3A_473 = tpu.memref_squeeze %dma_wait3A_472 : memref<1x!tpu.dma_semaphore, #tpu.memory_space<semaphore_mem>> -> memref<!tpu.dma_semaphore, #tpu.memory_space<semaphore_mem>>
      tpu.wait_indirect_dma semaphore(%dma_wait3A_473 : memref<!tpu.dma_semaphore, #tpu.memory_space<semaphore_mem>>) src(%dma_wait3A_471 : memref<10000x64xf32, #tpu.memory_space<hbm>>) dst(%dma_wait3A_465 : memref<80x64xf32, #tpu.memory_space<vmem>>)
      %dma_wait3A_474 = arith.constant 4 : i32
      %dma_wait3A_475 = arith.constant 4 : i32
      %dma_wait3A_476 = arith.constant 0 : i32
      %dma_wait3A_477 = arith.constant 0 : i32
      %dma_wait3A_478 = tpu.memref_slice %arg12[%dma_wait3A_474, %dma_wait3A_476, %dma_wait3A_477] : memref<5x80x64xf32, #tpu.memory_space<vmem>> -> memref<1x80x64xf32, #tpu.memory_space<vmem>>
      %dma_wait3A_479 = tpu.memref_squeeze %dma_wait3A_478 : memref<1x80x64xf32, #tpu.memory_space<vmem>> -> memref<80x64xf32, #tpu.memory_space<vmem>>
      %dma_wait3A_480 = arith.constant 0 : i32
      %dma_wait3A_481 = tpu.memref_slice %arg10[%add3A_452, %dma_wait3A_480] : memref<125x80xi32, #tpu.memory_space<vmem>> -> memref<1x80xi32, #tpu.memory_space<vmem>>
      %dma_wait3A_482 = tpu.memref_squeeze %dma_wait3A_481 : memref<1x80xi32, #tpu.memory_space<vmem>> -> memref<80xi32, #tpu.memory_space<vmem>>
      %dma_wait3A_483 = arith.constant 0 : i32
      %dma_wait3A_484 = arith.constant 0 : i32
      %dma_wait3A_485 = tpu.memref_slice %arg15[%dma_wait3A_483, %dma_wait3A_484] : memref<16x64xf32, #tpu.memory_space<vmem_shared>> -> memref<16x64xf32, #tpu.memory_space<vmem_shared>>
      %dma_wait3A_486 = tpu.memref_slice %arg17[%dma_wait3A_475] : memref<5x!tpu.dma_semaphore, #tpu.memory_space<semaphore_mem>> -> memref<1x!tpu.dma_semaphore, #tpu.memory_space<semaphore_mem>>
      %dma_wait3A_487 = tpu.memref_squeeze %dma_wait3A_486 : memref<1x!tpu.dma_semaphore, #tpu.memory_space<semaphore_mem>> -> memref<!tpu.dma_semaphore, #tpu.memory_space<semaphore_mem>>
      tpu.wait_indirect_dma semaphore(%dma_wait3A_487 : memref<!tpu.dma_semaphore, #tpu.memory_space<semaphore_mem>>) src(%dma_wait3A_485 : memref<16x64xf32, #tpu.memory_space<vmem_shared>>) dst(%dma_wait3A_479 : memref<80x64xf32, #tpu.memory_space<vmem>>)
      %parallel_loop3A_488 = arith.constant 0 : i32
      %parallel_loop3A_489 = arith.constant 80 : i32
      %parallel_loop3A_490 = arith.constant 1 : i32
      scf.for %parallel_loop3A_505 = %parallel_loop3A_488 to %parallel_loop3A_489 step %parallel_loop3A_490  : i32 {
        %parallel_loop3A_506 = arith.constant 4 : i32
        %parallel_loop3A_507 = arith.index_cast %parallel_loop3A_506 : i32 to index
        %parallel_loop3A_508 = arith.index_cast %parallel_loop3A_505 : i32 to index
        %parallel_loop3A_509 = arith.constant 0 : index
        %parallel_loop3A_510 = tpu.vector_load %arg11[%parallel_loop3A_507, %parallel_loop3A_508, %parallel_loop3A_509] {strides = array<i32>} : memref<5x80x64xf32, #tpu.memory_space<vmem>>, vector<1x1x16xf32>,
        %parallel_loop3A_511 = vector.shape_cast %parallel_loop3A_510 : vector<1x1x16xf32> to vector<16xf32>
        %parallel_loop3A_512 = arith.constant 4 : i32
        %parallel_loop3A_513 = arith.index_cast %parallel_loop3A_512 : i32 to index
        %parallel_loop3A_514 = arith.index_cast %parallel_loop3A_505 : i32 to index
        %parallel_loop3A_515 = arith.constant 0 : index
        %parallel_loop3A_516 = tpu.vector_load %arg12[%parallel_loop3A_513, %parallel_loop3A_514, %parallel_loop3A_515] {strides = array<i32>} : memref<5x80x64xf32, #tpu.memory_space<vmem>>, vector<1x1x16xf32>,
        %parallel_loop3A_517 = vector.shape_cast %parallel_loop3A_516 : vector<1x1x16xf32> to vector<16xf32>
        %parallel_loop3A_518 = arith.addf %parallel_loop3A_511, %parallel_loop3A_517 : vector<16xf32>
        %parallel_loop3A_519 = arith.constant 0.000000e+00 : f32
        %parallel_loop3A_520 = vector.broadcast %parallel_loop3A_519 : f32 to vector<16xf32>
        %parallel_loop3A_521 = arith.maximumf %parallel_loop3A_518, %parallel_loop3A_520 : vector<16xf32>
        %parallel_loop3A_522 = arith.constant 4 : i32
        %parallel_loop3A_523 = arith.index_cast %parallel_loop3A_522 : i32 to index
        %parallel_loop3A_524 = arith.index_cast %parallel_loop3A_505 : i32 to index
        %parallel_loop3A_525 = arith.constant 0 : index
        %parallel_loop3A_526 = tpu.vector_load %arg11[%parallel_loop3A_523, %parallel_loop3A_524, %parallel_loop3A_525] {strides = array<i32>} : memref<5x80x64xf32, #tpu.memory_space<vmem>>, vector<1x1x16xf32>,
        %parallel_loop3A_527 = vector.shape_cast %parallel_loop3A_526 : vector<1x1x16xf32> to vector<16xf32>
        %parallel_loop3A_528 = vector.shape_cast %parallel_loop3A_521 : vector<16xf32> to vector<1x1x16xf32>
        tpu.vector_store %arg11[%parallel_loop3A_523, %parallel_loop3A_524, %parallel_loop3A_525], %parallel_loop3A_528 {strides = array<i32>} : memref<5x80x64xf32, #tpu.memory_space<vmem>>, vector<1x1x16xf32>,
        %parallel_loop3A_529 = arith.constant 4 : i32
        %parallel_loop3A_530 = arith.index_cast %parallel_loop3A_529 : i32 to index
        %parallel_loop3A_531 = arith.index_cast %parallel_loop3A_505 : i32 to index
        %parallel_loop3A_532 = arith.constant 16 : index
        %parallel_loop3A_533 = tpu.vector_load %arg11[%parallel_loop3A_530, %parallel_loop3A_531, %parallel_loop3A_532] {strides = array<i32>} : memref<5x80x64xf32, #tpu.memory_space<vmem>>, vector<1x1x16xf32>,
        %parallel_loop3A_534 = vector.shape_cast %parallel_loop3A_533 : vector<1x1x16xf32> to vector<16xf32>
        %parallel_loop3A_535 = arith.constant 4 : i32
        %parallel_loop3A_536 = arith.index_cast %parallel_loop3A_535 : i32 to index
        %parallel_loop3A_537 = arith.index_cast %parallel_loop3A_505 : i32 to index
        %parallel_loop3A_538 = arith.constant 16 : index
        %parallel_loop3A_539 = tpu.vector_load %arg12[%parallel_loop3A_536, %parallel_loop3A_537, %parallel_loop3A_538] {strides = array<i32>} : memref<5x80x64xf32, #tpu.memory_space<vmem>>, vector<1x1x16xf32>,
        %parallel_loop3A_540 = vector.shape_cast %parallel_loop3A_539 : vector<1x1x16xf32> to vector<16xf32>
        %parallel_loop3A_541 = arith.addf %parallel_loop3A_534, %parallel_loop3A_540 : vector<16xf32>
        %parallel_loop3A_542 = arith.constant 0.000000e+00 : f32
        %parallel_loop3A_543 = vector.broadcast %parallel_loop3A_542 : f32 to vector<16xf32>
        %parallel_loop3A_544 = arith.maximumf %parallel_loop3A_541, %parallel_loop3A_543 : vector<16xf32>
        %parallel_loop3A_545 = arith.constant 4 : i32
        %parallel_loop3A_546 = arith.index_cast %parallel_loop3A_545 : i32 to index
        %parallel_loop3A_547 = arith.index_cast %parallel_loop3A_505 : i32 to index
        %parallel_loop3A_548 = arith.constant 16 : index
        %parallel_loop3A_549 = tpu.vector_load %arg11[%parallel_loop3A_546, %parallel_loop3A_547, %parallel_loop3A_548] {strides = array<i32>} : memref<5x80x64xf32, #tpu.memory_space<vmem>>, vector<1x1x16xf32>,
        %parallel_loop3A_550 = vector.shape_cast %parallel_loop3A_549 : vector<1x1x16xf32> to vector<16xf32>
        %parallel_loop3A_551 = vector.shape_cast %parallel_loop3A_544 : vector<16xf32> to vector<1x1x16xf32>
        tpu.vector_store %arg11[%parallel_loop3A_546, %parallel_loop3A_547, %parallel_loop3A_548], %parallel_loop3A_551 {strides = array<i32>} : memref<5x80x64xf32, #tpu.memory_space<vmem>>, vector<1x1x16xf32>,
        %parallel_loop3A_552 = arith.constant 4 : i32
        %parallel_loop3A_553 = arith.index_cast %parallel_loop3A_552 : i32 to index
        %parallel_loop3A_554 = arith.index_cast %parallel_loop3A_505 : i32 to index
        %parallel_loop3A_555 = arith.constant 32 : index
        %parallel_loop3A_556 = tpu.vector_load %arg11[%parallel_loop3A_553, %parallel_loop3A_554, %parallel_loop3A_555] {strides = array<i32>} : memref<5x80x64xf32, #tpu.memory_space<vmem>>, vector<1x1x16xf32>,
        %parallel_loop3A_557 = vector.shape_cast %parallel_loop3A_556 : vector<1x1x16xf32> to vector<16xf32>
        %parallel_loop3A_558 = arith.constant 4 : i32
        %parallel_loop3A_559 = arith.index_cast %parallel_loop3A_558 : i32 to index
        %parallel_loop3A_560 = arith.index_cast %parallel_loop3A_505 : i32 to index
        %parallel_loop3A_561 = arith.constant 32 : index
        %parallel_loop3A_562 = tpu.vector_load %arg12[%parallel_loop3A_559, %parallel_loop3A_560, %parallel_loop3A_561] {strides = array<i32>} : memref<5x80x64xf32, #tpu.memory_space<vmem>>, vector<1x1x16xf32>,
        %parallel_loop3A_563 = vector.shape_cast %parallel_loop3A_562 : vector<1x1x16xf32> to vector<16xf32>
        %parallel_loop3A_564 = arith.addf %parallel_loop3A_557, %parallel_loop3A_563 : vector<16xf32>
        %parallel_loop3A_565 = arith.constant 0.000000e+00 : f32
        %parallel_loop3A_566 = vector.broadcast %parallel_loop3A_565 : f32 to vector<16xf32>
        %parallel_loop3A_567 = arith.maximumf %parallel_loop3A_564, %parallel_loop3A_566 : vector<16xf32>
        %parallel_loop3A_568 = arith.constant 4 : i32
        %parallel_loop3A_569 = arith.index_cast %parallel_loop3A_568 : i32 to index
        %parallel_loop3A_570 = arith.index_cast %parallel_loop3A_505 : i32 to index
        %parallel_loop3A_571 = arith.constant 32 : index
        %parallel_loop3A_572 = tpu.vector_load %arg11[%parallel_loop3A_569, %parallel_loop3A_570, %parallel_loop3A_571] {strides = array<i32>} : memref<5x80x64xf32, #tpu.memory_space<vmem>>, vector<1x1x16xf32>,
        %parallel_loop3A_573 = vector.shape_cast %parallel_loop3A_572 : vector<1x1x16xf32> to vector<16xf32>
        %parallel_loop3A_574 = vector.shape_cast %parallel_loop3A_567 : vector<16xf32> to vector<1x1x16xf32>
        tpu.vector_store %arg11[%parallel_loop3A_569, %parallel_loop3A_570, %parallel_loop3A_571], %parallel_loop3A_574 {strides = array<i32>} : memref<5x80x64xf32, #tpu.memory_space<vmem>>, vector<1x1x16xf32>,
        %parallel_loop3A_575 = arith.constant 4 : i32
        %parallel_loop3A_576 = arith.index_cast %parallel_loop3A_575 : i32 to index
        %parallel_loop3A_577 = arith.index_cast %parallel_loop3A_505 : i32 to index
        %parallel_loop3A_578 = arith.constant 48 : index
        %parallel_loop3A_579 = tpu.vector_load %arg11[%parallel_loop3A_576, %parallel_loop3A_577, %parallel_loop3A_578] {strides = array<i32>} : memref<5x80x64xf32, #tpu.memory_space<vmem>>, vector<1x1x16xf32>,
        %parallel_loop3A_580 = vector.shape_cast %parallel_loop3A_579 : vector<1x1x16xf32> to vector<16xf32>
        %parallel_loop3A_581 = arith.constant 4 : i32
        %parallel_loop3A_582 = arith.index_cast %parallel_loop3A_581 : i32 to index
        %parallel_loop3A_583 = arith.index_cast %parallel_loop3A_505 : i32 to index
        %parallel_loop3A_584 = arith.constant 48 : index
        %parallel_loop3A_585 = tpu.vector_load %arg12[%parallel_loop3A_582, %parallel_loop3A_583, %parallel_loop3A_584] {strides = array<i32>} : memref<5x80x64xf32, #tpu.memory_space<vmem>>, vector<1x1x16xf32>,
        %parallel_loop3A_586 = vector.shape_cast %parallel_loop3A_585 : vector<1x1x16xf32> to vector<16xf32>
        %parallel_loop3A_587 = arith.addf %parallel_loop3A_580, %parallel_loop3A_586 : vector<16xf32>
        %parallel_loop3A_588 = arith.constant 0.000000e+00 : f32
        %parallel_loop3A_589 = vector.broadcast %parallel_loop3A_588 : f32 to vector<16xf32>
        %parallel_loop3A_590 = arith.maximumf %parallel_loop3A_587, %parallel_loop3A_589 : vector<16xf32>
        %parallel_loop3A_591 = arith.constant 4 : i32
        %parallel_loop3A_592 = arith.index_cast %parallel_loop3A_591 : i32 to index
        %parallel_loop3A_593 = arith.index_cast %parallel_loop3A_505 : i32 to index
        %parallel_loop3A_594 = arith.constant 48 : index
        %parallel_loop3A_595 = tpu.vector_load %arg11[%parallel_loop3A_592, %parallel_loop3A_593, %parallel_loop3A_594] {strides = array<i32>} : memref<5x80x64xf32, #tpu.memory_space<vmem>>, vector<1x1x16xf32>,
        %parallel_loop3A_596 = vector.shape_cast %parallel_loop3A_595 : vector<1x1x16xf32> to vector<16xf32>
        %parallel_loop3A_597 = vector.shape_cast %parallel_loop3A_590 : vector<16xf32> to vector<1x1x16xf32>
        tpu.vector_store %arg11[%parallel_loop3A_592, %parallel_loop3A_593, %parallel_loop3A_594], %parallel_loop3A_597 {strides = array<i32>} : memref<5x80x64xf32, #tpu.memory_space<vmem>>, vector<1x1x16xf32>,
      } {sc.loop_unroll_factor = 2 : i64, sc.parallel_access}
      %dma_start3A_491 = arith.constant 4 : i32
      %dma_start3A_492 = arith.constant 4 : i32
      %dma_start3A_493 = arith.constant 0 : i32
      %dma_start3A_494 = arith.constant 0 : i32
      %dma_start3A_495 = tpu.memref_slice %arg11[%dma_start3A_491, %dma_start3A_493, %dma_start3A_494] : memref<5x80x64xf32, #tpu.memory_space<vmem>> -> memref<1x80x64xf32, #tpu.memory_space<vmem>>
      %dma_start3A_496 = tpu.memref_squeeze %dma_start3A_495 : memref<1x80x64xf32, #tpu.memory_space<vmem>> -> memref<80x64xf32, #tpu.memory_space<vmem>>
      %dma_start3A_497 = arith.constant 0 : i32
      %dma_start3A_498 = tpu.memref_slice %arg9[%add3A_452, %dma_start3A_497] : memref<125x80xi32, #tpu.memory_space<vmem>> -> memref<1x80xi32, #tpu.memory_space<vmem>>
      %dma_start3A_499 = tpu.memref_squeeze %dma_start3A_498 : memref<1x80xi32, #tpu.memory_space<vmem>> -> memref<80xi32, #tpu.memory_space<vmem>>
      %dma_start3A_500 = arith.constant 0 : i32
      %dma_start3A_501 = arith.constant 0 : i32
      %dma_start3A_502 = tpu.memref_slice %arg14[%dma_start3A_500, %dma_start3A_501] : memref<10000x64xf32, #tpu.memory_space<vmem_shared>> -> memref<10000x64xf32, #tpu.memory_space<vmem_shared>>
      %dma_start3A_503 = tpu.memref_slice %arg18[%dma_start3A_492] : memref<5x!tpu.dma_semaphore, #tpu.memory_space<semaphore_mem>> -> memref<1x!tpu.dma_semaphore, #tpu.memory_space<semaphore_mem>>
      %dma_start3A_504 = tpu.memref_squeeze %dma_start3A_503 : memref<1x!tpu.dma_semaphore, #tpu.memory_space<semaphore_mem>> -> memref<!tpu.dma_semaphore, #tpu.memory_space<semaphore_mem>>
      tpu.enqueue_indirect_dma source(%dma_start3A_496 : memref<80x64xf32, #tpu.memory_space<vmem>>) target(%dma_start3A_502 : memref<10000x64xf32, #tpu.memory_space<vmem_shared>>) offsets(%dma_start3A_499 : memref<80xi32, #tpu.memory_space<vmem>>) semaphore(%dma_start3A_504 : memref<!tpu.dma_semaphore, #tpu.memory_space<semaphore_mem>>) {add = true}
    }
    %scan3A_149 = arith.constant 25 : i32
    %dma_wait3A = arith.constant 0 : i32
    %dma_wait3A_150 = arith.constant 120 : i32
    %dma_wait3A_151 = arith.constant 0 : i32
    %dma_wait3A_152 = arith.constant 0 : i32
    %dma_wait3A_153 = arith.constant 0 : i32
    %dma_wait3A_154 = tpu.memref_slice %arg11[%dma_wait3A, %dma_wait3A_152, %dma_wait3A_153] : memref<5x80x64xf32, #tpu.memory_space<vmem>> -> memref<1x80x64xf32, #tpu.memory_space<vmem>>
    %dma_wait3A_155 = tpu.memref_squeeze %dma_wait3A_154 : memref<1x80x64xf32, #tpu.memory_space<vmem>> -> memref<80x64xf32, #tpu.memory_space<vmem>>
    %dma_wait3A_156 = arith.constant 0 : i32
    %dma_wait3A_157 = tpu.memref_slice %arg9[%dma_wait3A_150, %dma_wait3A_156] : memref<125x80xi32, #tpu.memory_space<vmem>> -> memref<1x80xi32, #tpu.memory_space<vmem>>
    %dma_wait3A_158 = tpu.memref_squeeze %dma_wait3A_157 : memref<1x80xi32, #tpu.memory_space<vmem>> -> memref<80xi32, #tpu.memory_space<vmem>>
    %dma_wait3A_159 = arith.constant 0 : i32
    %dma_wait3A_160 = arith.constant 0 : i32
    %dma_wait3A_161 = tpu.memref_slice %arg14[%dma_wait3A_159, %dma_wait3A_160] : memref<10000x64xf32, #tpu.memory_space<vmem_shared>> -> memref<10000x64xf32, #tpu.memory_space<vmem_shared>>
    %dma_wait3A_162 = tpu.memref_slice %arg18[%dma_wait3A_151] : memref<5x!tpu.dma_semaphore, #tpu.memory_space<semaphore_mem>> -> memref<1x!tpu.dma_semaphore, #tpu.memory_space<semaphore_mem>>
    %dma_wait3A_163 = tpu.memref_squeeze %dma_wait3A_162 : memref<1x!tpu.dma_semaphore, #tpu.memory_space<semaphore_mem>> -> memref<!tpu.dma_semaphore, #tpu.memory_space<semaphore_mem>>
    tpu.wait_indirect_dma semaphore(%dma_wait3A_163 : memref<!tpu.dma_semaphore, #tpu.memory_space<semaphore_mem>>) src(%dma_wait3A_155 : memref<80x64xf32, #tpu.memory_space<vmem>>) dst(%dma_wait3A_161 : memref<10000x64xf32, #tpu.memory_space<vmem_shared>>)
    %dma_wait3A_164 = arith.constant 1 : i32
    %dma_wait3A_165 = arith.constant 121 : i32
    %dma_wait3A_166 = arith.constant 1 : i32
    %dma_wait3A_167 = arith.constant 0 : i32
    %dma_wait3A_168 = arith.constant 0 : i32
    %dma_wait3A_169 = tpu.memref_slice %arg11[%dma_wait3A_164, %dma_wait3A_167, %dma_wait3A_168] : memref<5x80x64xf32, #tpu.memory_space<vmem>> -> memref<1x80x64xf32, #tpu.memory_space<vmem>>
    %dma_wait3A_170 = tpu.memref_squeeze %dma_wait3A_169 : memref<1x80x64xf32, #tpu.memory_space<vmem>> -> memref<80x64xf32, #tpu.memory_space<vmem>>
    %dma_wait3A_171 = arith.constant 0 : i32
    %dma_wait3A_172 = tpu.memref_slice %arg9[%dma_wait3A_165, %dma_wait3A_171] : memref<125x80xi32, #tpu.memory_space<vmem>> -> memref<1x80xi32, #tpu.memory_space<vmem>>
    %dma_wait3A_173 = tpu.memref_squeeze %dma_wait3A_172 : memref<1x80xi32, #tpu.memory_space<vmem>> -> memref<80xi32, #tpu.memory_space<vmem>>
    %dma_wait3A_174 = arith.constant 0 : i32
    %dma_wait3A_175 = arith.constant 0 : i32
    %dma_wait3A_176 = tpu.memref_slice %arg14[%dma_wait3A_174, %dma_wait3A_175] : memref<10000x64xf32, #tpu.memory_space<vmem_shared>> -> memref<10000x64xf32, #tpu.memory_space<vmem_shared>>
    %dma_wait3A_177 = tpu.memref_slice %arg18[%dma_wait3A_166] : memref<5x!tpu.dma_semaphore, #tpu.memory_space<semaphore_mem>> -> memref<1x!tpu.dma_semaphore, #tpu.memory_space<semaphore_mem>>
    %dma_wait3A_178 = tpu.memref_squeeze %dma_wait3A_177 : memref<1x!tpu.dma_semaphore, #tpu.memory_space<semaphore_mem>> -> memref<!tpu.dma_semaphore, #tpu.memory_space<semaphore_mem>>
    tpu.wait_indirect_dma semaphore(%dma_wait3A_178 : memref<!tpu.dma_semaphore, #tpu.memory_space<semaphore_mem>>) src(%dma_wait3A_170 : memref<80x64xf32, #tpu.memory_space<vmem>>) dst(%dma_wait3A_176 : memref<10000x64xf32, #tpu.memory_space<vmem_shared>>)
    %dma_wait3A_179 = arith.constant 2 : i32
    %dma_wait3A_180 = arith.constant 122 : i32
    %dma_wait3A_181 = arith.constant 2 : i32
    %dma_wait3A_182 = arith.constant 0 : i32
    %dma_wait3A_183 = arith.constant 0 : i32
    %dma_wait3A_184 = tpu.memref_slice %arg11[%dma_wait3A_179, %dma_wait3A_182, %dma_wait3A_183] : memref<5x80x64xf32, #tpu.memory_space<vmem>> -> memref<1x80x64xf32, #tpu.memory_space<vmem>>
    %dma_wait3A_185 = tpu.memref_squeeze %dma_wait3A_184 : memref<1x80x64xf32, #tpu.memory_space<vmem>> -> memref<80x64xf32, #tpu.memory_space<vmem>>
    %dma_wait3A_186 = arith.constant 0 : i32
    %dma_wait3A_187 = tpu.memref_slice %arg9[%dma_wait3A_180, %dma_wait3A_186] : memref<125x80xi32, #tpu.memory_space<vmem>> -> memref<1x80xi32, #tpu.memory_space<vmem>>
    %dma_wait3A_188 = tpu.memref_squeeze %dma_wait3A_187 : memref<1x80xi32, #tpu.memory_space<vmem>> -> memref<80xi32, #tpu.memory_space<vmem>>
    %dma_wait3A_189 = arith.constant 0 : i32
    %dma_wait3A_190 = arith.constant 0 : i32
    %dma_wait3A_191 = tpu.memref_slice %arg14[%dma_wait3A_189, %dma_wait3A_190] : memref<10000x64xf32, #tpu.memory_space<vmem_shared>> -> memref<10000x64xf32, #tpu.memory_space<vmem_shared>>
    %dma_wait3A_192 = tpu.memref_slice %arg18[%dma_wait3A_181] : memref<5x!tpu.dma_semaphore, #tpu.memory_space<semaphore_mem>> -> memref<1x!tpu.dma_semaphore, #tpu.memory_space<semaphore_mem>>
    %dma_wait3A_193 = tpu.memref_squeeze %dma_wait3A_192 : memref<1x!tpu.dma_semaphore, #tpu.memory_space<semaphore_mem>> -> memref<!tpu.dma_semaphore, #tpu.memory_space<semaphore_mem>>
    tpu.wait_indirect_dma semaphore(%dma_wait3A_193 : memref<!tpu.dma_semaphore, #tpu.memory_space<semaphore_mem>>) src(%dma_wait3A_185 : memref<80x64xf32, #tpu.memory_space<vmem>>) dst(%dma_wait3A_191 : memref<10000x64xf32, #tpu.memory_space<vmem_shared>>)
    %dma_wait3A_194 = arith.constant 3 : i32
    %dma_wait3A_195 = arith.constant 123 : i32
    %dma_wait3A_196 = arith.constant 3 : i32
    %dma_wait3A_197 = arith.constant 0 : i32
    %dma_wait3A_198 = arith.constant 0 : i32
    %dma_wait3A_199 = tpu.memref_slice %arg11[%dma_wait3A_194, %dma_wait3A_197, %dma_wait3A_198] : memref<5x80x64xf32, #tpu.memory_space<vmem>> -> memref<1x80x64xf32, #tpu.memory_space<vmem>>
    %dma_wait3A_200 = tpu.memref_squeeze %dma_wait3A_199 : memref<1x80x64xf32, #tpu.memory_space<vmem>> -> memref<80x64xf32, #tpu.memory_space<vmem>>
    %dma_wait3A_201 = arith.constant 0 : i32
    %dma_wait3A_202 = tpu.memref_slice %arg9[%dma_wait3A_195, %dma_wait3A_201] : memref<125x80xi32, #tpu.memory_space<vmem>> -> memref<1x80xi32, #tpu.memory_space<vmem>>
    %dma_wait3A_203 = tpu.memref_squeeze %dma_wait3A_202 : memref<1x80xi32, #tpu.memory_space<vmem>> -> memref<80xi32, #tpu.memory_space<vmem>>
    %dma_wait3A_204 = arith.constant 0 : i32
    %dma_wait3A_205 = arith.constant 0 : i32
    %dma_wait3A_206 = tpu.memref_slice %arg14[%dma_wait3A_204, %dma_wait3A_205] : memref<10000x64xf32, #tpu.memory_space<vmem_shared>> -> memref<10000x64xf32, #tpu.memory_space<vmem_shared>>
    %dma_wait3A_207 = tpu.memref_slice %arg18[%dma_wait3A_196] : memref<5x!tpu.dma_semaphore, #tpu.memory_space<semaphore_mem>> -> memref<1x!tpu.dma_semaphore, #tpu.memory_space<semaphore_mem>>
    %dma_wait3A_208 = tpu.memref_squeeze %dma_wait3A_207 : memref<1x!tpu.dma_semaphore, #tpu.memory_space<semaphore_mem>> -> memref<!tpu.dma_semaphore, #tpu.memory_space<semaphore_mem>>
    tpu.wait_indirect_dma semaphore(%dma_wait3A_208 : memref<!tpu.dma_semaphore, #tpu.memory_space<semaphore_mem>>) src(%dma_wait3A_200 : memref<80x64xf32, #tpu.memory_space<vmem>>) dst(%dma_wait3A_206 : memref<10000x64xf32, #tpu.memory_space<vmem_shared>>)
    %dma_wait3A_209 = arith.constant 4 : i32
    %dma_wait3A_210 = arith.constant 124 : i32
    %dma_wait3A_211 = arith.constant 4 : i32
    %dma_wait3A_212 = arith.constant 0 : i32
    %dma_wait3A_213 = arith.constant 0 : i32
    %dma_wait3A_214 = tpu.memref_slice %arg11[%dma_wait3A_209, %dma_wait3A_212, %dma_wait3A_213] : memref<5x80x64xf32, #tpu.memory_space<vmem>> -> memref<1x80x64xf32, #tpu.memory_space<vmem>>
    %dma_wait3A_215 = tpu.memref_squeeze %dma_wait3A_214 : memref<1x80x64xf32, #tpu.memory_space<vmem>> -> memref<80x64xf32, #tpu.memory_space<vmem>>
    %dma_wait3A_216 = arith.constant 0 : i32
    %dma_wait3A_217 = tpu.memref_slice %arg9[%dma_wait3A_210, %dma_wait3A_216] : memref<125x80xi32, #tpu.memory_space<vmem>> -> memref<1x80xi32, #tpu.memory_space<vmem>>
    %dma_wait3A_218 = tpu.memref_squeeze %dma_wait3A_217 : memref<1x80xi32, #tpu.memory_space<vmem>> -> memref<80xi32, #tpu.memory_space<vmem>>
    %dma_wait3A_219 = arith.constant 0 : i32
    %dma_wait3A_220 = arith.constant 0 : i32
    %dma_wait3A_221 = tpu.memref_slice %arg14[%dma_wait3A_219, %dma_wait3A_220] : memref<10000x64xf32, #tpu.memory_space<vmem_shared>> -> memref<10000x64xf32, #tpu.memory_space<vmem_shared>>
    %dma_wait3A_222 = tpu.memref_slice %arg18[%dma_wait3A_211] : memref<5x!tpu.dma_semaphore, #tpu.memory_space<semaphore_mem>> -> memref<1x!tpu.dma_semaphore, #tpu.memory_space<semaphore_mem>>
    %dma_wait3A_223 = tpu.memref_squeeze %dma_wait3A_222 : memref<1x!tpu.dma_semaphore, #tpu.memory_space<semaphore_mem>> -> memref<!tpu.dma_semaphore, #tpu.memory_space<semaphore_mem>>
    tpu.wait_indirect_dma semaphore(%dma_wait3A_223 : memref<!tpu.dma_semaphore, #tpu.memory_space<semaphore_mem>>) src(%dma_wait3A_215 : memref<80x64xf32, #tpu.memory_space<vmem>>) dst(%dma_wait3A_221 : memref<10000x64xf32, #tpu.memory_space<vmem_shared>>)
    %barrier3A_224 = arith.constant 0 : index
    tpu.barrier barrier_id(%barrier3A_224)
    %mul3A_225 = arith.constant 624 : i32
    %mul3A_226 = arith.muli %arg1, %mul3A_225 : i32
    %mul3A_227 = arith.constant 624 : i32
    %mul3A_228 = arith.muli %arg1, %mul3A_227 : i32
    "tpu.region"() ({
      %run_scoped3A_234 = tpu.sem_alloc : memref<!tpu.dma_semaphore, #tpu.memory_space<semaphore_mem>>
      %dma_start3A_235 = arith.constant 0 : i32
      %dma_start3A_236 = tpu.memref_slice %arg7[%arg0, %mul3A_228, %dma_start3A_235] : memref<2x10000x64xf32, #tpu.memory_space<hbm>> -> memref<1x624x64xf32, #tpu.memory_space<hbm>>
      %dma_start3A_237 = tpu.memref_squeeze %dma_start3A_236 : memref<1x624x64xf32, #tpu.memory_space<hbm>> -> memref<624x64xf32, #tpu.memory_space<hbm>>
      %dma_start3A_238 = arith.constant 0 : i32
      %dma_start3A_239 = tpu.memref_slice %arg14[%mul3A_226, %dma_start3A_238] : memref<10000x64xf32, #tpu.memory_space<vmem_shared>> -> memref<624x64xf32, #tpu.memory_space<vmem_shared>>
      tpu.enqueue_dma source(%dma_start3A_239 : memref<624x64xf32, #tpu.memory_space<vmem_shared>>) target(%dma_start3A_237 : memref<624x64xf32, #tpu.memory_space<hbm>>) target_semaphore(%run_scoped3A_234 : memref<!tpu.dma_semaphore, #tpu.memory_space<semaphore_mem>>)
      %dma_wait3A_240 = arith.constant 0 : i32
      %dma_wait3A_241 = tpu.memref_slice %arg7[%arg0, %mul3A_228, %dma_wait3A_240] : memref<2x10000x64xf32, #tpu.memory_space<hbm>> -> memref<1x624x64xf32, #tpu.memory_space<hbm>>
      %dma_wait3A_242 = tpu.memref_squeeze %dma_wait3A_241 : memref<1x624x64xf32, #tpu.memory_space<hbm>> -> memref<624x64xf32, #tpu.memory_space<hbm>>
      %dma_wait3A_243 = arith.constant 0 : i32
      %dma_wait3A_244 = tpu.memref_slice %arg14[%mul3A_226, %dma_wait3A_243] : memref<10000x64xf32, #tpu.memory_space<vmem_shared>> -> memref<624x64xf32, #tpu.memory_space<vmem_shared>>
      tpu.wait_dma2 semaphore(%run_scoped3A_234 : memref<!tpu.dma_semaphore, #tpu.memory_space<semaphore_mem>>) src(%dma_wait3A_244 : memref<624x64xf32, #tpu.memory_space<vmem_shared>>) dst(%dma_wait3A_242 : memref<624x64xf32, #tpu.memory_space<hbm>>)
      tpu.yield
    }) : () -> ()
    %eq3A_229 = arith.constant 15 : i32
    %eq3A_230 = arith.cmpi eq, %arg1, %eq3A_229 : i32
    %convert_element_type3A_231 = arith.extui %eq3A_230 : i1 to i32
    %cond3A_232 = arith.constant 0 : i32
    %cond3A_233 = arith.cmpi ne, %convert_element_type3A_231, %cond3A_232 : i32
    scf.if %cond3A_233 {
      "tpu.region"() ({
        %run_scoped3A_234 = tpu.sem_alloc : memref<!tpu.dma_semaphore, #tpu.memory_space<semaphore_mem>>
        %dma_start3A_235 = arith.constant 9984 : i32
        %dma_start3A_236 = arith.constant 0 : i32
        %dma_start3A_237 = tpu.memref_slice %arg7[%arg0, %dma_start3A_235, %dma_start3A_236] : memref<2x10000x64xf32, #tpu.memory_space<hbm>> -> memref<1x16x64xf32, #tpu.memory_space<hbm>>
        %dma_start3A_238 = tpu.memref_squeeze %dma_start3A_237 : memref<1x16x64xf32, #tpu.memory_space<hbm>> -> memref<16x64xf32, #tpu.memory_space<hbm>>
        %dma_start3A_239 = arith.constant 9984 : i32
        %dma_start3A_240 = arith.constant 0 : i32
        %dma_start3A_241 = tpu.memref_slice %arg14[%dma_start3A_239, %dma_start3A_240] : memref<10000x64xf32, #tpu.memory_space<vmem_shared>> -> memref<16x64xf32, #tpu.memory_space<vmem_shared>>
        tpu.enqueue_dma source(%dma_start3A_241 : memref<16x64xf32, #tpu.memory_space<vmem_shared>>) target(%dma_start3A_238 : memref<16x64xf32, #tpu.memory_space<hbm>>) target_semaphore(%run_scoped3A_234 : memref<!tpu.dma_semaphore, #tpu.memory_space<semaphore_mem>>)
        %dma_wait3A_242 = arith.constant 9984 : i32
        %dma_wait3A_243 = arith.constant 0 : i32
        %dma_wait3A_244 = tpu.memref_slice %arg7[%arg0, %dma_wait3A_242, %dma_wait3A_243] : memref<2x10000x64xf32, #tpu.memory_space<hbm>> -> memref<1x16x64xf32, #tpu.memory_space<hbm>>
        %dma_wait3A_245 = tpu.memref_squeeze %dma_wait3A_244 : memref<1x16x64xf32, #tpu.memory_space<hbm>> -> memref<16x64xf32, #tpu.memory_space<hbm>>
        %dma_wait3A_246 = arith.constant 9984 : i32
        %dma_wait3A_247 = arith.constant 0 : i32
        %dma_wait3A_248 = tpu.memref_slice %arg14[%dma_wait3A_246, %dma_wait3A_247] : memref<10000x64xf32, #tpu.memory_space<vmem_shared>> -> memref<16x64xf32, #tpu.memory_space<vmem_shared>>
        tpu.wait_dma2 semaphore(%run_scoped3A_234 : memref<!tpu.dma_semaphore, #tpu.memory_space<semaphore_mem>>) src(%dma_wait3A_248 : memref<16x64xf32, #tpu.memory_space<vmem_shared>>) dst(%dma_wait3A_245 : memref<16x64xf32, #tpu.memory_space<hbm>>)
        tpu.yield
      }) : () -> ()
    } else {
    }
    return
  }
}

#map = affine_map<(d0, d1) -> (0, 0)>
#map1 = affine_map<(d0, d1) -> (0, 0, 0)>
module attributes {stable_mosaic.version = 14 : i64} {
  func.func @k(%arg0: i32, %arg1: i32, %arg2: memref<10000x64xf32, #tpu.memory_space<hbm>>, %arg3: memref<4000x80xi32, #tpu.memory_space<hbm>>, %arg4: memref<4000x80xi32, #tpu.memory_space<hbm>>, %arg5: memref<4000x80xi32, #tpu.memory_space<hbm>>, %arg6: memref<16x64xf32, #tpu.memory_space<hbm>>, %arg7: memref<2x10000x64xf32, #tpu.memory_space<hbm>>, %arg8: memref<125x80xi32, #tpu.memory_space<vmem>>, %arg9: memref<125x80xi32, #tpu.memory_space<vmem>>, %arg10: memref<125x80xi32, #tpu.memory_space<vmem>>, %arg11: memref<5x80x64xf32, #tpu.memory_space<vmem>>, %arg12: memref<5x80x64xf32, #tpu.memory_space<vmem>>, %arg13: memref<16x64xf32, #tpu.memory_space<vmem>>, %arg14: memref<10000x64xf32, #tpu.memory_space<vmem_shared>>, %arg15: memref<16x64xf32, #tpu.memory_space<vmem_shared>>, %arg16: memref<5x!tpu.dma_semaphore, #tpu.memory_space<semaphore_mem>>, %arg17: memref<5x!tpu.dma_semaphore, #tpu.memory_space<semaphore_mem>>, %arg18: memref<5x!tpu.dma_semaphore, #tpu.memory_space<semaphore_mem>>) attributes {dimension_semantics = [#tpu.dimension_semantics<core_parallel>, #tpu.dimension_semantics<subcore_parallel>], iteration_bounds = array<i64: 2, 16>, scalar_prefetch = 0 : i64, scratch_operands = 11 : i64, tpu.core_type = #tpu.core_type<sc_vector_subcore>, window_params = [{transform_indices = #map}, {transform_indices = #map}, {transform_indices = #map}, {transform_indices = #map}, {transform_indices = #map}, {transform_indices = #map1}]} {
    %mul3A = arith.constant 16 : i32
    %mul3A_0 = arith.muli %arg0, %mul3A : i32
    %add3A = arith.addi %mul3A_0, %arg1 : i32
    %mul3A_1 = arith.constant 125 : i32
    %mul3A_2 = arith.muli %add3A, %mul3A_1 : i32
    %eq3A = arith.constant 0 : i32
    %eq3A_3 = arith.cmpi eq, %arg1, %eq3A : i32
    %convert_element_type3A = arith.extui %eq3A_3 : i1 to i32
    %cond3A = arith.constant 0 : i32
    %cond3A_4 = arith.cmpi ne, %convert_element_type3A, %cond3A : i32
    scf.if %cond3A_4 {
      "tpu.region"() ({
        %run_scoped3A_234 = tpu.sem_alloc : memref<!tpu.dma_semaphore, #tpu.memory_space<semaphore_mem>>
        tpu.enqueue_dma source(%arg6 : memref<16x64xf32, #tpu.memory_space<hbm>>) target(%arg13 : memref<16x64xf32, #tpu.memory_space<vmem>>) target_semaphore(%run_scoped3A_234 : memref<!tpu.dma_semaphore, #tpu.memory_space<semaphore_mem>>)
        tpu.wait_dma2 semaphore(%run_scoped3A_234 : memref<!tpu.dma_semaphore, #tpu.memory_space<semaphore_mem>>) src(%arg6 : memref<16x64xf32, #tpu.memory_space<hbm>>) dst(%arg13 : memref<16x64xf32, #tpu.memory_space<vmem>>)
        tpu.yield
      }) : () -> ()
      "tpu.region"() ({
        %run_scoped3A_234 = tpu.sem_alloc : memref<!tpu.dma_semaphore, #tpu.memory_space<semaphore_mem>>
        tpu.enqueue_dma source(%arg13 : memref<16x64xf32, #tpu.memory_space<vmem>>) target(%arg15 : memref<16x64xf32, #tpu.memory_space<vmem_shared>>) target_semaphore(%run_scoped3A_234 : memref<!tpu.dma_semaphore, #tpu.memory_space<semaphore_mem>>)
        tpu.wait_dma2 semaphore(%run_scoped3A_234 : memref<!tpu.dma_semaphore, #tpu.memory_space<semaphore_mem>>) src(%arg13 : memref<16x64xf32, #tpu.memory_space<vmem>>) dst(%arg15 : memref<16x64xf32, #tpu.memory_space<vmem_shared>>)
        tpu.yield
      }) : () -> ()
    } else {
    }
    "tpu.region"() ({
      %run_scoped3A_234 = tpu.sem_alloc : memref<!tpu.dma_semaphore, #tpu.memory_space<semaphore_mem>>
      %dma_start3A_235 = arith.constant 0 : i32
      %dma_start3A_236 = tpu.memref_slice %arg3[%mul3A_2, %dma_start3A_235] : memref<4000x80xi32, #tpu.memory_space<hbm>> -> memref<125x80xi32, #tpu.memory_space<hbm>>
      %dma_start3A_237 = arith.constant 0 : i32
      %dma_start3A_238 = tpu.memref_slice %arg3[%mul3A_2, %dma_start3A_237] : memref<4000x80xi32, #tpu.memory_space<hbm>> -> memref<125x80xi32, #tpu.memory_space<hbm>>
      tpu.enqueue_dma source(%dma_start3A_238 : memref<125x80xi32, #tpu.memory_space<hbm>>) target(%arg8 : memref<125x80xi32, #tpu.memory_space<vmem>>) target_semaphore(%run_scoped3A_234 : memref<!tpu.dma_semaphore, #tpu.memory_space<semaphore_mem>>)
      %dma_wait3A_239 = arith.constant 0 : i32
      %dma_wait3A_240 = tpu.memref_slice %arg3[%mul3A_2, %dma_wait3A_239] : memref<4000x80xi32, #tpu.memory_space<hbm>> -> memref<125x80xi32, #tpu.memory_space<hbm>>
      %dma_wait3A_241 = arith.constant 0 : i32
      %dma_wait3A_242 = tpu.memref_slice %arg3[%mul3A_2, %dma_wait3A_241] : memref<4000x80xi32, #tpu.memory_space<hbm>> -> memref<125x80xi32, #tpu.memory_space<hbm>>
      tpu.wait_dma2 semaphore(%run_scoped3A_234 : memref<!tpu.dma_semaphore, #tpu.memory_space<semaphore_mem>>) src(%dma_wait3A_242 : memref<125x80xi32, #tpu.memory_space<hbm>>) dst(%arg8 : memref<125x80xi32, #tpu.memory_space<vmem>>)
      tpu.yield
    }) : () -> ()
    "tpu.region"() ({
      %run_scoped3A_234 = tpu.sem_alloc : memref<!tpu.dma_semaphore, #tpu.memory_space<semaphore_mem>>
      %dma_start3A_235 = arith.constant 0 : i32
      %dma_start3A_236 = tpu.memref_slice %arg4[%mul3A_2, %dma_start3A_235] : memref<4000x80xi32, #tpu.memory_space<hbm>> -> memref<125x80xi32, #tpu.memory_space<hbm>>
      %dma_start3A_237 = arith.constant 0 : i32
      %dma_start3A_238 = tpu.memref_slice %arg4[%mul3A_2, %dma_start3A_237] : memref<4000x80xi32, #tpu.memory_space<hbm>> -> memref<125x80xi32, #tpu.memory_space<hbm>>
      tpu.enqueue_dma source(%dma_start3A_238 : memref<125x80xi32, #tpu.memory_space<hbm>>) target(%arg9 : memref<125x80xi32, #tpu.memory_space<vmem>>) target_semaphore(%run_scoped3A_234 : memref<!tpu.dma_semaphore, #tpu.memory_space<semaphore_mem>>)
      %dma_wait3A_239 = arith.constant 0 : i32
      %dma_wait3A_240 = tpu.memref_slice %arg4[%mul3A_2, %dma_wait3A_239] : memref<4000x80xi32, #tpu.memory_space<hbm>> -> memref<125x80xi32, #tpu.memory_space<hbm>>
      %dma_wait3A_241 = arith.constant 0 : i32
      %dma_wait3A_242 = tpu.memref_slice %arg4[%mul3A_2, %dma_wait3A_241] : memref<4000x80xi32, #tpu.memory_space<hbm>> -> memref<125x80xi32, #tpu.memory_space<hbm>>
      tpu.wait_dma2 semaphore(%run_scoped3A_234 : memref<!tpu.dma_semaphore, #tpu.memory_space<semaphore_mem>>) src(%dma_wait3A_242 : memref<125x80xi32, #tpu.memory_space<hbm>>) dst(%arg9 : memref<125x80xi32, #tpu.memory_space<vmem>>)
      tpu.yield
    }) : () -> ()
    "tpu.region"() ({
      %run_scoped3A_234 = tpu.sem_alloc : memref<!tpu.dma_semaphore, #tpu.memory_space<semaphore_mem>>
      %dma_start3A_235 = arith.constant 0 : i32
      %dma_start3A_236 = tpu.memref_slice %arg5[%mul3A_2, %dma_start3A_235] : memref<4000x80xi32, #tpu.memory_space<hbm>> -> memref<125x80xi32, #tpu.memory_space<hbm>>
      %dma_start3A_237 = arith.constant 0 : i32
      %dma_start3A_238 = tpu.memref_slice %arg5[%mul3A_2, %dma_start3A_237] : memref<4000x80xi32, #tpu.memory_space<hbm>> -> memref<125x80xi32, #tpu.memory_space<hbm>>
      tpu.enqueue_dma source(%dma_start3A_238 : memref<125x80xi32, #tpu.memory_space<hbm>>) target(%arg10 : memref<125x80xi32, #tpu.memory_space<vmem>>) target_semaphore(%run_scoped3A_234 : memref<!tpu.dma_semaphore, #tpu.memory_space<semaphore_mem>>)
      %dma_wait3A_239 = arith.constant 0 : i32
      %dma_wait3A_240 = tpu.memref_slice %arg5[%mul3A_2, %dma_wait3A_239] : memref<4000x80xi32, #tpu.memory_space<hbm>> -> memref<125x80xi32, #tpu.memory_space<hbm>>
      %dma_wait3A_241 = arith.constant 0 : i32
      %dma_wait3A_242 = tpu.memref_slice %arg5[%mul3A_2, %dma_wait3A_241] : memref<4000x80xi32, #tpu.memory_space<hbm>> -> memref<125x80xi32, #tpu.memory_space<hbm>>
      tpu.wait_dma2 semaphore(%run_scoped3A_234 : memref<!tpu.dma_semaphore, #tpu.memory_space<semaphore_mem>>) src(%dma_wait3A_242 : memref<125x80xi32, #tpu.memory_space<hbm>>) dst(%arg10 : memref<125x80xi32, #tpu.memory_space<vmem>>)
      tpu.yield
    }) : () -> ()
    %broadcast_in_dim3A = arith.constant 0.000000e+00 : f32
    %broadcast_in_dim3A_5 = vector.broadcast %broadcast_in_dim3A : f32 to vector<16xf32>
    %scan3A = arith.constant 0 : i32
    %scan3A_6 = arith.constant 0 : i32
    %scan3A_7 = arith.constant 320 : i32
    %scan3A_8 = arith.addi %scan3A_6, %scan3A_7 : i32
    %scan3A_9 = arith.constant 1 : i32
    scf.for %scan3A_234 = %scan3A_6 to %scan3A_8 step %scan3A_9  : i32 {
      %jit3A = arith.constant 4 : i32
      %div3A = arith.divsi %scan3A_234, %jit3A : i32
      %sign3A = arith.constant 0 : i32
      %sign3A_235 = arith.cmpi sgt, %scan3A_234, %sign3A : i32
      %sign3A_236 = arith.extui %sign3A_235 : i1 to i32
      %sign3A_237 = arith.constant 0 : i32
      %sign3A_238 = arith.cmpi slt, %scan3A_234, %sign3A_237 : i32
      %sign3A_239 = arith.extui %sign3A_238 : i1 to i32
      %sign3A_240 = arith.subi %sign3A_236, %sign3A_239 : i32
      %sign3A_241 = arith.constant 0 : i32
      %sign3A_242 = arith.cmpi sgt, %jit3A, %sign3A_241 : i32
      %sign3A_243 = arith.extui %sign3A_242 : i1 to i32
      %sign3A_244 = arith.constant 0 : i32
      %sign3A_245 = arith.cmpi slt, %jit3A, %sign3A_244 : i32
      %sign3A_246 = arith.extui %sign3A_245 : i1 to i32
      %sign3A_247 = arith.subi %sign3A_243, %sign3A_246 : i32
      %ne3A = arith.cmpi ne, %sign3A_240, %sign3A_247 : i32
      %rem3A = arith.remsi %scan3A_234, %jit3A : i32
      %ne3A_248 = arith.constant 0 : i32
      %ne3A_249 = arith.cmpi ne, %rem3A, %ne3A_248 : i32
      %and3A = arith.andi %ne3A, %ne3A_249 : i1
      %sub3A = arith.constant 1 : i32
      %sub3A_250 = arith.subi %div3A, %sub3A : i32
      %select_n3A = arith.select %and3A, %sub3A_250, %div3A : i32
      %jit3A_251 = arith.constant 4 : i32
      %eq3A_252 = arith.constant 0 : i32
      %eq3A_253 = arith.cmpi eq, %jit3A_251, %eq3A_252 : i32
      %jit3A_254 = arith.constant 1 : i32
      %select_n3A_255 = arith.select %eq3A_253, %jit3A_254, %jit3A_251 : i32
      %rem3A_256 = arith.remsi %scan3A_234, %select_n3A_255 : i32
      %ne3A_257 = arith.constant 0 : i32
      %ne3A_258 = arith.cmpi ne, %rem3A_256, %ne3A_257 : i32
      %lt3A = arith.constant 0 : i32
      %lt3A_259 = arith.cmpi slt, %rem3A_256, %lt3A : i32
      %lt3A_260 = arith.constant 0 : i32
      %lt3A_261 = arith.cmpi slt, %select_n3A_255, %lt3A_260 : i32
      %ne3A_262 = arith.xori %lt3A_259, %lt3A_261 : i1
      %and3A_263 = arith.andi %ne3A_262, %ne3A_258 : i1
      %add3A_264 = arith.addi %rem3A_256, %select_n3A_255 : i32
      %select_n3A_265 = arith.select %and3A_263, %add3A_264, %rem3A_256 : i32
      %mul3A_266 = arith.constant 16 : i32
      %mul3A_267 = arith.muli %select_n3A_265, %mul3A_266 : i32
      %swap3A = arith.constant 0 : i32
      %swap3A_268 = arith.index_cast %swap3A : i32 to index
      %swap3A_269 = arith.index_cast %select_n3A : i32 to index
      %swap3A_270 = arith.index_cast %mul3A_267 : i32 to index
      %swap3A_271 = tpu.vector_load %arg11[%swap3A_268, %swap3A_269, %swap3A_270] {strides = array<i32>} : memref<5x80x64xf32, #tpu.memory_space<vmem>>, vector<1x1x16xf32>,
      %swap3A_272 = vector.shape_cast %swap3A_271 : vector<1x1x16xf32> to vector<16xf32>
      %swap3A_273 = vector.shape_cast %broadcast_in_dim3A_5 : vector<16xf32> to vector<1x1x16xf32>
      tpu.vector_store %arg11[%swap3A_268, %swap3A_269, %swap3A_270], %swap3A_273 {strides = array<i32>} : memref<5x80x64xf32, #tpu.memory_space<vmem>>, vector<1x1x16xf32>,
    }
    %scan3A_10 = arith.constant 320 : i32
    %mul3A_11 = arith.constant 624 : i32
    %mul3A_12 = arith.muli %arg1, %mul3A_11 : i32
    %add3A_13 = arith.constant 0 : i32
    %add3A_14 = arith.addi %mul3A_12, %add3A_13 : i32
    %run_scoped3A = arith.constant 0 : i32
    "tpu.region"() ({
      %run_scoped3A_234 = tpu.sem_alloc : memref<!tpu.dma_semaphore, #tpu.memory_space<semaphore_mem>>
      %dma_start3A_235 = arith.constant 0 : i32
      %dma_start3A_236 = arith.constant 0 : i32
      %dma_start3A_237 = tpu.memref_slice %arg11[%run_scoped3A, %dma_start3A_235, %dma_start3A_236] : memref<5x80x64xf32, #tpu.memory_space<vmem>> -> memref<1x80x64xf32, #tpu.memory_space<vmem>>
      %dma_start3A_238 = tpu.memref_squeeze %dma_start3A_237 : memref<1x80x64xf32, #tpu.memory_space<vmem>> -> memref<80x64xf32, #tpu.memory_space<vmem>>
      %dma_start3A_239 = arith.constant 0 : i32
      %dma_start3A_240 = tpu.memref_slice %arg14[%add3A_14, %dma_start3A_239] : memref<10000x64xf32, #tpu.memory_space<vmem_shared>> -> memref<80x64xf32, #tpu.memory_space<vmem_shared>>
      %dma_start3A_241 = arith.constant 0 : i32
      %dma_start3A_242 = tpu.memref_slice %arg14[%add3A_14, %dma_start3A_241] : memref<10000x64xf32, #tpu.memory_space<vmem_shared>> -> memref<80x64xf32, #tpu.memory_space<vmem_shared>>
      %dma_start3A_243 = arith.constant 0 : i32
      %dma_start3A_244 = arith.constant 0 : i32
      %dma_start3A_245 = tpu.memref_slice %arg11[%run_scoped3A, %dma_start3A_243, %dma_start3A_244] : memref<5x80x64xf32, #tpu.memory_space<vmem>> -> memref<1x80x64xf32, #tpu.memory_space<vmem>>
      %dma_start3A_246 = tpu.memref_squeeze %dma_start3A_245 : memref<1x80x64xf32, #tpu.memory_space<vmem>> -> memref<80x64xf32, #tpu.memory_space<vmem>>
      tpu.enqueue_dma source(%dma_start3A_246 : memref<80x64xf32, #tpu.memory_space<vmem>>) target(%dma_start3A_242 : memref<80x64xf32, #tpu.memory_space<vmem_shared>>) target_semaphore(%run_scoped3A_234 : memref<!tpu.dma_semaphore, #tpu.memory_space<semaphore_mem>>)
      %dma_wait3A_247 = arith.constant 0 : i32
      %dma_wait3A_248 = arith.constant 0 : i32
      %dma_wait3A_249 = tpu.memref_slice %arg11[%run_scoped3A, %dma_wait3A_247, %dma_wait3A_248] : memref<5x80x64xf32, #tpu.memory_space<vmem>> -> memref<1x80x64xf32, #tpu.memory_space<vmem>>
      %dma_wait3A_250 = tpu.memref_squeeze %dma_wait3A_249 : memref<1x80x64xf32, #tpu.memory_space<vmem>> -> memref<80x64xf32, #tpu.memory_space<vmem>>
      %dma_wait3A_251 = arith.constant 0 : i32
      %dma_wait3A_252 = tpu.memref_slice %arg14[%add3A_14, %dma_wait3A_251] : memref<10000x64xf32, #tpu.memory_space<vmem_shared>> -> memref<80x64xf32, #tpu.memory_space<vmem_shared>>
      %dma_wait3A_253 = arith.constant 0 : i32
      %dma_wait3A_254 = tpu.memref_slice %arg14[%add3A_14, %dma_wait3A_253] : memref<10000x64xf32, #tpu.memory_space<vmem_shared>> -> memref<80x64xf32, #tpu.memory_space<vmem_shared>>
      %dma_wait3A_255 = arith.constant 0 : i32
      %dma_wait3A_256 = arith.constant 0 : i32
      %dma_wait3A_257 = tpu.memref_slice %arg11[%run_scoped3A, %dma_wait3A_255, %dma_wait3A_256] : memref<5x80x64xf32, #tpu.memory_space<vmem>> -> memref<1x80x64xf32, #tpu.memory_space<vmem>>
      %dma_wait3A_258 = tpu.memref_squeeze %dma_wait3A_257 : memref<1x80x64xf32, #tpu.memory_space<vmem>> -> memref<80x64xf32, #tpu.memory_space<vmem>>
      tpu.wait_dma2 semaphore(%run_scoped3A_234 : memref<!tpu.dma_semaphore, #tpu.memory_space<semaphore_mem>>) src(%dma_wait3A_258 : memref<80x64xf32, #tpu.memory_space<vmem>>) dst(%dma_wait3A_254 : memref<80x64xf32, #tpu.memory_space<vmem_shared>>)
      tpu.yield
    }) : () -> ()
    %mul3A_15 = arith.constant 624 : i32
    %mul3A_16 = arith.muli %arg1, %mul3A_15 : i32
    %add3A_17 = arith.constant 80 : i32
    %add3A_18 = arith.addi %mul3A_16, %add3A_17 : i32
    %run_scoped3A_19 = arith.constant 0 : i32
    "tpu.region"() ({
      %run_scoped3A_234 = tpu.sem_alloc : memref<!tpu.dma_semaphore, #tpu.memory_space<semaphore_mem>>
      %dma_start3A_235 = arith.constant 0 : i32
      %dma_start3A_236 = arith.constant 0 : i32
      %dma_start3A_237 = tpu.memref_slice %arg11[%run_scoped3A_19, %dma_start3A_235, %dma_start3A_236] : memref<5x80x64xf32, #tpu.memory_space<vmem>> -> memref<1x80x64xf32, #tpu.memory_space<vmem>>
      %dma_start3A_238 = tpu.memref_squeeze %dma_start3A_237 : memref<1x80x64xf32, #tpu.memory_space<vmem>> -> memref<80x64xf32, #tpu.memory_space<vmem>>
      %dma_start3A_239 = arith.constant 0 : i32
      %dma_start3A_240 = tpu.memref_slice %arg14[%add3A_18, %dma_start3A_239] : memref<10000x64xf32, #tpu.memory_space<vmem_shared>> -> memref<80x64xf32, #tpu.memory_space<vmem_shared>>
      %dma_start3A_241 = arith.constant 0 : i32
      %dma_start3A_242 = tpu.memref_slice %arg14[%add3A_18, %dma_start3A_241] : memref<10000x64xf32, #tpu.memory_space<vmem_shared>> -> memref<80x64xf32, #tpu.memory_space<vmem_shared>>
      %dma_start3A_243 = arith.constant 0 : i32
      %dma_start3A_244 = arith.constant 0 : i32
      %dma_start3A_245 = tpu.memref_slice %arg11[%run_scoped3A_19, %dma_start3A_243, %dma_start3A_244] : memref<5x80x64xf32, #tpu.memory_space<vmem>> -> memref<1x80x64xf32, #tpu.memory_space<vmem>>
      %dma_start3A_246 = tpu.memref_squeeze %dma_start3A_245 : memref<1x80x64xf32, #tpu.memory_space<vmem>> -> memref<80x64xf32, #tpu.memory_space<vmem>>
      tpu.enqueue_dma source(%dma_start3A_246 : memref<80x64xf32, #tpu.memory_space<vmem>>) target(%dma_start3A_242 : memref<80x64xf32, #tpu.memory_space<vmem_shared>>) target_semaphore(%run_scoped3A_234 : memref<!tpu.dma_semaphore, #tpu.memory_space<semaphore_mem>>)
      %dma_wait3A_247 = arith.constant 0 : i32
      %dma_wait3A_248 = arith.constant 0 : i32
      %dma_wait3A_249 = tpu.memref_slice %arg11[%run_scoped3A_19, %dma_wait3A_247, %dma_wait3A_248] : memref<5x80x64xf32, #tpu.memory_space<vmem>> -> memref<1x80x64xf32, #tpu.memory_space<vmem>>
      %dma_wait3A_250 = tpu.memref_squeeze %dma_wait3A_249 : memref<1x80x64xf32, #tpu.memory_space<vmem>> -> memref<80x64xf32, #tpu.memory_space<vmem>>
      %dma_wait3A_251 = arith.constant 0 : i32
      %dma_wait3A_252 = tpu.memref_slice %arg14[%add3A_18, %dma_wait3A_251] : memref<10000x64xf32, #tpu.memory_space<vmem_shared>> -> memref<80x64xf32, #tpu.memory_space<vmem_shared>>
      %dma_wait3A_253 = arith.constant 0 : i32
      %dma_wait3A_254 = tpu.memref_slice %arg14[%add3A_18, %dma_wait3A_253] : memref<10000x64xf32, #tpu.memory_space<vmem_shared>> -> memref<80x64xf32, #tpu.memory_space<vmem_shared>>
      %dma_wait3A_255 = arith.constant 0 : i32
      %dma_wait3A_256 = arith.constant 0 : i32
      %dma_wait3A_257 = tpu.memref_slice %arg11[%run_scoped3A_19, %dma_wait3A_255, %dma_wait3A_256] : memref<5x80x64xf32, #tpu.memory_space<vmem>> -> memref<1x80x64xf32, #tpu.memory_space<vmem>>
      %dma_wait3A_258 = tpu.memref_squeeze %dma_wait3A_257 : memref<1x80x64xf32, #tpu.memory_space<vmem>> -> memref<80x64xf32, #tpu.memory_space<vmem>>
      tpu.wait_dma2 semaphore(%run_scoped3A_234 : memref<!tpu.dma_semaphore, #tpu.memory_space<semaphore_mem>>) src(%dma_wait3A_258 : memref<80x64xf32, #tpu.memory_space<vmem>>) dst(%dma_wait3A_254 : memref<80x64xf32, #tpu.memory_space<vmem_shared>>)
      tpu.yield
    }) : () -> ()
    %mul3A_20 = arith.constant 624 : i32
    %mul3A_21 = arith.muli %arg1, %mul3A_20 : i32
    %add3A_22 = arith.constant 160 : i32
    %add3A_23 = arith.addi %mul3A_21, %add3A_22 : i32
    %run_scoped3A_24 = arith.constant 0 : i32
    "tpu.region"() ({
      %run_scoped3A_234 = tpu.sem_alloc : memref<!tpu.dma_semaphore, #tpu.memory_space<semaphore_mem>>
      %dma_start3A_235 = arith.constant 0 : i32
      %dma_start3A_236 = arith.constant 0 : i32
      %dma_start3A_237 = tpu.memref_slice %arg11[%run_scoped3A_24, %dma_start3A_235, %dma_start3A_236] : memref<5x80x64xf32, #tpu.memory_space<vmem>> -> memref<1x80x64xf32, #tpu.memory_space<vmem>>
      %dma_start3A_238 = tpu.memref_squeeze %dma_start3A_237 : memref<1x80x64xf32, #tpu.memory_space<vmem>> -> memref<80x64xf32, #tpu.memory_space<vmem>>
      %dma_start3A_239 = arith.constant 0 : i32
      %dma_start3A_240 = tpu.memref_slice %arg14[%add3A_23, %dma_start3A_239] : memref<10000x64xf32, #tpu.memory_space<vmem_shared>> -> memref<80x64xf32, #tpu.memory_space<vmem_shared>>
      %dma_start3A_241 = arith.constant 0 : i32
      %dma_start3A_242 = tpu.memref_slice %arg14[%add3A_23, %dma_start3A_241] : memref<10000x64xf32, #tpu.memory_space<vmem_shared>> -> memref<80x64xf32, #tpu.memory_space<vmem_shared>>
      %dma_start3A_243 = arith.constant 0 : i32
      %dma_start3A_244 = arith.constant 0 : i32
      %dma_start3A_245 = tpu.memref_slice %arg11[%run_scoped3A_24, %dma_start3A_243, %dma_start3A_244] : memref<5x80x64xf32, #tpu.memory_space<vmem>> -> memref<1x80x64xf32, #tpu.memory_space<vmem>>
      %dma_start3A_246 = tpu.memref_squeeze %dma_start3A_245 : memref<1x80x64xf32, #tpu.memory_space<vmem>> -> memref<80x64xf32, #tpu.memory_space<vmem>>
      tpu.enqueue_dma source(%dma_start3A_246 : memref<80x64xf32, #tpu.memory_space<vmem>>) target(%dma_start3A_242 : memref<80x64xf32, #tpu.memory_space<vmem_shared>>) target_semaphore(%run_scoped3A_234 : memref<!tpu.dma_semaphore, #tpu.memory_space<semaphore_mem>>)
      %dma_wait3A_247 = arith.constant 0 : i32
      %dma_wait3A_248 = arith.constant 0 : i32
      %dma_wait3A_249 = tpu.memref_slice %arg11[%run_scoped3A_24, %dma_wait3A_247, %dma_wait3A_248] : memref<5x80x64xf32, #tpu.memory_space<vmem>> -> memref<1x80x64xf32, #tpu.memory_space<vmem>>
      %dma_wait3A_250 = tpu.memref_squeeze %dma_wait3A_249 : memref<1x80x64xf32, #tpu.memory_space<vmem>> -> memref<80x64xf32, #tpu.memory_space<vmem>>
      %dma_wait3A_251 = arith.constant 0 : i32
      %dma_wait3A_252 = tpu.memref_slice %arg14[%add3A_23, %dma_wait3A_251] : memref<10000x64xf32, #tpu.memory_space<vmem_shared>> -> memref<80x64xf32, #tpu.memory_space<vmem_shared>>
      %dma_wait3A_253 = arith.constant 0 : i32
      %dma_wait3A_254 = tpu.memref_slice %arg14[%add3A_23, %dma_wait3A_253] : memref<10000x64xf32, #tpu.memory_space<vmem_shared>> -> memref<80x64xf32, #tpu.memory_space<vmem_shared>>
      %dma_wait3A_255 = arith.constant 0 : i32
      %dma_wait3A_256 = arith.constant 0 : i32
      %dma_wait3A_257 = tpu.memref_slice %arg11[%run_scoped3A_24, %dma_wait3A_255, %dma_wait3A_256] : memref<5x80x64xf32, #tpu.memory_space<vmem>> -> memref<1x80x64xf32, #tpu.memory_space<vmem>>
      %dma_wait3A_258 = tpu.memref_squeeze %dma_wait3A_257 : memref<1x80x64xf32, #tpu.memory_space<vmem>> -> memref<80x64xf32, #tpu.memory_space<vmem>>
      tpu.wait_dma2 semaphore(%run_scoped3A_234 : memref<!tpu.dma_semaphore, #tpu.memory_space<semaphore_mem>>) src(%dma_wait3A_258 : memref<80x64xf32, #tpu.memory_space<vmem>>) dst(%dma_wait3A_254 : memref<80x64xf32, #tpu.memory_space<vmem_shared>>)
      tpu.yield
    }) : () -> ()
    %mul3A_25 = arith.constant 624 : i32
    %mul3A_26 = arith.muli %arg1, %mul3A_25 : i32
    %add3A_27 = arith.constant 240 : i32
    %add3A_28 = arith.addi %mul3A_26, %add3A_27 : i32
    %run_scoped3A_29 = arith.constant 0 : i32
    "tpu.region"() ({
      %run_scoped3A_234 = tpu.sem_alloc : memref<!tpu.dma_semaphore, #tpu.memory_space<semaphore_mem>>
      %dma_start3A_235 = arith.constant 0 : i32
      %dma_start3A_236 = arith.constant 0 : i32
      %dma_start3A_237 = tpu.memref_slice %arg11[%run_scoped3A_29, %dma_start3A_235, %dma_start3A_236] : memref<5x80x64xf32, #tpu.memory_space<vmem>> -> memref<1x80x64xf32, #tpu.memory_space<vmem>>
      %dma_start3A_238 = tpu.memref_squeeze %dma_start3A_237 : memref<1x80x64xf32, #tpu.memory_space<vmem>> -> memref<80x64xf32, #tpu.memory_space<vmem>>
      %dma_start3A_239 = arith.constant 0 : i32
      %dma_start3A_240 = tpu.memref_slice %arg14[%add3A_28, %dma_start3A_239] : memref<10000x64xf32, #tpu.memory_space<vmem_shared>> -> memref<80x64xf32, #tpu.memory_space<vmem_shared>>
      %dma_start3A_241 = arith.constant 0 : i32
      %dma_start3A_242 = tpu.memref_slice %arg14[%add3A_28, %dma_start3A_241] : memref<10000x64xf32, #tpu.memory_space<vmem_shared>> -> memref<80x64xf32, #tpu.memory_space<vmem_shared>>
      %dma_start3A_243 = arith.constant 0 : i32
      %dma_start3A_244 = arith.constant 0 : i32
      %dma_start3A_245 = tpu.memref_slice %arg11[%run_scoped3A_29, %dma_start3A_243, %dma_start3A_244] : memref<5x80x64xf32, #tpu.memory_space<vmem>> -> memref<1x80x64xf32, #tpu.memory_space<vmem>>
      %dma_start3A_246 = tpu.memref_squeeze %dma_start3A_245 : memref<1x80x64xf32, #tpu.memory_space<vmem>> -> memref<80x64xf32, #tpu.memory_space<vmem>>
      tpu.enqueue_dma source(%dma_start3A_246 : memref<80x64xf32, #tpu.memory_space<vmem>>) target(%dma_start3A_242 : memref<80x64xf32, #tpu.memory_space<vmem_shared>>) target_semaphore(%run_scoped3A_234 : memref<!tpu.dma_semaphore, #tpu.memory_space<semaphore_mem>>)
      %dma_wait3A_247 = arith.constant 0 : i32
      %dma_wait3A_248 = arith.constant 0 : i32
      %dma_wait3A_249 = tpu.memref_slice %arg11[%run_scoped3A_29, %dma_wait3A_247, %dma_wait3A_248] : memref<5x80x64xf32, #tpu.memory_space<vmem>> -> memref<1x80x64xf32, #tpu.memory_space<vmem>>
      %dma_wait3A_250 = tpu.memref_squeeze %dma_wait3A_249 : memref<1x80x64xf32, #tpu.memory_space<vmem>> -> memref<80x64xf32, #tpu.memory_space<vmem>>
      %dma_wait3A_251 = arith.constant 0 : i32
      %dma_wait3A_252 = tpu.memref_slice %arg14[%add3A_28, %dma_wait3A_251] : memref<10000x64xf32, #tpu.memory_space<vmem_shared>> -> memref<80x64xf32, #tpu.memory_space<vmem_shared>>
      %dma_wait3A_253 = arith.constant 0 : i32
      %dma_wait3A_254 = tpu.memref_slice %arg14[%add3A_28, %dma_wait3A_253] : memref<10000x64xf32, #tpu.memory_space<vmem_shared>> -> memref<80x64xf32, #tpu.memory_space<vmem_shared>>
      %dma_wait3A_255 = arith.constant 0 : i32
      %dma_wait3A_256 = arith.constant 0 : i32
      %dma_wait3A_257 = tpu.memref_slice %arg11[%run_scoped3A_29, %dma_wait3A_255, %dma_wait3A_256] : memref<5x80x64xf32, #tpu.memory_space<vmem>> -> memref<1x80x64xf32, #tpu.memory_space<vmem>>
      %dma_wait3A_258 = tpu.memref_squeeze %dma_wait3A_257 : memref<1x80x64xf32, #tpu.memory_space<vmem>> -> memref<80x64xf32, #tpu.memory_space<vmem>>
      tpu.wait_dma2 semaphore(%run_scoped3A_234 : memref<!tpu.dma_semaphore, #tpu.memory_space<semaphore_mem>>) src(%dma_wait3A_258 : memref<80x64xf32, #tpu.memory_space<vmem>>) dst(%dma_wait3A_254 : memref<80x64xf32, #tpu.memory_space<vmem_shared>>)
      tpu.yield
    }) : () -> ()
    %mul3A_30 = arith.constant 624 : i32
    %mul3A_31 = arith.muli %arg1, %mul3A_30 : i32
    %add3A_32 = arith.constant 320 : i32
    %add3A_33 = arith.addi %mul3A_31, %add3A_32 : i32
    %run_scoped3A_34 = arith.constant 0 : i32
    "tpu.region"() ({
      %run_scoped3A_234 = tpu.sem_alloc : memref<!tpu.dma_semaphore, #tpu.memory_space<semaphore_mem>>
      %dma_start3A_235 = arith.constant 0 : i32
      %dma_start3A_236 = arith.constant 0 : i32
      %dma_start3A_237 = tpu.memref_slice %arg11[%run_scoped3A_34, %dma_start3A_235, %dma_start3A_236] : memref<5x80x64xf32, #tpu.memory_space<vmem>> -> memref<1x80x64xf32, #tpu.memory_space<vmem>>
      %dma_start3A_238 = tpu.memref_squeeze %dma_start3A_237 : memref<1x80x64xf32, #tpu.memory_space<vmem>> -> memref<80x64xf32, #tpu.memory_space<vmem>>
      %dma_start3A_239 = arith.constant 0 : i32
      %dma_start3A_240 = tpu.memref_slice %arg14[%add3A_33, %dma_start3A_239] : memref<10000x64xf32, #tpu.memory_space<vmem_shared>> -> memref<80x64xf32, #tpu.memory_space<vmem_shared>>
      %dma_start3A_241 = arith.constant 0 : i32
      %dma_start3A_242 = tpu.memref_slice %arg14[%add3A_33, %dma_start3A_241] : memref<10000x64xf32, #tpu.memory_space<vmem_shared>> -> memref<80x64xf32, #tpu.memory_space<vmem_shared>>
      %dma_start3A_243 = arith.constant 0 : i32
      %dma_start3A_244 = arith.constant 0 : i32
      %dma_start3A_245 = tpu.memref_slice %arg11[%run_scoped3A_34, %dma_start3A_243, %dma_start3A_244] : memref<5x80x64xf32, #tpu.memory_space<vmem>> -> memref<1x80x64xf32, #tpu.memory_space<vmem>>
      %dma_start3A_246 = tpu.memref_squeeze %dma_start3A_245 : memref<1x80x64xf32, #tpu.memory_space<vmem>> -> memref<80x64xf32, #tpu.memory_space<vmem>>
      tpu.enqueue_dma source(%dma_start3A_246 : memref<80x64xf32, #tpu.memory_space<vmem>>) target(%dma_start3A_242 : memref<80x64xf32, #tpu.memory_space<vmem_shared>>) target_semaphore(%run_scoped3A_234 : memref<!tpu.dma_semaphore, #tpu.memory_space<semaphore_mem>>)
      %dma_wait3A_247 = arith.constant 0 : i32
      %dma_wait3A_248 = arith.constant 0 : i32
      %dma_wait3A_249 = tpu.memref_slice %arg11[%run_scoped3A_34, %dma_wait3A_247, %dma_wait3A_248] : memref<5x80x64xf32, #tpu.memory_space<vmem>> -> memref<1x80x64xf32, #tpu.memory_space<vmem>>
      %dma_wait3A_250 = tpu.memref_squeeze %dma_wait3A_249 : memref<1x80x64xf32, #tpu.memory_space<vmem>> -> memref<80x64xf32, #tpu.memory_space<vmem>>
      %dma_wait3A_251 = arith.constant 0 : i32
      %dma_wait3A_252 = tpu.memref_slice %arg14[%add3A_33, %dma_wait3A_251] : memref<10000x64xf32, #tpu.memory_space<vmem_shared>> -> memref<80x64xf32, #tpu.memory_space<vmem_shared>>
      %dma_wait3A_253 = arith.constant 0 : i32
      %dma_wait3A_254 = tpu.memref_slice %arg14[%add3A_33, %dma_wait3A_253] : memref<10000x64xf32, #tpu.memory_space<vmem_shared>> -> memref<80x64xf32, #tpu.memory_space<vmem_shared>>
      %dma_wait3A_255 = arith.constant 0 : i32
      %dma_wait3A_256 = arith.constant 0 : i32
      %dma_wait3A_257 = tpu.memref_slice %arg11[%run_scoped3A_34, %dma_wait3A_255, %dma_wait3A_256] : memref<5x80x64xf32, #tpu.memory_space<vmem>> -> memref<1x80x64xf32, #tpu.memory_space<vmem>>
      %dma_wait3A_258 = tpu.memref_squeeze %dma_wait3A_257 : memref<1x80x64xf32, #tpu.memory_space<vmem>> -> memref<80x64xf32, #tpu.memory_space<vmem>>
      tpu.wait_dma2 semaphore(%run_scoped3A_234 : memref<!tpu.dma_semaphore, #tpu.memory_space<semaphore_mem>>) src(%dma_wait3A_258 : memref<80x64xf32, #tpu.memory_space<vmem>>) dst(%dma_wait3A_254 : memref<80x64xf32, #tpu.memory_space<vmem_shared>>)
      tpu.yield
    }) : () -> ()
    %mul3A_35 = arith.constant 624 : i32
    %mul3A_36 = arith.muli %arg1, %mul3A_35 : i32
    %add3A_37 = arith.constant 400 : i32
    %add3A_38 = arith.addi %mul3A_36, %add3A_37 : i32
    %run_scoped3A_39 = arith.constant 0 : i32
    "tpu.region"() ({
      %run_scoped3A_234 = tpu.sem_alloc : memref<!tpu.dma_semaphore, #tpu.memory_space<semaphore_mem>>
      %dma_start3A_235 = arith.constant 0 : i32
      %dma_start3A_236 = arith.constant 0 : i32
      %dma_start3A_237 = tpu.memref_slice %arg11[%run_scoped3A_39, %dma_start3A_235, %dma_start3A_236] : memref<5x80x64xf32, #tpu.memory_space<vmem>> -> memref<1x80x64xf32, #tpu.memory_space<vmem>>
      %dma_start3A_238 = tpu.memref_squeeze %dma_start3A_237 : memref<1x80x64xf32, #tpu.memory_space<vmem>> -> memref<80x64xf32, #tpu.memory_space<vmem>>
      %dma_start3A_239 = arith.constant 0 : i32
      %dma_start3A_240 = tpu.memref_slice %arg14[%add3A_38, %dma_start3A_239] : memref<10000x64xf32, #tpu.memory_space<vmem_shared>> -> memref<80x64xf32, #tpu.memory_space<vmem_shared>>
      %dma_start3A_241 = arith.constant 0 : i32
      %dma_start3A_242 = tpu.memref_slice %arg14[%add3A_38, %dma_start3A_241] : memref<10000x64xf32, #tpu.memory_space<vmem_shared>> -> memref<80x64xf32, #tpu.memory_space<vmem_shared>>
      %dma_start3A_243 = arith.constant 0 : i32
      %dma_start3A_244 = arith.constant 0 : i32
      %dma_start3A_245 = tpu.memref_slice %arg11[%run_scoped3A_39, %dma_start3A_243, %dma_start3A_244] : memref<5x80x64xf32, #tpu.memory_space<vmem>> -> memref<1x80x64xf32, #tpu.memory_space<vmem>>
      %dma_start3A_246 = tpu.memref_squeeze %dma_start3A_245 : memref<1x80x64xf32, #tpu.memory_space<vmem>> -> memref<80x64xf32, #tpu.memory_space<vmem>>
      tpu.enqueue_dma source(%dma_start3A_246 : memref<80x64xf32, #tpu.memory_space<vmem>>) target(%dma_start3A_242 : memref<80x64xf32, #tpu.memory_space<vmem_shared>>) target_semaphore(%run_scoped3A_234 : memref<!tpu.dma_semaphore, #tpu.memory_space<semaphore_mem>>)
      %dma_wait3A_247 = arith.constant 0 : i32
      %dma_wait3A_248 = arith.constant 0 : i32
      %dma_wait3A_249 = tpu.memref_slice %arg11[%run_scoped3A_39, %dma_wait3A_247, %dma_wait3A_248] : memref<5x80x64xf32, #tpu.memory_space<vmem>> -> memref<1x80x64xf32, #tpu.memory_space<vmem>>
      %dma_wait3A_250 = tpu.memref_squeeze %dma_wait3A_249 : memref<1x80x64xf32, #tpu.memory_space<vmem>> -> memref<80x64xf32, #tpu.memory_space<vmem>>
      %dma_wait3A_251 = arith.constant 0 : i32
      %dma_wait3A_252 = tpu.memref_slice %arg14[%add3A_38, %dma_wait3A_251] : memref<10000x64xf32, #tpu.memory_space<vmem_shared>> -> memref<80x64xf32, #tpu.memory_space<vmem_shared>>
      %dma_wait3A_253 = arith.constant 0 : i32
      %dma_wait3A_254 = tpu.memref_slice %arg14[%add3A_38, %dma_wait3A_253] : memref<10000x64xf32, #tpu.memory_space<vmem_shared>> -> memref<80x64xf32, #tpu.memory_space<vmem_shared>>
      %dma_wait3A_255 = arith.constant 0 : i32
      %dma_wait3A_256 = arith.constant 0 : i32
      %dma_wait3A_257 = tpu.memref_slice %arg11[%run_scoped3A_39, %dma_wait3A_255, %dma_wait3A_256] : memref<5x80x64xf32, #tpu.memory_space<vmem>> -> memref<1x80x64xf32, #tpu.memory_space<vmem>>
      %dma_wait3A_258 = tpu.memref_squeeze %dma_wait3A_257 : memref<1x80x64xf32, #tpu.memory_space<vmem>> -> memref<80x64xf32, #tpu.memory_space<vmem>>
      tpu.wait_dma2 semaphore(%run_scoped3A_234 : memref<!tpu.dma_semaphore, #tpu.memory_space<semaphore_mem>>) src(%dma_wait3A_258 : memref<80x64xf32, #tpu.memory_space<vmem>>) dst(%dma_wait3A_254 : memref<80x64xf32, #tpu.memory_space<vmem_shared>>)
      tpu.yield
    }) : () -> ()
    %mul3A_40 = arith.constant 624 : i32
    %mul3A_41 = arith.muli %arg1, %mul3A_40 : i32
    %add3A_42 = arith.constant 480 : i32
    %add3A_43 = arith.addi %mul3A_41, %add3A_42 : i32
    %run_scoped3A_44 = arith.constant 0 : i32
    "tpu.region"() ({
      %run_scoped3A_234 = tpu.sem_alloc : memref<!tpu.dma_semaphore, #tpu.memory_space<semaphore_mem>>
      %dma_start3A_235 = arith.constant 0 : i32
      %dma_start3A_236 = arith.constant 0 : i32
      %dma_start3A_237 = tpu.memref_slice %arg11[%run_scoped3A_44, %dma_start3A_235, %dma_start3A_236] : memref<5x80x64xf32, #tpu.memory_space<vmem>> -> memref<1x80x64xf32, #tpu.memory_space<vmem>>
      %dma_start3A_238 = tpu.memref_squeeze %dma_start3A_237 : memref<1x80x64xf32, #tpu.memory_space<vmem>> -> memref<80x64xf32, #tpu.memory_space<vmem>>
      %dma_start3A_239 = arith.constant 0 : i32
      %dma_start3A_240 = tpu.memref_slice %arg14[%add3A_43, %dma_start3A_239] : memref<10000x64xf32, #tpu.memory_space<vmem_shared>> -> memref<80x64xf32, #tpu.memory_space<vmem_shared>>
      %dma_start3A_241 = arith.constant 0 : i32
      %dma_start3A_242 = tpu.memref_slice %arg14[%add3A_43, %dma_start3A_241] : memref<10000x64xf32, #tpu.memory_space<vmem_shared>> -> memref<80x64xf32, #tpu.memory_space<vmem_shared>>
      %dma_start3A_243 = arith.constant 0 : i32
      %dma_start3A_244 = arith.constant 0 : i32
      %dma_start3A_245 = tpu.memref_slice %arg11[%run_scoped3A_44, %dma_start3A_243, %dma_start3A_244] : memref<5x80x64xf32, #tpu.memory_space<vmem>> -> memref<1x80x64xf32, #tpu.memory_space<vmem>>
      %dma_start3A_246 = tpu.memref_squeeze %dma_start3A_245 : memref<1x80x64xf32, #tpu.memory_space<vmem>> -> memref<80x64xf32, #tpu.memory_space<vmem>>
      tpu.enqueue_dma source(%dma_start3A_246 : memref<80x64xf32, #tpu.memory_space<vmem>>) target(%dma_start3A_242 : memref<80x64xf32, #tpu.memory_space<vmem_shared>>) target_semaphore(%run_scoped3A_234 : memref<!tpu.dma_semaphore, #tpu.memory_space<semaphore_mem>>)
      %dma_wait3A_247 = arith.constant 0 : i32
      %dma_wait3A_248 = arith.constant 0 : i32
      %dma_wait3A_249 = tpu.memref_slice %arg11[%run_scoped3A_44, %dma_wait3A_247, %dma_wait3A_248] : memref<5x80x64xf32, #tpu.memory_space<vmem>> -> memref<1x80x64xf32, #tpu.memory_space<vmem>>
      %dma_wait3A_250 = tpu.memref_squeeze %dma_wait3A_249 : memref<1x80x64xf32, #tpu.memory_space<vmem>> -> memref<80x64xf32, #tpu.memory_space<vmem>>
      %dma_wait3A_251 = arith.constant 0 : i32
      %dma_wait3A_252 = tpu.memref_slice %arg14[%add3A_43, %dma_wait3A_251] : memref<10000x64xf32, #tpu.memory_space<vmem_shared>> -> memref<80x64xf32, #tpu.memory_space<vmem_shared>>
      %dma_wait3A_253 = arith.constant 0 : i32
      %dma_wait3A_254 = tpu.memref_slice %arg14[%add3A_43, %dma_wait3A_253] : memref<10000x64xf32, #tpu.memory_space<vmem_shared>> -> memref<80x64xf32, #tpu.memory_space<vmem_shared>>
      %dma_wait3A_255 = arith.constant 0 : i32
      %dma_wait3A_256 = arith.constant 0 : i32
      %dma_wait3A_257 = tpu.memref_slice %arg11[%run_scoped3A_44, %dma_wait3A_255, %dma_wait3A_256] : memref<5x80x64xf32, #tpu.memory_space<vmem>> -> memref<1x80x64xf32, #tpu.memory_space<vmem>>
      %dma_wait3A_258 = tpu.memref_squeeze %dma_wait3A_257 : memref<1x80x64xf32, #tpu.memory_space<vmem>> -> memref<80x64xf32, #tpu.memory_space<vmem>>
      tpu.wait_dma2 semaphore(%run_scoped3A_234 : memref<!tpu.dma_semaphore, #tpu.memory_space<semaphore_mem>>) src(%dma_wait3A_258 : memref<80x64xf32, #tpu.memory_space<vmem>>) dst(%dma_wait3A_254 : memref<80x64xf32, #tpu.memory_space<vmem_shared>>)
      tpu.yield
    }) : () -> ()
    %mul3A_45 = arith.constant 624 : i32
    %mul3A_46 = arith.muli %arg1, %mul3A_45 : i32
    %add3A_47 = arith.constant 560 : i32
    %add3A_48 = arith.addi %mul3A_46, %add3A_47 : i32
    %run_scoped3A_49 = arith.constant 0 : i32
    "tpu.region"() ({
      %run_scoped3A_234 = tpu.sem_alloc : memref<!tpu.dma_semaphore, #tpu.memory_space<semaphore_mem>>
      %dma_start3A_235 = arith.constant 0 : i32
      %dma_start3A_236 = arith.constant 0 : i32
      %dma_start3A_237 = tpu.memref_slice %arg11[%run_scoped3A_49, %dma_start3A_235, %dma_start3A_236] : memref<5x80x64xf32, #tpu.memory_space<vmem>> -> memref<1x64x64xf32, #tpu.memory_space<vmem>>
      %dma_start3A_238 = tpu.memref_squeeze %dma_start3A_237 : memref<1x64x64xf32, #tpu.memory_space<vmem>> -> memref<64x64xf32, #tpu.memory_space<vmem>>
      %dma_start3A_239 = arith.constant 0 : i32
      %dma_start3A_240 = tpu.memref_slice %arg14[%add3A_48, %dma_start3A_239] : memref<10000x64xf32, #tpu.memory_space<vmem_shared>> -> memref<64x64xf32, #tpu.memory_space<vmem_shared>>
      %dma_start3A_241 = arith.constant 0 : i32
      %dma_start3A_242 = tpu.memref_slice %arg14[%add3A_48, %dma_start3A_241] : memref<10000x64xf32, #tpu.memory_space<vmem_shared>> -> memref<64x64xf32, #tpu.memory_space<vmem_shared>>
      %dma_start3A_243 = arith.constant 0 : i32
      %dma_start3A_244 = arith.constant 0 : i32
      %dma_start3A_245 = tpu.memref_slice %arg11[%run_scoped3A_49, %dma_start3A_243, %dma_start3A_244] : memref<5x80x64xf32, #tpu.memory_space<vmem>> -> memref<1x64x64xf32, #tpu.memory_space<vmem>>
      %dma_start3A_246 = tpu.memref_squeeze %dma_start3A_245 : memref<1x64x64xf32, #tpu.memory_space<vmem>> -> memref<64x64xf32, #tpu.memory_space<vmem>>
      tpu.enqueue_dma source(%dma_start3A_246 : memref<64x64xf32, #tpu.memory_space<vmem>>) target(%dma_start3A_242 : memref<64x64xf32, #tpu.memory_space<vmem_shared>>) target_semaphore(%run_scoped3A_234 : memref<!tpu.dma_semaphore, #tpu.memory_space<semaphore_mem>>)
      %dma_wait3A_247 = arith.constant 0 : i32
      %dma_wait3A_248 = arith.constant 0 : i32
      %dma_wait3A_249 = tpu.memref_slice %arg11[%run_scoped3A_49, %dma_wait3A_247, %dma_wait3A_248] : memref<5x80x64xf32, #tpu.memory_space<vmem>> -> memref<1x64x64xf32, #tpu.memory_space<vmem>>
      %dma_wait3A_250 = tpu.memref_squeeze %dma_wait3A_249 : memref<1x64x64xf32, #tpu.memory_space<vmem>> -> memref<64x64xf32, #tpu.memory_space<vmem>>
      %dma_wait3A_251 = arith.constant 0 : i32
      %dma_wait3A_252 = tpu.memref_slice %arg14[%add3A_48, %dma_wait3A_251] : memref<10000x64xf32, #tpu.memory_space<vmem_shared>> -> memref<64x64xf32, #tpu.memory_space<vmem_shared>>
      %dma_wait3A_253 = arith.constant 0 : i32
      %dma_wait3A_254 = tpu.memref_slice %arg14[%add3A_48, %dma_wait3A_253] : memref<10000x64xf32, #tpu.memory_space<vmem_shared>> -> memref<64x64xf32, #tpu.memory_space<vmem_shared>>
      %dma_wait3A_255 = arith.constant 0 : i32
      %dma_wait3A_256 = arith.constant 0 : i32
      %dma_wait3A_257 = tpu.memref_slice %arg11[%run_scoped3A_49, %dma_wait3A_255, %dma_wait3A_256] : memref<5x80x64xf32, #tpu.memory_space<vmem>> -> memref<1x64x64xf32, #tpu.memory_space<vmem>>
      %dma_wait3A_258 = tpu.memref_squeeze %dma_wait3A_257 : memref<1x64x64xf32, #tpu.memory_space<vmem>> -> memref<64x64xf32, #tpu.memory_space<vmem>>
      tpu.wait_dma2 semaphore(%run_scoped3A_234 : memref<!tpu.dma_semaphore, #tpu.memory_space<semaphore_mem>>) src(%dma_wait3A_258 : memref<64x64xf32, #tpu.memory_space<vmem>>) dst(%dma_wait3A_254 : memref<64x64xf32, #tpu.memory_space<vmem_shared>>)
      tpu.yield
    }) : () -> ()
    %eq3A_50 = arith.constant 15 : i32
    %eq3A_51 = arith.cmpi eq, %arg1, %eq3A_50 : i32
    %convert_element_type3A_52 = arith.extui %eq3A_51 : i1 to i32
    %cond3A_53 = arith.constant 0 : i32
    %cond3A_54 = arith.cmpi ne, %convert_element_type3A_52, %cond3A_53 : i32
    scf.if %cond3A_54 {
      %run_scoped3A_234 = arith.constant 0 : i32
      "tpu.region"() ({
        %run_scoped3A_235 = tpu.sem_alloc : memref<!tpu.dma_semaphore, #tpu.memory_space<semaphore_mem>>
        %dma_start3A_236 = arith.constant 0 : i32
        %dma_start3A_237 = arith.constant 0 : i32
        %dma_start3A_238 = tpu.memref_slice %arg11[%run_scoped3A_234, %dma_start3A_236, %dma_start3A_237] : memref<5x80x64xf32, #tpu.memory_space<vmem>> -> memref<1x16x64xf32, #tpu.memory_space<vmem>>
        %dma_start3A_239 = tpu.memref_squeeze %dma_start3A_238 : memref<1x16x64xf32, #tpu.memory_space<vmem>> -> memref<16x64xf32, #tpu.memory_space<vmem>>
        %dma_start3A_240 = arith.constant 9984 : i32
        %dma_start3A_241 = arith.constant 0 : i32
        %dma_start3A_242 = tpu.memref_slice %arg14[%dma_start3A_240, %dma_start3A_241] : memref<10000x64xf32, #tpu.memory_space<vmem_shared>> -> memref<16x64xf32, #tpu.memory_space<vmem_shared>>
        %dma_start3A_243 = arith.constant 9984 : i32
        %dma_start3A_244 = arith.constant 0 : i32
        %dma_start3A_245 = tpu.memref_slice %arg14[%dma_start3A_243, %dma_start3A_244] : memref<10000x64xf32, #tpu.memory_space<vmem_shared>> -> memref<16x64xf32, #tpu.memory_space<vmem_shared>>
        %dma_start3A_246 = arith.constant 0 : i32
        %dma_start3A_247 = arith.constant 0 : i32
        %dma_start3A_248 = tpu.memref_slice %arg11[%run_scoped3A_234, %dma_start3A_246, %dma_start3A_247] : memref<5x80x64xf32, #tpu.memory_space<vmem>> -> memref<1x16x64xf32, #tpu.memory_space<vmem>>
        %dma_start3A_249 = tpu.memref_squeeze %dma_start3A_248 : memref<1x16x64xf32, #tpu.memory_space<vmem>> -> memref<16x64xf32, #tpu.memory_space<vmem>>
        tpu.enqueue_dma source(%dma_start3A_249 : memref<16x64xf32, #tpu.memory_space<vmem>>) target(%dma_start3A_245 : memref<16x64xf32, #tpu.memory_space<vmem_shared>>) target_semaphore(%run_scoped3A_235 : memref<!tpu.dma_semaphore, #tpu.memory_space<semaphore_mem>>)
        %dma_wait3A_250 = arith.constant 0 : i32
        %dma_wait3A_251 = arith.constant 0 : i32
        %dma_wait3A_252 = tpu.memref_slice %arg11[%run_scoped3A_234, %dma_wait3A_250, %dma_wait3A_251] : memref<5x80x64xf32, #tpu.memory_space<vmem>> -> memref<1x16x64xf32, #tpu.memory_space<vmem>>
        %dma_wait3A_253 = tpu.memref_squeeze %dma_wait3A_252 : memref<1x16x64xf32, #tpu.memory_space<vmem>> -> memref<16x64xf32, #tpu.memory_space<vmem>>
        %dma_wait3A_254 = arith.constant 9984 : i32
        %dma_wait3A_255 = arith.constant 0 : i32
        %dma_wait3A_256 = tpu.memref_slice %arg14[%dma_wait3A_254, %dma_wait3A_255] : memref<10000x64xf32, #tpu.memory_space<vmem_shared>> -> memref<16x64xf32, #tpu.memory_space<vmem_shared>>
        %dma_wait3A_257 = arith.constant 9984 : i32
        %dma_wait3A_258 = arith.constant 0 : i32
        %dma_wait3A_259 = tpu.memref_slice %arg14[%dma_wait3A_257, %dma_wait3A_258] : memref<10000x64xf32, #tpu.memory_space<vmem_shared>> -> memref<16x64xf32, #tpu.memory_space<vmem_shared>>
        %dma_wait3A_260 = arith.constant 0 : i32
        %dma_wait3A_261 = arith.constant 0 : i32
        %dma_wait3A_262 = tpu.memref_slice %arg11[%run_scoped3A_234, %dma_wait3A_260, %dma_wait3A_261] : memref<5x80x64xf32, #tpu.memory_space<vmem>> -> memref<1x16x64xf32, #tpu.memory_space<vmem>>
        %dma_wait3A_263 = tpu.memref_squeeze %dma_wait3A_262 : memref<1x16x64xf32, #tpu.memory_space<vmem>> -> memref<16x64xf32, #tpu.memory_space<vmem>>
        tpu.wait_dma2 semaphore(%run_scoped3A_235 : memref<!tpu.dma_semaphore, #tpu.memory_space<semaphore_mem>>) src(%dma_wait3A_263 : memref<16x64xf32, #tpu.memory_space<vmem>>) dst(%dma_wait3A_259 : memref<16x64xf32, #tpu.memory_space<vmem_shared>>)
        tpu.yield
      }) : () -> ()
    } else {
    }
    %barrier3A = arith.constant 0 : index
    tpu.barrier barrier_id(%barrier3A)
    %dma_start3A = arith.constant 0 : i32
    %dma_start3A_55 = arith.constant 0 : i32
    %dma_start3A_56 = arith.constant 0 : i32
    %dma_start3A_57 = arith.constant 0 : i32
    %dma_start3A_58 = arith.constant 0 : i32
    %dma_start3A_59 = tpu.memref_slice %arg11[%dma_start3A_55, %dma_start3A_57, %dma_start3A_58] : memref<5x80x64xf32, #tpu.memory_space<vmem>> -> memref<1x80x64xf32, #tpu.memory_space<vmem>>
    %dma_start3A_60 = tpu.memref_squeeze %dma_start3A_59 : memref<1x80x64xf32, #tpu.memory_space<vmem>> -> memref<80x64xf32, #tpu.memory_space<vmem>>
    %dma_start3A_61 = arith.constant 0 : i32
    %dma_start3A_62 = tpu.memref_slice %arg8[%dma_start3A, %dma_start3A_61] : memref<125x80xi32, #tpu.memory_space<vmem>> -> memref<1x80xi32, #tpu.memory_space<vmem>>
    %dma_start3A_63 = tpu.memref_squeeze %dma_start3A_62 : memref<1x80xi32, #tpu.memory_space<vmem>> -> memref<80xi32, #tpu.memory_space<vmem>>
    %dma_start3A_64 = arith.constant 0 : i32
    %dma_start3A_65 = arith.constant 0 : i32
    %dma_start3A_66 = tpu.memref_slice %arg2[%dma_start3A_64, %dma_start3A_65] : memref<10000x64xf32, #tpu.memory_space<hbm>> -> memref<10000x64xf32, #tpu.memory_space<hbm>>
    %dma_start3A_67 = tpu.memref_slice %arg16[%dma_start3A_56] : memref<5x!tpu.dma_semaphore, #tpu.memory_space<semaphore_mem>> -> memref<1x!tpu.dma_semaphore, #tpu.memory_space<semaphore_mem>>
    %dma_start3A_68 = tpu.memref_squeeze %dma_start3A_67 : memref<1x!tpu.dma_semaphore, #tpu.memory_space<semaphore_mem>> -> memref<!tpu.dma_semaphore, #tpu.memory_space<semaphore_mem>>
    tpu.enqueue_indirect_dma source(%dma_start3A_66 : memref<10000x64xf32, #tpu.memory_space<hbm>>) target(%dma_start3A_60 : memref<80x64xf32, #tpu.memory_space<vmem>>) offsets(%dma_start3A_63 : memref<80xi32, #tpu.memory_space<vmem>>) semaphore(%dma_start3A_68 : memref<!tpu.dma_semaphore, #tpu.memory_space<semaphore_mem>>)
    %dma_start3A_69 = arith.constant 0 : i32
    %dma_start3A_70 = arith.constant 0 : i32
    %dma_start3A_71 = arith.constant 0 : i32
    %dma_start3A_72 = arith.constant 0 : i32
    %dma_start3A_73 = arith.constant 0 : i32
    %dma_start3A_74 = tpu.memref_slice %arg12[%dma_start3A_70, %dma_start3A_72, %dma_start3A_73] : memref<5x80x64xf32, #tpu.memory_space<vmem>> -> memref<1x80x64xf32, #tpu.memory_space<vmem>>
    %dma_start3A_75 = tpu.memref_squeeze %dma_start3A_74 : memref<1x80x64xf32, #tpu.memory_space<vmem>> -> memref<80x64xf32, #tpu.memory_space<vmem>>
    %dma_start3A_76 = arith.constant 0 : i32
    %dma_start3A_77 = tpu.memref_slice %arg10[%dma_start3A_69, %dma_start3A_76] : memref<125x80xi32, #tpu.memory_space<vmem>> -> memref<1x80xi32, #tpu.memory_space<vmem>>
    %dma_start3A_78 = tpu.memref_squeeze %dma_start3A_77 : memref<1x80xi32, #tpu.memory_space<vmem>> -> memref<80xi32, #tpu.memory_space<vmem>>
    %dma_start3A_79 = arith.constant 0 : i32
    %dma_start3A_80 = arith.constant 0 : i32
    %dma_start3A_81 = tpu.memref_slice %arg15[%dma_start3A_79, %dma_start3A_80] : memref<16x64xf32, #tpu.memory_space<vmem_shared>> -> memref<16x64xf32, #tpu.memory_space<vmem_shared>>
    %dma_start3A_82 = tpu.memref_slice %arg17[%dma_start3A_71] : memref<5x!tpu.dma_semaphore, #tpu.memory_space<semaphore_mem>> -> memref<1x!tpu.dma_semaphore, #tpu.memory_space<semaphore_mem>>
    %dma_start3A_83 = tpu.memref_squeeze %dma_start3A_82 : memref<1x!tpu.dma_semaphore, #tpu.memory_space<semaphore_mem>> -> memref<!tpu.dma_semaphore, #tpu.memory_space<semaphore_mem>>
    tpu.enqueue_indirect_dma source(%dma_start3A_81 : memref<16x64xf32, #tpu.memory_space<vmem_shared>>) target(%dma_start3A_75 : memref<80x64xf32, #tpu.memory_space<vmem>>) offsets(%dma_start3A_78 : memref<80xi32, #tpu.memory_space<vmem>>) semaphore(%dma_start3A_83 : memref<!tpu.dma_semaphore, #tpu.memory_space<semaphore_mem>>)
    %dma_start3A_84 = arith.constant 1 : i32
    %dma_start3A_85 = arith.constant 1 : i32
    %dma_start3A_86 = arith.constant 1 : i32
    %dma_start3A_87 = arith.constant 0 : i32
    %dma_start3A_88 = arith.constant 0 : i32
    %dma_start3A_89 = tpu.memref_slice %arg11[%dma_start3A_85, %dma_start3A_87, %dma_start3A_88] : memref<5x80x64xf32, #tpu.memory_space<vmem>> -> memref<1x80x64xf32, #tpu.memory_space<vmem>>
    %dma_start3A_90 = tpu.memref_squeeze %dma_start3A_89 : memref<1x80x64xf32, #tpu.memory_space<vmem>> -> memref<80x64xf32, #tpu.memory_space<vmem>>
    %dma_start3A_91 = arith.constant 0 : i32
    %dma_start3A_92 = tpu.memref_slice %arg8[%dma_start3A_84, %dma_start3A_91] : memref<125x80xi32, #tpu.memory_space<vmem>> -> memref<1x80xi32, #tpu.memory_space<vmem>>
    %dma_start3A_93 = tpu.memref_squeeze %dma_start3A_92 : memref<1x80xi32, #tpu.memory_space<vmem>> -> memref<80xi32, #tpu.memory_space<vmem>>
    %dma_start3A_94 = arith.constant 0 : i32
    %dma_start3A_95 = arith.constant 0 : i32
    %dma_start3A_96 = tpu.memref_slice %arg2[%dma_start3A_94, %dma_start3A_95] : memref<10000x64xf32, #tpu.memory_space<hbm>> -> memref<10000x64xf32, #tpu.memory_space<hbm>>
    %dma_start3A_97 = tpu.memref_slice %arg16[%dma_start3A_86] : memref<5x!tpu.dma_semaphore, #tpu.memory_space<semaphore_mem>> -> memref<1x!tpu.dma_semaphore, #tpu.memory_space<semaphore_mem>>
    %dma_start3A_98 = tpu.memref_squeeze %dma_start3A_97 : memref<1x!tpu.dma_semaphore, #tpu.memory_space<semaphore_mem>> -> memref<!tpu.dma_semaphore, #tpu.memory_space<semaphore_mem>>
    tpu.enqueue_indirect_dma source(%dma_start3A_96 : memref<10000x64xf32, #tpu.memory_space<hbm>>) target(%dma_start3A_90 : memref<80x64xf32, #tpu.memory_space<vmem>>) offsets(%dma_start3A_93 : memref<80xi32, #tpu.memory_space<vmem>>) semaphore(%dma_start3A_98 : memref<!tpu.dma_semaphore, #tpu.memory_space<semaphore_mem>>)
    %dma_start3A_99 = arith.constant 1 : i32
    %dma_start3A_100 = arith.constant 1 : i32
    %dma_start3A_101 = arith.constant 1 : i32
    %dma_start3A_102 = arith.constant 0 : i32
    %dma_start3A_103 = arith.constant 0 : i32
    %dma_start3A_104 = tpu.memref_slice %arg12[%dma_start3A_100, %dma_start3A_102, %dma_start3A_103] : memref<5x80x64xf32, #tpu.memory_space<vmem>> -> memref<1x80x64xf32, #tpu.memory_space<vmem>>
    %dma_start3A_105 = tpu.memref_squeeze %dma_start3A_104 : memref<1x80x64xf32, #tpu.memory_space<vmem>> -> memref<80x64xf32, #tpu.memory_space<vmem>>
    %dma_start3A_106 = arith.constant 0 : i32
    %dma_start3A_107 = tpu.memref_slice %arg10[%dma_start3A_99, %dma_start3A_106] : memref<125x80xi32, #tpu.memory_space<vmem>> -> memref<1x80xi32, #tpu.memory_space<vmem>>
    %dma_start3A_108 = tpu.memref_squeeze %dma_start3A_107 : memref<1x80xi32, #tpu.memory_space<vmem>> -> memref<80xi32, #tpu.memory_space<vmem>>
    %dma_start3A_109 = arith.constant 0 : i32
    %dma_start3A_110 = arith.constant 0 : i32
    %dma_start3A_111 = tpu.memref_slice %arg15[%dma_start3A_109, %dma_start3A_110] : memref<16x64xf32, #tpu.memory_space<vmem_shared>> -> memref<16x64xf32, #tpu.memory_space<vmem_shared>>
    %dma_start3A_112 = tpu.memref_slice %arg17[%dma_start3A_101] : memref<5x!tpu.dma_semaphore, #tpu.memory_space<semaphore_mem>> -> memref<1x!tpu.dma_semaphore, #tpu.memory_space<semaphore_mem>>
    %dma_start3A_113 = tpu.memref_squeeze %dma_start3A_112 : memref<1x!tpu.dma_semaphore, #tpu.memory_space<semaphore_mem>> -> memref<!tpu.dma_semaphore, #tpu.memory_space<semaphore_mem>>
    tpu.enqueue_indirect_dma source(%dma_start3A_111 : memref<16x64xf32, #tpu.memory_space<vmem_shared>>) target(%dma_start3A_105 : memref<80x64xf32, #tpu.memory_space<vmem>>) offsets(%dma_start3A_108 : memref<80xi32, #tpu.memory_space<vmem>>) semaphore(%dma_start3A_113 : memref<!tpu.dma_semaphore, #tpu.memory_space<semaphore_mem>>)
    %dma_start3A_114 = arith.constant 2 : i32
    %dma_start3A_115 = arith.constant 2 : i32
    %dma_start3A_116 = arith.constant 2 : i32
    %dma_start3A_117 = arith.constant 0 : i32
    %dma_start3A_118 = arith.constant 0 : i32
    %dma_start3A_119 = tpu.memref_slice %arg11[%dma_start3A_115, %dma_start3A_117, %dma_start3A_118] : memref<5x80x64xf32, #tpu.memory_space<vmem>> -> memref<1x80x64xf32, #tpu.memory_space<vmem>>
    %dma_start3A_120 = tpu.memref_squeeze %dma_start3A_119 : memref<1x80x64xf32, #tpu.memory_space<vmem>> -> memref<80x64xf32, #tpu.memory_space<vmem>>
    %dma_start3A_121 = arith.constant 0 : i32
    %dma_start3A_122 = tpu.memref_slice %arg8[%dma_start3A_114, %dma_start3A_121] : memref<125x80xi32, #tpu.memory_space<vmem>> -> memref<1x80xi32, #tpu.memory_space<vmem>>
    %dma_start3A_123 = tpu.memref_squeeze %dma_start3A_122 : memref<1x80xi32, #tpu.memory_space<vmem>> -> memref<80xi32, #tpu.memory_space<vmem>>
    %dma_start3A_124 = arith.constant 0 : i32
    %dma_start3A_125 = arith.constant 0 : i32
    %dma_start3A_126 = tpu.memref_slice %arg2[%dma_start3A_124, %dma_start3A_125] : memref<10000x64xf32, #tpu.memory_space<hbm>> -> memref<10000x64xf32, #tpu.memory_space<hbm>>
    %dma_start3A_127 = tpu.memref_slice %arg16[%dma_start3A_116] : memref<5x!tpu.dma_semaphore, #tpu.memory_space<semaphore_mem>> -> memref<1x!tpu.dma_semaphore, #tpu.memory_space<semaphore_mem>>
    %dma_start3A_128 = tpu.memref_squeeze %dma_start3A_127 : memref<1x!tpu.dma_semaphore, #tpu.memory_space<semaphore_mem>> -> memref<!tpu.dma_semaphore, #tpu.memory_space<semaphore_mem>>
    tpu.enqueue_indirect_dma source(%dma_start3A_126 : memref<10000x64xf32, #tpu.memory_space<hbm>>) target(%dma_start3A_120 : memref<80x64xf32, #tpu.memory_space<vmem>>) offsets(%dma_start3A_123 : memref<80xi32, #tpu.memory_space<vmem>>) semaphore(%dma_start3A_128 : memref<!tpu.dma_semaphore, #tpu.memory_space<semaphore_mem>>)
    %dma_start3A_129 = arith.constant 2 : i32
    %dma_start3A_130 = arith.constant 2 : i32
    %dma_start3A_131 = arith.constant 2 : i32
    %dma_start3A_132 = arith.constant 0 : i32
    %dma_start3A_133 = arith.constant 0 : i32
    %dma_start3A_134 = tpu.memref_slice %arg12[%dma_start3A_130, %dma_start3A_132, %dma_start3A_133] : memref<5x80x64xf32, #tpu.memory_space<vmem>> -> memref<1x80x64xf32, #tpu.memory_space<vmem>>
    %dma_start3A_135 = tpu.memref_squeeze %dma_start3A_134 : memref<1x80x64xf32, #tpu.memory_space<vmem>> -> memref<80x64xf32, #tpu.memory_space<vmem>>
    %dma_start3A_136 = arith.constant 0 : i32
    %dma_start3A_137 = tpu.memref_slice %arg10[%dma_start3A_129, %dma_start3A_136] : memref<125x80xi32, #tpu.memory_space<vmem>> -> memref<1x80xi32, #tpu.memory_space<vmem>>
    %dma_start3A_138 = tpu.memref_squeeze %dma_start3A_137 : memref<1x80xi32, #tpu.memory_space<vmem>> -> memref<80xi32, #tpu.memory_space<vmem>>
    %dma_start3A_139 = arith.constant 0 : i32
    %dma_start3A_140 = arith.constant 0 : i32
    %dma_start3A_141 = tpu.memref_slice %arg15[%dma_start3A_139, %dma_start3A_140] : memref<16x64xf32, #tpu.memory_space<vmem_shared>> -> memref<16x64xf32, #tpu.memory_space<vmem_shared>>
    %dma_start3A_142 = tpu.memref_slice %arg17[%dma_start3A_131] : memref<5x!tpu.dma_semaphore, #tpu.memory_space<semaphore_mem>> -> memref<1x!tpu.dma_semaphore, #tpu.memory_space<semaphore_mem>>
    %dma_start3A_143 = tpu.memref_squeeze %dma_start3A_142 : memref<1x!tpu.dma_semaphore, #tpu.memory_space<semaphore_mem>> -> memref<!tpu.dma_semaphore, #tpu.memory_space<semaphore_mem>>
    tpu.enqueue_indirect_dma source(%dma_start3A_141 : memref<16x64xf32, #tpu.memory_space<vmem_shared>>) target(%dma_start3A_135 : memref<80x64xf32, #tpu.memory_space<vmem>>) offsets(%dma_start3A_138 : memref<80xi32, #tpu.memory_space<vmem>>) semaphore(%dma_start3A_143 : memref<!tpu.dma_semaphore, #tpu.memory_space<semaphore_mem>>)
    %scan3A_144 = arith.constant 0 : i32
    %scan3A_145 = arith.constant 0 : i32
    %scan3A_146 = arith.constant 25 : i32
    %scan3A_147 = arith.addi %scan3A_145, %scan3A_146 : i32
    %scan3A_148 = arith.constant 1 : i32
    scf.for %scan3A_234 = %scan3A_145 to %scan3A_147 step %scan3A_148  : i32 {
      %mul3A_235 = arith.constant 5 : i32
      %mul3A_236 = arith.muli %scan3A_234, %mul3A_235 : i32
      %add3A_237 = arith.constant 0 : i32
      %add3A_238 = arith.addi %mul3A_236, %add3A_237 : i32
      %add3A_239 = arith.constant 3 : i32
      %add3A_240 = arith.addi %add3A_238, %add3A_239 : i32
      %lt3A = arith.constant 125 : i32
      %lt3A_241 = arith.cmpi slt, %add3A_240, %lt3A : i32
      %convert_element_type3A_242 = arith.extui %lt3A_241 : i1 to i32
      %cond3A_243 = arith.constant 0 : i32
      %cond3A_244 = arith.cmpi ne, %convert_element_type3A_242, %cond3A_243 : i32
      scf.if %cond3A_244 {
        %ge3A = arith.constant 5 : i32
        %ge3A_505 = arith.cmpi sge, %add3A_240, %ge3A : i32
        %convert_element_type3A_506 = arith.extui %ge3A_505 : i1 to i32
        %cond3A_507 = arith.constant 0 : i32
        %cond3A_508 = arith.cmpi ne, %convert_element_type3A_506, %cond3A_507 : i32
        scf.if %cond3A_508 {
          %sub3A = arith.constant 5 : i32
          %sub3A_537 = arith.subi %add3A_240, %sub3A : i32
          %dma_wait3A_538 = arith.constant 3 : i32
          %dma_wait3A_539 = arith.constant 3 : i32
          %dma_wait3A_540 = arith.constant 0 : i32
          %dma_wait3A_541 = arith.constant 0 : i32
          %dma_wait3A_542 = tpu.memref_slice %arg11[%dma_wait3A_538, %dma_wait3A_540, %dma_wait3A_541] : memref<5x80x64xf32, #tpu.memory_space<vmem>> -> memref<1x80x64xf32, #tpu.memory_space<vmem>>
          %dma_wait3A_543 = tpu.memref_squeeze %dma_wait3A_542 : memref<1x80x64xf32, #tpu.memory_space<vmem>> -> memref<80x64xf32, #tpu.memory_space<vmem>>
          %dma_wait3A_544 = arith.constant 0 : i32
          %dma_wait3A_545 = tpu.memref_slice %arg9[%sub3A_537, %dma_wait3A_544] : memref<125x80xi32, #tpu.memory_space<vmem>> -> memref<1x80xi32, #tpu.memory_space<vmem>>
          %dma_wait3A_546 = tpu.memref_squeeze %dma_wait3A_545 : memref<1x80xi32, #tpu.memory_space<vmem>> -> memref<80xi32, #tpu.memory_space<vmem>>
          %dma_wait3A_547 = arith.constant 0 : i32
          %dma_wait3A_548 = arith.constant 0 : i32
          %dma_wait3A_549 = tpu.memref_slice %arg14[%dma_wait3A_547, %dma_wait3A_548] : memref<10000x64xf32, #tpu.memory_space<vmem_shared>> -> memref<10000x64xf32, #tpu.memory_space<vmem_shared>>
          %dma_wait3A_550 = tpu.memref_slice %arg18[%dma_wait3A_539] : memref<5x!tpu.dma_semaphore, #tpu.memory_space<semaphore_mem>> -> memref<1x!tpu.dma_semaphore, #tpu.memory_space<semaphore_mem>>
          %dma_wait3A_551 = tpu.memref_squeeze %dma_wait3A_550 : memref<1x!tpu.dma_semaphore, #tpu.memory_space<semaphore_mem>> -> memref<!tpu.dma_semaphore, #tpu.memory_space<semaphore_mem>>
          tpu.wait_indirect_dma semaphore(%dma_wait3A_551 : memref<!tpu.dma_semaphore, #tpu.memory_space<semaphore_mem>>) src(%dma_wait3A_543 : memref<80x64xf32, #tpu.memory_space<vmem>>) dst(%dma_wait3A_549 : memref<10000x64xf32, #tpu.memory_space<vmem_shared>>)
        } else {
        }
        %dma_start3A_509 = arith.constant 3 : i32
        %dma_start3A_510 = arith.constant 3 : i32
        %dma_start3A_511 = arith.constant 0 : i32
        %dma_start3A_512 = arith.constant 0 : i32
        %dma_start3A_513 = tpu.memref_slice %arg11[%dma_start3A_509, %dma_start3A_511, %dma_start3A_512] : memref<5x80x64xf32, #tpu.memory_space<vmem>> -> memref<1x80x64xf32, #tpu.memory_space<vmem>>
        %dma_start3A_514 = tpu.memref_squeeze %dma_start3A_513 : memref<1x80x64xf32, #tpu.memory_space<vmem>> -> memref<80x64xf32, #tpu.memory_space<vmem>>
        %dma_start3A_515 = arith.constant 0 : i32
        %dma_start3A_516 = tpu.memref_slice %arg8[%add3A_240, %dma_start3A_515] : memref<125x80xi32, #tpu.memory_space<vmem>> -> memref<1x80xi32, #tpu.memory_space<vmem>>
        %dma_start3A_517 = tpu.memref_squeeze %dma_start3A_516 : memref<1x80xi32, #tpu.memory_space<vmem>> -> memref<80xi32, #tpu.memory_space<vmem>>
        %dma_start3A_518 = arith.constant 0 : i32
        %dma_start3A_519 = arith.constant 0 : i32
        %dma_start3A_520 = tpu.memref_slice %arg2[%dma_start3A_518, %dma_start3A_519] : memref<10000x64xf32, #tpu.memory_space<hbm>> -> memref<10000x64xf32, #tpu.memory_space<hbm>>
        %dma_start3A_521 = tpu.memref_slice %arg16[%dma_start3A_510] : memref<5x!tpu.dma_semaphore, #tpu.memory_space<semaphore_mem>> -> memref<1x!tpu.dma_semaphore, #tpu.memory_space<semaphore_mem>>
        %dma_start3A_522 = tpu.memref_squeeze %dma_start3A_521 : memref<1x!tpu.dma_semaphore, #tpu.memory_space<semaphore_mem>> -> memref<!tpu.dma_semaphore, #tpu.memory_space<semaphore_mem>>
        tpu.enqueue_indirect_dma source(%dma_start3A_520 : memref<10000x64xf32, #tpu.memory_space<hbm>>) target(%dma_start3A_514 : memref<80x64xf32, #tpu.memory_space<vmem>>) offsets(%dma_start3A_517 : memref<80xi32, #tpu.memory_space<vmem>>) semaphore(%dma_start3A_522 : memref<!tpu.dma_semaphore, #tpu.memory_space<semaphore_mem>>)
        %dma_start3A_523 = arith.constant 3 : i32
        %dma_start3A_524 = arith.constant 3 : i32
        %dma_start3A_525 = arith.constant 0 : i32
        %dma_start3A_526 = arith.constant 0 : i32
        %dma_start3A_527 = tpu.memref_slice %arg12[%dma_start3A_523, %dma_start3A_525, %dma_start3A_526] : memref<5x80x64xf32, #tpu.memory_space<vmem>> -> memref<1x80x64xf32, #tpu.memory_space<vmem>>
        %dma_start3A_528 = tpu.memref_squeeze %dma_start3A_527 : memref<1x80x64xf32, #tpu.memory_space<vmem>> -> memref<80x64xf32, #tpu.memory_space<vmem>>
        %dma_start3A_529 = arith.constant 0 : i32
        %dma_start3A_530 = tpu.memref_slice %arg10[%add3A_240, %dma_start3A_529] : memref<125x80xi32, #tpu.memory_space<vmem>> -> memref<1x80xi32, #tpu.memory_space<vmem>>
        %dma_start3A_531 = tpu.memref_squeeze %dma_start3A_530 : memref<1x80xi32, #tpu.memory_space<vmem>> -> memref<80xi32, #tpu.memory_space<vmem>>
        %dma_start3A_532 = arith.constant 0 : i32
        %dma_start3A_533 = arith.constant 0 : i32
        %dma_start3A_534 = tpu.memref_slice %arg15[%dma_start3A_532, %dma_start3A_533] : memref<16x64xf32, #tpu.memory_space<vmem_shared>> -> memref<16x64xf32, #tpu.memory_space<vmem_shared>>
        %dma_start3A_535 = tpu.memref_slice %arg17[%dma_start3A_524] : memref<5x!tpu.dma_semaphore, #tpu.memory_space<semaphore_mem>> -> memref<1x!tpu.dma_semaphore, #tpu.memory_space<semaphore_mem>>
        %dma_start3A_536 = tpu.memref_squeeze %dma_start3A_535 : memref<1x!tpu.dma_semaphore, #tpu.memory_space<semaphore_mem>> -> memref<!tpu.dma_semaphore, #tpu.memory_space<semaphore_mem>>
        tpu.enqueue_indirect_dma source(%dma_start3A_534 : memref<16x64xf32, #tpu.memory_space<vmem_shared>>) target(%dma_start3A_528 : memref<80x64xf32, #tpu.memory_space<vmem>>) offsets(%dma_start3A_531 : memref<80xi32, #tpu.memory_space<vmem>>) semaphore(%dma_start3A_536 : memref<!tpu.dma_semaphore, #tpu.memory_space<semaphore_mem>>)
      } else {
      }
      %dma_wait3A_245 = arith.constant 0 : i32
      %dma_wait3A_246 = arith.constant 0 : i32
      %dma_wait3A_247 = arith.constant 0 : i32
      %dma_wait3A_248 = arith.constant 0 : i32
      %dma_wait3A_249 = tpu.memref_slice %arg11[%dma_wait3A_245, %dma_wait3A_247, %dma_wait3A_248] : memref<5x80x64xf32, #tpu.memory_space<vmem>> -> memref<1x80x64xf32, #tpu.memory_space<vmem>>
      %dma_wait3A_250 = tpu.memref_squeeze %dma_wait3A_249 : memref<1x80x64xf32, #tpu.memory_space<vmem>> -> memref<80x64xf32, #tpu.memory_space<vmem>>
      %dma_wait3A_251 = arith.constant 0 : i32
      %dma_wait3A_252 = tpu.memref_slice %arg8[%add3A_238, %dma_wait3A_251] : memref<125x80xi32, #tpu.memory_space<vmem>> -> memref<1x80xi32, #tpu.memory_space<vmem>>
      %dma_wait3A_253 = tpu.memref_squeeze %dma_wait3A_252 : memref<1x80xi32, #tpu.memory_space<vmem>> -> memref<80xi32, #tpu.memory_space<vmem>>
      %dma_wait3A_254 = arith.constant 0 : i32
      %dma_wait3A_255 = arith.constant 0 : i32
      %dma_wait3A_256 = tpu.memref_slice %arg2[%dma_wait3A_254, %dma_wait3A_255] : memref<10000x64xf32, #tpu.memory_space<hbm>> -> memref<10000x64xf32, #tpu.memory_space<hbm>>
      %dma_wait3A_257 = tpu.memref_slice %arg16[%dma_wait3A_246] : memref<5x!tpu.dma_semaphore, #tpu.memory_space<semaphore_mem>> -> memref<1x!tpu.dma_semaphore, #tpu.memory_space<semaphore_mem>>
      %dma_wait3A_258 = tpu.memref_squeeze %dma_wait3A_257 : memref<1x!tpu.dma_semaphore, #tpu.memory_space<semaphore_mem>> -> memref<!tpu.dma_semaphore, #tpu.memory_space<semaphore_mem>>
      tpu.wait_indirect_dma semaphore(%dma_wait3A_258 : memref<!tpu.dma_semaphore, #tpu.memory_space<semaphore_mem>>) src(%dma_wait3A_256 : memref<10000x64xf32, #tpu.memory_space<hbm>>) dst(%dma_wait3A_250 : memref<80x64xf32, #tpu.memory_space<vmem>>)
      %dma_wait3A_259 = arith.constant 0 : i32
      %dma_wait3A_260 = arith.constant 0 : i32
      %dma_wait3A_261 = arith.constant 0 : i32
      %dma_wait3A_262 = arith.constant 0 : i32
      %dma_wait3A_263 = tpu.memref_slice %arg12[%dma_wait3A_259, %dma_wait3A_261, %dma_wait3A_262] : memref<5x80x64xf32, #tpu.memory_space<vmem>> -> memref<1x80x64xf32, #tpu.memory_space<vmem>>
      %dma_wait3A_264 = tpu.memref_squeeze %dma_wait3A_263 : memref<1x80x64xf32, #tpu.memory_space<vmem>> -> memref<80x64xf32, #tpu.memory_space<vmem>>
      %dma_wait3A_265 = arith.constant 0 : i32
      %dma_wait3A_266 = tpu.memref_slice %arg10[%add3A_238, %dma_wait3A_265] : memref<125x80xi32, #tpu.memory_space<vmem>> -> memref<1x80xi32, #tpu.memory_space<vmem>>
      %dma_wait3A_267 = tpu.memref_squeeze %dma_wait3A_266 : memref<1x80xi32, #tpu.memory_space<vmem>> -> memref<80xi32, #tpu.memory_space<vmem>>
      %dma_wait3A_268 = arith.constant 0 : i32
      %dma_wait3A_269 = arith.constant 0 : i32
      %dma_wait3A_270 = tpu.memref_slice %arg15[%dma_wait3A_268, %dma_wait3A_269] : memref<16x64xf32, #tpu.memory_space<vmem_shared>> -> memref<16x64xf32, #tpu.memory_space<vmem_shared>>
      %dma_wait3A_271 = tpu.memref_slice %arg17[%dma_wait3A_260] : memref<5x!tpu.dma_semaphore, #tpu.memory_space<semaphore_mem>> -> memref<1x!tpu.dma_semaphore, #tpu.memory_space<semaphore_mem>>
      %dma_wait3A_272 = tpu.memref_squeeze %dma_wait3A_271 : memref<1x!tpu.dma_semaphore, #tpu.memory_space<semaphore_mem>> -> memref<!tpu.dma_semaphore, #tpu.memory_space<semaphore_mem>>
      tpu.wait_indirect_dma semaphore(%dma_wait3A_272 : memref<!tpu.dma_semaphore, #tpu.memory_space<semaphore_mem>>) src(%dma_wait3A_270 : memref<16x64xf32, #tpu.memory_space<vmem_shared>>) dst(%dma_wait3A_264 : memref<80x64xf32, #tpu.memory_space<vmem>>)
      %parallel_loop3A = arith.constant 0 : i32
      %parallel_loop3A_273 = arith.constant 80 : i32
      %parallel_loop3A_274 = arith.constant 1 : i32
      scf.for %parallel_loop3A_505 = %parallel_loop3A to %parallel_loop3A_273 step %parallel_loop3A_274  : i32 {
        %parallel_loop3A_506 = arith.constant 0 : i32
        %parallel_loop3A_507 = arith.index_cast %parallel_loop3A_506 : i32 to index
        %parallel_loop3A_508 = arith.index_cast %parallel_loop3A_505 : i32 to index
        %parallel_loop3A_509 = arith.constant 0 : index
        %parallel_loop3A_510 = tpu.vector_load %arg11[%parallel_loop3A_507, %parallel_loop3A_508, %parallel_loop3A_509] {strides = array<i32>} : memref<5x80x64xf32, #tpu.memory_space<vmem>>, vector<1x1x16xf32>,
        %parallel_loop3A_511 = vector.shape_cast %parallel_loop3A_510 : vector<1x1x16xf32> to vector<16xf32>
        %parallel_loop3A_512 = arith.constant 0 : i32
        %parallel_loop3A_513 = arith.index_cast %parallel_loop3A_512 : i32 to index
        %parallel_loop3A_514 = arith.index_cast %parallel_loop3A_505 : i32 to index
        %parallel_loop3A_515 = arith.constant 0 : index
        %parallel_loop3A_516 = tpu.vector_load %arg12[%parallel_loop3A_513, %parallel_loop3A_514, %parallel_loop3A_515] {strides = array<i32>} : memref<5x80x64xf32, #tpu.memory_space<vmem>>, vector<1x1x16xf32>,
        %parallel_loop3A_517 = vector.shape_cast %parallel_loop3A_516 : vector<1x1x16xf32> to vector<16xf32>
        %parallel_loop3A_518 = arith.addf %parallel_loop3A_511, %parallel_loop3A_517 : vector<16xf32>
        %parallel_loop3A_519 = arith.constant 0.000000e+00 : f32
        %parallel_loop3A_520 = vector.broadcast %parallel_loop3A_519 : f32 to vector<16xf32>
        %parallel_loop3A_521 = arith.maximumf %parallel_loop3A_518, %parallel_loop3A_520 : vector<16xf32>
        %parallel_loop3A_522 = arith.constant 0 : i32
        %parallel_loop3A_523 = arith.index_cast %parallel_loop3A_522 : i32 to index
        %parallel_loop3A_524 = arith.index_cast %parallel_loop3A_505 : i32 to index
        %parallel_loop3A_525 = arith.constant 0 : index
        %parallel_loop3A_526 = tpu.vector_load %arg11[%parallel_loop3A_523, %parallel_loop3A_524, %parallel_loop3A_525] {strides = array<i32>} : memref<5x80x64xf32, #tpu.memory_space<vmem>>, vector<1x1x16xf32>,
        %parallel_loop3A_527 = vector.shape_cast %parallel_loop3A_526 : vector<1x1x16xf32> to vector<16xf32>
        %parallel_loop3A_528 = vector.shape_cast %parallel_loop3A_521 : vector<16xf32> to vector<1x1x16xf32>
        tpu.vector_store %arg11[%parallel_loop3A_523, %parallel_loop3A_524, %parallel_loop3A_525], %parallel_loop3A_528 {strides = array<i32>} : memref<5x80x64xf32, #tpu.memory_space<vmem>>, vector<1x1x16xf32>,
        %parallel_loop3A_529 = arith.constant 0 : i32
        %parallel_loop3A_530 = arith.index_cast %parallel_loop3A_529 : i32 to index
        %parallel_loop3A_531 = arith.index_cast %parallel_loop3A_505 : i32 to index
        %parallel_loop3A_532 = arith.constant 16 : index
        %parallel_loop3A_533 = tpu.vector_load %arg11[%parallel_loop3A_530, %parallel_loop3A_531, %parallel_loop3A_532] {strides = array<i32>} : memref<5x80x64xf32, #tpu.memory_space<vmem>>, vector<1x1x16xf32>,
        %parallel_loop3A_534 = vector.shape_cast %parallel_loop3A_533 : vector<1x1x16xf32> to vector<16xf32>
        %parallel_loop3A_535 = arith.constant 0 : i32
        %parallel_loop3A_536 = arith.index_cast %parallel_loop3A_535 : i32 to index
        %parallel_loop3A_537 = arith.index_cast %parallel_loop3A_505 : i32 to index
        %parallel_loop3A_538 = arith.constant 16 : index
        %parallel_loop3A_539 = tpu.vector_load %arg12[%parallel_loop3A_536, %parallel_loop3A_537, %parallel_loop3A_538] {strides = array<i32>} : memref<5x80x64xf32, #tpu.memory_space<vmem>>, vector<1x1x16xf32>,
        %parallel_loop3A_540 = vector.shape_cast %parallel_loop3A_539 : vector<1x1x16xf32> to vector<16xf32>
        %parallel_loop3A_541 = arith.addf %parallel_loop3A_534, %parallel_loop3A_540 : vector<16xf32>
        %parallel_loop3A_542 = arith.constant 0.000000e+00 : f32
        %parallel_loop3A_543 = vector.broadcast %parallel_loop3A_542 : f32 to vector<16xf32>
        %parallel_loop3A_544 = arith.maximumf %parallel_loop3A_541, %parallel_loop3A_543 : vector<16xf32>
        %parallel_loop3A_545 = arith.constant 0 : i32
        %parallel_loop3A_546 = arith.index_cast %parallel_loop3A_545 : i32 to index
        %parallel_loop3A_547 = arith.index_cast %parallel_loop3A_505 : i32 to index
        %parallel_loop3A_548 = arith.constant 16 : index
        %parallel_loop3A_549 = tpu.vector_load %arg11[%parallel_loop3A_546, %parallel_loop3A_547, %parallel_loop3A_548] {strides = array<i32>} : memref<5x80x64xf32, #tpu.memory_space<vmem>>, vector<1x1x16xf32>,
        %parallel_loop3A_550 = vector.shape_cast %parallel_loop3A_549 : vector<1x1x16xf32> to vector<16xf32>
        %parallel_loop3A_551 = vector.shape_cast %parallel_loop3A_544 : vector<16xf32> to vector<1x1x16xf32>
        tpu.vector_store %arg11[%parallel_loop3A_546, %parallel_loop3A_547, %parallel_loop3A_548], %parallel_loop3A_551 {strides = array<i32>} : memref<5x80x64xf32, #tpu.memory_space<vmem>>, vector<1x1x16xf32>,
        %parallel_loop3A_552 = arith.constant 0 : i32
        %parallel_loop3A_553 = arith.index_cast %parallel_loop3A_552 : i32 to index
        %parallel_loop3A_554 = arith.index_cast %parallel_loop3A_505 : i32 to index
        %parallel_loop3A_555 = arith.constant 32 : index
        %parallel_loop3A_556 = tpu.vector_load %arg11[%parallel_loop3A_553, %parallel_loop3A_554, %parallel_loop3A_555] {strides = array<i32>} : memref<5x80x64xf32, #tpu.memory_space<vmem>>, vector<1x1x16xf32>,
        %parallel_loop3A_557 = vector.shape_cast %parallel_loop3A_556 : vector<1x1x16xf32> to vector<16xf32>
        %parallel_loop3A_558 = arith.constant 0 : i32
        %parallel_loop3A_559 = arith.index_cast %parallel_loop3A_558 : i32 to index
        %parallel_loop3A_560 = arith.index_cast %parallel_loop3A_505 : i32 to index
        %parallel_loop3A_561 = arith.constant 32 : index
        %parallel_loop3A_562 = tpu.vector_load %arg12[%parallel_loop3A_559, %parallel_loop3A_560, %parallel_loop3A_561] {strides = array<i32>} : memref<5x80x64xf32, #tpu.memory_space<vmem>>, vector<1x1x16xf32>,
        %parallel_loop3A_563 = vector.shape_cast %parallel_loop3A_562 : vector<1x1x16xf32> to vector<16xf32>
        %parallel_loop3A_564 = arith.addf %parallel_loop3A_557, %parallel_loop3A_563 : vector<16xf32>
        %parallel_loop3A_565 = arith.constant 0.000000e+00 : f32
        %parallel_loop3A_566 = vector.broadcast %parallel_loop3A_565 : f32 to vector<16xf32>
        %parallel_loop3A_567 = arith.maximumf %parallel_loop3A_564, %parallel_loop3A_566 : vector<16xf32>
        %parallel_loop3A_568 = arith.constant 0 : i32
        %parallel_loop3A_569 = arith.index_cast %parallel_loop3A_568 : i32 to index
        %parallel_loop3A_570 = arith.index_cast %parallel_loop3A_505 : i32 to index
        %parallel_loop3A_571 = arith.constant 32 : index
        %parallel_loop3A_572 = tpu.vector_load %arg11[%parallel_loop3A_569, %parallel_loop3A_570, %parallel_loop3A_571] {strides = array<i32>} : memref<5x80x64xf32, #tpu.memory_space<vmem>>, vector<1x1x16xf32>,
        %parallel_loop3A_573 = vector.shape_cast %parallel_loop3A_572 : vector<1x1x16xf32> to vector<16xf32>
        %parallel_loop3A_574 = vector.shape_cast %parallel_loop3A_567 : vector<16xf32> to vector<1x1x16xf32>
        tpu.vector_store %arg11[%parallel_loop3A_569, %parallel_loop3A_570, %parallel_loop3A_571], %parallel_loop3A_574 {strides = array<i32>} : memref<5x80x64xf32, #tpu.memory_space<vmem>>, vector<1x1x16xf32>,
        %parallel_loop3A_575 = arith.constant 0 : i32
        %parallel_loop3A_576 = arith.index_cast %parallel_loop3A_575 : i32 to index
        %parallel_loop3A_577 = arith.index_cast %parallel_loop3A_505 : i32 to index
        %parallel_loop3A_578 = arith.constant 48 : index
        %parallel_loop3A_579 = tpu.vector_load %arg11[%parallel_loop3A_576, %parallel_loop3A_577, %parallel_loop3A_578] {strides = array<i32>} : memref<5x80x64xf32, #tpu.memory_space<vmem>>, vector<1x1x16xf32>,
        %parallel_loop3A_580 = vector.shape_cast %parallel_loop3A_579 : vector<1x1x16xf32> to vector<16xf32>
        %parallel_loop3A_581 = arith.constant 0 : i32
        %parallel_loop3A_582 = arith.index_cast %parallel_loop3A_581 : i32 to index
        %parallel_loop3A_583 = arith.index_cast %parallel_loop3A_505 : i32 to index
        %parallel_loop3A_584 = arith.constant 48 : index
        %parallel_loop3A_585 = tpu.vector_load %arg12[%parallel_loop3A_582, %parallel_loop3A_583, %parallel_loop3A_584] {strides = array<i32>} : memref<5x80x64xf32, #tpu.memory_space<vmem>>, vector<1x1x16xf32>,
        %parallel_loop3A_586 = vector.shape_cast %parallel_loop3A_585 : vector<1x1x16xf32> to vector<16xf32>
        %parallel_loop3A_587 = arith.addf %parallel_loop3A_580, %parallel_loop3A_586 : vector<16xf32>
        %parallel_loop3A_588 = arith.constant 0.000000e+00 : f32
        %parallel_loop3A_589 = vector.broadcast %parallel_loop3A_588 : f32 to vector<16xf32>
        %parallel_loop3A_590 = arith.maximumf %parallel_loop3A_587, %parallel_loop3A_589 : vector<16xf32>
        %parallel_loop3A_591 = arith.constant 0 : i32
        %parallel_loop3A_592 = arith.index_cast %parallel_loop3A_591 : i32 to index
        %parallel_loop3A_593 = arith.index_cast %parallel_loop3A_505 : i32 to index
        %parallel_loop3A_594 = arith.constant 48 : index
        %parallel_loop3A_595 = tpu.vector_load %arg11[%parallel_loop3A_592, %parallel_loop3A_593, %parallel_loop3A_594] {strides = array<i32>} : memref<5x80x64xf32, #tpu.memory_space<vmem>>, vector<1x1x16xf32>,
        %parallel_loop3A_596 = vector.shape_cast %parallel_loop3A_595 : vector<1x1x16xf32> to vector<16xf32>
        %parallel_loop3A_597 = vector.shape_cast %parallel_loop3A_590 : vector<16xf32> to vector<1x1x16xf32>
        tpu.vector_store %arg11[%parallel_loop3A_592, %parallel_loop3A_593, %parallel_loop3A_594], %parallel_loop3A_597 {strides = array<i32>} : memref<5x80x64xf32, #tpu.memory_space<vmem>>, vector<1x1x16xf32>,
      } {sc.loop_unroll_factor = 2 : i64, sc.parallel_access}
      %dma_start3A_275 = arith.constant 0 : i32
      %dma_start3A_276 = arith.constant 0 : i32
      %dma_start3A_277 = arith.constant 0 : i32
      %dma_start3A_278 = arith.constant 0 : i32
      %dma_start3A_279 = tpu.memref_slice %arg11[%dma_start3A_275, %dma_start3A_277, %dma_start3A_278] : memref<5x80x64xf32, #tpu.memory_space<vmem>> -> memref<1x80x64xf32, #tpu.memory_space<vmem>>
      %dma_start3A_280 = tpu.memref_squeeze %dma_start3A_279 : memref<1x80x64xf32, #tpu.memory_space<vmem>> -> memref<80x64xf32, #tpu.memory_space<vmem>>
      %dma_start3A_281 = arith.constant 0 : i32
      %dma_start3A_282 = tpu.memref_slice %arg9[%add3A_238, %dma_start3A_281] : memref<125x80xi32, #tpu.memory_space<vmem>> -> memref<1x80xi32, #tpu.memory_space<vmem>>
      %dma_start3A_283 = tpu.memref_squeeze %dma_start3A_282 : memref<1x80xi32, #tpu.memory_space<vmem>> -> memref<80xi32, #tpu.memory_space<vmem>>
      %dma_start3A_284 = arith.constant 0 : i32
      %dma_start3A_285 = arith.constant 0 : i32
      %dma_start3A_286 = tpu.memref_slice %arg14[%dma_start3A_284, %dma_start3A_285] : memref<10000x64xf32, #tpu.memory_space<vmem_shared>> -> memref<10000x64xf32, #tpu.memory_space<vmem_shared>>
      %dma_start3A_287 = tpu.memref_slice %arg18[%dma_start3A_276] : memref<5x!tpu.dma_semaphore, #tpu.memory_space<semaphore_mem>> -> memref<1x!tpu.dma_semaphore, #tpu.memory_space<semaphore_mem>>
      %dma_start3A_288 = tpu.memref_squeeze %dma_start3A_287 : memref<1x!tpu.dma_semaphore, #tpu.memory_space<semaphore_mem>> -> memref<!tpu.dma_semaphore, #tpu.memory_space<semaphore_mem>>
      tpu.enqueue_indirect_dma source(%dma_start3A_280 : memref<80x64xf32, #tpu.memory_space<vmem>>) target(%dma_start3A_286 : memref<10000x64xf32, #tpu.memory_space<vmem_shared>>) offsets(%dma_start3A_283 : memref<80xi32, #tpu.memory_space<vmem>>) semaphore(%dma_start3A_288 : memref<!tpu.dma_semaphore, #tpu.memory_space<semaphore_mem>>) {add = true}
      %add3A_289 = arith.constant 1 : i32
      %add3A_290 = arith.addi %mul3A_236, %add3A_289 : i32
      %add3A_291 = arith.constant 3 : i32
      %add3A_292 = arith.addi %add3A_290, %add3A_291 : i32
      %lt3A_293 = arith.constant 125 : i32
      %lt3A_294 = arith.cmpi slt, %add3A_292, %lt3A_293 : i32
      %convert_element_type3A_295 = arith.extui %lt3A_294 : i1 to i32
      %cond3A_296 = arith.constant 0 : i32
      %cond3A_297 = arith.cmpi ne, %convert_element_type3A_295, %cond3A_296 : i32
      scf.if %cond3A_297 {
        %ge3A = arith.constant 5 : i32
        %ge3A_505 = arith.cmpi sge, %add3A_292, %ge3A : i32
        %convert_element_type3A_506 = arith.extui %ge3A_505 : i1 to i32
        %cond3A_507 = arith.constant 0 : i32
        %cond3A_508 = arith.cmpi ne, %convert_element_type3A_506, %cond3A_507 : i32
        scf.if %cond3A_508 {
          %sub3A = arith.constant 5 : i32
          %sub3A_537 = arith.subi %add3A_292, %sub3A : i32
          %dma_wait3A_538 = arith.constant 4 : i32
          %dma_wait3A_539 = arith.constant 4 : i32
          %dma_wait3A_540 = arith.constant 0 : i32
          %dma_wait3A_541 = arith.constant 0 : i32
          %dma_wait3A_542 = tpu.memref_slice %arg11[%dma_wait3A_538, %dma_wait3A_540, %dma_wait3A_541] : memref<5x80x64xf32, #tpu.memory_space<vmem>> -> memref<1x80x64xf32, #tpu.memory_space<vmem>>
          %dma_wait3A_543 = tpu.memref_squeeze %dma_wait3A_542 : memref<1x80x64xf32, #tpu.memory_space<vmem>> -> memref<80x64xf32, #tpu.memory_space<vmem>>
          %dma_wait3A_544 = arith.constant 0 : i32
          %dma_wait3A_545 = tpu.memref_slice %arg9[%sub3A_537, %dma_wait3A_544] : memref<125x80xi32, #tpu.memory_space<vmem>> -> memref<1x80xi32, #tpu.memory_space<vmem>>
          %dma_wait3A_546 = tpu.memref_squeeze %dma_wait3A_545 : memref<1x80xi32, #tpu.memory_space<vmem>> -> memref<80xi32, #tpu.memory_space<vmem>>
          %dma_wait3A_547 = arith.constant 0 : i32
          %dma_wait3A_548 = arith.constant 0 : i32
          %dma_wait3A_549 = tpu.memref_slice %arg14[%dma_wait3A_547, %dma_wait3A_548] : memref<10000x64xf32, #tpu.memory_space<vmem_shared>> -> memref<10000x64xf32, #tpu.memory_space<vmem_shared>>
          %dma_wait3A_550 = tpu.memref_slice %arg18[%dma_wait3A_539] : memref<5x!tpu.dma_semaphore, #tpu.memory_space<semaphore_mem>> -> memref<1x!tpu.dma_semaphore, #tpu.memory_space<semaphore_mem>>
          %dma_wait3A_551 = tpu.memref_squeeze %dma_wait3A_550 : memref<1x!tpu.dma_semaphore, #tpu.memory_space<semaphore_mem>> -> memref<!tpu.dma_semaphore, #tpu.memory_space<semaphore_mem>>
          tpu.wait_indirect_dma semaphore(%dma_wait3A_551 : memref<!tpu.dma_semaphore, #tpu.memory_space<semaphore_mem>>) src(%dma_wait3A_543 : memref<80x64xf32, #tpu.memory_space<vmem>>) dst(%dma_wait3A_549 : memref<10000x64xf32, #tpu.memory_space<vmem_shared>>)
        } else {
        }
        %dma_start3A_509 = arith.constant 4 : i32
        %dma_start3A_510 = arith.constant 4 : i32
        %dma_start3A_511 = arith.constant 0 : i32
        %dma_start3A_512 = arith.constant 0 : i32
        %dma_start3A_513 = tpu.memref_slice %arg11[%dma_start3A_509, %dma_start3A_511, %dma_start3A_512] : memref<5x80x64xf32, #tpu.memory_space<vmem>> -> memref<1x80x64xf32, #tpu.memory_space<vmem>>
        %dma_start3A_514 = tpu.memref_squeeze %dma_start3A_513 : memref<1x80x64xf32, #tpu.memory_space<vmem>> -> memref<80x64xf32, #tpu.memory_space<vmem>>
        %dma_start3A_515 = arith.constant 0 : i32
        %dma_start3A_516 = tpu.memref_slice %arg8[%add3A_292, %dma_start3A_515] : memref<125x80xi32, #tpu.memory_space<vmem>> -> memref<1x80xi32, #tpu.memory_space<vmem>>
        %dma_start3A_517 = tpu.memref_squeeze %dma_start3A_516 : memref<1x80xi32, #tpu.memory_space<vmem>> -> memref<80xi32, #tpu.memory_space<vmem>>
        %dma_start3A_518 = arith.constant 0 : i32
        %dma_start3A_519 = arith.constant 0 : i32
        %dma_start3A_520 = tpu.memref_slice %arg2[%dma_start3A_518, %dma_start3A_519] : memref<10000x64xf32, #tpu.memory_space<hbm>> -> memref<10000x64xf32, #tpu.memory_space<hbm>>
        %dma_start3A_521 = tpu.memref_slice %arg16[%dma_start3A_510] : memref<5x!tpu.dma_semaphore, #tpu.memory_space<semaphore_mem>> -> memref<1x!tpu.dma_semaphore, #tpu.memory_space<semaphore_mem>>
        %dma_start3A_522 = tpu.memref_squeeze %dma_start3A_521 : memref<1x!tpu.dma_semaphore, #tpu.memory_space<semaphore_mem>> -> memref<!tpu.dma_semaphore, #tpu.memory_space<semaphore_mem>>
        tpu.enqueue_indirect_dma source(%dma_start3A_520 : memref<10000x64xf32, #tpu.memory_space<hbm>>) target(%dma_start3A_514 : memref<80x64xf32, #tpu.memory_space<vmem>>) offsets(%dma_start3A_517 : memref<80xi32, #tpu.memory_space<vmem>>) semaphore(%dma_start3A_522 : memref<!tpu.dma_semaphore, #tpu.memory_space<semaphore_mem>>)
        %dma_start3A_523 = arith.constant 4 : i32
        %dma_start3A_524 = arith.constant 4 : i32
        %dma_start3A_525 = arith.constant 0 : i32
        %dma_start3A_526 = arith.constant 0 : i32
        %dma_start3A_527 = tpu.memref_slice %arg12[%dma_start3A_523, %dma_start3A_525, %dma_start3A_526] : memref<5x80x64xf32, #tpu.memory_space<vmem>> -> memref<1x80x64xf32, #tpu.memory_space<vmem>>
        %dma_start3A_528 = tpu.memref_squeeze %dma_start3A_527 : memref<1x80x64xf32, #tpu.memory_space<vmem>> -> memref<80x64xf32, #tpu.memory_space<vmem>>
        %dma_start3A_529 = arith.constant 0 : i32
        %dma_start3A_530 = tpu.memref_slice %arg10[%add3A_292, %dma_start3A_529] : memref<125x80xi32, #tpu.memory_space<vmem>> -> memref<1x80xi32, #tpu.memory_space<vmem>>
        %dma_start3A_531 = tpu.memref_squeeze %dma_start3A_530 : memref<1x80xi32, #tpu.memory_space<vmem>> -> memref<80xi32, #tpu.memory_space<vmem>>
        %dma_start3A_532 = arith.constant 0 : i32
        %dma_start3A_533 = arith.constant 0 : i32
        %dma_start3A_534 = tpu.memref_slice %arg15[%dma_start3A_532, %dma_start3A_533] : memref<16x64xf32, #tpu.memory_space<vmem_shared>> -> memref<16x64xf32, #tpu.memory_space<vmem_shared>>
        %dma_start3A_535 = tpu.memref_slice %arg17[%dma_start3A_524] : memref<5x!tpu.dma_semaphore, #tpu.memory_space<semaphore_mem>> -> memref<1x!tpu.dma_semaphore, #tpu.memory_space<semaphore_mem>>
        %dma_start3A_536 = tpu.memref_squeeze %dma_start3A_535 : memref<1x!tpu.dma_semaphore, #tpu.memory_space<semaphore_mem>> -> memref<!tpu.dma_semaphore, #tpu.memory_space<semaphore_mem>>
        tpu.enqueue_indirect_dma source(%dma_start3A_534 : memref<16x64xf32, #tpu.memory_space<vmem_shared>>) target(%dma_start3A_528 : memref<80x64xf32, #tpu.memory_space<vmem>>) offsets(%dma_start3A_531 : memref<80xi32, #tpu.memory_space<vmem>>) semaphore(%dma_start3A_536 : memref<!tpu.dma_semaphore, #tpu.memory_space<semaphore_mem>>)
      } else {
      }
      %dma_wait3A_298 = arith.constant 1 : i32
      %dma_wait3A_299 = arith.constant 1 : i32
      %dma_wait3A_300 = arith.constant 0 : i32
      %dma_wait3A_301 = arith.constant 0 : i32
      %dma_wait3A_302 = tpu.memref_slice %arg11[%dma_wait3A_298, %dma_wait3A_300, %dma_wait3A_301] : memref<5x80x64xf32, #tpu.memory_space<vmem>> -> memref<1x80x64xf32, #tpu.memory_space<vmem>>
      %dma_wait3A_303 = tpu.memref_squeeze %dma_wait3A_302 : memref<1x80x64xf32, #tpu.memory_space<vmem>> -> memref<80x64xf32, #tpu.memory_space<vmem>>
      %dma_wait3A_304 = arith.constant 0 : i32
      %dma_wait3A_305 = tpu.memref_slice %arg8[%add3A_290, %dma_wait3A_304] : memref<125x80xi32, #tpu.memory_space<vmem>> -> memref<1x80xi32, #tpu.memory_space<vmem>>
      %dma_wait3A_306 = tpu.memref_squeeze %dma_wait3A_305 : memref<1x80xi32, #tpu.memory_space<vmem>> -> memref<80xi32, #tpu.memory_space<vmem>>
      %dma_wait3A_307 = arith.constant 0 : i32
      %dma_wait3A_308 = arith.constant 0 : i32
      %dma_wait3A_309 = tpu.memref_slice %arg2[%dma_wait3A_307, %dma_wait3A_308] : memref<10000x64xf32, #tpu.memory_space<hbm>> -> memref<10000x64xf32, #tpu.memory_space<hbm>>
      %dma_wait3A_310 = tpu.memref_slice %arg16[%dma_wait3A_299] : memref<5x!tpu.dma_semaphore, #tpu.memory_space<semaphore_mem>> -> memref<1x!tpu.dma_semaphore, #tpu.memory_space<semaphore_mem>>
      %dma_wait3A_311 = tpu.memref_squeeze %dma_wait3A_310 : memref<1x!tpu.dma_semaphore, #tpu.memory_space<semaphore_mem>> -> memref<!tpu.dma_semaphore, #tpu.memory_space<semaphore_mem>>
      tpu.wait_indirect_dma semaphore(%dma_wait3A_311 : memref<!tpu.dma_semaphore, #tpu.memory_space<semaphore_mem>>) src(%dma_wait3A_309 : memref<10000x64xf32, #tpu.memory_space<hbm>>) dst(%dma_wait3A_303 : memref<80x64xf32, #tpu.memory_space<vmem>>)
      %dma_wait3A_312 = arith.constant 1 : i32
      %dma_wait3A_313 = arith.constant 1 : i32
      %dma_wait3A_314 = arith.constant 0 : i32
      %dma_wait3A_315 = arith.constant 0 : i32
      %dma_wait3A_316 = tpu.memref_slice %arg12[%dma_wait3A_312, %dma_wait3A_314, %dma_wait3A_315] : memref<5x80x64xf32, #tpu.memory_space<vmem>> -> memref<1x80x64xf32, #tpu.memory_space<vmem>>
      %dma_wait3A_317 = tpu.memref_squeeze %dma_wait3A_316 : memref<1x80x64xf32, #tpu.memory_space<vmem>> -> memref<80x64xf32, #tpu.memory_space<vmem>>
      %dma_wait3A_318 = arith.constant 0 : i32
      %dma_wait3A_319 = tpu.memref_slice %arg10[%add3A_290, %dma_wait3A_318] : memref<125x80xi32, #tpu.memory_space<vmem>> -> memref<1x80xi32, #tpu.memory_space<vmem>>
      %dma_wait3A_320 = tpu.memref_squeeze %dma_wait3A_319 : memref<1x80xi32, #tpu.memory_space<vmem>> -> memref<80xi32, #tpu.memory_space<vmem>>
      %dma_wait3A_321 = arith.constant 0 : i32
      %dma_wait3A_322 = arith.constant 0 : i32
      %dma_wait3A_323 = tpu.memref_slice %arg15[%dma_wait3A_321, %dma_wait3A_322] : memref<16x64xf32, #tpu.memory_space<vmem_shared>> -> memref<16x64xf32, #tpu.memory_space<vmem_shared>>
      %dma_wait3A_324 = tpu.memref_slice %arg17[%dma_wait3A_313] : memref<5x!tpu.dma_semaphore, #tpu.memory_space<semaphore_mem>> -> memref<1x!tpu.dma_semaphore, #tpu.memory_space<semaphore_mem>>
      %dma_wait3A_325 = tpu.memref_squeeze %dma_wait3A_324 : memref<1x!tpu.dma_semaphore, #tpu.memory_space<semaphore_mem>> -> memref<!tpu.dma_semaphore, #tpu.memory_space<semaphore_mem>>
      tpu.wait_indirect_dma semaphore(%dma_wait3A_325 : memref<!tpu.dma_semaphore, #tpu.memory_space<semaphore_mem>>) src(%dma_wait3A_323 : memref<16x64xf32, #tpu.memory_space<vmem_shared>>) dst(%dma_wait3A_317 : memref<80x64xf32, #tpu.memory_space<vmem>>)
      %parallel_loop3A_326 = arith.constant 0 : i32
      %parallel_loop3A_327 = arith.constant 80 : i32
      %parallel_loop3A_328 = arith.constant 1 : i32
      scf.for %parallel_loop3A_505 = %parallel_loop3A_326 to %parallel_loop3A_327 step %parallel_loop3A_328  : i32 {
        %parallel_loop3A_506 = arith.constant 1 : i32
        %parallel_loop3A_507 = arith.index_cast %parallel_loop3A_506 : i32 to index
        %parallel_loop3A_508 = arith.index_cast %parallel_loop3A_505 : i32 to index
        %parallel_loop3A_509 = arith.constant 0 : index
        %parallel_loop3A_510 = tpu.vector_load %arg11[%parallel_loop3A_507, %parallel_loop3A_508, %parallel_loop3A_509] {strides = array<i32>} : memref<5x80x64xf32, #tpu.memory_space<vmem>>, vector<1x1x16xf32>,
        %parallel_loop3A_511 = vector.shape_cast %parallel_loop3A_510 : vector<1x1x16xf32> to vector<16xf32>
        %parallel_loop3A_512 = arith.constant 1 : i32
        %parallel_loop3A_513 = arith.index_cast %parallel_loop3A_512 : i32 to index
        %parallel_loop3A_514 = arith.index_cast %parallel_loop3A_505 : i32 to index
        %parallel_loop3A_515 = arith.constant 0 : index
        %parallel_loop3A_516 = tpu.vector_load %arg12[%parallel_loop3A_513, %parallel_loop3A_514, %parallel_loop3A_515] {strides = array<i32>} : memref<5x80x64xf32, #tpu.memory_space<vmem>>, vector<1x1x16xf32>,
        %parallel_loop3A_517 = vector.shape_cast %parallel_loop3A_516 : vector<1x1x16xf32> to vector<16xf32>
        %parallel_loop3A_518 = arith.addf %parallel_loop3A_511, %parallel_loop3A_517 : vector<16xf32>
        %parallel_loop3A_519 = arith.constant 0.000000e+00 : f32
        %parallel_loop3A_520 = vector.broadcast %parallel_loop3A_519 : f32 to vector<16xf32>
        %parallel_loop3A_521 = arith.maximumf %parallel_loop3A_518, %parallel_loop3A_520 : vector<16xf32>
        %parallel_loop3A_522 = arith.constant 1 : i32
        %parallel_loop3A_523 = arith.index_cast %parallel_loop3A_522 : i32 to index
        %parallel_loop3A_524 = arith.index_cast %parallel_loop3A_505 : i32 to index
        %parallel_loop3A_525 = arith.constant 0 : index
        %parallel_loop3A_526 = tpu.vector_load %arg11[%parallel_loop3A_523, %parallel_loop3A_524, %parallel_loop3A_525] {strides = array<i32>} : memref<5x80x64xf32, #tpu.memory_space<vmem>>, vector<1x1x16xf32>,
        %parallel_loop3A_527 = vector.shape_cast %parallel_loop3A_526 : vector<1x1x16xf32> to vector<16xf32>
        %parallel_loop3A_528 = vector.shape_cast %parallel_loop3A_521 : vector<16xf32> to vector<1x1x16xf32>
        tpu.vector_store %arg11[%parallel_loop3A_523, %parallel_loop3A_524, %parallel_loop3A_525], %parallel_loop3A_528 {strides = array<i32>} : memref<5x80x64xf32, #tpu.memory_space<vmem>>, vector<1x1x16xf32>,
        %parallel_loop3A_529 = arith.constant 1 : i32
        %parallel_loop3A_530 = arith.index_cast %parallel_loop3A_529 : i32 to index
        %parallel_loop3A_531 = arith.index_cast %parallel_loop3A_505 : i32 to index
        %parallel_loop3A_532 = arith.constant 16 : index
        %parallel_loop3A_533 = tpu.vector_load %arg11[%parallel_loop3A_530, %parallel_loop3A_531, %parallel_loop3A_532] {strides = array<i32>} : memref<5x80x64xf32, #tpu.memory_space<vmem>>, vector<1x1x16xf32>,
        %parallel_loop3A_534 = vector.shape_cast %parallel_loop3A_533 : vector<1x1x16xf32> to vector<16xf32>
        %parallel_loop3A_535 = arith.constant 1 : i32
        %parallel_loop3A_536 = arith.index_cast %parallel_loop3A_535 : i32 to index
        %parallel_loop3A_537 = arith.index_cast %parallel_loop3A_505 : i32 to index
        %parallel_loop3A_538 = arith.constant 16 : index
        %parallel_loop3A_539 = tpu.vector_load %arg12[%parallel_loop3A_536, %parallel_loop3A_537, %parallel_loop3A_538] {strides = array<i32>} : memref<5x80x64xf32, #tpu.memory_space<vmem>>, vector<1x1x16xf32>,
        %parallel_loop3A_540 = vector.shape_cast %parallel_loop3A_539 : vector<1x1x16xf32> to vector<16xf32>
        %parallel_loop3A_541 = arith.addf %parallel_loop3A_534, %parallel_loop3A_540 : vector<16xf32>
        %parallel_loop3A_542 = arith.constant 0.000000e+00 : f32
        %parallel_loop3A_543 = vector.broadcast %parallel_loop3A_542 : f32 to vector<16xf32>
        %parallel_loop3A_544 = arith.maximumf %parallel_loop3A_541, %parallel_loop3A_543 : vector<16xf32>
        %parallel_loop3A_545 = arith.constant 1 : i32
        %parallel_loop3A_546 = arith.index_cast %parallel_loop3A_545 : i32 to index
        %parallel_loop3A_547 = arith.index_cast %parallel_loop3A_505 : i32 to index
        %parallel_loop3A_548 = arith.constant 16 : index
        %parallel_loop3A_549 = tpu.vector_load %arg11[%parallel_loop3A_546, %parallel_loop3A_547, %parallel_loop3A_548] {strides = array<i32>} : memref<5x80x64xf32, #tpu.memory_space<vmem>>, vector<1x1x16xf32>,
        %parallel_loop3A_550 = vector.shape_cast %parallel_loop3A_549 : vector<1x1x16xf32> to vector<16xf32>
        %parallel_loop3A_551 = vector.shape_cast %parallel_loop3A_544 : vector<16xf32> to vector<1x1x16xf32>
        tpu.vector_store %arg11[%parallel_loop3A_546, %parallel_loop3A_547, %parallel_loop3A_548], %parallel_loop3A_551 {strides = array<i32>} : memref<5x80x64xf32, #tpu.memory_space<vmem>>, vector<1x1x16xf32>,
        %parallel_loop3A_552 = arith.constant 1 : i32
        %parallel_loop3A_553 = arith.index_cast %parallel_loop3A_552 : i32 to index
        %parallel_loop3A_554 = arith.index_cast %parallel_loop3A_505 : i32 to index
        %parallel_loop3A_555 = arith.constant 32 : index
        %parallel_loop3A_556 = tpu.vector_load %arg11[%parallel_loop3A_553, %parallel_loop3A_554, %parallel_loop3A_555] {strides = array<i32>} : memref<5x80x64xf32, #tpu.memory_space<vmem>>, vector<1x1x16xf32>,
        %parallel_loop3A_557 = vector.shape_cast %parallel_loop3A_556 : vector<1x1x16xf32> to vector<16xf32>
        %parallel_loop3A_558 = arith.constant 1 : i32
        %parallel_loop3A_559 = arith.index_cast %parallel_loop3A_558 : i32 to index
        %parallel_loop3A_560 = arith.index_cast %parallel_loop3A_505 : i32 to index
        %parallel_loop3A_561 = arith.constant 32 : index
        %parallel_loop3A_562 = tpu.vector_load %arg12[%parallel_loop3A_559, %parallel_loop3A_560, %parallel_loop3A_561] {strides = array<i32>} : memref<5x80x64xf32, #tpu.memory_space<vmem>>, vector<1x1x16xf32>,
        %parallel_loop3A_563 = vector.shape_cast %parallel_loop3A_562 : vector<1x1x16xf32> to vector<16xf32>
        %parallel_loop3A_564 = arith.addf %parallel_loop3A_557, %parallel_loop3A_563 : vector<16xf32>
        %parallel_loop3A_565 = arith.constant 0.000000e+00 : f32
        %parallel_loop3A_566 = vector.broadcast %parallel_loop3A_565 : f32 to vector<16xf32>
        %parallel_loop3A_567 = arith.maximumf %parallel_loop3A_564, %parallel_loop3A_566 : vector<16xf32>
        %parallel_loop3A_568 = arith.constant 1 : i32
        %parallel_loop3A_569 = arith.index_cast %parallel_loop3A_568 : i32 to index
        %parallel_loop3A_570 = arith.index_cast %parallel_loop3A_505 : i32 to index
        %parallel_loop3A_571 = arith.constant 32 : index
        %parallel_loop3A_572 = tpu.vector_load %arg11[%parallel_loop3A_569, %parallel_loop3A_570, %parallel_loop3A_571] {strides = array<i32>} : memref<5x80x64xf32, #tpu.memory_space<vmem>>, vector<1x1x16xf32>,
        %parallel_loop3A_573 = vector.shape_cast %parallel_loop3A_572 : vector<1x1x16xf32> to vector<16xf32>
        %parallel_loop3A_574 = vector.shape_cast %parallel_loop3A_567 : vector<16xf32> to vector<1x1x16xf32>
        tpu.vector_store %arg11[%parallel_loop3A_569, %parallel_loop3A_570, %parallel_loop3A_571], %parallel_loop3A_574 {strides = array<i32>} : memref<5x80x64xf32, #tpu.memory_space<vmem>>, vector<1x1x16xf32>,
        %parallel_loop3A_575 = arith.constant 1 : i32
        %parallel_loop3A_576 = arith.index_cast %parallel_loop3A_575 : i32 to index
        %parallel_loop3A_577 = arith.index_cast %parallel_loop3A_505 : i32 to index
        %parallel_loop3A_578 = arith.constant 48 : index
        %parallel_loop3A_579 = tpu.vector_load %arg11[%parallel_loop3A_576, %parallel_loop3A_577, %parallel_loop3A_578] {strides = array<i32>} : memref<5x80x64xf32, #tpu.memory_space<vmem>>, vector<1x1x16xf32>,
        %parallel_loop3A_580 = vector.shape_cast %parallel_loop3A_579 : vector<1x1x16xf32> to vector<16xf32>
        %parallel_loop3A_581 = arith.constant 1 : i32
        %parallel_loop3A_582 = arith.index_cast %parallel_loop3A_581 : i32 to index
        %parallel_loop3A_583 = arith.index_cast %parallel_loop3A_505 : i32 to index
        %parallel_loop3A_584 = arith.constant 48 : index
        %parallel_loop3A_585 = tpu.vector_load %arg12[%parallel_loop3A_582, %parallel_loop3A_583, %parallel_loop3A_584] {strides = array<i32>} : memref<5x80x64xf32, #tpu.memory_space<vmem>>, vector<1x1x16xf32>,
        %parallel_loop3A_586 = vector.shape_cast %parallel_loop3A_585 : vector<1x1x16xf32> to vector<16xf32>
        %parallel_loop3A_587 = arith.addf %parallel_loop3A_580, %parallel_loop3A_586 : vector<16xf32>
        %parallel_loop3A_588 = arith.constant 0.000000e+00 : f32
        %parallel_loop3A_589 = vector.broadcast %parallel_loop3A_588 : f32 to vector<16xf32>
        %parallel_loop3A_590 = arith.maximumf %parallel_loop3A_587, %parallel_loop3A_589 : vector<16xf32>
        %parallel_loop3A_591 = arith.constant 1 : i32
        %parallel_loop3A_592 = arith.index_cast %parallel_loop3A_591 : i32 to index
        %parallel_loop3A_593 = arith.index_cast %parallel_loop3A_505 : i32 to index
        %parallel_loop3A_594 = arith.constant 48 : index
        %parallel_loop3A_595 = tpu.vector_load %arg11[%parallel_loop3A_592, %parallel_loop3A_593, %parallel_loop3A_594] {strides = array<i32>} : memref<5x80x64xf32, #tpu.memory_space<vmem>>, vector<1x1x16xf32>,
        %parallel_loop3A_596 = vector.shape_cast %parallel_loop3A_595 : vector<1x1x16xf32> to vector<16xf32>
        %parallel_loop3A_597 = vector.shape_cast %parallel_loop3A_590 : vector<16xf32> to vector<1x1x16xf32>
        tpu.vector_store %arg11[%parallel_loop3A_592, %parallel_loop3A_593, %parallel_loop3A_594], %parallel_loop3A_597 {strides = array<i32>} : memref<5x80x64xf32, #tpu.memory_space<vmem>>, vector<1x1x16xf32>,
      } {sc.loop_unroll_factor = 2 : i64, sc.parallel_access}
      %dma_start3A_329 = arith.constant 1 : i32
      %dma_start3A_330 = arith.constant 1 : i32
      %dma_start3A_331 = arith.constant 0 : i32
      %dma_start3A_332 = arith.constant 0 : i32
      %dma_start3A_333 = tpu.memref_slice %arg11[%dma_start3A_329, %dma_start3A_331, %dma_start3A_332] : memref<5x80x64xf32, #tpu.memory_space<vmem>> -> memref<1x80x64xf32, #tpu.memory_space<vmem>>
      %dma_start3A_334 = tpu.memref_squeeze %dma_start3A_333 : memref<1x80x64xf32, #tpu.memory_space<vmem>> -> memref<80x64xf32, #tpu.memory_space<vmem>>
      %dma_start3A_335 = arith.constant 0 : i32
      %dma_start3A_336 = tpu.memref_slice %arg9[%add3A_290, %dma_start3A_335] : memref<125x80xi32, #tpu.memory_space<vmem>> -> memref<1x80xi32, #tpu.memory_space<vmem>>
      %dma_start3A_337 = tpu.memref_squeeze %dma_start3A_336 : memref<1x80xi32, #tpu.memory_space<vmem>> -> memref<80xi32, #tpu.memory_space<vmem>>
      %dma_start3A_338 = arith.constant 0 : i32
      %dma_start3A_339 = arith.constant 0 : i32
      %dma_start3A_340 = tpu.memref_slice %arg14[%dma_start3A_338, %dma_start3A_339] : memref<10000x64xf32, #tpu.memory_space<vmem_shared>> -> memref<10000x64xf32, #tpu.memory_space<vmem_shared>>
      %dma_start3A_341 = tpu.memref_slice %arg18[%dma_start3A_330] : memref<5x!tpu.dma_semaphore, #tpu.memory_space<semaphore_mem>> -> memref<1x!tpu.dma_semaphore, #tpu.memory_space<semaphore_mem>>
      %dma_start3A_342 = tpu.memref_squeeze %dma_start3A_341 : memref<1x!tpu.dma_semaphore, #tpu.memory_space<semaphore_mem>> -> memref<!tpu.dma_semaphore, #tpu.memory_space<semaphore_mem>>
      tpu.enqueue_indirect_dma source(%dma_start3A_334 : memref<80x64xf32, #tpu.memory_space<vmem>>) target(%dma_start3A_340 : memref<10000x64xf32, #tpu.memory_space<vmem_shared>>) offsets(%dma_start3A_337 : memref<80xi32, #tpu.memory_space<vmem>>) semaphore(%dma_start3A_342 : memref<!tpu.dma_semaphore, #tpu.memory_space<semaphore_mem>>) {add = true}
      %add3A_343 = arith.constant 2 : i32
      %add3A_344 = arith.addi %mul3A_236, %add3A_343 : i32
      %add3A_345 = arith.constant 3 : i32
      %add3A_346 = arith.addi %add3A_344, %add3A_345 : i32
      %lt3A_347 = arith.constant 125 : i32
      %lt3A_348 = arith.cmpi slt, %add3A_346, %lt3A_347 : i32
      %convert_element_type3A_349 = arith.extui %lt3A_348 : i1 to i32
      %cond3A_350 = arith.constant 0 : i32
      %cond3A_351 = arith.cmpi ne, %convert_element_type3A_349, %cond3A_350 : i32
      scf.if %cond3A_351 {
        %ge3A = arith.constant 5 : i32
        %ge3A_505 = arith.cmpi sge, %add3A_346, %ge3A : i32
        %convert_element_type3A_506 = arith.extui %ge3A_505 : i1 to i32
        %cond3A_507 = arith.constant 0 : i32
        %cond3A_508 = arith.cmpi ne, %convert_element_type3A_506, %cond3A_507 : i32
        scf.if %cond3A_508 {
          %sub3A = arith.constant 5 : i32
          %sub3A_537 = arith.subi %add3A_346, %sub3A : i32
          %dma_wait3A_538 = arith.constant 0 : i32
          %dma_wait3A_539 = arith.constant 0 : i32
          %dma_wait3A_540 = arith.constant 0 : i32
          %dma_wait3A_541 = arith.constant 0 : i32
          %dma_wait3A_542 = tpu.memref_slice %arg11[%dma_wait3A_538, %dma_wait3A_540, %dma_wait3A_541] : memref<5x80x64xf32, #tpu.memory_space<vmem>> -> memref<1x80x64xf32, #tpu.memory_space<vmem>>
          %dma_wait3A_543 = tpu.memref_squeeze %dma_wait3A_542 : memref<1x80x64xf32, #tpu.memory_space<vmem>> -> memref<80x64xf32, #tpu.memory_space<vmem>>
          %dma_wait3A_544 = arith.constant 0 : i32
          %dma_wait3A_545 = tpu.memref_slice %arg9[%sub3A_537, %dma_wait3A_544] : memref<125x80xi32, #tpu.memory_space<vmem>> -> memref<1x80xi32, #tpu.memory_space<vmem>>
          %dma_wait3A_546 = tpu.memref_squeeze %dma_wait3A_545 : memref<1x80xi32, #tpu.memory_space<vmem>> -> memref<80xi32, #tpu.memory_space<vmem>>
          %dma_wait3A_547 = arith.constant 0 : i32
          %dma_wait3A_548 = arith.constant 0 : i32
          %dma_wait3A_549 = tpu.memref_slice %arg14[%dma_wait3A_547, %dma_wait3A_548] : memref<10000x64xf32, #tpu.memory_space<vmem_shared>> -> memref<10000x64xf32, #tpu.memory_space<vmem_shared>>
          %dma_wait3A_550 = tpu.memref_slice %arg18[%dma_wait3A_539] : memref<5x!tpu.dma_semaphore, #tpu.memory_space<semaphore_mem>> -> memref<1x!tpu.dma_semaphore, #tpu.memory_space<semaphore_mem>>
          %dma_wait3A_551 = tpu.memref_squeeze %dma_wait3A_550 : memref<1x!tpu.dma_semaphore, #tpu.memory_space<semaphore_mem>> -> memref<!tpu.dma_semaphore, #tpu.memory_space<semaphore_mem>>
          tpu.wait_indirect_dma semaphore(%dma_wait3A_551 : memref<!tpu.dma_semaphore, #tpu.memory_space<semaphore_mem>>) src(%dma_wait3A_543 : memref<80x64xf32, #tpu.memory_space<vmem>>) dst(%dma_wait3A_549 : memref<10000x64xf32, #tpu.memory_space<vmem_shared>>)
        } else {
        }
        %dma_start3A_509 = arith.constant 0 : i32
        %dma_start3A_510 = arith.constant 0 : i32
        %dma_start3A_511 = arith.constant 0 : i32
        %dma_start3A_512 = arith.constant 0 : i32
        %dma_start3A_513 = tpu.memref_slice %arg11[%dma_start3A_509, %dma_start3A_511, %dma_start3A_512] : memref<5x80x64xf32, #tpu.memory_space<vmem>> -> memref<1x80x64xf32, #tpu.memory_space<vmem>>
        %dma_start3A_514 = tpu.memref_squeeze %dma_start3A_513 : memref<1x80x64xf32, #tpu.memory_space<vmem>> -> memref<80x64xf32, #tpu.memory_space<vmem>>
        %dma_start3A_515 = arith.constant 0 : i32
        %dma_start3A_516 = tpu.memref_slice %arg8[%add3A_346, %dma_start3A_515] : memref<125x80xi32, #tpu.memory_space<vmem>> -> memref<1x80xi32, #tpu.memory_space<vmem>>
        %dma_start3A_517 = tpu.memref_squeeze %dma_start3A_516 : memref<1x80xi32, #tpu.memory_space<vmem>> -> memref<80xi32, #tpu.memory_space<vmem>>
        %dma_start3A_518 = arith.constant 0 : i32
        %dma_start3A_519 = arith.constant 0 : i32
        %dma_start3A_520 = tpu.memref_slice %arg2[%dma_start3A_518, %dma_start3A_519] : memref<10000x64xf32, #tpu.memory_space<hbm>> -> memref<10000x64xf32, #tpu.memory_space<hbm>>
        %dma_start3A_521 = tpu.memref_slice %arg16[%dma_start3A_510] : memref<5x!tpu.dma_semaphore, #tpu.memory_space<semaphore_mem>> -> memref<1x!tpu.dma_semaphore, #tpu.memory_space<semaphore_mem>>
        %dma_start3A_522 = tpu.memref_squeeze %dma_start3A_521 : memref<1x!tpu.dma_semaphore, #tpu.memory_space<semaphore_mem>> -> memref<!tpu.dma_semaphore, #tpu.memory_space<semaphore_mem>>
        tpu.enqueue_indirect_dma source(%dma_start3A_520 : memref<10000x64xf32, #tpu.memory_space<hbm>>) target(%dma_start3A_514 : memref<80x64xf32, #tpu.memory_space<vmem>>) offsets(%dma_start3A_517 : memref<80xi32, #tpu.memory_space<vmem>>) semaphore(%dma_start3A_522 : memref<!tpu.dma_semaphore, #tpu.memory_space<semaphore_mem>>)
        %dma_start3A_523 = arith.constant 0 : i32
        %dma_start3A_524 = arith.constant 0 : i32
        %dma_start3A_525 = arith.constant 0 : i32
        %dma_start3A_526 = arith.constant 0 : i32
        %dma_start3A_527 = tpu.memref_slice %arg12[%dma_start3A_523, %dma_start3A_525, %dma_start3A_526] : memref<5x80x64xf32, #tpu.memory_space<vmem>> -> memref<1x80x64xf32, #tpu.memory_space<vmem>>
        %dma_start3A_528 = tpu.memref_squeeze %dma_start3A_527 : memref<1x80x64xf32, #tpu.memory_space<vmem>> -> memref<80x64xf32, #tpu.memory_space<vmem>>
        %dma_start3A_529 = arith.constant 0 : i32
        %dma_start3A_530 = tpu.memref_slice %arg10[%add3A_346, %dma_start3A_529] : memref<125x80xi32, #tpu.memory_space<vmem>> -> memref<1x80xi32, #tpu.memory_space<vmem>>
        %dma_start3A_531 = tpu.memref_squeeze %dma_start3A_530 : memref<1x80xi32, #tpu.memory_space<vmem>> -> memref<80xi32, #tpu.memory_space<vmem>>
        %dma_start3A_532 = arith.constant 0 : i32
        %dma_start3A_533 = arith.constant 0 : i32
        %dma_start3A_534 = tpu.memref_slice %arg15[%dma_start3A_532, %dma_start3A_533] : memref<16x64xf32, #tpu.memory_space<vmem_shared>> -> memref<16x64xf32, #tpu.memory_space<vmem_shared>>
        %dma_start3A_535 = tpu.memref_slice %arg17[%dma_start3A_524] : memref<5x!tpu.dma_semaphore, #tpu.memory_space<semaphore_mem>> -> memref<1x!tpu.dma_semaphore, #tpu.memory_space<semaphore_mem>>
        %dma_start3A_536 = tpu.memref_squeeze %dma_start3A_535 : memref<1x!tpu.dma_semaphore, #tpu.memory_space<semaphore_mem>> -> memref<!tpu.dma_semaphore, #tpu.memory_space<semaphore_mem>>
        tpu.enqueue_indirect_dma source(%dma_start3A_534 : memref<16x64xf32, #tpu.memory_space<vmem_shared>>) target(%dma_start3A_528 : memref<80x64xf32, #tpu.memory_space<vmem>>) offsets(%dma_start3A_531 : memref<80xi32, #tpu.memory_space<vmem>>) semaphore(%dma_start3A_536 : memref<!tpu.dma_semaphore, #tpu.memory_space<semaphore_mem>>)
      } else {
      }
      %dma_wait3A_352 = arith.constant 2 : i32
      %dma_wait3A_353 = arith.constant 2 : i32
      %dma_wait3A_354 = arith.constant 0 : i32
      %dma_wait3A_355 = arith.constant 0 : i32
      %dma_wait3A_356 = tpu.memref_slice %arg11[%dma_wait3A_352, %dma_wait3A_354, %dma_wait3A_355] : memref<5x80x64xf32, #tpu.memory_space<vmem>> -> memref<1x80x64xf32, #tpu.memory_space<vmem>>
      %dma_wait3A_357 = tpu.memref_squeeze %dma_wait3A_356 : memref<1x80x64xf32, #tpu.memory_space<vmem>> -> memref<80x64xf32, #tpu.memory_space<vmem>>
      %dma_wait3A_358 = arith.constant 0 : i32
      %dma_wait3A_359 = tpu.memref_slice %arg8[%add3A_344, %dma_wait3A_358] : memref<125x80xi32, #tpu.memory_space<vmem>> -> memref<1x80xi32, #tpu.memory_space<vmem>>
      %dma_wait3A_360 = tpu.memref_squeeze %dma_wait3A_359 : memref<1x80xi32, #tpu.memory_space<vmem>> -> memref<80xi32, #tpu.memory_space<vmem>>
      %dma_wait3A_361 = arith.constant 0 : i32
      %dma_wait3A_362 = arith.constant 0 : i32
      %dma_wait3A_363 = tpu.memref_slice %arg2[%dma_wait3A_361, %dma_wait3A_362] : memref<10000x64xf32, #tpu.memory_space<hbm>> -> memref<10000x64xf32, #tpu.memory_space<hbm>>
      %dma_wait3A_364 = tpu.memref_slice %arg16[%dma_wait3A_353] : memref<5x!tpu.dma_semaphore, #tpu.memory_space<semaphore_mem>> -> memref<1x!tpu.dma_semaphore, #tpu.memory_space<semaphore_mem>>
      %dma_wait3A_365 = tpu.memref_squeeze %dma_wait3A_364 : memref<1x!tpu.dma_semaphore, #tpu.memory_space<semaphore_mem>> -> memref<!tpu.dma_semaphore, #tpu.memory_space<semaphore_mem>>
      tpu.wait_indirect_dma semaphore(%dma_wait3A_365 : memref<!tpu.dma_semaphore, #tpu.memory_space<semaphore_mem>>) src(%dma_wait3A_363 : memref<10000x64xf32, #tpu.memory_space<hbm>>) dst(%dma_wait3A_357 : memref<80x64xf32, #tpu.memory_space<vmem>>)
      %dma_wait3A_366 = arith.constant 2 : i32
      %dma_wait3A_367 = arith.constant 2 : i32
      %dma_wait3A_368 = arith.constant 0 : i32
      %dma_wait3A_369 = arith.constant 0 : i32
      %dma_wait3A_370 = tpu.memref_slice %arg12[%dma_wait3A_366, %dma_wait3A_368, %dma_wait3A_369] : memref<5x80x64xf32, #tpu.memory_space<vmem>> -> memref<1x80x64xf32, #tpu.memory_space<vmem>>
      %dma_wait3A_371 = tpu.memref_squeeze %dma_wait3A_370 : memref<1x80x64xf32, #tpu.memory_space<vmem>> -> memref<80x64xf32, #tpu.memory_space<vmem>>
      %dma_wait3A_372 = arith.constant 0 : i32
      %dma_wait3A_373 = tpu.memref_slice %arg10[%add3A_344, %dma_wait3A_372] : memref<125x80xi32, #tpu.memory_space<vmem>> -> memref<1x80xi32, #tpu.memory_space<vmem>>
      %dma_wait3A_374 = tpu.memref_squeeze %dma_wait3A_373 : memref<1x80xi32, #tpu.memory_space<vmem>> -> memref<80xi32, #tpu.memory_space<vmem>>
      %dma_wait3A_375 = arith.constant 0 : i32
      %dma_wait3A_376 = arith.constant 0 : i32
      %dma_wait3A_377 = tpu.memref_slice %arg15[%dma_wait3A_375, %dma_wait3A_376] : memref<16x64xf32, #tpu.memory_space<vmem_shared>> -> memref<16x64xf32, #tpu.memory_space<vmem_shared>>
      %dma_wait3A_378 = tpu.memref_slice %arg17[%dma_wait3A_367] : memref<5x!tpu.dma_semaphore, #tpu.memory_space<semaphore_mem>> -> memref<1x!tpu.dma_semaphore, #tpu.memory_space<semaphore_mem>>
      %dma_wait3A_379 = tpu.memref_squeeze %dma_wait3A_378 : memref<1x!tpu.dma_semaphore, #tpu.memory_space<semaphore_mem>> -> memref<!tpu.dma_semaphore, #tpu.memory_space<semaphore_mem>>
      tpu.wait_indirect_dma semaphore(%dma_wait3A_379 : memref<!tpu.dma_semaphore, #tpu.memory_space<semaphore_mem>>) src(%dma_wait3A_377 : memref<16x64xf32, #tpu.memory_space<vmem_shared>>) dst(%dma_wait3A_371 : memref<80x64xf32, #tpu.memory_space<vmem>>)
      %parallel_loop3A_380 = arith.constant 0 : i32
      %parallel_loop3A_381 = arith.constant 80 : i32
      %parallel_loop3A_382 = arith.constant 1 : i32
      scf.for %parallel_loop3A_505 = %parallel_loop3A_380 to %parallel_loop3A_381 step %parallel_loop3A_382  : i32 {
        %parallel_loop3A_506 = arith.constant 2 : i32
        %parallel_loop3A_507 = arith.index_cast %parallel_loop3A_506 : i32 to index
        %parallel_loop3A_508 = arith.index_cast %parallel_loop3A_505 : i32 to index
        %parallel_loop3A_509 = arith.constant 0 : index
        %parallel_loop3A_510 = tpu.vector_load %arg11[%parallel_loop3A_507, %parallel_loop3A_508, %parallel_loop3A_509] {strides = array<i32>} : memref<5x80x64xf32, #tpu.memory_space<vmem>>, vector<1x1x16xf32>,
        %parallel_loop3A_511 = vector.shape_cast %parallel_loop3A_510 : vector<1x1x16xf32> to vector<16xf32>
        %parallel_loop3A_512 = arith.constant 2 : i32
        %parallel_loop3A_513 = arith.index_cast %parallel_loop3A_512 : i32 to index
        %parallel_loop3A_514 = arith.index_cast %parallel_loop3A_505 : i32 to index
        %parallel_loop3A_515 = arith.constant 0 : index
        %parallel_loop3A_516 = tpu.vector_load %arg12[%parallel_loop3A_513, %parallel_loop3A_514, %parallel_loop3A_515] {strides = array<i32>} : memref<5x80x64xf32, #tpu.memory_space<vmem>>, vector<1x1x16xf32>,
        %parallel_loop3A_517 = vector.shape_cast %parallel_loop3A_516 : vector<1x1x16xf32> to vector<16xf32>
        %parallel_loop3A_518 = arith.addf %parallel_loop3A_511, %parallel_loop3A_517 : vector<16xf32>
        %parallel_loop3A_519 = arith.constant 0.000000e+00 : f32
        %parallel_loop3A_520 = vector.broadcast %parallel_loop3A_519 : f32 to vector<16xf32>
        %parallel_loop3A_521 = arith.maximumf %parallel_loop3A_518, %parallel_loop3A_520 : vector<16xf32>
        %parallel_loop3A_522 = arith.constant 2 : i32
        %parallel_loop3A_523 = arith.index_cast %parallel_loop3A_522 : i32 to index
        %parallel_loop3A_524 = arith.index_cast %parallel_loop3A_505 : i32 to index
        %parallel_loop3A_525 = arith.constant 0 : index
        %parallel_loop3A_526 = tpu.vector_load %arg11[%parallel_loop3A_523, %parallel_loop3A_524, %parallel_loop3A_525] {strides = array<i32>} : memref<5x80x64xf32, #tpu.memory_space<vmem>>, vector<1x1x16xf32>,
        %parallel_loop3A_527 = vector.shape_cast %parallel_loop3A_526 : vector<1x1x16xf32> to vector<16xf32>
        %parallel_loop3A_528 = vector.shape_cast %parallel_loop3A_521 : vector<16xf32> to vector<1x1x16xf32>
        tpu.vector_store %arg11[%parallel_loop3A_523, %parallel_loop3A_524, %parallel_loop3A_525], %parallel_loop3A_528 {strides = array<i32>} : memref<5x80x64xf32, #tpu.memory_space<vmem>>, vector<1x1x16xf32>,
        %parallel_loop3A_529 = arith.constant 2 : i32
        %parallel_loop3A_530 = arith.index_cast %parallel_loop3A_529 : i32 to index
        %parallel_loop3A_531 = arith.index_cast %parallel_loop3A_505 : i32 to index
        %parallel_loop3A_532 = arith.constant 16 : index
        %parallel_loop3A_533 = tpu.vector_load %arg11[%parallel_loop3A_530, %parallel_loop3A_531, %parallel_loop3A_532] {strides = array<i32>} : memref<5x80x64xf32, #tpu.memory_space<vmem>>, vector<1x1x16xf32>,
        %parallel_loop3A_534 = vector.shape_cast %parallel_loop3A_533 : vector<1x1x16xf32> to vector<16xf32>
        %parallel_loop3A_535 = arith.constant 2 : i32
        %parallel_loop3A_536 = arith.index_cast %parallel_loop3A_535 : i32 to index
        %parallel_loop3A_537 = arith.index_cast %parallel_loop3A_505 : i32 to index
        %parallel_loop3A_538 = arith.constant 16 : index
        %parallel_loop3A_539 = tpu.vector_load %arg12[%parallel_loop3A_536, %parallel_loop3A_537, %parallel_loop3A_538] {strides = array<i32>} : memref<5x80x64xf32, #tpu.memory_space<vmem>>, vector<1x1x16xf32>,
        %parallel_loop3A_540 = vector.shape_cast %parallel_loop3A_539 : vector<1x1x16xf32> to vector<16xf32>
        %parallel_loop3A_541 = arith.addf %parallel_loop3A_534, %parallel_loop3A_540 : vector<16xf32>
        %parallel_loop3A_542 = arith.constant 0.000000e+00 : f32
        %parallel_loop3A_543 = vector.broadcast %parallel_loop3A_542 : f32 to vector<16xf32>
        %parallel_loop3A_544 = arith.maximumf %parallel_loop3A_541, %parallel_loop3A_543 : vector<16xf32>
        %parallel_loop3A_545 = arith.constant 2 : i32
        %parallel_loop3A_546 = arith.index_cast %parallel_loop3A_545 : i32 to index
        %parallel_loop3A_547 = arith.index_cast %parallel_loop3A_505 : i32 to index
        %parallel_loop3A_548 = arith.constant 16 : index
        %parallel_loop3A_549 = tpu.vector_load %arg11[%parallel_loop3A_546, %parallel_loop3A_547, %parallel_loop3A_548] {strides = array<i32>} : memref<5x80x64xf32, #tpu.memory_space<vmem>>, vector<1x1x16xf32>,
        %parallel_loop3A_550 = vector.shape_cast %parallel_loop3A_549 : vector<1x1x16xf32> to vector<16xf32>
        %parallel_loop3A_551 = vector.shape_cast %parallel_loop3A_544 : vector<16xf32> to vector<1x1x16xf32>
        tpu.vector_store %arg11[%parallel_loop3A_546, %parallel_loop3A_547, %parallel_loop3A_548], %parallel_loop3A_551 {strides = array<i32>} : memref<5x80x64xf32, #tpu.memory_space<vmem>>, vector<1x1x16xf32>,
        %parallel_loop3A_552 = arith.constant 2 : i32
        %parallel_loop3A_553 = arith.index_cast %parallel_loop3A_552 : i32 to index
        %parallel_loop3A_554 = arith.index_cast %parallel_loop3A_505 : i32 to index
        %parallel_loop3A_555 = arith.constant 32 : index
        %parallel_loop3A_556 = tpu.vector_load %arg11[%parallel_loop3A_553, %parallel_loop3A_554, %parallel_loop3A_555] {strides = array<i32>} : memref<5x80x64xf32, #tpu.memory_space<vmem>>, vector<1x1x16xf32>,
        %parallel_loop3A_557 = vector.shape_cast %parallel_loop3A_556 : vector<1x1x16xf32> to vector<16xf32>
        %parallel_loop3A_558 = arith.constant 2 : i32
        %parallel_loop3A_559 = arith.index_cast %parallel_loop3A_558 : i32 to index
        %parallel_loop3A_560 = arith.index_cast %parallel_loop3A_505 : i32 to index
        %parallel_loop3A_561 = arith.constant 32 : index
        %parallel_loop3A_562 = tpu.vector_load %arg12[%parallel_loop3A_559, %parallel_loop3A_560, %parallel_loop3A_561] {strides = array<i32>} : memref<5x80x64xf32, #tpu.memory_space<vmem>>, vector<1x1x16xf32>,
        %parallel_loop3A_563 = vector.shape_cast %parallel_loop3A_562 : vector<1x1x16xf32> to vector<16xf32>
        %parallel_loop3A_564 = arith.addf %parallel_loop3A_557, %parallel_loop3A_563 : vector<16xf32>
        %parallel_loop3A_565 = arith.constant 0.000000e+00 : f32
        %parallel_loop3A_566 = vector.broadcast %parallel_loop3A_565 : f32 to vector<16xf32>
        %parallel_loop3A_567 = arith.maximumf %parallel_loop3A_564, %parallel_loop3A_566 : vector<16xf32>
        %parallel_loop3A_568 = arith.constant 2 : i32
        %parallel_loop3A_569 = arith.index_cast %parallel_loop3A_568 : i32 to index
        %parallel_loop3A_570 = arith.index_cast %parallel_loop3A_505 : i32 to index
        %parallel_loop3A_571 = arith.constant 32 : index
        %parallel_loop3A_572 = tpu.vector_load %arg11[%parallel_loop3A_569, %parallel_loop3A_570, %parallel_loop3A_571] {strides = array<i32>} : memref<5x80x64xf32, #tpu.memory_space<vmem>>, vector<1x1x16xf32>,
        %parallel_loop3A_573 = vector.shape_cast %parallel_loop3A_572 : vector<1x1x16xf32> to vector<16xf32>
        %parallel_loop3A_574 = vector.shape_cast %parallel_loop3A_567 : vector<16xf32> to vector<1x1x16xf32>
        tpu.vector_store %arg11[%parallel_loop3A_569, %parallel_loop3A_570, %parallel_loop3A_571], %parallel_loop3A_574 {strides = array<i32>} : memref<5x80x64xf32, #tpu.memory_space<vmem>>, vector<1x1x16xf32>,
        %parallel_loop3A_575 = arith.constant 2 : i32
        %parallel_loop3A_576 = arith.index_cast %parallel_loop3A_575 : i32 to index
        %parallel_loop3A_577 = arith.index_cast %parallel_loop3A_505 : i32 to index
        %parallel_loop3A_578 = arith.constant 48 : index
        %parallel_loop3A_579 = tpu.vector_load %arg11[%parallel_loop3A_576, %parallel_loop3A_577, %parallel_loop3A_578] {strides = array<i32>} : memref<5x80x64xf32, #tpu.memory_space<vmem>>, vector<1x1x16xf32>,
        %parallel_loop3A_580 = vector.shape_cast %parallel_loop3A_579 : vector<1x1x16xf32> to vector<16xf32>
        %parallel_loop3A_581 = arith.constant 2 : i32
        %parallel_loop3A_582 = arith.index_cast %parallel_loop3A_581 : i32 to index
        %parallel_loop3A_583 = arith.index_cast %parallel_loop3A_505 : i32 to index
        %parallel_loop3A_584 = arith.constant 48 : index
        %parallel_loop3A_585 = tpu.vector_load %arg12[%parallel_loop3A_582, %parallel_loop3A_583, %parallel_loop3A_584] {strides = array<i32>} : memref<5x80x64xf32, #tpu.memory_space<vmem>>, vector<1x1x16xf32>,
        %parallel_loop3A_586 = vector.shape_cast %parallel_loop3A_585 : vector<1x1x16xf32> to vector<16xf32>
        %parallel_loop3A_587 = arith.addf %parallel_loop3A_580, %parallel_loop3A_586 : vector<16xf32>
        %parallel_loop3A_588 = arith.constant 0.000000e+00 : f32
        %parallel_loop3A_589 = vector.broadcast %parallel_loop3A_588 : f32 to vector<16xf32>
        %parallel_loop3A_590 = arith.maximumf %parallel_loop3A_587, %parallel_loop3A_589 : vector<16xf32>
        %parallel_loop3A_591 = arith.constant 2 : i32
        %parallel_loop3A_592 = arith.index_cast %parallel_loop3A_591 : i32 to index
        %parallel_loop3A_593 = arith.index_cast %parallel_loop3A_505 : i32 to index
        %parallel_loop3A_594 = arith.constant 48 : index
        %parallel_loop3A_595 = tpu.vector_load %arg11[%parallel_loop3A_592, %parallel_loop3A_593, %parallel_loop3A_594] {strides = array<i32>} : memref<5x80x64xf32, #tpu.memory_space<vmem>>, vector<1x1x16xf32>,
        %parallel_loop3A_596 = vector.shape_cast %parallel_loop3A_595 : vector<1x1x16xf32> to vector<16xf32>
        %parallel_loop3A_597 = vector.shape_cast %parallel_loop3A_590 : vector<16xf32> to vector<1x1x16xf32>
        tpu.vector_store %arg11[%parallel_loop3A_592, %parallel_loop3A_593, %parallel_loop3A_594], %parallel_loop3A_597 {strides = array<i32>} : memref<5x80x64xf32, #tpu.memory_space<vmem>>, vector<1x1x16xf32>,
      } {sc.loop_unroll_factor = 2 : i64, sc.parallel_access}
      %dma_start3A_383 = arith.constant 2 : i32
      %dma_start3A_384 = arith.constant 2 : i32
      %dma_start3A_385 = arith.constant 0 : i32
      %dma_start3A_386 = arith.constant 0 : i32
      %dma_start3A_387 = tpu.memref_slice %arg11[%dma_start3A_383, %dma_start3A_385, %dma_start3A_386] : memref<5x80x64xf32, #tpu.memory_space<vmem>> -> memref<1x80x64xf32, #tpu.memory_space<vmem>>
      %dma_start3A_388 = tpu.memref_squeeze %dma_start3A_387 : memref<1x80x64xf32, #tpu.memory_space<vmem>> -> memref<80x64xf32, #tpu.memory_space<vmem>>
      %dma_start3A_389 = arith.constant 0 : i32
      %dma_start3A_390 = tpu.memref_slice %arg9[%add3A_344, %dma_start3A_389] : memref<125x80xi32, #tpu.memory_space<vmem>> -> memref<1x80xi32, #tpu.memory_space<vmem>>
      %dma_start3A_391 = tpu.memref_squeeze %dma_start3A_390 : memref<1x80xi32, #tpu.memory_space<vmem>> -> memref<80xi32, #tpu.memory_space<vmem>>
      %dma_start3A_392 = arith.constant 0 : i32
      %dma_start3A_393 = arith.constant 0 : i32
      %dma_start3A_394 = tpu.memref_slice %arg14[%dma_start3A_392, %dma_start3A_393] : memref<10000x64xf32, #tpu.memory_space<vmem_shared>> -> memref<10000x64xf32, #tpu.memory_space<vmem_shared>>
      %dma_start3A_395 = tpu.memref_slice %arg18[%dma_start3A_384] : memref<5x!tpu.dma_semaphore, #tpu.memory_space<semaphore_mem>> -> memref<1x!tpu.dma_semaphore, #tpu.memory_space<semaphore_mem>>
      %dma_start3A_396 = tpu.memref_squeeze %dma_start3A_395 : memref<1x!tpu.dma_semaphore, #tpu.memory_space<semaphore_mem>> -> memref<!tpu.dma_semaphore, #tpu.memory_space<semaphore_mem>>
      tpu.enqueue_indirect_dma source(%dma_start3A_388 : memref<80x64xf32, #tpu.memory_space<vmem>>) target(%dma_start3A_394 : memref<10000x64xf32, #tpu.memory_space<vmem_shared>>) offsets(%dma_start3A_391 : memref<80xi32, #tpu.memory_space<vmem>>) semaphore(%dma_start3A_396 : memref<!tpu.dma_semaphore, #tpu.memory_space<semaphore_mem>>) {add = true}
      %add3A_397 = arith.constant 3 : i32
      %add3A_398 = arith.addi %mul3A_236, %add3A_397 : i32
      %add3A_399 = arith.constant 3 : i32
      %add3A_400 = arith.addi %add3A_398, %add3A_399 : i32
      %lt3A_401 = arith.constant 125 : i32
      %lt3A_402 = arith.cmpi slt, %add3A_400, %lt3A_401 : i32
      %convert_element_type3A_403 = arith.extui %lt3A_402 : i1 to i32
      %cond3A_404 = arith.constant 0 : i32
      %cond3A_405 = arith.cmpi ne, %convert_element_type3A_403, %cond3A_404 : i32
      scf.if %cond3A_405 {
        %ge3A = arith.constant 5 : i32
        %ge3A_505 = arith.cmpi sge, %add3A_400, %ge3A : i32
        %convert_element_type3A_506 = arith.extui %ge3A_505 : i1 to i32
        %cond3A_507 = arith.constant 0 : i32
        %cond3A_508 = arith.cmpi ne, %convert_element_type3A_506, %cond3A_507 : i32
        scf.if %cond3A_508 {
          %sub3A = arith.constant 5 : i32
          %sub3A_537 = arith.subi %add3A_400, %sub3A : i32
          %dma_wait3A_538 = arith.constant 1 : i32
          %dma_wait3A_539 = arith.constant 1 : i32
          %dma_wait3A_540 = arith.constant 0 : i32
          %dma_wait3A_541 = arith.constant 0 : i32
          %dma_wait3A_542 = tpu.memref_slice %arg11[%dma_wait3A_538, %dma_wait3A_540, %dma_wait3A_541] : memref<5x80x64xf32, #tpu.memory_space<vmem>> -> memref<1x80x64xf32, #tpu.memory_space<vmem>>
          %dma_wait3A_543 = tpu.memref_squeeze %dma_wait3A_542 : memref<1x80x64xf32, #tpu.memory_space<vmem>> -> memref<80x64xf32, #tpu.memory_space<vmem>>
          %dma_wait3A_544 = arith.constant 0 : i32
          %dma_wait3A_545 = tpu.memref_slice %arg9[%sub3A_537, %dma_wait3A_544] : memref<125x80xi32, #tpu.memory_space<vmem>> -> memref<1x80xi32, #tpu.memory_space<vmem>>
          %dma_wait3A_546 = tpu.memref_squeeze %dma_wait3A_545 : memref<1x80xi32, #tpu.memory_space<vmem>> -> memref<80xi32, #tpu.memory_space<vmem>>
          %dma_wait3A_547 = arith.constant 0 : i32
          %dma_wait3A_548 = arith.constant 0 : i32
          %dma_wait3A_549 = tpu.memref_slice %arg14[%dma_wait3A_547, %dma_wait3A_548] : memref<10000x64xf32, #tpu.memory_space<vmem_shared>> -> memref<10000x64xf32, #tpu.memory_space<vmem_shared>>
          %dma_wait3A_550 = tpu.memref_slice %arg18[%dma_wait3A_539] : memref<5x!tpu.dma_semaphore, #tpu.memory_space<semaphore_mem>> -> memref<1x!tpu.dma_semaphore, #tpu.memory_space<semaphore_mem>>
          %dma_wait3A_551 = tpu.memref_squeeze %dma_wait3A_550 : memref<1x!tpu.dma_semaphore, #tpu.memory_space<semaphore_mem>> -> memref<!tpu.dma_semaphore, #tpu.memory_space<semaphore_mem>>
          tpu.wait_indirect_dma semaphore(%dma_wait3A_551 : memref<!tpu.dma_semaphore, #tpu.memory_space<semaphore_mem>>) src(%dma_wait3A_543 : memref<80x64xf32, #tpu.memory_space<vmem>>) dst(%dma_wait3A_549 : memref<10000x64xf32, #tpu.memory_space<vmem_shared>>)
        } else {
        }
        %dma_start3A_509 = arith.constant 1 : i32
        %dma_start3A_510 = arith.constant 1 : i32
        %dma_start3A_511 = arith.constant 0 : i32
        %dma_start3A_512 = arith.constant 0 : i32
        %dma_start3A_513 = tpu.memref_slice %arg11[%dma_start3A_509, %dma_start3A_511, %dma_start3A_512] : memref<5x80x64xf32, #tpu.memory_space<vmem>> -> memref<1x80x64xf32, #tpu.memory_space<vmem>>
        %dma_start3A_514 = tpu.memref_squeeze %dma_start3A_513 : memref<1x80x64xf32, #tpu.memory_space<vmem>> -> memref<80x64xf32, #tpu.memory_space<vmem>>
        %dma_start3A_515 = arith.constant 0 : i32
        %dma_start3A_516 = tpu.memref_slice %arg8[%add3A_400, %dma_start3A_515] : memref<125x80xi32, #tpu.memory_space<vmem>> -> memref<1x80xi32, #tpu.memory_space<vmem>>
        %dma_start3A_517 = tpu.memref_squeeze %dma_start3A_516 : memref<1x80xi32, #tpu.memory_space<vmem>> -> memref<80xi32, #tpu.memory_space<vmem>>
        %dma_start3A_518 = arith.constant 0 : i32
        %dma_start3A_519 = arith.constant 0 : i32
        %dma_start3A_520 = tpu.memref_slice %arg2[%dma_start3A_518, %dma_start3A_519] : memref<10000x64xf32, #tpu.memory_space<hbm>> -> memref<10000x64xf32, #tpu.memory_space<hbm>>
        %dma_start3A_521 = tpu.memref_slice %arg16[%dma_start3A_510] : memref<5x!tpu.dma_semaphore, #tpu.memory_space<semaphore_mem>> -> memref<1x!tpu.dma_semaphore, #tpu.memory_space<semaphore_mem>>
        %dma_start3A_522 = tpu.memref_squeeze %dma_start3A_521 : memref<1x!tpu.dma_semaphore, #tpu.memory_space<semaphore_mem>> -> memref<!tpu.dma_semaphore, #tpu.memory_space<semaphore_mem>>
        tpu.enqueue_indirect_dma source(%dma_start3A_520 : memref<10000x64xf32, #tpu.memory_space<hbm>>) target(%dma_start3A_514 : memref<80x64xf32, #tpu.memory_space<vmem>>) offsets(%dma_start3A_517 : memref<80xi32, #tpu.memory_space<vmem>>) semaphore(%dma_start3A_522 : memref<!tpu.dma_semaphore, #tpu.memory_space<semaphore_mem>>)
        %dma_start3A_523 = arith.constant 1 : i32
        %dma_start3A_524 = arith.constant 1 : i32
        %dma_start3A_525 = arith.constant 0 : i32
        %dma_start3A_526 = arith.constant 0 : i32
        %dma_start3A_527 = tpu.memref_slice %arg12[%dma_start3A_523, %dma_start3A_525, %dma_start3A_526] : memref<5x80x64xf32, #tpu.memory_space<vmem>> -> memref<1x80x64xf32, #tpu.memory_space<vmem>>
        %dma_start3A_528 = tpu.memref_squeeze %dma_start3A_527 : memref<1x80x64xf32, #tpu.memory_space<vmem>> -> memref<80x64xf32, #tpu.memory_space<vmem>>
        %dma_start3A_529 = arith.constant 0 : i32
        %dma_start3A_530 = tpu.memref_slice %arg10[%add3A_400, %dma_start3A_529] : memref<125x80xi32, #tpu.memory_space<vmem>> -> memref<1x80xi32, #tpu.memory_space<vmem>>
        %dma_start3A_531 = tpu.memref_squeeze %dma_start3A_530 : memref<1x80xi32, #tpu.memory_space<vmem>> -> memref<80xi32, #tpu.memory_space<vmem>>
        %dma_start3A_532 = arith.constant 0 : i32
        %dma_start3A_533 = arith.constant 0 : i32
        %dma_start3A_534 = tpu.memref_slice %arg15[%dma_start3A_532, %dma_start3A_533] : memref<16x64xf32, #tpu.memory_space<vmem_shared>> -> memref<16x64xf32, #tpu.memory_space<vmem_shared>>
        %dma_start3A_535 = tpu.memref_slice %arg17[%dma_start3A_524] : memref<5x!tpu.dma_semaphore, #tpu.memory_space<semaphore_mem>> -> memref<1x!tpu.dma_semaphore, #tpu.memory_space<semaphore_mem>>
        %dma_start3A_536 = tpu.memref_squeeze %dma_start3A_535 : memref<1x!tpu.dma_semaphore, #tpu.memory_space<semaphore_mem>> -> memref<!tpu.dma_semaphore, #tpu.memory_space<semaphore_mem>>
        tpu.enqueue_indirect_dma source(%dma_start3A_534 : memref<16x64xf32, #tpu.memory_space<vmem_shared>>) target(%dma_start3A_528 : memref<80x64xf32, #tpu.memory_space<vmem>>) offsets(%dma_start3A_531 : memref<80xi32, #tpu.memory_space<vmem>>) semaphore(%dma_start3A_536 : memref<!tpu.dma_semaphore, #tpu.memory_space<semaphore_mem>>)
      } else {
      }
      %dma_wait3A_406 = arith.constant 3 : i32
      %dma_wait3A_407 = arith.constant 3 : i32
      %dma_wait3A_408 = arith.constant 0 : i32
      %dma_wait3A_409 = arith.constant 0 : i32
      %dma_wait3A_410 = tpu.memref_slice %arg11[%dma_wait3A_406, %dma_wait3A_408, %dma_wait3A_409] : memref<5x80x64xf32, #tpu.memory_space<vmem>> -> memref<1x80x64xf32, #tpu.memory_space<vmem>>
      %dma_wait3A_411 = tpu.memref_squeeze %dma_wait3A_410 : memref<1x80x64xf32, #tpu.memory_space<vmem>> -> memref<80x64xf32, #tpu.memory_space<vmem>>
      %dma_wait3A_412 = arith.constant 0 : i32
      %dma_wait3A_413 = tpu.memref_slice %arg8[%add3A_398, %dma_wait3A_412] : memref<125x80xi32, #tpu.memory_space<vmem>> -> memref<1x80xi32, #tpu.memory_space<vmem>>
      %dma_wait3A_414 = tpu.memref_squeeze %dma_wait3A_413 : memref<1x80xi32, #tpu.memory_space<vmem>> -> memref<80xi32, #tpu.memory_space<vmem>>
      %dma_wait3A_415 = arith.constant 0 : i32
      %dma_wait3A_416 = arith.constant 0 : i32
      %dma_wait3A_417 = tpu.memref_slice %arg2[%dma_wait3A_415, %dma_wait3A_416] : memref<10000x64xf32, #tpu.memory_space<hbm>> -> memref<10000x64xf32, #tpu.memory_space<hbm>>
      %dma_wait3A_418 = tpu.memref_slice %arg16[%dma_wait3A_407] : memref<5x!tpu.dma_semaphore, #tpu.memory_space<semaphore_mem>> -> memref<1x!tpu.dma_semaphore, #tpu.memory_space<semaphore_mem>>
      %dma_wait3A_419 = tpu.memref_squeeze %dma_wait3A_418 : memref<1x!tpu.dma_semaphore, #tpu.memory_space<semaphore_mem>> -> memref<!tpu.dma_semaphore, #tpu.memory_space<semaphore_mem>>
      tpu.wait_indirect_dma semaphore(%dma_wait3A_419 : memref<!tpu.dma_semaphore, #tpu.memory_space<semaphore_mem>>) src(%dma_wait3A_417 : memref<10000x64xf32, #tpu.memory_space<hbm>>) dst(%dma_wait3A_411 : memref<80x64xf32, #tpu.memory_space<vmem>>)
      %dma_wait3A_420 = arith.constant 3 : i32
      %dma_wait3A_421 = arith.constant 3 : i32
      %dma_wait3A_422 = arith.constant 0 : i32
      %dma_wait3A_423 = arith.constant 0 : i32
      %dma_wait3A_424 = tpu.memref_slice %arg12[%dma_wait3A_420, %dma_wait3A_422, %dma_wait3A_423] : memref<5x80x64xf32, #tpu.memory_space<vmem>> -> memref<1x80x64xf32, #tpu.memory_space<vmem>>
      %dma_wait3A_425 = tpu.memref_squeeze %dma_wait3A_424 : memref<1x80x64xf32, #tpu.memory_space<vmem>> -> memref<80x64xf32, #tpu.memory_space<vmem>>
      %dma_wait3A_426 = arith.constant 0 : i32
      %dma_wait3A_427 = tpu.memref_slice %arg10[%add3A_398, %dma_wait3A_426] : memref<125x80xi32, #tpu.memory_space<vmem>> -> memref<1x80xi32, #tpu.memory_space<vmem>>
      %dma_wait3A_428 = tpu.memref_squeeze %dma_wait3A_427 : memref<1x80xi32, #tpu.memory_space<vmem>> -> memref<80xi32, #tpu.memory_space<vmem>>
      %dma_wait3A_429 = arith.constant 0 : i32
      %dma_wait3A_430 = arith.constant 0 : i32
      %dma_wait3A_431 = tpu.memref_slice %arg15[%dma_wait3A_429, %dma_wait3A_430] : memref<16x64xf32, #tpu.memory_space<vmem_shared>> -> memref<16x64xf32, #tpu.memory_space<vmem_shared>>
      %dma_wait3A_432 = tpu.memref_slice %arg17[%dma_wait3A_421] : memref<5x!tpu.dma_semaphore, #tpu.memory_space<semaphore_mem>> -> memref<1x!tpu.dma_semaphore, #tpu.memory_space<semaphore_mem>>
      %dma_wait3A_433 = tpu.memref_squeeze %dma_wait3A_432 : memref<1x!tpu.dma_semaphore, #tpu.memory_space<semaphore_mem>> -> memref<!tpu.dma_semaphore, #tpu.memory_space<semaphore_mem>>
      tpu.wait_indirect_dma semaphore(%dma_wait3A_433 : memref<!tpu.dma_semaphore, #tpu.memory_space<semaphore_mem>>) src(%dma_wait3A_431 : memref<16x64xf32, #tpu.memory_space<vmem_shared>>) dst(%dma_wait3A_425 : memref<80x64xf32, #tpu.memory_space<vmem>>)
      %parallel_loop3A_434 = arith.constant 0 : i32
      %parallel_loop3A_435 = arith.constant 80 : i32
      %parallel_loop3A_436 = arith.constant 1 : i32
      scf.for %parallel_loop3A_505 = %parallel_loop3A_434 to %parallel_loop3A_435 step %parallel_loop3A_436  : i32 {
        %parallel_loop3A_506 = arith.constant 3 : i32
        %parallel_loop3A_507 = arith.index_cast %parallel_loop3A_506 : i32 to index
        %parallel_loop3A_508 = arith.index_cast %parallel_loop3A_505 : i32 to index
        %parallel_loop3A_509 = arith.constant 0 : index
        %parallel_loop3A_510 = tpu.vector_load %arg11[%parallel_loop3A_507, %parallel_loop3A_508, %parallel_loop3A_509] {strides = array<i32>} : memref<5x80x64xf32, #tpu.memory_space<vmem>>, vector<1x1x16xf32>,
        %parallel_loop3A_511 = vector.shape_cast %parallel_loop3A_510 : vector<1x1x16xf32> to vector<16xf32>
        %parallel_loop3A_512 = arith.constant 3 : i32
        %parallel_loop3A_513 = arith.index_cast %parallel_loop3A_512 : i32 to index
        %parallel_loop3A_514 = arith.index_cast %parallel_loop3A_505 : i32 to index
        %parallel_loop3A_515 = arith.constant 0 : index
        %parallel_loop3A_516 = tpu.vector_load %arg12[%parallel_loop3A_513, %parallel_loop3A_514, %parallel_loop3A_515] {strides = array<i32>} : memref<5x80x64xf32, #tpu.memory_space<vmem>>, vector<1x1x16xf32>,
        %parallel_loop3A_517 = vector.shape_cast %parallel_loop3A_516 : vector<1x1x16xf32> to vector<16xf32>
        %parallel_loop3A_518 = arith.addf %parallel_loop3A_511, %parallel_loop3A_517 : vector<16xf32>
        %parallel_loop3A_519 = arith.constant 0.000000e+00 : f32
        %parallel_loop3A_520 = vector.broadcast %parallel_loop3A_519 : f32 to vector<16xf32>
        %parallel_loop3A_521 = arith.maximumf %parallel_loop3A_518, %parallel_loop3A_520 : vector<16xf32>
        %parallel_loop3A_522 = arith.constant 3 : i32
        %parallel_loop3A_523 = arith.index_cast %parallel_loop3A_522 : i32 to index
        %parallel_loop3A_524 = arith.index_cast %parallel_loop3A_505 : i32 to index
        %parallel_loop3A_525 = arith.constant 0 : index
        %parallel_loop3A_526 = tpu.vector_load %arg11[%parallel_loop3A_523, %parallel_loop3A_524, %parallel_loop3A_525] {strides = array<i32>} : memref<5x80x64xf32, #tpu.memory_space<vmem>>, vector<1x1x16xf32>,
        %parallel_loop3A_527 = vector.shape_cast %parallel_loop3A_526 : vector<1x1x16xf32> to vector<16xf32>
        %parallel_loop3A_528 = vector.shape_cast %parallel_loop3A_521 : vector<16xf32> to vector<1x1x16xf32>
        tpu.vector_store %arg11[%parallel_loop3A_523, %parallel_loop3A_524, %parallel_loop3A_525], %parallel_loop3A_528 {strides = array<i32>} : memref<5x80x64xf32, #tpu.memory_space<vmem>>, vector<1x1x16xf32>,
        %parallel_loop3A_529 = arith.constant 3 : i32
        %parallel_loop3A_530 = arith.index_cast %parallel_loop3A_529 : i32 to index
        %parallel_loop3A_531 = arith.index_cast %parallel_loop3A_505 : i32 to index
        %parallel_loop3A_532 = arith.constant 16 : index
        %parallel_loop3A_533 = tpu.vector_load %arg11[%parallel_loop3A_530, %parallel_loop3A_531, %parallel_loop3A_532] {strides = array<i32>} : memref<5x80x64xf32, #tpu.memory_space<vmem>>, vector<1x1x16xf32>,
        %parallel_loop3A_534 = vector.shape_cast %parallel_loop3A_533 : vector<1x1x16xf32> to vector<16xf32>
        %parallel_loop3A_535 = arith.constant 3 : i32
        %parallel_loop3A_536 = arith.index_cast %parallel_loop3A_535 : i32 to index
        %parallel_loop3A_537 = arith.index_cast %parallel_loop3A_505 : i32 to index
        %parallel_loop3A_538 = arith.constant 16 : index
        %parallel_loop3A_539 = tpu.vector_load %arg12[%parallel_loop3A_536, %parallel_loop3A_537, %parallel_loop3A_538] {strides = array<i32>} : memref<5x80x64xf32, #tpu.memory_space<vmem>>, vector<1x1x16xf32>,
        %parallel_loop3A_540 = vector.shape_cast %parallel_loop3A_539 : vector<1x1x16xf32> to vector<16xf32>
        %parallel_loop3A_541 = arith.addf %parallel_loop3A_534, %parallel_loop3A_540 : vector<16xf32>
        %parallel_loop3A_542 = arith.constant 0.000000e+00 : f32
        %parallel_loop3A_543 = vector.broadcast %parallel_loop3A_542 : f32 to vector<16xf32>
        %parallel_loop3A_544 = arith.maximumf %parallel_loop3A_541, %parallel_loop3A_543 : vector<16xf32>
        %parallel_loop3A_545 = arith.constant 3 : i32
        %parallel_loop3A_546 = arith.index_cast %parallel_loop3A_545 : i32 to index
        %parallel_loop3A_547 = arith.index_cast %parallel_loop3A_505 : i32 to index
        %parallel_loop3A_548 = arith.constant 16 : index
        %parallel_loop3A_549 = tpu.vector_load %arg11[%parallel_loop3A_546, %parallel_loop3A_547, %parallel_loop3A_548] {strides = array<i32>} : memref<5x80x64xf32, #tpu.memory_space<vmem>>, vector<1x1x16xf32>,
        %parallel_loop3A_550 = vector.shape_cast %parallel_loop3A_549 : vector<1x1x16xf32> to vector<16xf32>
        %parallel_loop3A_551 = vector.shape_cast %parallel_loop3A_544 : vector<16xf32> to vector<1x1x16xf32>
        tpu.vector_store %arg11[%parallel_loop3A_546, %parallel_loop3A_547, %parallel_loop3A_548], %parallel_loop3A_551 {strides = array<i32>} : memref<5x80x64xf32, #tpu.memory_space<vmem>>, vector<1x1x16xf32>,
        %parallel_loop3A_552 = arith.constant 3 : i32
        %parallel_loop3A_553 = arith.index_cast %parallel_loop3A_552 : i32 to index
        %parallel_loop3A_554 = arith.index_cast %parallel_loop3A_505 : i32 to index
        %parallel_loop3A_555 = arith.constant 32 : index
        %parallel_loop3A_556 = tpu.vector_load %arg11[%parallel_loop3A_553, %parallel_loop3A_554, %parallel_loop3A_555] {strides = array<i32>} : memref<5x80x64xf32, #tpu.memory_space<vmem>>, vector<1x1x16xf32>,
        %parallel_loop3A_557 = vector.shape_cast %parallel_loop3A_556 : vector<1x1x16xf32> to vector<16xf32>
        %parallel_loop3A_558 = arith.constant 3 : i32
        %parallel_loop3A_559 = arith.index_cast %parallel_loop3A_558 : i32 to index
        %parallel_loop3A_560 = arith.index_cast %parallel_loop3A_505 : i32 to index
        %parallel_loop3A_561 = arith.constant 32 : index
        %parallel_loop3A_562 = tpu.vector_load %arg12[%parallel_loop3A_559, %parallel_loop3A_560, %parallel_loop3A_561] {strides = array<i32>} : memref<5x80x64xf32, #tpu.memory_space<vmem>>, vector<1x1x16xf32>,
        %parallel_loop3A_563 = vector.shape_cast %parallel_loop3A_562 : vector<1x1x16xf32> to vector<16xf32>
        %parallel_loop3A_564 = arith.addf %parallel_loop3A_557, %parallel_loop3A_563 : vector<16xf32>
        %parallel_loop3A_565 = arith.constant 0.000000e+00 : f32
        %parallel_loop3A_566 = vector.broadcast %parallel_loop3A_565 : f32 to vector<16xf32>
        %parallel_loop3A_567 = arith.maximumf %parallel_loop3A_564, %parallel_loop3A_566 : vector<16xf32>
        %parallel_loop3A_568 = arith.constant 3 : i32
        %parallel_loop3A_569 = arith.index_cast %parallel_loop3A_568 : i32 to index
        %parallel_loop3A_570 = arith.index_cast %parallel_loop3A_505 : i32 to index
        %parallel_loop3A_571 = arith.constant 32 : index
        %parallel_loop3A_572 = tpu.vector_load %arg11[%parallel_loop3A_569, %parallel_loop3A_570, %parallel_loop3A_571] {strides = array<i32>} : memref<5x80x64xf32, #tpu.memory_space<vmem>>, vector<1x1x16xf32>,
        %parallel_loop3A_573 = vector.shape_cast %parallel_loop3A_572 : vector<1x1x16xf32> to vector<16xf32>
        %parallel_loop3A_574 = vector.shape_cast %parallel_loop3A_567 : vector<16xf32> to vector<1x1x16xf32>
        tpu.vector_store %arg11[%parallel_loop3A_569, %parallel_loop3A_570, %parallel_loop3A_571], %parallel_loop3A_574 {strides = array<i32>} : memref<5x80x64xf32, #tpu.memory_space<vmem>>, vector<1x1x16xf32>,
        %parallel_loop3A_575 = arith.constant 3 : i32
        %parallel_loop3A_576 = arith.index_cast %parallel_loop3A_575 : i32 to index
        %parallel_loop3A_577 = arith.index_cast %parallel_loop3A_505 : i32 to index
        %parallel_loop3A_578 = arith.constant 48 : index
        %parallel_loop3A_579 = tpu.vector_load %arg11[%parallel_loop3A_576, %parallel_loop3A_577, %parallel_loop3A_578] {strides = array<i32>} : memref<5x80x64xf32, #tpu.memory_space<vmem>>, vector<1x1x16xf32>,
        %parallel_loop3A_580 = vector.shape_cast %parallel_loop3A_579 : vector<1x1x16xf32> to vector<16xf32>
        %parallel_loop3A_581 = arith.constant 3 : i32
        %parallel_loop3A_582 = arith.index_cast %parallel_loop3A_581 : i32 to index
        %parallel_loop3A_583 = arith.index_cast %parallel_loop3A_505 : i32 to index
        %parallel_loop3A_584 = arith.constant 48 : index
        %parallel_loop3A_585 = tpu.vector_load %arg12[%parallel_loop3A_582, %parallel_loop3A_583, %parallel_loop3A_584] {strides = array<i32>} : memref<5x80x64xf32, #tpu.memory_space<vmem>>, vector<1x1x16xf32>,
        %parallel_loop3A_586 = vector.shape_cast %parallel_loop3A_585 : vector<1x1x16xf32> to vector<16xf32>
        %parallel_loop3A_587 = arith.addf %parallel_loop3A_580, %parallel_loop3A_586 : vector<16xf32>
        %parallel_loop3A_588 = arith.constant 0.000000e+00 : f32
        %parallel_loop3A_589 = vector.broadcast %parallel_loop3A_588 : f32 to vector<16xf32>
        %parallel_loop3A_590 = arith.maximumf %parallel_loop3A_587, %parallel_loop3A_589 : vector<16xf32>
        %parallel_loop3A_591 = arith.constant 3 : i32
        %parallel_loop3A_592 = arith.index_cast %parallel_loop3A_591 : i32 to index
        %parallel_loop3A_593 = arith.index_cast %parallel_loop3A_505 : i32 to index
        %parallel_loop3A_594 = arith.constant 48 : index
        %parallel_loop3A_595 = tpu.vector_load %arg11[%parallel_loop3A_592, %parallel_loop3A_593, %parallel_loop3A_594] {strides = array<i32>} : memref<5x80x64xf32, #tpu.memory_space<vmem>>, vector<1x1x16xf32>,
        %parallel_loop3A_596 = vector.shape_cast %parallel_loop3A_595 : vector<1x1x16xf32> to vector<16xf32>
        %parallel_loop3A_597 = vector.shape_cast %parallel_loop3A_590 : vector<16xf32> to vector<1x1x16xf32>
        tpu.vector_store %arg11[%parallel_loop3A_592, %parallel_loop3A_593, %parallel_loop3A_594], %parallel_loop3A_597 {strides = array<i32>} : memref<5x80x64xf32, #tpu.memory_space<vmem>>, vector<1x1x16xf32>,
      } {sc.loop_unroll_factor = 2 : i64, sc.parallel_access}
      %dma_start3A_437 = arith.constant 3 : i32
      %dma_start3A_438 = arith.constant 3 : i32
      %dma_start3A_439 = arith.constant 0 : i32
      %dma_start3A_440 = arith.constant 0 : i32
      %dma_start3A_441 = tpu.memref_slice %arg11[%dma_start3A_437, %dma_start3A_439, %dma_start3A_440] : memref<5x80x64xf32, #tpu.memory_space<vmem>> -> memref<1x80x64xf32, #tpu.memory_space<vmem>>
      %dma_start3A_442 = tpu.memref_squeeze %dma_start3A_441 : memref<1x80x64xf32, #tpu.memory_space<vmem>> -> memref<80x64xf32, #tpu.memory_space<vmem>>
      %dma_start3A_443 = arith.constant 0 : i32
      %dma_start3A_444 = tpu.memref_slice %arg9[%add3A_398, %dma_start3A_443] : memref<125x80xi32, #tpu.memory_space<vmem>> -> memref<1x80xi32, #tpu.memory_space<vmem>>
      %dma_start3A_445 = tpu.memref_squeeze %dma_start3A_444 : memref<1x80xi32, #tpu.memory_space<vmem>> -> memref<80xi32, #tpu.memory_space<vmem>>
      %dma_start3A_446 = arith.constant 0 : i32
      %dma_start3A_447 = arith.constant 0 : i32
      %dma_start3A_448 = tpu.memref_slice %arg14[%dma_start3A_446, %dma_start3A_447] : memref<10000x64xf32, #tpu.memory_space<vmem_shared>> -> memref<10000x64xf32, #tpu.memory_space<vmem_shared>>
      %dma_start3A_449 = tpu.memref_slice %arg18[%dma_start3A_438] : memref<5x!tpu.dma_semaphore, #tpu.memory_space<semaphore_mem>> -> memref<1x!tpu.dma_semaphore, #tpu.memory_space<semaphore_mem>>
      %dma_start3A_450 = tpu.memref_squeeze %dma_start3A_449 : memref<1x!tpu.dma_semaphore, #tpu.memory_space<semaphore_mem>> -> memref<!tpu.dma_semaphore, #tpu.memory_space<semaphore_mem>>
      tpu.enqueue_indirect_dma source(%dma_start3A_442 : memref<80x64xf32, #tpu.memory_space<vmem>>) target(%dma_start3A_448 : memref<10000x64xf32, #tpu.memory_space<vmem_shared>>) offsets(%dma_start3A_445 : memref<80xi32, #tpu.memory_space<vmem>>) semaphore(%dma_start3A_450 : memref<!tpu.dma_semaphore, #tpu.memory_space<semaphore_mem>>) {add = true}
      %add3A_451 = arith.constant 4 : i32
      %add3A_452 = arith.addi %mul3A_236, %add3A_451 : i32
      %add3A_453 = arith.constant 3 : i32
      %add3A_454 = arith.addi %add3A_452, %add3A_453 : i32
      %lt3A_455 = arith.constant 125 : i32
      %lt3A_456 = arith.cmpi slt, %add3A_454, %lt3A_455 : i32
      %convert_element_type3A_457 = arith.extui %lt3A_456 : i1 to i32
      %cond3A_458 = arith.constant 0 : i32
      %cond3A_459 = arith.cmpi ne, %convert_element_type3A_457, %cond3A_458 : i32
      scf.if %cond3A_459 {
        %ge3A = arith.constant 5 : i32
        %ge3A_505 = arith.cmpi sge, %add3A_454, %ge3A : i32
        %convert_element_type3A_506 = arith.extui %ge3A_505 : i1 to i32
        %cond3A_507 = arith.constant 0 : i32
        %cond3A_508 = arith.cmpi ne, %convert_element_type3A_506, %cond3A_507 : i32
        scf.if %cond3A_508 {
          %sub3A = arith.constant 5 : i32
          %sub3A_537 = arith.subi %add3A_454, %sub3A : i32
          %dma_wait3A_538 = arith.constant 2 : i32
          %dma_wait3A_539 = arith.constant 2 : i32
          %dma_wait3A_540 = arith.constant 0 : i32
          %dma_wait3A_541 = arith.constant 0 : i32
          %dma_wait3A_542 = tpu.memref_slice %arg11[%dma_wait3A_538, %dma_wait3A_540, %dma_wait3A_541] : memref<5x80x64xf32, #tpu.memory_space<vmem>> -> memref<1x80x64xf32, #tpu.memory_space<vmem>>
          %dma_wait3A_543 = tpu.memref_squeeze %dma_wait3A_542 : memref<1x80x64xf32, #tpu.memory_space<vmem>> -> memref<80x64xf32, #tpu.memory_space<vmem>>
          %dma_wait3A_544 = arith.constant 0 : i32
          %dma_wait3A_545 = tpu.memref_slice %arg9[%sub3A_537, %dma_wait3A_544] : memref<125x80xi32, #tpu.memory_space<vmem>> -> memref<1x80xi32, #tpu.memory_space<vmem>>
          %dma_wait3A_546 = tpu.memref_squeeze %dma_wait3A_545 : memref<1x80xi32, #tpu.memory_space<vmem>> -> memref<80xi32, #tpu.memory_space<vmem>>
          %dma_wait3A_547 = arith.constant 0 : i32
          %dma_wait3A_548 = arith.constant 0 : i32
          %dma_wait3A_549 = tpu.memref_slice %arg14[%dma_wait3A_547, %dma_wait3A_548] : memref<10000x64xf32, #tpu.memory_space<vmem_shared>> -> memref<10000x64xf32, #tpu.memory_space<vmem_shared>>
          %dma_wait3A_550 = tpu.memref_slice %arg18[%dma_wait3A_539] : memref<5x!tpu.dma_semaphore, #tpu.memory_space<semaphore_mem>> -> memref<1x!tpu.dma_semaphore, #tpu.memory_space<semaphore_mem>>
          %dma_wait3A_551 = tpu.memref_squeeze %dma_wait3A_550 : memref<1x!tpu.dma_semaphore, #tpu.memory_space<semaphore_mem>> -> memref<!tpu.dma_semaphore, #tpu.memory_space<semaphore_mem>>
          tpu.wait_indirect_dma semaphore(%dma_wait3A_551 : memref<!tpu.dma_semaphore, #tpu.memory_space<semaphore_mem>>) src(%dma_wait3A_543 : memref<80x64xf32, #tpu.memory_space<vmem>>) dst(%dma_wait3A_549 : memref<10000x64xf32, #tpu.memory_space<vmem_shared>>)
        } else {
        }
        %dma_start3A_509 = arith.constant 2 : i32
        %dma_start3A_510 = arith.constant 2 : i32
        %dma_start3A_511 = arith.constant 0 : i32
        %dma_start3A_512 = arith.constant 0 : i32
        %dma_start3A_513 = tpu.memref_slice %arg11[%dma_start3A_509, %dma_start3A_511, %dma_start3A_512] : memref<5x80x64xf32, #tpu.memory_space<vmem>> -> memref<1x80x64xf32, #tpu.memory_space<vmem>>
        %dma_start3A_514 = tpu.memref_squeeze %dma_start3A_513 : memref<1x80x64xf32, #tpu.memory_space<vmem>> -> memref<80x64xf32, #tpu.memory_space<vmem>>
        %dma_start3A_515 = arith.constant 0 : i32
        %dma_start3A_516 = tpu.memref_slice %arg8[%add3A_454, %dma_start3A_515] : memref<125x80xi32, #tpu.memory_space<vmem>> -> memref<1x80xi32, #tpu.memory_space<vmem>>
        %dma_start3A_517 = tpu.memref_squeeze %dma_start3A_516 : memref<1x80xi32, #tpu.memory_space<vmem>> -> memref<80xi32, #tpu.memory_space<vmem>>
        %dma_start3A_518 = arith.constant 0 : i32
        %dma_start3A_519 = arith.constant 0 : i32
        %dma_start3A_520 = tpu.memref_slice %arg2[%dma_start3A_518, %dma_start3A_519] : memref<10000x64xf32, #tpu.memory_space<hbm>> -> memref<10000x64xf32, #tpu.memory_space<hbm>>
        %dma_start3A_521 = tpu.memref_slice %arg16[%dma_start3A_510] : memref<5x!tpu.dma_semaphore, #tpu.memory_space<semaphore_mem>> -> memref<1x!tpu.dma_semaphore, #tpu.memory_space<semaphore_mem>>
        %dma_start3A_522 = tpu.memref_squeeze %dma_start3A_521 : memref<1x!tpu.dma_semaphore, #tpu.memory_space<semaphore_mem>> -> memref<!tpu.dma_semaphore, #tpu.memory_space<semaphore_mem>>
        tpu.enqueue_indirect_dma source(%dma_start3A_520 : memref<10000x64xf32, #tpu.memory_space<hbm>>) target(%dma_start3A_514 : memref<80x64xf32, #tpu.memory_space<vmem>>) offsets(%dma_start3A_517 : memref<80xi32, #tpu.memory_space<vmem>>) semaphore(%dma_start3A_522 : memref<!tpu.dma_semaphore, #tpu.memory_space<semaphore_mem>>)
        %dma_start3A_523 = arith.constant 2 : i32
        %dma_start3A_524 = arith.constant 2 : i32
        %dma_start3A_525 = arith.constant 0 : i32
        %dma_start3A_526 = arith.constant 0 : i32
        %dma_start3A_527 = tpu.memref_slice %arg12[%dma_start3A_523, %dma_start3A_525, %dma_start3A_526] : memref<5x80x64xf32, #tpu.memory_space<vmem>> -> memref<1x80x64xf32, #tpu.memory_space<vmem>>
        %dma_start3A_528 = tpu.memref_squeeze %dma_start3A_527 : memref<1x80x64xf32, #tpu.memory_space<vmem>> -> memref<80x64xf32, #tpu.memory_space<vmem>>
        %dma_start3A_529 = arith.constant 0 : i32
        %dma_start3A_530 = tpu.memref_slice %arg10[%add3A_454, %dma_start3A_529] : memref<125x80xi32, #tpu.memory_space<vmem>> -> memref<1x80xi32, #tpu.memory_space<vmem>>
        %dma_start3A_531 = tpu.memref_squeeze %dma_start3A_530 : memref<1x80xi32, #tpu.memory_space<vmem>> -> memref<80xi32, #tpu.memory_space<vmem>>
        %dma_start3A_532 = arith.constant 0 : i32
        %dma_start3A_533 = arith.constant 0 : i32
        %dma_start3A_534 = tpu.memref_slice %arg15[%dma_start3A_532, %dma_start3A_533] : memref<16x64xf32, #tpu.memory_space<vmem_shared>> -> memref<16x64xf32, #tpu.memory_space<vmem_shared>>
        %dma_start3A_535 = tpu.memref_slice %arg17[%dma_start3A_524] : memref<5x!tpu.dma_semaphore, #tpu.memory_space<semaphore_mem>> -> memref<1x!tpu.dma_semaphore, #tpu.memory_space<semaphore_mem>>
        %dma_start3A_536 = tpu.memref_squeeze %dma_start3A_535 : memref<1x!tpu.dma_semaphore, #tpu.memory_space<semaphore_mem>> -> memref<!tpu.dma_semaphore, #tpu.memory_space<semaphore_mem>>
        tpu.enqueue_indirect_dma source(%dma_start3A_534 : memref<16x64xf32, #tpu.memory_space<vmem_shared>>) target(%dma_start3A_528 : memref<80x64xf32, #tpu.memory_space<vmem>>) offsets(%dma_start3A_531 : memref<80xi32, #tpu.memory_space<vmem>>) semaphore(%dma_start3A_536 : memref<!tpu.dma_semaphore, #tpu.memory_space<semaphore_mem>>)
      } else {
      }
      %dma_wait3A_460 = arith.constant 4 : i32
      %dma_wait3A_461 = arith.constant 4 : i32
      %dma_wait3A_462 = arith.constant 0 : i32
      %dma_wait3A_463 = arith.constant 0 : i32
      %dma_wait3A_464 = tpu.memref_slice %arg11[%dma_wait3A_460, %dma_wait3A_462, %dma_wait3A_463] : memref<5x80x64xf32, #tpu.memory_space<vmem>> -> memref<1x80x64xf32, #tpu.memory_space<vmem>>
      %dma_wait3A_465 = tpu.memref_squeeze %dma_wait3A_464 : memref<1x80x64xf32, #tpu.memory_space<vmem>> -> memref<80x64xf32, #tpu.memory_space<vmem>>
      %dma_wait3A_466 = arith.constant 0 : i32
      %dma_wait3A_467 = tpu.memref_slice %arg8[%add3A_452, %dma_wait3A_466] : memref<125x80xi32, #tpu.memory_space<vmem>> -> memref<1x80xi32, #tpu.memory_space<vmem>>
      %dma_wait3A_468 = tpu.memref_squeeze %dma_wait3A_467 : memref<1x80xi32, #tpu.memory_space<vmem>> -> memref<80xi32, #tpu.memory_space<vmem>>
      %dma_wait3A_469 = arith.constant 0 : i32
      %dma_wait3A_470 = arith.constant 0 : i32
      %dma_wait3A_471 = tpu.memref_slice %arg2[%dma_wait3A_469, %dma_wait3A_470] : memref<10000x64xf32, #tpu.memory_space<hbm>> -> memref<10000x64xf32, #tpu.memory_space<hbm>>
      %dma_wait3A_472 = tpu.memref_slice %arg16[%dma_wait3A_461] : memref<5x!tpu.dma_semaphore, #tpu.memory_space<semaphore_mem>> -> memref<1x!tpu.dma_semaphore, #tpu.memory_space<semaphore_mem>>
      %dma_wait3A_473 = tpu.memref_squeeze %dma_wait3A_472 : memref<1x!tpu.dma_semaphore, #tpu.memory_space<semaphore_mem>> -> memref<!tpu.dma_semaphore, #tpu.memory_space<semaphore_mem>>
      tpu.wait_indirect_dma semaphore(%dma_wait3A_473 : memref<!tpu.dma_semaphore, #tpu.memory_space<semaphore_mem>>) src(%dma_wait3A_471 : memref<10000x64xf32, #tpu.memory_space<hbm>>) dst(%dma_wait3A_465 : memref<80x64xf32, #tpu.memory_space<vmem>>)
      %dma_wait3A_474 = arith.constant 4 : i32
      %dma_wait3A_475 = arith.constant 4 : i32
      %dma_wait3A_476 = arith.constant 0 : i32
      %dma_wait3A_477 = arith.constant 0 : i32
      %dma_wait3A_478 = tpu.memref_slice %arg12[%dma_wait3A_474, %dma_wait3A_476, %dma_wait3A_477] : memref<5x80x64xf32, #tpu.memory_space<vmem>> -> memref<1x80x64xf32, #tpu.memory_space<vmem>>
      %dma_wait3A_479 = tpu.memref_squeeze %dma_wait3A_478 : memref<1x80x64xf32, #tpu.memory_space<vmem>> -> memref<80x64xf32, #tpu.memory_space<vmem>>
      %dma_wait3A_480 = arith.constant 0 : i32
      %dma_wait3A_481 = tpu.memref_slice %arg10[%add3A_452, %dma_wait3A_480] : memref<125x80xi32, #tpu.memory_space<vmem>> -> memref<1x80xi32, #tpu.memory_space<vmem>>
      %dma_wait3A_482 = tpu.memref_squeeze %dma_wait3A_481 : memref<1x80xi32, #tpu.memory_space<vmem>> -> memref<80xi32, #tpu.memory_space<vmem>>
      %dma_wait3A_483 = arith.constant 0 : i32
      %dma_wait3A_484 = arith.constant 0 : i32
      %dma_wait3A_485 = tpu.memref_slice %arg15[%dma_wait3A_483, %dma_wait3A_484] : memref<16x64xf32, #tpu.memory_space<vmem_shared>> -> memref<16x64xf32, #tpu.memory_space<vmem_shared>>
      %dma_wait3A_486 = tpu.memref_slice %arg17[%dma_wait3A_475] : memref<5x!tpu.dma_semaphore, #tpu.memory_space<semaphore_mem>> -> memref<1x!tpu.dma_semaphore, #tpu.memory_space<semaphore_mem>>
      %dma_wait3A_487 = tpu.memref_squeeze %dma_wait3A_486 : memref<1x!tpu.dma_semaphore, #tpu.memory_space<semaphore_mem>> -> memref<!tpu.dma_semaphore, #tpu.memory_space<semaphore_mem>>
      tpu.wait_indirect_dma semaphore(%dma_wait3A_487 : memref<!tpu.dma_semaphore, #tpu.memory_space<semaphore_mem>>) src(%dma_wait3A_485 : memref<16x64xf32, #tpu.memory_space<vmem_shared>>) dst(%dma_wait3A_479 : memref<80x64xf32, #tpu.memory_space<vmem>>)
      %parallel_loop3A_488 = arith.constant 0 : i32
      %parallel_loop3A_489 = arith.constant 80 : i32
      %parallel_loop3A_490 = arith.constant 1 : i32
      scf.for %parallel_loop3A_505 = %parallel_loop3A_488 to %parallel_loop3A_489 step %parallel_loop3A_490  : i32 {
        %parallel_loop3A_506 = arith.constant 4 : i32
        %parallel_loop3A_507 = arith.index_cast %parallel_loop3A_506 : i32 to index
        %parallel_loop3A_508 = arith.index_cast %parallel_loop3A_505 : i32 to index
        %parallel_loop3A_509 = arith.constant 0 : index
        %parallel_loop3A_510 = tpu.vector_load %arg11[%parallel_loop3A_507, %parallel_loop3A_508, %parallel_loop3A_509] {strides = array<i32>} : memref<5x80x64xf32, #tpu.memory_space<vmem>>, vector<1x1x16xf32>,
        %parallel_loop3A_511 = vector.shape_cast %parallel_loop3A_510 : vector<1x1x16xf32> to vector<16xf32>
        %parallel_loop3A_512 = arith.constant 4 : i32
        %parallel_loop3A_513 = arith.index_cast %parallel_loop3A_512 : i32 to index
        %parallel_loop3A_514 = arith.index_cast %parallel_loop3A_505 : i32 to index
        %parallel_loop3A_515 = arith.constant 0 : index
        %parallel_loop3A_516 = tpu.vector_load %arg12[%parallel_loop3A_513, %parallel_loop3A_514, %parallel_loop3A_515] {strides = array<i32>} : memref<5x80x64xf32, #tpu.memory_space<vmem>>, vector<1x1x16xf32>,
        %parallel_loop3A_517 = vector.shape_cast %parallel_loop3A_516 : vector<1x1x16xf32> to vector<16xf32>
        %parallel_loop3A_518 = arith.addf %parallel_loop3A_511, %parallel_loop3A_517 : vector<16xf32>
        %parallel_loop3A_519 = arith.constant 0.000000e+00 : f32
        %parallel_loop3A_520 = vector.broadcast %parallel_loop3A_519 : f32 to vector<16xf32>
        %parallel_loop3A_521 = arith.maximumf %parallel_loop3A_518, %parallel_loop3A_520 : vector<16xf32>
        %parallel_loop3A_522 = arith.constant 4 : i32
        %parallel_loop3A_523 = arith.index_cast %parallel_loop3A_522 : i32 to index
        %parallel_loop3A_524 = arith.index_cast %parallel_loop3A_505 : i32 to index
        %parallel_loop3A_525 = arith.constant 0 : index
        %parallel_loop3A_526 = tpu.vector_load %arg11[%parallel_loop3A_523, %parallel_loop3A_524, %parallel_loop3A_525] {strides = array<i32>} : memref<5x80x64xf32, #tpu.memory_space<vmem>>, vector<1x1x16xf32>,
        %parallel_loop3A_527 = vector.shape_cast %parallel_loop3A_526 : vector<1x1x16xf32> to vector<16xf32>
        %parallel_loop3A_528 = vector.shape_cast %parallel_loop3A_521 : vector<16xf32> to vector<1x1x16xf32>
        tpu.vector_store %arg11[%parallel_loop3A_523, %parallel_loop3A_524, %parallel_loop3A_525], %parallel_loop3A_528 {strides = array<i32>} : memref<5x80x64xf32, #tpu.memory_space<vmem>>, vector<1x1x16xf32>,
        %parallel_loop3A_529 = arith.constant 4 : i32
        %parallel_loop3A_530 = arith.index_cast %parallel_loop3A_529 : i32 to index
        %parallel_loop3A_531 = arith.index_cast %parallel_loop3A_505 : i32 to index
        %parallel_loop3A_532 = arith.constant 16 : index
        %parallel_loop3A_533 = tpu.vector_load %arg11[%parallel_loop3A_530, %parallel_loop3A_531, %parallel_loop3A_532] {strides = array<i32>} : memref<5x80x64xf32, #tpu.memory_space<vmem>>, vector<1x1x16xf32>,
        %parallel_loop3A_534 = vector.shape_cast %parallel_loop3A_533 : vector<1x1x16xf32> to vector<16xf32>
        %parallel_loop3A_535 = arith.constant 4 : i32
        %parallel_loop3A_536 = arith.index_cast %parallel_loop3A_535 : i32 to index
        %parallel_loop3A_537 = arith.index_cast %parallel_loop3A_505 : i32 to index
        %parallel_loop3A_538 = arith.constant 16 : index
        %parallel_loop3A_539 = tpu.vector_load %arg12[%parallel_loop3A_536, %parallel_loop3A_537, %parallel_loop3A_538] {strides = array<i32>} : memref<5x80x64xf32, #tpu.memory_space<vmem>>, vector<1x1x16xf32>,
        %parallel_loop3A_540 = vector.shape_cast %parallel_loop3A_539 : vector<1x1x16xf32> to vector<16xf32>
        %parallel_loop3A_541 = arith.addf %parallel_loop3A_534, %parallel_loop3A_540 : vector<16xf32>
        %parallel_loop3A_542 = arith.constant 0.000000e+00 : f32
        %parallel_loop3A_543 = vector.broadcast %parallel_loop3A_542 : f32 to vector<16xf32>
        %parallel_loop3A_544 = arith.maximumf %parallel_loop3A_541, %parallel_loop3A_543 : vector<16xf32>
        %parallel_loop3A_545 = arith.constant 4 : i32
        %parallel_loop3A_546 = arith.index_cast %parallel_loop3A_545 : i32 to index
        %parallel_loop3A_547 = arith.index_cast %parallel_loop3A_505 : i32 to index
        %parallel_loop3A_548 = arith.constant 16 : index
        %parallel_loop3A_549 = tpu.vector_load %arg11[%parallel_loop3A_546, %parallel_loop3A_547, %parallel_loop3A_548] {strides = array<i32>} : memref<5x80x64xf32, #tpu.memory_space<vmem>>, vector<1x1x16xf32>,
        %parallel_loop3A_550 = vector.shape_cast %parallel_loop3A_549 : vector<1x1x16xf32> to vector<16xf32>
        %parallel_loop3A_551 = vector.shape_cast %parallel_loop3A_544 : vector<16xf32> to vector<1x1x16xf32>
        tpu.vector_store %arg11[%parallel_loop3A_546, %parallel_loop3A_547, %parallel_loop3A_548], %parallel_loop3A_551 {strides = array<i32>} : memref<5x80x64xf32, #tpu.memory_space<vmem>>, vector<1x1x16xf32>,
        %parallel_loop3A_552 = arith.constant 4 : i32
        %parallel_loop3A_553 = arith.index_cast %parallel_loop3A_552 : i32 to index
        %parallel_loop3A_554 = arith.index_cast %parallel_loop3A_505 : i32 to index
        %parallel_loop3A_555 = arith.constant 32 : index
        %parallel_loop3A_556 = tpu.vector_load %arg11[%parallel_loop3A_553, %parallel_loop3A_554, %parallel_loop3A_555] {strides = array<i32>} : memref<5x80x64xf32, #tpu.memory_space<vmem>>, vector<1x1x16xf32>,
        %parallel_loop3A_557 = vector.shape_cast %parallel_loop3A_556 : vector<1x1x16xf32> to vector<16xf32>
        %parallel_loop3A_558 = arith.constant 4 : i32
        %parallel_loop3A_559 = arith.index_cast %parallel_loop3A_558 : i32 to index
        %parallel_loop3A_560 = arith.index_cast %parallel_loop3A_505 : i32 to index
        %parallel_loop3A_561 = arith.constant 32 : index
        %parallel_loop3A_562 = tpu.vector_load %arg12[%parallel_loop3A_559, %parallel_loop3A_560, %parallel_loop3A_561] {strides = array<i32>} : memref<5x80x64xf32, #tpu.memory_space<vmem>>, vector<1x1x16xf32>,
        %parallel_loop3A_563 = vector.shape_cast %parallel_loop3A_562 : vector<1x1x16xf32> to vector<16xf32>
        %parallel_loop3A_564 = arith.addf %parallel_loop3A_557, %parallel_loop3A_563 : vector<16xf32>
        %parallel_loop3A_565 = arith.constant 0.000000e+00 : f32
        %parallel_loop3A_566 = vector.broadcast %parallel_loop3A_565 : f32 to vector<16xf32>
        %parallel_loop3A_567 = arith.maximumf %parallel_loop3A_564, %parallel_loop3A_566 : vector<16xf32>
        %parallel_loop3A_568 = arith.constant 4 : i32
        %parallel_loop3A_569 = arith.index_cast %parallel_loop3A_568 : i32 to index
        %parallel_loop3A_570 = arith.index_cast %parallel_loop3A_505 : i32 to index
        %parallel_loop3A_571 = arith.constant 32 : index
        %parallel_loop3A_572 = tpu.vector_load %arg11[%parallel_loop3A_569, %parallel_loop3A_570, %parallel_loop3A_571] {strides = array<i32>} : memref<5x80x64xf32, #tpu.memory_space<vmem>>, vector<1x1x16xf32>,
        %parallel_loop3A_573 = vector.shape_cast %parallel_loop3A_572 : vector<1x1x16xf32> to vector<16xf32>
        %parallel_loop3A_574 = vector.shape_cast %parallel_loop3A_567 : vector<16xf32> to vector<1x1x16xf32>
        tpu.vector_store %arg11[%parallel_loop3A_569, %parallel_loop3A_570, %parallel_loop3A_571], %parallel_loop3A_574 {strides = array<i32>} : memref<5x80x64xf32, #tpu.memory_space<vmem>>, vector<1x1x16xf32>,
        %parallel_loop3A_575 = arith.constant 4 : i32
        %parallel_loop3A_576 = arith.index_cast %parallel_loop3A_575 : i32 to index
        %parallel_loop3A_577 = arith.index_cast %parallel_loop3A_505 : i32 to index
        %parallel_loop3A_578 = arith.constant 48 : index
        %parallel_loop3A_579 = tpu.vector_load %arg11[%parallel_loop3A_576, %parallel_loop3A_577, %parallel_loop3A_578] {strides = array<i32>} : memref<5x80x64xf32, #tpu.memory_space<vmem>>, vector<1x1x16xf32>,
        %parallel_loop3A_580 = vector.shape_cast %parallel_loop3A_579 : vector<1x1x16xf32> to vector<16xf32>
        %parallel_loop3A_581 = arith.constant 4 : i32
        %parallel_loop3A_582 = arith.index_cast %parallel_loop3A_581 : i32 to index
        %parallel_loop3A_583 = arith.index_cast %parallel_loop3A_505 : i32 to index
        %parallel_loop3A_584 = arith.constant 48 : index
        %parallel_loop3A_585 = tpu.vector_load %arg12[%parallel_loop3A_582, %parallel_loop3A_583, %parallel_loop3A_584] {strides = array<i32>} : memref<5x80x64xf32, #tpu.memory_space<vmem>>, vector<1x1x16xf32>,
        %parallel_loop3A_586 = vector.shape_cast %parallel_loop3A_585 : vector<1x1x16xf32> to vector<16xf32>
        %parallel_loop3A_587 = arith.addf %parallel_loop3A_580, %parallel_loop3A_586 : vector<16xf32>
        %parallel_loop3A_588 = arith.constant 0.000000e+00 : f32
        %parallel_loop3A_589 = vector.broadcast %parallel_loop3A_588 : f32 to vector<16xf32>
        %parallel_loop3A_590 = arith.maximumf %parallel_loop3A_587, %parallel_loop3A_589 : vector<16xf32>
        %parallel_loop3A_591 = arith.constant 4 : i32
        %parallel_loop3A_592 = arith.index_cast %parallel_loop3A_591 : i32 to index
        %parallel_loop3A_593 = arith.index_cast %parallel_loop3A_505 : i32 to index
        %parallel_loop3A_594 = arith.constant 48 : index
        %parallel_loop3A_595 = tpu.vector_load %arg11[%parallel_loop3A_592, %parallel_loop3A_593, %parallel_loop3A_594] {strides = array<i32>} : memref<5x80x64xf32, #tpu.memory_space<vmem>>, vector<1x1x16xf32>,
        %parallel_loop3A_596 = vector.shape_cast %parallel_loop3A_595 : vector<1x1x16xf32> to vector<16xf32>
        %parallel_loop3A_597 = vector.shape_cast %parallel_loop3A_590 : vector<16xf32> to vector<1x1x16xf32>
        tpu.vector_store %arg11[%parallel_loop3A_592, %parallel_loop3A_593, %parallel_loop3A_594], %parallel_loop3A_597 {strides = array<i32>} : memref<5x80x64xf32, #tpu.memory_space<vmem>>, vector<1x1x16xf32>,
      } {sc.loop_unroll_factor = 2 : i64, sc.parallel_access}
      %dma_start3A_491 = arith.constant 4 : i32
      %dma_start3A_492 = arith.constant 4 : i32
      %dma_start3A_493 = arith.constant 0 : i32
      %dma_start3A_494 = arith.constant 0 : i32
      %dma_start3A_495 = tpu.memref_slice %arg11[%dma_start3A_491, %dma_start3A_493, %dma_start3A_494] : memref<5x80x64xf32, #tpu.memory_space<vmem>> -> memref<1x80x64xf32, #tpu.memory_space<vmem>>
      %dma_start3A_496 = tpu.memref_squeeze %dma_start3A_495 : memref<1x80x64xf32, #tpu.memory_space<vmem>> -> memref<80x64xf32, #tpu.memory_space<vmem>>
      %dma_start3A_497 = arith.constant 0 : i32
      %dma_start3A_498 = tpu.memref_slice %arg9[%add3A_452, %dma_start3A_497] : memref<125x80xi32, #tpu.memory_space<vmem>> -> memref<1x80xi32, #tpu.memory_space<vmem>>
      %dma_start3A_499 = tpu.memref_squeeze %dma_start3A_498 : memref<1x80xi32, #tpu.memory_space<vmem>> -> memref<80xi32, #tpu.memory_space<vmem>>
      %dma_start3A_500 = arith.constant 0 : i32
      %dma_start3A_501 = arith.constant 0 : i32
      %dma_start3A_502 = tpu.memref_slice %arg14[%dma_start3A_500, %dma_start3A_501] : memref<10000x64xf32, #tpu.memory_space<vmem_shared>> -> memref<10000x64xf32, #tpu.memory_space<vmem_shared>>
      %dma_start3A_503 = tpu.memref_slice %arg18[%dma_start3A_492] : memref<5x!tpu.dma_semaphore, #tpu.memory_space<semaphore_mem>> -> memref<1x!tpu.dma_semaphore, #tpu.memory_space<semaphore_mem>>
      %dma_start3A_504 = tpu.memref_squeeze %dma_start3A_503 : memref<1x!tpu.dma_semaphore, #tpu.memory_space<semaphore_mem>> -> memref<!tpu.dma_semaphore, #tpu.memory_space<semaphore_mem>>
      tpu.enqueue_indirect_dma source(%dma_start3A_496 : memref<80x64xf32, #tpu.memory_space<vmem>>) target(%dma_start3A_502 : memref<10000x64xf32, #tpu.memory_space<vmem_shared>>) offsets(%dma_start3A_499 : memref<80xi32, #tpu.memory_space<vmem>>) semaphore(%dma_start3A_504 : memref<!tpu.dma_semaphore, #tpu.memory_space<semaphore_mem>>) {add = true}
    }
    %scan3A_149 = arith.constant 25 : i32
    %dma_wait3A = arith.constant 0 : i32
    %dma_wait3A_150 = arith.constant 120 : i32
    %dma_wait3A_151 = arith.constant 0 : i32
    %dma_wait3A_152 = arith.constant 0 : i32
    %dma_wait3A_153 = arith.constant 0 : i32
    %dma_wait3A_154 = tpu.memref_slice %arg11[%dma_wait3A, %dma_wait3A_152, %dma_wait3A_153] : memref<5x80x64xf32, #tpu.memory_space<vmem>> -> memref<1x80x64xf32, #tpu.memory_space<vmem>>
    %dma_wait3A_155 = tpu.memref_squeeze %dma_wait3A_154 : memref<1x80x64xf32, #tpu.memory_space<vmem>> -> memref<80x64xf32, #tpu.memory_space<vmem>>
    %dma_wait3A_156 = arith.constant 0 : i32
    %dma_wait3A_157 = tpu.memref_slice %arg9[%dma_wait3A_150, %dma_wait3A_156] : memref<125x80xi32, #tpu.memory_space<vmem>> -> memref<1x80xi32, #tpu.memory_space<vmem>>
    %dma_wait3A_158 = tpu.memref_squeeze %dma_wait3A_157 : memref<1x80xi32, #tpu.memory_space<vmem>> -> memref<80xi32, #tpu.memory_space<vmem>>
    %dma_wait3A_159 = arith.constant 0 : i32
    %dma_wait3A_160 = arith.constant 0 : i32
    %dma_wait3A_161 = tpu.memref_slice %arg14[%dma_wait3A_159, %dma_wait3A_160] : memref<10000x64xf32, #tpu.memory_space<vmem_shared>> -> memref<10000x64xf32, #tpu.memory_space<vmem_shared>>
    %dma_wait3A_162 = tpu.memref_slice %arg18[%dma_wait3A_151] : memref<5x!tpu.dma_semaphore, #tpu.memory_space<semaphore_mem>> -> memref<1x!tpu.dma_semaphore, #tpu.memory_space<semaphore_mem>>
    %dma_wait3A_163 = tpu.memref_squeeze %dma_wait3A_162 : memref<1x!tpu.dma_semaphore, #tpu.memory_space<semaphore_mem>> -> memref<!tpu.dma_semaphore, #tpu.memory_space<semaphore_mem>>
    tpu.wait_indirect_dma semaphore(%dma_wait3A_163 : memref<!tpu.dma_semaphore, #tpu.memory_space<semaphore_mem>>) src(%dma_wait3A_155 : memref<80x64xf32, #tpu.memory_space<vmem>>) dst(%dma_wait3A_161 : memref<10000x64xf32, #tpu.memory_space<vmem_shared>>)
    %dma_wait3A_164 = arith.constant 1 : i32
    %dma_wait3A_165 = arith.constant 121 : i32
    %dma_wait3A_166 = arith.constant 1 : i32
    %dma_wait3A_167 = arith.constant 0 : i32
    %dma_wait3A_168 = arith.constant 0 : i32
    %dma_wait3A_169 = tpu.memref_slice %arg11[%dma_wait3A_164, %dma_wait3A_167, %dma_wait3A_168] : memref<5x80x64xf32, #tpu.memory_space<vmem>> -> memref<1x80x64xf32, #tpu.memory_space<vmem>>
    %dma_wait3A_170 = tpu.memref_squeeze %dma_wait3A_169 : memref<1x80x64xf32, #tpu.memory_space<vmem>> -> memref<80x64xf32, #tpu.memory_space<vmem>>
    %dma_wait3A_171 = arith.constant 0 : i32
    %dma_wait3A_172 = tpu.memref_slice %arg9[%dma_wait3A_165, %dma_wait3A_171] : memref<125x80xi32, #tpu.memory_space<vmem>> -> memref<1x80xi32, #tpu.memory_space<vmem>>
    %dma_wait3A_173 = tpu.memref_squeeze %dma_wait3A_172 : memref<1x80xi32, #tpu.memory_space<vmem>> -> memref<80xi32, #tpu.memory_space<vmem>>
    %dma_wait3A_174 = arith.constant 0 : i32
    %dma_wait3A_175 = arith.constant 0 : i32
    %dma_wait3A_176 = tpu.memref_slice %arg14[%dma_wait3A_174, %dma_wait3A_175] : memref<10000x64xf32, #tpu.memory_space<vmem_shared>> -> memref<10000x64xf32, #tpu.memory_space<vmem_shared>>
    %dma_wait3A_177 = tpu.memref_slice %arg18[%dma_wait3A_166] : memref<5x!tpu.dma_semaphore, #tpu.memory_space<semaphore_mem>> -> memref<1x!tpu.dma_semaphore, #tpu.memory_space<semaphore_mem>>
    %dma_wait3A_178 = tpu.memref_squeeze %dma_wait3A_177 : memref<1x!tpu.dma_semaphore, #tpu.memory_space<semaphore_mem>> -> memref<!tpu.dma_semaphore, #tpu.memory_space<semaphore_mem>>
    tpu.wait_indirect_dma semaphore(%dma_wait3A_178 : memref<!tpu.dma_semaphore, #tpu.memory_space<semaphore_mem>>) src(%dma_wait3A_170 : memref<80x64xf32, #tpu.memory_space<vmem>>) dst(%dma_wait3A_176 : memref<10000x64xf32, #tpu.memory_space<vmem_shared>>)
    %dma_wait3A_179 = arith.constant 2 : i32
    %dma_wait3A_180 = arith.constant 122 : i32
    %dma_wait3A_181 = arith.constant 2 : i32
    %dma_wait3A_182 = arith.constant 0 : i32
    %dma_wait3A_183 = arith.constant 0 : i32
    %dma_wait3A_184 = tpu.memref_slice %arg11[%dma_wait3A_179, %dma_wait3A_182, %dma_wait3A_183] : memref<5x80x64xf32, #tpu.memory_space<vmem>> -> memref<1x80x64xf32, #tpu.memory_space<vmem>>
    %dma_wait3A_185 = tpu.memref_squeeze %dma_wait3A_184 : memref<1x80x64xf32, #tpu.memory_space<vmem>> -> memref<80x64xf32, #tpu.memory_space<vmem>>
    %dma_wait3A_186 = arith.constant 0 : i32
    %dma_wait3A_187 = tpu.memref_slice %arg9[%dma_wait3A_180, %dma_wait3A_186] : memref<125x80xi32, #tpu.memory_space<vmem>> -> memref<1x80xi32, #tpu.memory_space<vmem>>
    %dma_wait3A_188 = tpu.memref_squeeze %dma_wait3A_187 : memref<1x80xi32, #tpu.memory_space<vmem>> -> memref<80xi32, #tpu.memory_space<vmem>>
    %dma_wait3A_189 = arith.constant 0 : i32
    %dma_wait3A_190 = arith.constant 0 : i32
    %dma_wait3A_191 = tpu.memref_slice %arg14[%dma_wait3A_189, %dma_wait3A_190] : memref<10000x64xf32, #tpu.memory_space<vmem_shared>> -> memref<10000x64xf32, #tpu.memory_space<vmem_shared>>
    %dma_wait3A_192 = tpu.memref_slice %arg18[%dma_wait3A_181] : memref<5x!tpu.dma_semaphore, #tpu.memory_space<semaphore_mem>> -> memref<1x!tpu.dma_semaphore, #tpu.memory_space<semaphore_mem>>
    %dma_wait3A_193 = tpu.memref_squeeze %dma_wait3A_192 : memref<1x!tpu.dma_semaphore, #tpu.memory_space<semaphore_mem>> -> memref<!tpu.dma_semaphore, #tpu.memory_space<semaphore_mem>>
    tpu.wait_indirect_dma semaphore(%dma_wait3A_193 : memref<!tpu.dma_semaphore, #tpu.memory_space<semaphore_mem>>) src(%dma_wait3A_185 : memref<80x64xf32, #tpu.memory_space<vmem>>) dst(%dma_wait3A_191 : memref<10000x64xf32, #tpu.memory_space<vmem_shared>>)
    %dma_wait3A_194 = arith.constant 3 : i32
    %dma_wait3A_195 = arith.constant 123 : i32
    %dma_wait3A_196 = arith.constant 3 : i32
    %dma_wait3A_197 = arith.constant 0 : i32
    %dma_wait3A_198 = arith.constant 0 : i32
    %dma_wait3A_199 = tpu.memref_slice %arg11[%dma_wait3A_194, %dma_wait3A_197, %dma_wait3A_198] : memref<5x80x64xf32, #tpu.memory_space<vmem>> -> memref<1x80x64xf32, #tpu.memory_space<vmem>>
    %dma_wait3A_200 = tpu.memref_squeeze %dma_wait3A_199 : memref<1x80x64xf32, #tpu.memory_space<vmem>> -> memref<80x64xf32, #tpu.memory_space<vmem>>
    %dma_wait3A_201 = arith.constant 0 : i32
    %dma_wait3A_202 = tpu.memref_slice %arg9[%dma_wait3A_195, %dma_wait3A_201] : memref<125x80xi32, #tpu.memory_space<vmem>> -> memref<1x80xi32, #tpu.memory_space<vmem>>
    %dma_wait3A_203 = tpu.memref_squeeze %dma_wait3A_202 : memref<1x80xi32, #tpu.memory_space<vmem>> -> memref<80xi32, #tpu.memory_space<vmem>>
    %dma_wait3A_204 = arith.constant 0 : i32
    %dma_wait3A_205 = arith.constant 0 : i32
    %dma_wait3A_206 = tpu.memref_slice %arg14[%dma_wait3A_204, %dma_wait3A_205] : memref<10000x64xf32, #tpu.memory_space<vmem_shared>> -> memref<10000x64xf32, #tpu.memory_space<vmem_shared>>
    %dma_wait3A_207 = tpu.memref_slice %arg18[%dma_wait3A_196] : memref<5x!tpu.dma_semaphore, #tpu.memory_space<semaphore_mem>> -> memref<1x!tpu.dma_semaphore, #tpu.memory_space<semaphore_mem>>
    %dma_wait3A_208 = tpu.memref_squeeze %dma_wait3A_207 : memref<1x!tpu.dma_semaphore, #tpu.memory_space<semaphore_mem>> -> memref<!tpu.dma_semaphore, #tpu.memory_space<semaphore_mem>>
    tpu.wait_indirect_dma semaphore(%dma_wait3A_208 : memref<!tpu.dma_semaphore, #tpu.memory_space<semaphore_mem>>) src(%dma_wait3A_200 : memref<80x64xf32, #tpu.memory_space<vmem>>) dst(%dma_wait3A_206 : memref<10000x64xf32, #tpu.memory_space<vmem_shared>>)
    %dma_wait3A_209 = arith.constant 4 : i32
    %dma_wait3A_210 = arith.constant 124 : i32
    %dma_wait3A_211 = arith.constant 4 : i32
    %dma_wait3A_212 = arith.constant 0 : i32
    %dma_wait3A_213 = arith.constant 0 : i32
    %dma_wait3A_214 = tpu.memref_slice %arg11[%dma_wait3A_209, %dma_wait3A_212, %dma_wait3A_213] : memref<5x80x64xf32, #tpu.memory_space<vmem>> -> memref<1x80x64xf32, #tpu.memory_space<vmem>>
    %dma_wait3A_215 = tpu.memref_squeeze %dma_wait3A_214 : memref<1x80x64xf32, #tpu.memory_space<vmem>> -> memref<80x64xf32, #tpu.memory_space<vmem>>
    %dma_wait3A_216 = arith.constant 0 : i32
    %dma_wait3A_217 = tpu.memref_slice %arg9[%dma_wait3A_210, %dma_wait3A_216] : memref<125x80xi32, #tpu.memory_space<vmem>> -> memref<1x80xi32, #tpu.memory_space<vmem>>
    %dma_wait3A_218 = tpu.memref_squeeze %dma_wait3A_217 : memref<1x80xi32, #tpu.memory_space<vmem>> -> memref<80xi32, #tpu.memory_space<vmem>>
    %dma_wait3A_219 = arith.constant 0 : i32
    %dma_wait3A_220 = arith.constant 0 : i32
    %dma_wait3A_221 = tpu.memref_slice %arg14[%dma_wait3A_219, %dma_wait3A_220] : memref<10000x64xf32, #tpu.memory_space<vmem_shared>> -> memref<10000x64xf32, #tpu.memory_space<vmem_shared>>
    %dma_wait3A_222 = tpu.memref_slice %arg18[%dma_wait3A_211] : memref<5x!tpu.dma_semaphore, #tpu.memory_space<semaphore_mem>> -> memref<1x!tpu.dma_semaphore, #tpu.memory_space<semaphore_mem>>
    %dma_wait3A_223 = tpu.memref_squeeze %dma_wait3A_222 : memref<1x!tpu.dma_semaphore, #tpu.memory_space<semaphore_mem>> -> memref<!tpu.dma_semaphore, #tpu.memory_space<semaphore_mem>>
    tpu.wait_indirect_dma semaphore(%dma_wait3A_223 : memref<!tpu.dma_semaphore, #tpu.memory_space<semaphore_mem>>) src(%dma_wait3A_215 : memref<80x64xf32, #tpu.memory_space<vmem>>) dst(%dma_wait3A_221 : memref<10000x64xf32, #tpu.memory_space<vmem_shared>>)
    %barrier3A_224 = arith.constant 0 : index
    tpu.barrier barrier_id(%barrier3A_224)
    %mul3A_225 = arith.constant 624 : i32
    %mul3A_226 = arith.muli %arg1, %mul3A_225 : i32
    %mul3A_227 = arith.constant 624 : i32
    %mul3A_228 = arith.muli %arg1, %mul3A_227 : i32
    "tpu.region"() ({
      %run_scoped3A_234 = tpu.sem_alloc : memref<!tpu.dma_semaphore, #tpu.memory_space<semaphore_mem>>
      %dma_start3A_235 = arith.constant 0 : i32
      %dma_start3A_236 = tpu.memref_slice %arg7[%arg0, %mul3A_228, %dma_start3A_235] : memref<2x10000x64xf32, #tpu.memory_space<hbm>> -> memref<1x624x64xf32, #tpu.memory_space<hbm>>
      %dma_start3A_237 = tpu.memref_squeeze %dma_start3A_236 : memref<1x624x64xf32, #tpu.memory_space<hbm>> -> memref<624x64xf32, #tpu.memory_space<hbm>>
      %dma_start3A_238 = arith.constant 0 : i32
      %dma_start3A_239 = tpu.memref_slice %arg14[%mul3A_226, %dma_start3A_238] : memref<10000x64xf32, #tpu.memory_space<vmem_shared>> -> memref<624x64xf32, #tpu.memory_space<vmem_shared>>
      tpu.enqueue_dma source(%dma_start3A_239 : memref<624x64xf32, #tpu.memory_space<vmem_shared>>) target(%dma_start3A_237 : memref<624x64xf32, #tpu.memory_space<hbm>>) target_semaphore(%run_scoped3A_234 : memref<!tpu.dma_semaphore, #tpu.memory_space<semaphore_mem>>)
      %dma_wait3A_240 = arith.constant 0 : i32
      %dma_wait3A_241 = tpu.memref_slice %arg7[%arg0, %mul3A_228, %dma_wait3A_240] : memref<2x10000x64xf32, #tpu.memory_space<hbm>> -> memref<1x624x64xf32, #tpu.memory_space<hbm>>
      %dma_wait3A_242 = tpu.memref_squeeze %dma_wait3A_241 : memref<1x624x64xf32, #tpu.memory_space<hbm>> -> memref<624x64xf32, #tpu.memory_space<hbm>>
      %dma_wait3A_243 = arith.constant 0 : i32
      %dma_wait3A_244 = tpu.memref_slice %arg14[%mul3A_226, %dma_wait3A_243] : memref<10000x64xf32, #tpu.memory_space<vmem_shared>> -> memref<624x64xf32, #tpu.memory_space<vmem_shared>>
      tpu.wait_dma2 semaphore(%run_scoped3A_234 : memref<!tpu.dma_semaphore, #tpu.memory_space<semaphore_mem>>) src(%dma_wait3A_244 : memref<624x64xf32, #tpu.memory_space<vmem_shared>>) dst(%dma_wait3A_242 : memref<624x64xf32, #tpu.memory_space<hbm>>)
      tpu.yield
    }) : () -> ()
    %eq3A_229 = arith.constant 15 : i32
    %eq3A_230 = arith.cmpi eq, %arg1, %eq3A_229 : i32
    %convert_element_type3A_231 = arith.extui %eq3A_230 : i1 to i32
    %cond3A_232 = arith.constant 0 : i32
    %cond3A_233 = arith.cmpi ne, %convert_element_type3A_231, %cond3A_232 : i32
    scf.if %cond3A_233 {
      "tpu.region"() ({
        %run_scoped3A_234 = tpu.sem_alloc : memref<!tpu.dma_semaphore, #tpu.memory_space<semaphore_mem>>
        %dma_start3A_235 = arith.constant 9984 : i32
        %dma_start3A_236 = arith.constant 0 : i32
        %dma_start3A_237 = tpu.memref_slice %arg7[%arg0, %dma_start3A_235, %dma_start3A_236] : memref<2x10000x64xf32, #tpu.memory_space<hbm>> -> memref<1x16x64xf32, #tpu.memory_space<hbm>>
        %dma_start3A_238 = tpu.memref_squeeze %dma_start3A_237 : memref<1x16x64xf32, #tpu.memory_space<hbm>> -> memref<16x64xf32, #tpu.memory_space<hbm>>
        %dma_start3A_239 = arith.constant 9984 : i32
        %dma_start3A_240 = arith.constant 0 : i32
        %dma_start3A_241 = tpu.memref_slice %arg14[%dma_start3A_239, %dma_start3A_240] : memref<10000x64xf32, #tpu.memory_space<vmem_shared>> -> memref<16x64xf32, #tpu.memory_space<vmem_shared>>
        tpu.enqueue_dma source(%dma_start3A_241 : memref<16x64xf32, #tpu.memory_space<vmem_shared>>) target(%dma_start3A_238 : memref<16x64xf32, #tpu.memory_space<hbm>>) target_semaphore(%run_scoped3A_234 : memref<!tpu.dma_semaphore, #tpu.memory_space<semaphore_mem>>)
        %dma_wait3A_242 = arith.constant 9984 : i32
        %dma_wait3A_243 = arith.constant 0 : i32
        %dma_wait3A_244 = tpu.memref_slice %arg7[%arg0, %dma_wait3A_242, %dma_wait3A_243] : memref<2x10000x64xf32, #tpu.memory_space<hbm>> -> memref<1x16x64xf32, #tpu.memory_space<hbm>>
        %dma_wait3A_245 = tpu.memref_squeeze %dma_wait3A_244 : memref<1x16x64xf32, #tpu.memory_space<hbm>> -> memref<16x64xf32, #tpu.memory_space<hbm>>
        %dma_wait3A_246 = arith.constant 9984 : i32
        %dma_wait3A_247 = arith.constant 0 : i32
        %dma_wait3A_248 = tpu.memref_slice %arg14[%dma_wait3A_246, %dma_wait3A_247] : memref<10000x64xf32, #tpu.memory_space<vmem_shared>> -> memref<16x64xf32, #tpu.memory_space<vmem_shared>>
        tpu.wait_dma2 semaphore(%run_scoped3A_234 : memref<!tpu.dma_semaphore, #tpu.memory_space<semaphore_mem>>) src(%dma_wait3A_248 : memref<16x64xf32, #tpu.memory_space<vmem_shared>>) dst(%dma_wait3A_245 : memref<16x64xf32, #tpu.memory_space<hbm>>)
        tpu.yield
      }) : () -> ()
    } else {
    }
    return
  }
}

module attributes {stable_mosaic.version = 14 : i64} {
  func.func @_pre_body(%arg0: memref<10000x128xf32, #tpu.memory_space<vmem>>, %arg1: memref<128x64xf32, #tpu.memory_space<vmem>>, %arg2: memref<1x64xf32, #tpu.memory_space<vmem>>, %arg3: memref<16x64xf32, #tpu.memory_space<vmem>>, %arg4: memref<64x64xf32, #tpu.memory_space<vmem>>, %arg5: memref<1x64xf32, #tpu.memory_space<vmem>>, %arg6: memref<64x64xf32, #tpu.memory_space<vmem>>, %arg7: memref<1x64xf32, #tpu.memory_space<vmem>>, %arg8: memref<10000x64xf32, #tpu.memory_space<vmem>>, %arg9: memref<16x64xf32, #tpu.memory_space<vmem>>, %arg10: memref<16x64xf32, #tpu.memory_space<vmem>>) attributes {dimension_semantics = [], scalar_prefetch = 0 : i64, scratch_operands = 0 : i64, tpu.core_type = #tpu.core_type<tc>} {
    %get3A = arith.constant 0 : index
    %get3A_0 = arith.constant 0 : index
    %get3A_1 = vector.load %arg0[%get3A, %get3A_0] : memref<10000x128xf32, #tpu.memory_space<vmem>>, vector<10000x128xf32>
    %get3A_2 = arith.constant 0 : index
    %get3A_3 = arith.constant 0 : index
    %get3A_4 = vector.load %arg1[%get3A_2, %get3A_3] : memref<128x64xf32, #tpu.memory_space<vmem>>, vector<128x64xf32>
    %dot_general3A = arith.constant dense<0.000000e+00> : vector<10000x64xf32>
    %dot_general3A_5 = tpu.matmul %get3A_1, %get3A_4, %dot_general3A {dimension_numbers = #tpu.dot_dimension_numbers<[1], [0], [0], [1], [0, 0, 1, 1], [], []>, precision = #tpu.contract_precision<fp32>, transpose_lhs_hint = false} : vector<10000x128xf32>, vector<128x64xf32>, vector<10000x64xf32> -> vector<10000x64xf32>
    %get3A_6 = arith.constant 0 : index
    %get3A_7 = arith.constant 0 : index
    %get3A_8 = vector.load %arg2[%get3A_6, %get3A_7] : memref<1x64xf32, #tpu.memory_space<vmem>>, vector<1x64xf32>
    %add3A = vector.broadcast %get3A_8 : vector<1x64xf32> to vector<10000x64xf32>
    %add3A_9 = arith.addf %dot_general3A_5, %add3A : vector<10000x64xf32>
    %swap3A = arith.constant 0 : index
    %swap3A_10 = arith.constant 0 : index
    %swap3A_11 = vector.load %arg8[%swap3A, %swap3A_10] : memref<10000x64xf32, #tpu.memory_space<vmem>>, vector<10000x64xf32>
    tpu.vector_store %arg8[%swap3A, %swap3A_10], %add3A_9 {strides = array<i32>} : memref<10000x64xf32, #tpu.memory_space<vmem>>, vector<10000x64xf32>,
    %get3A_12 = arith.constant 0 : index
    %get3A_13 = arith.constant 0 : index
    %get3A_14 = vector.load %arg3[%get3A_12, %get3A_13] : memref<16x64xf32, #tpu.memory_space<vmem>>, vector<16x64xf32>
    %get3A_15 = arith.constant 0 : index
    %get3A_16 = arith.constant 0 : index
    %get3A_17 = vector.load %arg4[%get3A_15, %get3A_16] : memref<64x64xf32, #tpu.memory_space<vmem>>, vector<64x64xf32>
    %dot_general3A_18 = arith.constant dense<0.000000e+00> : vector<16x64xf32>
    %dot_general3A_19 = tpu.matmul %get3A_14, %get3A_17, %dot_general3A_18 {dimension_numbers = #tpu.dot_dimension_numbers<[1], [0], [0], [1], [0, 0, 1, 1], [], []>, precision = #tpu.contract_precision<fp32>, transpose_lhs_hint = false} : vector<16x64xf32>, vector<64x64xf32>, vector<16x64xf32> -> vector<16x64xf32>
    %get3A_20 = arith.constant 0 : index
    %get3A_21 = arith.constant 0 : index
    %get3A_22 = vector.load %arg5[%get3A_20, %get3A_21] : memref<1x64xf32, #tpu.memory_space<vmem>>, vector<1x64xf32>
    %add3A_23 = vector.broadcast %get3A_22 : vector<1x64xf32> to vector<16x64xf32>
    %add3A_24 = arith.addf %dot_general3A_19, %add3A_23 : vector<16x64xf32>
    %swap3A_25 = arith.constant 0 : index
    %swap3A_26 = arith.constant 0 : index
    %swap3A_27 = vector.load %arg9[%swap3A_25, %swap3A_26] : memref<16x64xf32, #tpu.memory_space<vmem>>, vector<16x64xf32>
    tpu.vector_store %arg9[%swap3A_25, %swap3A_26], %add3A_24 {strides = array<i32>} : memref<16x64xf32, #tpu.memory_space<vmem>>, vector<16x64xf32>,
    %get3A_28 = arith.constant 0 : index
    %get3A_29 = arith.constant 0 : index
    %get3A_30 = vector.load %arg6[%get3A_28, %get3A_29] : memref<64x64xf32, #tpu.memory_space<vmem>>, vector<64x64xf32>
    %dot_general3A_31 = arith.constant dense<0.000000e+00> : vector<16x64xf32>
    %dot_general3A_32 = tpu.matmul %get3A_14, %get3A_30, %dot_general3A_31 {dimension_numbers = #tpu.dot_dimension_numbers<[1], [0], [0], [1], [0, 0, 1, 1], [], []>, precision = #tpu.contract_precision<fp32>, transpose_lhs_hint = false} : vector<16x64xf32>, vector<64x64xf32>, vector<16x64xf32> -> vector<16x64xf32>
    %get3A_33 = arith.constant 0 : index
    %get3A_34 = arith.constant 0 : index
    %get3A_35 = vector.load %arg7[%get3A_33, %get3A_34] : memref<1x64xf32, #tpu.memory_space<vmem>>, vector<1x64xf32>
    %add3A_36 = vector.broadcast %get3A_35 : vector<1x64xf32> to vector<16x64xf32>
    %add3A_37 = arith.addf %dot_general3A_32, %add3A_36 : vector<16x64xf32>
    %swap3A_38 = arith.constant 0 : index
    %swap3A_39 = arith.constant 0 : index
    %swap3A_40 = vector.load %arg10[%swap3A_38, %swap3A_39] : memref<16x64xf32, #tpu.memory_space<vmem>>, vector<16x64xf32>
    tpu.vector_store %arg10[%swap3A_38, %swap3A_39], %add3A_37 {strides = array<i32>} : memref<16x64xf32, #tpu.memory_space<vmem>>, vector<16x64xf32>,
    return
  }
}

module attributes {stable_mosaic.version = 14 : i64} {
  func.func @_mid_body(%arg0: memref<10000x64xf32, #tpu.memory_space<vmem>>, %arg1: memref<2x10000x64xf32, #tpu.memory_space<vmem>>, %arg2: memref<64x64xf32, #tpu.memory_space<vmem>>, %arg3: memref<1x64xf32, #tpu.memory_space<vmem>>, %arg4: memref<1x64xf32, #tpu.memory_space<vmem>>, %arg5: memref<1x64xf32, #tpu.memory_space<vmem>>, %arg6: memref<64x64xf32, #tpu.memory_space<vmem>>, %arg7: memref<1x64xf32, #tpu.memory_space<vmem>>, %arg8: memref<10000x64xf32, #tpu.memory_space<vmem>>) attributes {dimension_semantics = [], scalar_prefetch = 0 : i64, scratch_operands = 0 : i64, tpu.core_type = #tpu.core_type<tc>} {
    %get3A = arith.constant 0 : index
    %get3A_0 = arith.constant 0 : index
    %get3A_1 = vector.load %arg0[%get3A, %get3A_0] : memref<10000x64xf32, #tpu.memory_space<vmem>>, vector<10000x64xf32>
    %get3A_2 = arith.constant 0 : index
    %get3A_3 = arith.constant 0 : index
    %get3A_4 = arith.constant 0 : index
    %get3A_5 = vector.load %arg1[%get3A_2, %get3A_3, %get3A_4] : memref<2x10000x64xf32, #tpu.memory_space<vmem>>, vector<1x10000x64xf32>
    %get3A_6 = vector.shape_cast %get3A_5 : vector<1x10000x64xf32> to vector<10000x64xf32>
    %add3A = arith.addf %get3A_1, %get3A_6 : vector<10000x64xf32>
    %get3A_7 = arith.constant 1 : index
    %get3A_8 = arith.constant 0 : index
    %get3A_9 = arith.constant 0 : index
    %get3A_10 = vector.load %arg1[%get3A_7, %get3A_8, %get3A_9] : memref<2x10000x64xf32, #tpu.memory_space<vmem>>, vector<1x10000x64xf32>
    %get3A_11 = vector.shape_cast %get3A_10 : vector<1x10000x64xf32> to vector<10000x64xf32>
    %add3A_12 = arith.addf %add3A, %get3A_11 : vector<10000x64xf32>
    %get3A_13 = arith.constant 0 : index
    %get3A_14 = arith.constant 0 : index
    %get3A_15 = vector.load %arg2[%get3A_13, %get3A_14] : memref<64x64xf32, #tpu.memory_space<vmem>>, vector<64x64xf32>
    %get3A_16 = arith.constant 0 : index
    %get3A_17 = arith.constant 0 : index
    %get3A_18 = vector.load %arg3[%get3A_16, %get3A_17] : memref<1x64xf32, #tpu.memory_space<vmem>>, vector<1x64xf32>
    %get3A_19 = arith.constant 0 : index
    %get3A_20 = arith.constant 0 : index
    %get3A_21 = vector.load %arg4[%get3A_19, %get3A_20] : memref<1x64xf32, #tpu.memory_space<vmem>>, vector<1x64xf32>
    %get3A_22 = arith.constant 0 : index
    %get3A_23 = arith.constant 0 : index
    %get3A_24 = vector.load %arg5[%get3A_22, %get3A_23] : memref<1x64xf32, #tpu.memory_space<vmem>>, vector<1x64xf32>
    %get3A_25 = arith.constant 0 : index
    %get3A_26 = arith.constant 0 : index
    %get3A_27 = vector.load %arg6[%get3A_25, %get3A_26] : memref<64x64xf32, #tpu.memory_space<vmem>>, vector<64x64xf32>
    %get3A_28 = arith.constant 0 : index
    %get3A_29 = arith.constant 0 : index
    %get3A_30 = vector.load %arg7[%get3A_28, %get3A_29] : memref<1x64xf32, #tpu.memory_space<vmem>>, vector<1x64xf32>
    %dot_general3A = arith.constant dense<0.000000e+00> : vector<10000x64xf32>
    %dot_general3A_31 = tpu.matmul %add3A_12, %get3A_15, %dot_general3A {dimension_numbers = #tpu.dot_dimension_numbers<[1], [0], [0], [1], [0, 0, 1, 1], [], []>, precision = #tpu.contract_precision<fp32>, transpose_lhs_hint = false} : vector<10000x64xf32>, vector<64x64xf32>, vector<10000x64xf32> -> vector<10000x64xf32>
    %add3A_32 = vector.broadcast %get3A_18 : vector<1x64xf32> to vector<10000x64xf32>
    %add3A_33 = arith.addf %dot_general3A_31, %add3A_32 : vector<10000x64xf32>
    %reduce_sum3A = arith.constant dense<0.000000e+00> : vector<64xf32>
    %reduce_sum3A_34 = vector.multi_reduction <add>, %add3A_33, %reduce_sum3A [0] : vector<10000x64xf32> to vector<64xf32>
    %broadcast_in_dim3A = vector.shape_cast %reduce_sum3A_34 : vector<64xf32> to vector<1x64xf32>
    %div3A = arith.constant 1.000000e+04 : f32
    %div3A_35 = vector.broadcast %div3A : f32 to vector<1x64xf32>
    %div3A_36 = arith.divf %broadcast_in_dim3A, %div3A_35 : vector<1x64xf32>
    %sub3A = vector.broadcast %div3A_36 : vector<1x64xf32> to vector<10000x64xf32>
    %sub3A_37 = arith.subf %add3A_33, %sub3A : vector<10000x64xf32>
    %integer_pow3A = arith.mulf %sub3A_37, %sub3A_37 : vector<10000x64xf32>
    %reduce_sum3A_38 = arith.constant dense<0.000000e+00> : vector<64xf32>
    %reduce_sum3A_39 = vector.multi_reduction <add>, %integer_pow3A, %reduce_sum3A_38 [0] : vector<10000x64xf32> to vector<64xf32>
    %broadcast_in_dim3A_40 = vector.shape_cast %reduce_sum3A_39 : vector<64xf32> to vector<1x64xf32>
    %div3A_41 = arith.constant 1.000000e+04 : f32
    %div3A_42 = vector.broadcast %div3A_41 : f32 to vector<1x64xf32>
    %div3A_43 = arith.divf %broadcast_in_dim3A_40, %div3A_42 : vector<1x64xf32>
    %sub3A_44 = vector.broadcast %div3A_36 : vector<1x64xf32> to vector<10000x64xf32>
    %sub3A_45 = arith.subf %add3A_33, %sub3A_44 : vector<10000x64xf32>
    %mul3A = vector.broadcast %get3A_21 : vector<1x64xf32> to vector<10000x64xf32>
    %mul3A_46 = arith.mulf %mul3A, %sub3A_45 : vector<10000x64xf32>
    %add3A_47 = arith.constant 9.99999974E-6 : f32
    %add3A_48 = vector.broadcast %add3A_47 : f32 to vector<1x64xf32>
    %add3A_49 = arith.addf %div3A_43, %add3A_48 : vector<1x64xf32>
    %sqrt3A = math.sqrt %add3A_49 : vector<1x64xf32>
    %div3A_50 = vector.broadcast %sqrt3A : vector<1x64xf32> to vector<10000x64xf32>
    %div3A_51 = arith.divf %mul3A_46, %div3A_50 : vector<10000x64xf32>
    %add3A_52 = vector.broadcast %get3A_24 : vector<1x64xf32> to vector<10000x64xf32>
    %add3A_53 = arith.addf %div3A_51, %add3A_52 : vector<10000x64xf32>
    %max3A = arith.constant 0.000000e+00 : f32
    %max3A_54 = vector.broadcast %max3A : f32 to vector<10000x64xf32>
    %max3A_55 = arith.maximumf %add3A_53, %max3A_54 : vector<10000x64xf32>
    %dot_general3A_56 = arith.constant dense<0.000000e+00> : vector<10000x64xf32>
    %dot_general3A_57 = tpu.matmul %max3A_55, %get3A_27, %dot_general3A_56 {dimension_numbers = #tpu.dot_dimension_numbers<[1], [0], [0], [1], [0, 0, 1, 1], [], []>, precision = #tpu.contract_precision<fp32>, transpose_lhs_hint = false} : vector<10000x64xf32>, vector<64x64xf32>, vector<10000x64xf32> -> vector<10000x64xf32>
    %add3A_58 = vector.broadcast %get3A_30 : vector<1x64xf32> to vector<10000x64xf32>
    %add3A_59 = arith.addf %dot_general3A_57, %add3A_58 : vector<10000x64xf32>
    %max3A_60 = arith.constant 0.000000e+00 : f32
    %max3A_61 = vector.broadcast %max3A_60 : f32 to vector<10000x64xf32>
    %max3A_62 = arith.maximumf %add3A_59, %max3A_61 : vector<10000x64xf32>
    %swap3A = arith.constant 0 : index
    %swap3A_63 = arith.constant 0 : index
    %swap3A_64 = vector.load %arg8[%swap3A, %swap3A_63] : memref<10000x64xf32, #tpu.memory_space<vmem>>, vector<10000x64xf32>
    tpu.vector_store %arg8[%swap3A, %swap3A_63], %max3A_62 {strides = array<i32>} : memref<10000x64xf32, #tpu.memory_space<vmem>>, vector<10000x64xf32>,
    return
  }
}

module attributes {stable_mosaic.version = 14 : i64} {
  func.func @_final_body(%arg0: memref<10000x64xf32, #tpu.memory_space<vmem>>, %arg1: memref<2x10000x64xf32, #tpu.memory_space<vmem>>, %arg2: memref<64x64xf32, #tpu.memory_space<vmem>>, %arg3: memref<1x64xf32, #tpu.memory_space<vmem>>, %arg4: memref<1x64xf32, #tpu.memory_space<vmem>>, %arg5: memref<1x64xf32, #tpu.memory_space<vmem>>, %arg6: memref<64x64xf32, #tpu.memory_space<vmem>>, %arg7: memref<1x64xf32, #tpu.memory_space<vmem>>, %arg8: memref<10000x1xi32, #tpu.memory_space<vmem>>, %arg9: memref<64x64xf32, #tpu.memory_space<vmem>>, %arg10: memref<1x64xf32, #tpu.memory_space<vmem>>, %arg11: memref<64x10xf32, #tpu.memory_space<vmem>>, %arg12: memref<1x10xf32, #tpu.memory_space<vmem>>, %arg13: memref<128x10xf32, #tpu.memory_space<vmem>>) attributes {dimension_semantics = [], scalar_prefetch = 0 : i64, scratch_operands = 0 : i64, tpu.core_type = #tpu.core_type<tc>} {
    %get3A = arith.constant 0 : index
    %get3A_0 = arith.constant 0 : index
    %get3A_1 = vector.load %arg0[%get3A, %get3A_0] : memref<10000x64xf32, #tpu.memory_space<vmem>>, vector<10000x64xf32>
    %get3A_2 = arith.constant 0 : index
    %get3A_3 = arith.constant 0 : index
    %get3A_4 = arith.constant 0 : index
    %get3A_5 = vector.load %arg1[%get3A_2, %get3A_3, %get3A_4] : memref<2x10000x64xf32, #tpu.memory_space<vmem>>, vector<1x10000x64xf32>
    %get3A_6 = vector.shape_cast %get3A_5 : vector<1x10000x64xf32> to vector<10000x64xf32>
    %add3A = arith.addf %get3A_1, %get3A_6 : vector<10000x64xf32>
    %get3A_7 = arith.constant 1 : index
    %get3A_8 = arith.constant 0 : index
    %get3A_9 = arith.constant 0 : index
    %get3A_10 = vector.load %arg1[%get3A_7, %get3A_8, %get3A_9] : memref<2x10000x64xf32, #tpu.memory_space<vmem>>, vector<1x10000x64xf32>
    %get3A_11 = vector.shape_cast %get3A_10 : vector<1x10000x64xf32> to vector<10000x64xf32>
    %add3A_12 = arith.addf %add3A, %get3A_11 : vector<10000x64xf32>
    %get3A_13 = arith.constant 0 : index
    %get3A_14 = arith.constant 0 : index
    %get3A_15 = vector.load %arg2[%get3A_13, %get3A_14] : memref<64x64xf32, #tpu.memory_space<vmem>>, vector<64x64xf32>
    %get3A_16 = arith.constant 0 : index
    %get3A_17 = arith.constant 0 : index
    %get3A_18 = vector.load %arg3[%get3A_16, %get3A_17] : memref<1x64xf32, #tpu.memory_space<vmem>>, vector<1x64xf32>
    %get3A_19 = arith.constant 0 : index
    %get3A_20 = arith.constant 0 : index
    %get3A_21 = vector.load %arg4[%get3A_19, %get3A_20] : memref<1x64xf32, #tpu.memory_space<vmem>>, vector<1x64xf32>
    %get3A_22 = arith.constant 0 : index
    %get3A_23 = arith.constant 0 : index
    %get3A_24 = vector.load %arg5[%get3A_22, %get3A_23] : memref<1x64xf32, #tpu.memory_space<vmem>>, vector<1x64xf32>
    %get3A_25 = arith.constant 0 : index
    %get3A_26 = arith.constant 0 : index
    %get3A_27 = vector.load %arg6[%get3A_25, %get3A_26] : memref<64x64xf32, #tpu.memory_space<vmem>>, vector<64x64xf32>
    %get3A_28 = arith.constant 0 : index
    %get3A_29 = arith.constant 0 : index
    %get3A_30 = vector.load %arg7[%get3A_28, %get3A_29] : memref<1x64xf32, #tpu.memory_space<vmem>>, vector<1x64xf32>
    %dot_general3A = arith.constant dense<0.000000e+00> : vector<10000x64xf32>
    %dot_general3A_31 = tpu.matmul %add3A_12, %get3A_15, %dot_general3A {dimension_numbers = #tpu.dot_dimension_numbers<[1], [0], [0], [1], [0, 0, 1, 1], [], []>, precision = #tpu.contract_precision<fp32>, transpose_lhs_hint = false} : vector<10000x64xf32>, vector<64x64xf32>, vector<10000x64xf32> -> vector<10000x64xf32>
    %add3A_32 = vector.broadcast %get3A_18 : vector<1x64xf32> to vector<10000x64xf32>
    %add3A_33 = arith.addf %dot_general3A_31, %add3A_32 : vector<10000x64xf32>
    %reduce_sum3A = arith.constant dense<0.000000e+00> : vector<64xf32>
    %reduce_sum3A_34 = vector.multi_reduction <add>, %add3A_33, %reduce_sum3A [0] : vector<10000x64xf32> to vector<64xf32>
    %broadcast_in_dim3A = vector.shape_cast %reduce_sum3A_34 : vector<64xf32> to vector<1x64xf32>
    %div3A = arith.constant 1.000000e+04 : f32
    %div3A_35 = vector.broadcast %div3A : f32 to vector<1x64xf32>
    %div3A_36 = arith.divf %broadcast_in_dim3A, %div3A_35 : vector<1x64xf32>
    %sub3A = vector.broadcast %div3A_36 : vector<1x64xf32> to vector<10000x64xf32>
    %sub3A_37 = arith.subf %add3A_33, %sub3A : vector<10000x64xf32>
    %integer_pow3A = arith.mulf %sub3A_37, %sub3A_37 : vector<10000x64xf32>
    %reduce_sum3A_38 = arith.constant dense<0.000000e+00> : vector<64xf32>
    %reduce_sum3A_39 = vector.multi_reduction <add>, %integer_pow3A, %reduce_sum3A_38 [0] : vector<10000x64xf32> to vector<64xf32>
    %broadcast_in_dim3A_40 = vector.shape_cast %reduce_sum3A_39 : vector<64xf32> to vector<1x64xf32>
    %div3A_41 = arith.constant 1.000000e+04 : f32
    %div3A_42 = vector.broadcast %div3A_41 : f32 to vector<1x64xf32>
    %div3A_43 = arith.divf %broadcast_in_dim3A_40, %div3A_42 : vector<1x64xf32>
    %sub3A_44 = vector.broadcast %div3A_36 : vector<1x64xf32> to vector<10000x64xf32>
    %sub3A_45 = arith.subf %add3A_33, %sub3A_44 : vector<10000x64xf32>
    %mul3A = vector.broadcast %get3A_21 : vector<1x64xf32> to vector<10000x64xf32>
    %mul3A_46 = arith.mulf %mul3A, %sub3A_45 : vector<10000x64xf32>
    %add3A_47 = arith.constant 9.99999974E-6 : f32
    %add3A_48 = vector.broadcast %add3A_47 : f32 to vector<1x64xf32>
    %add3A_49 = arith.addf %div3A_43, %add3A_48 : vector<1x64xf32>
    %sqrt3A = math.sqrt %add3A_49 : vector<1x64xf32>
    %div3A_50 = vector.broadcast %sqrt3A : vector<1x64xf32> to vector<10000x64xf32>
    %div3A_51 = arith.divf %mul3A_46, %div3A_50 : vector<10000x64xf32>
    %add3A_52 = vector.broadcast %get3A_24 : vector<1x64xf32> to vector<10000x64xf32>
    %add3A_53 = arith.addf %div3A_51, %add3A_52 : vector<10000x64xf32>
    %max3A = arith.constant 0.000000e+00 : f32
    %max3A_54 = vector.broadcast %max3A : f32 to vector<10000x64xf32>
    %max3A_55 = arith.maximumf %add3A_53, %max3A_54 : vector<10000x64xf32>
    %dot_general3A_56 = arith.constant dense<0.000000e+00> : vector<10000x64xf32>
    %dot_general3A_57 = tpu.matmul %max3A_55, %get3A_27, %dot_general3A_56 {dimension_numbers = #tpu.dot_dimension_numbers<[1], [0], [0], [1], [0, 0, 1, 1], [], []>, precision = #tpu.contract_precision<fp32>, transpose_lhs_hint = false} : vector<10000x64xf32>, vector<64x64xf32>, vector<10000x64xf32> -> vector<10000x64xf32>
    %add3A_58 = vector.broadcast %get3A_30 : vector<1x64xf32> to vector<10000x64xf32>
    %add3A_59 = arith.addf %dot_general3A_57, %add3A_58 : vector<10000x64xf32>
    %get3A_60 = arith.constant 0 : index
    %get3A_61 = arith.constant 0 : index
    %get3A_62 = vector.load %arg8[%get3A_60, %get3A_61] : memref<10000x1xi32, #tpu.memory_space<vmem>>, vector<10000x1xi32>
    %iota3A = tpu.iota {dimensions = array<i32: 1>} : vector<10000x128xi32>
    %eq3A = vector.broadcast %get3A_62 : vector<10000x1xi32> to vector<10000x128xi32>
    %eq3A_63 = arith.cmpi eq, %eq3A, %iota3A : vector<10000x128xi32>
    %convert_element_type3A = arith.extui %eq3A_63 : vector<10000x128xi1> to vector<10000x128xi32>
    %convert_element_type3A_64 = arith.sitofp %convert_element_type3A : vector<10000x128xi32> to vector<10000x128xf32>
    %transpose3A = tpu.transpose %convert_element_type3A_64, [1, 0] : vector<10000x128xf32> -> vector<128x10000xf32>
    %dot_general3A_65 = arith.constant dense<0.000000e+00> : vector<128x64xf32>
    %dot_general3A_66 = tpu.matmul %transpose3A, %add3A_59, %dot_general3A_65 {dimension_numbers = #tpu.dot_dimension_numbers<[1], [0], [0], [1], [0, 0, 1, 1], [], []>, precision = #tpu.contract_precision<fp32>, transpose_lhs_hint = false} : vector<128x10000xf32>, vector<10000x64xf32>, vector<128x64xf32> -> vector<128x64xf32>
    %get3A_67 = arith.constant 0 : index
    %get3A_68 = arith.constant 0 : index
    %get3A_69 = vector.load %arg9[%get3A_67, %get3A_68] : memref<64x64xf32, #tpu.memory_space<vmem>>, vector<64x64xf32>
    %dot_general3A_70 = arith.constant dense<0.000000e+00> : vector<128x64xf32>
    %dot_general3A_71 = tpu.matmul %dot_general3A_66, %get3A_69, %dot_general3A_70 {dimension_numbers = #tpu.dot_dimension_numbers<[1], [0], [0], [1], [0, 0, 1, 1], [], []>, precision = #tpu.contract_precision<fp32>, transpose_lhs_hint = false} : vector<128x64xf32>, vector<64x64xf32>, vector<128x64xf32> -> vector<128x64xf32>
    %get3A_72 = arith.constant 0 : index
    %get3A_73 = arith.constant 0 : index
    %get3A_74 = vector.load %arg10[%get3A_72, %get3A_73] : memref<1x64xf32, #tpu.memory_space<vmem>>, vector<1x64xf32>
    %add3A_75 = vector.broadcast %get3A_74 : vector<1x64xf32> to vector<128x64xf32>
    %add3A_76 = arith.addf %dot_general3A_71, %add3A_75 : vector<128x64xf32>
    %max3A_77 = arith.constant 0.000000e+00 : f32
    %max3A_78 = vector.broadcast %max3A_77 : f32 to vector<128x64xf32>
    %max3A_79 = arith.maximumf %add3A_76, %max3A_78 : vector<128x64xf32>
    %get3A_80 = arith.constant 0 : index
    %get3A_81 = arith.constant 0 : index
    %get3A_82 = vector.load %arg11[%get3A_80, %get3A_81] : memref<64x10xf32, #tpu.memory_space<vmem>>, vector<64x10xf32>
    %dot_general3A_83 = arith.constant dense<0.000000e+00> : vector<128x10xf32>
    %dot_general3A_84 = tpu.matmul %max3A_79, %get3A_82, %dot_general3A_83 {dimension_numbers = #tpu.dot_dimension_numbers<[1], [0], [0], [1], [0, 0, 1, 1], [], []>, precision = #tpu.contract_precision<fp32>, transpose_lhs_hint = false} : vector<128x64xf32>, vector<64x10xf32>, vector<128x10xf32> -> vector<128x10xf32>
    %get3A_85 = arith.constant 0 : index
    %get3A_86 = arith.constant 0 : index
    %get3A_87 = vector.load %arg12[%get3A_85, %get3A_86] : memref<1x10xf32, #tpu.memory_space<vmem>>, vector<1x10xf32>
    %add3A_88 = vector.broadcast %get3A_87 : vector<1x10xf32> to vector<128x10xf32>
    %add3A_89 = arith.addf %dot_general3A_84, %add3A_88 : vector<128x10xf32>
    %swap3A = arith.constant 0 : index
    %swap3A_90 = arith.constant 0 : index
    %swap3A_91 = vector.load %arg13[%swap3A, %swap3A_90] : memref<128x10xf32, #tpu.memory_space<vmem>>, vector<128x10xf32>
    tpu.vector_store %arg13[%swap3A, %swap3A_90], %add3A_89 {strides = array<i32>} : memref<128x10xf32, #tpu.memory_space<vmem>>, vector<128x10xf32>,
    return
  }
}

</mosaic_0001>

<sc_bundles>
// kernel: kernel.10.cloned.1.call-start
scs
__scs_entry_jumppad:
0x0: {  	(pc) =	sbr.rel $0x88, $3  }
0x1: {  	(tag) =	ssettag $0x0;
	lr =	simm.s32 $0x1  }
0x2: {  	[smem:$0x3F86] =	sst lr;
	_ =	strace $0xD0000000  }
0x3: {  	_ = 	snop  }
0x4: {  	_ = 	snop  }
0x5: {  	_ = 	snop  }
0x6: {  	_ = 	snop  }
0x7: {  	_ = 	snop  }
__scs_overlays_trampoline_lowered:
0x8: {  	[smem:$0x3F95] =	sst s0  }
0x9: {  	[smem:$0x3F96] =	sst s1  }
0xa: {  	[smem:$0x3F97] =	sst s2  }
0xb: {  	[smem:$0x3F98] =	sst s3  }
0xc: {  	[smem:$0x3F99] =	sst s4  }
0xd: {  	[smem:$0x3F9A] =	sst s5  }
0xe: {  	[smem:$0x3F9B] =	sst s6  }
0xf: {  	[smem:$0x3F9C] =	sst s7  }
0x10: {  	[smem:$0x3F9D] =	sst s8  }
0x11: {  	[smem:$0x3F9E] =	sst s9;
	s0 =	simm.s32 @!p0 $0x0  }
0x12: {  	s1 =	sld [smem:$0x3F84];
	s0 =	simm.s32 @p0 $0x1  }
0x13: {  	[smem:$0x3F9F] =	sst s0;
	s0 =	simm.s32 @!p1 $0x0  }
0x14: {  	s2 =	sld [smem:$0x3F83];
	s0 =	simm.s32 @p1 $0x1  }
0x15: {  	[smem:$0x3FA0] =	sst s0;
	s0 =	simm.s32 @!p2 $0x0  }
0x16: {  	s3 =	sld [smem:$0x3FDB];
	s0 =	simm.s32 @p2 $0x1  }
0x17: {  	s4 =	simm.s32 $0x1BF5;
	[smem:$0x3FA2] =	sst s0  }
0x18: {  	s0 =	sld [smem:$0x3F85];
	_ =	swait.ge [sflag:s4], $0x0  }
0x19: {  	s7 =	sld [smem:$0x3F86]  }
0x1a: {  	s8 =	sadd.s32 $0xFFFFE003, lr  }
0x1b: {  	s9 =	sadd.s32 $0xFFFFFEF7, lr;
	s5 =	simm.s32 $0xFFFFFFFF;
	p2 =	slt.u32 s8, $0xFFFFF086  }
0x1c: {  	p1 =	slt.u32 s9, $0xF7A;
	s5 =	simm.s32 @!p2 $0x0  }
0x1d: {  	s5 =	simm.s32 @p1 $0x1;
	p0 =	seq.s32 s7, s2  }
0x1e: {  	s7 =	smul.u32 @!p0 $0xF7A, s2;
	p2 =	seq.s32 @!p0 s5, $0x0  }
0x1f: {  	s9 =	smul.u32 $0xF7A, s1;
	s8 =	simm.s32 @!p0 $0x1BF5;
	p2 =	por !p2, p0  }
0x20: {  	[sflag:s8] =	ssyncset.s32 @!p0 $0xFFFFF086;
	s6 =	sadd.s32 @!p0 s3, s7;
	s7 =	simm.s32 @!p0 $0x108  }
0x21: {  	s3 =	sadd.s32 s3, s9;
	s6 =	sadd.s32 @!p0 $0x88, s6;
	s7 =	simm.s32 @p2 $0x1082  }
0x22: {  	[simem:s7], [sflag:s8] =	dma.local @!p0 [hbm:s6], $0xF7A  }
0x23: {  	s9 =	sor.u32 $0xD0000000, s2;
	s6 =	simm.s32 $0x108;
	_ =	swait.ge @!p0 [sflag:s8], $0x0  }
0x24: {  	s3 =	sadd.s32 $0x88, s3;
	s6 =	simm.s32 @!p1 $0x1082;
	[sflag:s4] =	ssyncset.s32 $0xFFFFF086  }
0x25: {  	[simem:s6], [sflag:s4] =	dma.local [hbm:s3], $0xF7A  }
0x26: {  	[smem:$0x3F86] =	sst s1;
	(tag) =	ssettag s2;
	_ =	strace s9  }
0x27: {  	s1 =	sld [smem:$0x3F96]  }
0x28: {  	s2 =	sld [smem:$0x3F97]  }
0x29: {  	s4 =	sld [smem:$0x3F99]  }
0x2a: {  	p0 =	seq.s32 s5, $0x0;
	s5 =	sld [smem:$0x3F9A]  }
0x2b: {  	s6 =	sld [smem:$0x3F9B]  }
0x2c: {  	s7 =	sld [smem:$0x3F9C]  }
0x2d: {  	s3 =	simm.s32 $0x108;
	s8 =	sld [smem:$0x3F9D]  }
0x2e: {  	s3 =	simm.s32 @!p0 $0x1082;
	s9 =	sld [smem:$0x3F9E]  }
0x2f: {  	lr =	sadd.s32 s0, s3;
	s0 =	sld [smem:$0x3F95]  }
0x30: {  	s3 =	sld [smem:$0x3F98]  }
0x31: {  	[smem:$0x3FA1] =	sst s10  }
0x32: {  	s10 =	sld [smem:$0x3F9F];
	_ =	sdelay $0x3  }
0x33: {  	p0 =	seq.s32 s10, $0x1;
	s10 =	sld [smem:$0x3FA1];
	_ =	sdelay $0x3  }
0x34: {  	[smem:$0x3FA1] =	sst s10  }
0x35: {  	s10 =	sld [smem:$0x3FA0];
	_ =	sdelay $0x3  }
0x36: {  	p1 =	seq.s32 s10, $0x1;
	s10 =	sld [smem:$0x3FA1];
	_ =	sdelay $0x3  }
0x37: {  	[smem:$0x3FA1] =	sst s10  }
0x38: {  	s10 =	sld [smem:$0x3FA2]  }
0x39: {  	_ = 	snop;
	(pc) =	sbr.ind lr, $3  }
0x3a: {  	_ = 	snop  }
0x3b: {  	_ = 	snop  }
0x3c: {  	p2 =	seq.s32 s10, $0x1;
	s10 =	sld [smem:$0x3FA1]  }
0x3d: {  	_ =	shalt  }
0x3e: {  	_ =	shalt  }
0x3f: {  	_ =	shalt  }
0x40: {  	_ =	shalt  }
0x41: {  	_ =	shalt  }
0x42: {  	_ =	shalt  }
0x43: {  	_ =	shalt  }
0x44: {  	_ =	shalt  }
0x45: {  	_ =	shalt  }
0x46: {  	_ =	shalt  }
0x47: {  	_ =	shalt  }
0x48: {  	_ =	shalt  }
0x49: {  	_ =	shalt  }
0x4a: {  	_ =	shalt  }
0x4b: {  	_ =	shalt  }
0x4c: {  	_ =	shalt  }
0x4d: {  	_ =	shalt  }
0x4e: {  	_ =	shalt  }
0x4f: {  	_ =	shalt  }
0x50: {  	_ =	shalt  }
0x51: {  	_ =	shalt  }
0x52: {  	_ =	shalt  }
0x53: {  	_ =	shalt  }
0x54: {  	_ =	shalt  }
0x55: {  	_ =	shalt  }
0x56: {  	_ =	shalt  }
0x57: {  	_ =	shalt  }
0x58: {  	_ =	shalt  }
0x59: {  	_ =	shalt  }
0x5a: {  	_ =	shalt  }
0x5b: {  	_ =	shalt  }
0x5c: {  	_ =	shalt  }
0x5d: {  	_ =	shalt  }
0x5e: {  	_ =	shalt  }
0x5f: {  	_ =	shalt  }
0x60: {  	_ =	shalt  }
0x61: {  	_ =	shalt  }
0x62: {  	_ =	shalt  }
0x63: {  	_ =	shalt  }
0x64: {  	_ =	shalt  }
0x65: {  	_ =	shalt  }
0x66: {  	_ =	shalt  }
0x67: {  	_ =	shalt  }
0x68: {  	_ =	shalt  }
0x69: {  	_ =	shalt  }
0x6a: {  	_ =	shalt  }
0x6b: {  	_ =	shalt  }
0x6c: {  	_ =	shalt  }
0x6d: {  	_ =	shalt  }
0x6e: {  	_ =	shalt  }
0x6f: {  	_ =	shalt  }
0x70: {  	_ =	shalt  }
0x71: {  	_ =	shalt  }
0x72: {  	_ =	shalt  }
0x73: {  	_ =	shalt  }
0x74: {  	_ =	shalt  }
0x75: {  	_ =	shalt  }
0x76: {  	_ =	shalt  }
0x77: {  	_ =	shalt  }
0x78: {  	_ =	shalt  }
0x79: {  	_ =	shalt  }
0x7a: {  	_ =	shalt  }
0x7b: {  	_ =	shalt  }
0x7c: {  	_ =	shalt  }
0x7d: {  	_ =	shalt  }
0x7e: {  	_ =	shalt  }
0x7f: {  	_ =	shalt  }
0x80: {  	_ =	shalt  }
0x81: {  	_ =	shalt  }
0x82: {  	_ =	shalt  }
0x83: {  	_ =	shalt  }
0x84: {  	_ =	shalt  }
0x85: {  	_ =	shalt  }
0x86: {  	_ =	shalt  }
0x87: {  	_ =	shalt  }
.Lfunc_end0:
.L_simem_size_0:
called_computation.1_lowered:
.L_overlay_start_0:
0x88: {  	s2 =	sld [smem:$0x3FD9]  }
0x89: {  	s3 =	sld [smem:$0x3FFE];
	_ =	sdelay $0x1  }
0x8a: {  	s1 =	srdreg.scid  }
0x8b: {  	s0 =	sand.u32 $0x1, s1  }
0x8c: {  	s17 =	sshll.u32 s0, $0xA;
	s2 =	sadd.s32 s3, s2  }
0x8d: {  	s2 =	sadd.s32 s2, s17  }
0x8e: {  	[smem:$0x3FAD] =	sst s2  }
0x8f: {  	_ = 	snop  }
0x90: {  	s2 =	sld [smem:$0x3FC7];
	(tm) =	ssettm $0x1  }
0x91: {  	s18 =	sld [smem:$0x3FFB];
	_ =	sdelay $0x3  }
0x92: {  	_ =	strace s18  }
0x93: {  	s3 =	sld [smem:$0x3FFC];
	_ =	sdelay $0x3  }
0x94: {  	_ =	strace s3  }
0x95: {  	s3 =	sld [smem:$0x3FFD];
	_ =	sdelay $0x3  }
0x96: {  	_ =	strace s3  }
0x97: {  	_ =	strace $0x8FFFFFFF  }
0x98: {  	s19 =	sld [smem:$0x3FDB];
	_ =	sdelay $0x1  }
0x99: {  	s4 =	simm.s32 $_scs_section_size  }
0x9a: {  	s5 =	simm.s32 $_size__tile_overlayer_lowered;
	s6 =	simm.s32 $_tile_overlayer_lowered  }
0x9b: {  	s22 =	simm.s32 $0x1BFF;
	s21 =	sshll.u32 s6, $0x1;
	s3 =	sadd.s32 s4, s19  }
0x9c: {  	s7 =	simm.s32 $0x0;
	s20 =	sshll.u32 s5, $0x1;
	s5 =	sadd.s32 s21, s3  }
0x9d: {  	[timem:s7], [sflag:s22] =	dma.local [hbm:s5], s20  }
0x9e: {  	_ =	swait.ge [sflag:s22], s20  }
0x9f: {  	s4 =	ssub.s32 $0x0, s20;
	[sflag:s22] =	ssyncset.done $0x0  }
0xa0: {  	[sflag:s22] =	ssyncadd.s32 s4;
	_ =	sdelay $0x1  }
0xa1: {  	s23 =	simm.s32 $0x1B8B  }
0xa2: {  	_ =	swait.ge [sflag:s23], $0x1  }
0xa3: {  	[sflag:s23] =	ssyncset.done $0x0  }
0xa4: {  	s25 =	simm.s32 $0x1B8E;
	s24 =	sld [smem:$0x3FFE];
	[sflag:s23] =	ssyncadd.s32 $0xFFFFFFFF  }
0xa5: {  	s26 =	simm.s32 $execute0_lowered;
	[smem:$0x3FD2] =	sst s25  }
0xa6: {  	s5 =	sshll.u32 s26, $0x1;
	_ =	strace $0x80000049;
	[dreg:$0x1] =	wrdreg $0xFFFFFFFF  }
0xa7: {  	s28 =	simm.s32 $_size_execute0_lowered;
	s3 =	sadd.s32 s3, s5;
	[dreg:$0x0] =	wrdreg $0x0  }
0xa8: {  	s5 =	sshll.u32 s28, $0x1;
	[dreg:$0x2] =	wrdreg s3  }
0xa9: {  	[dreg:$0x3] =	wrdreg s5  }
0xaa: {  	[dreg:$0x4] =	wrdreg $0xC0  }
0xab: {  	_ =	task [dreg:s7], $0x5FFFF  }
0xac: {  	[dreg:$0x1] =	wrdreg $0xFFFFFFFF  }
0xad: {  	[dreg:$0x0] =	wrdreg $0x60  }
0xae: {  	[dreg:$0x2] =	wrdreg s24  }
0xaf: {  	[dreg:$0x3] =	wrdreg s2  }
0xb0: {  	[dreg:$0x4] =	wrdreg $0x1DD700  }
0xb1: {  	[dreg:$0x5] =	wrdreg $0x141300  }
0xb2: {  	[dreg:$0x6] =	wrdreg $0x9  }
0xb3: {  	_ =	task.clear_ibuf [dreg:s7], $0x7FFFF;
	_ =	strace $0x90000049  }
0xb4: {  	s29 =	simm.s32 $0x9;
	_ =	strace $0x8000004B  }
0xb5: {  	_ =	swait.ge [sflag:s29], $0x1  }
0xb6: {  	[sflag:s29] =	ssyncadd.s32 $0xFFFFFFFF  }
0xb7: {  	_ =	strace $0x9000004B  }
0xb8: {  	_ =	sfence  }
0xb9: {  	s30 =	sld [smem:$0x0];
	_ =	sdelay $0x2  }
0xba: {  	s31 =	sshll.u32 s1, $0xD;
	s1 =	sshrl.u32 s1, $0x2  }
0xbb: {  	s3 =	sand.u32 $0x4000, s31;
	s1 =	sadd.s32 s1, s30  }
0xbc: {  	s0 =	sor.u32 s3, s0;
	s1 =	sshll.u32 s1, $0x11  }
0xbd: {  	s0 =	sor.u32 s1, s0  }
0xbe: {  	s0 =	sadd.s32 $0x8F2B, s0  }
0xbf: {  	[sflag:s0] =	ssyncadd.remote.s32 $0x1  }
0xc0: {  	_ =	sfence.sel $0xFFFF  }
0xc1: {  	[dreg:$0x0] =	wrdreg $0xFFFFFFFF;
	(pc) =	sbr.abs _section_cstart, $3  }
0xc2: {  	[dreg:$0x1] =	wrdreg $0xFFFFFFFF  }
0xc3: {  	_ =	task.clear_ibuf [dreg:s7], $0x2FFFF;
	_ =	strace $0x9FFFFFFF  }
0xc4: {  	(tm) =	ssettm $0x7FFFFFFF  }
0xc5: {  	_ =	shalt  }
tec
execute0_lowered:
.L_overlay_start_1:
0x0: {  	(tag) =	ssettag $0x1  }
0x1: {  	s0 =	rddreg [dreg:$0x0]  }
0x2: {  	s3 =	rddreg [dreg:$0x1]  }
0x3: {  	s2 =	srdreg.scid;
	s1 =	rddreg [dreg:$0x2]  }
0x4: {  	s11 =	stileid.u32;
	s6 =	simm.s32 $0x0;
	s31 =	simm.s32 $0xB130  }
0x5: {  	s28 =	simm.s32 $0x1;
	s4 =	sand.u32 $0x1, s2;
	s2 =	rddreg [dreg:$0x3]  }
0x6: {  	s30 =	simm.s32 $0x6;
	[smem:$0x7FF] =	sst s6;
	s10 =	smul.u32 $0x27000, s11  }
0x7: {  	s9 =	sadd.s32 $0x51C00, s0;
	s14 =	smul.u32 $0x9C00, s11;
	p0 =	sne.s32 s11, $0x0  }
0x8: {  	p1 =	sne.s32 s11, $0xF;
	s6 =	simm.s32 $0x0;
	s5 =	sshll.u32 s4, $0x4  }
0x9: {  	_ =	strace $0x8000004A;
	s8 =	ssub.s32 $0x2, s4;
	[dreg:$0x5] =	wrdreg s9  }
0xa: {  	s4 =	smul.u32 $0x9C400, s4;
	s9 =	simm.s32 $0x3;
	s5 =	sor.u32 s11, s5  }
0xb: {  	s13 =	sshrl.u32 s8, $0x1;
	s16 =	sshrl.u32 s10, $0x2;
	s15 =	sadd.s32 s14, s2  }
0xc: {  	s11 =	simm.s32 $0x8;
	s29 =	smul.u32 $0x4E2, s5;
	s5 =	sadd.s32 $0x3400, s0  }
0xd: {  	s17 =	sadd.s32 s16, s2;
	s16 =	sadd.s32 $0x9C000, s2;
	[dreg:$0x9] =	wrdreg s15  }
0xe: {  	s8 =	ssub.s32 s8, s13;
	s18 =	sadd.s32 $0x1400, s17;
	[dreg:$0x11] =	wrdreg s16  }
0xf: {  	s24 =	sadd.s32 s14, s4;
	s19 =	sadd.s32 $0x2800, s17;
	[dreg:$0xa] =	wrdreg s18  }
0x10: {  	s4 =	sshrl.u32 s4, $0x3;
	s20 =	sadd.s32 $0x3C00, s17;
	[dreg:$0xb] =	wrdreg s19  }
0x11: {  	s13 =	simm.s32 $0x5;
	s21 =	sadd.s32 $0x5000, s17;
	[dreg:$0xc] =	wrdreg s20  }
0x12: {  	s14 =	simm.s32 $0xA;
	s22 =	sadd.s32 $0x6400, s17;
	[dreg:$0xd] =	wrdreg s21  }
0x13: {  	s23 =	sadd.s32 $0x7800, s17;
	s25 =	sshrl.u32 s24, $0x3;
	[dreg:$0xe] =	wrdreg s22  }
0x14: {  	s24 =	simm.s32 $0x4;
	s3 =	sadd.s32 s3, s29;
	[dreg:$0xf] =	wrdreg s23  }
0x15: {  	s7 =	sadd.s32 s29, s0;
	s29 =	smax.u32 s8, $0x1;
	[dreg:$0x8] =	wrdreg s3  }
0x16: {  	s0 =	sadd.s32 $0x2AA00, s0;
	s12 =	sadd.s32 $0x20C00, s7;
	[dreg:$0x14] =	wrdreg s29  }
0x17: {  	s22 =	simm.s32 $0x10;
	s7 =	sadd.s32 $0x16E00, s7;
	[dreg:$0x6] =	wrdreg s12  }
0x18: {  	s8 =	simm.s32 $0x7;
	s3 =	sadd.s32 $0x8C00, s17;
	[dreg:$0x7] =	wrdreg s7  }
0x19: {  	s4 =	sadd.s32 s0, s4;
	s0 =	sadd.s32 s0, s25;
	[dreg:$0x10] =	wrdreg s3  }
0x1a: {  	s17 =	simm.s32 $0x4E20;
	s25 =	simm.s32 $0x7530;
	[dreg:$0x12] =	wrdreg s0  }
0x1b: {  	s26 =	sadd.s32 $0x13800, s4;
	s3 =	simm.s32 $0xC530;
	s7 =	simm.s32 $0x2  }
0x1c: {  	v0 =	vimm.f32 $0.0e+00;
	s12 =	simm.s32 $0x9;
	[dreg:$0x13] =	wrdreg s26;
	s26 =	simm.s32 $0x50  }
.LBB2_1:
0x1d: {  	[dreg:$0x15] =	wrdreg s6  }
0x1e: {  	s0 =	simm.s32 @!p0 $0x0;
	s4 =	simm.s32 @!p0 $0x13D30;
	s6 =	rddreg [dreg:$0x5]  }
0x1f: {  	[tilespmem:s4], [sflag:$0x10] =	stream.linear.gather @!p0 [hbm4b:s6+s0], $0x400, $0x38;
	[tilespmem:$0x1DDB0] =	vst v63  }
0x20: {  	s0 =	simm.s32 @!p0 $0x10  }
0x21: {  	_ =	swait.ge @!p0 [sflag:s0], $0x400  }
0x22: {  	[sflag:s0] =	ssyncset.done @!p0 $0x0  }
0x23: {  	[sflag:s0] =	ssyncadd.s32 @!p0 $0xFFFFFC00  }
0x24: {  	[spmem:s1] =	stream.linear.scatter @!p0 [tilespmem:s4], [sflag:$0x10], $0x400, $0x38;
	[tilespmem:$0x1DDB0] =	vst v63  }
0x25: {  	_ =	swait.ge @!p0 [sflag:s0], $0x400  }
0x26: {  	[sflag:s0] =	ssyncset.done @!p0 $0x0  }
0x27: {  	s10 =	simm.s32 $0x0;
	s18 =	rddreg [dreg:$0x6];
	[sflag:s0] =	ssyncadd.s32 @!p0 $0xFFFFFC00  }
0x28: {  	[tilespmem:s10], [sflag:$0x10] =	stream.linear.gather [hbm4b:s18+s10], $0x2710, $0x38;
	[tilespmem:$0x1DDB0] =	vst v63  }
0x29: {  	_ =	swait.ge [sflag:s22], $0x2710  }
0x2a: {  	[sflag:s22] =	ssyncset.done $0x0  }
0x2b: {  	s20 =	simm.s32 $0x2710;
	s19 =	rddreg [dreg:$0x7];
	[sflag:s22] =	ssyncadd.s32 $0xFFFFD8F0  }
0x2c: {  	[tilespmem:s20], [sflag:$0x10] =	stream.linear.gather [hbm4b:s19+s10], $0x2710, $0x38;
	[tilespmem:$0x1DDB0] =	vst v63  }
0x2d: {  	_ =	swait.ge [sflag:s22], $0x2710  }
0x2e: {  	[sflag:s22] =	ssyncset.done $0x0  }
0x2f: {  	s23 =	sand.u32 $0x7F00, s10;
	s21 =	rddreg [dreg:$0x8];
	[sflag:s22] =	ssyncadd.s32 $0xFFFFD8F0  }
0x30: {  	[tilespmem:s17], [sflag:$0x10] =	stream.linear.gather [hbm4b:s21+s10], $0x2710, $0x38;
	[tilespmem:$0x1DDB0] =	vst v63  }
0x31: {  	s29 =	sshrl.u32 s23, $0x2;
	s4 =	sand.u32 $0x30, s10;
	_ =	swait.ge [sflag:s22], $0x2710  }
0x32: {  	s6 =	sor.u32 s4, s29;
	[sflag:s22] =	ssyncset.done $0x0  }
0x33: {  	s4 =	simm.s32 $0x0;
	s0 =	simm.s32 $0x40;
	[sflag:s22] =	ssyncadd.s32 $0xFFFFD8F0  }
.LBB2_2:
0x34: {  	p2 =	sne.s32 s0, $0x4FC0  }
0x35: {  	[tilespmem:s6+$0x7530] =	vst v0;
	s4 =	sadd.s32 $0x10, s4;
	s6 =	smov.u32 s0;
	s0 =	sadd.s32 $0x40, s0  }
.Ltmp0:
0x36: {  	(pc) =	sbr.rel @p2 .LBB2_2-.Ltmp0, $4  }
0x37: {  	_ = 	snop  }
0x38: {  	s6 =	sand.u32 $0x7F00, s6  }
0x39: {  	s10 =	sand.u32 $0x30, s4;
	s6 =	sshrl.u32 s6, $0x2  }
0x3a: {  	s6 =	sor.u32 s10, s6  }
0x3b: {  	[tilespmem:s6+$0x7530] =	vst v0  }
0x3c: {  	[spmem:s15] =	stream.linear.scatter [tilespmem:s25], [sflag:$0x10], $0x1400, $0x38;
	[tilespmem:$0x1DDB0] =	vst v63  }
0x3d: {  	_ =	swait.ge [sflag:s22], $0x1400  }
0x3e: {  	[sflag:s22] =	ssyncset.done $0x0  }
0x3f: {  	s0 =	rddreg [dreg:$0xa];
	[sflag:s22] =	ssyncadd.s32 $0xFFFFEC00  }
0x40: {  	[spmem:s0] =	stream.linear.scatter [tilespmem:s25], [sflag:$0x10], $0x1400, $0x38;
	[tilespmem:$0x1DDB0] =	vst v63  }
0x41: {  	_ =	swait.ge [sflag:s22], $0x1400  }
0x42: {  	[sflag:s22] =	ssyncset.done $0x0  }
0x43: {  	s23 =	rddreg [dreg:$0xb];
	[sflag:s22] =	ssyncadd.s32 $0xFFFFEC00  }
0x44: {  	[spmem:s23] =	stream.linear.scatter [tilespmem:s25], [sflag:$0x10], $0x1400, $0x38;
	[tilespmem:$0x1DDB0] =	vst v63  }
0x45: {  	_ =	swait.ge [sflag:s22], $0x1400  }
0x46: {  	[sflag:s22] =	ssyncset.done $0x0  }
0x47: {  	s29 =	rddreg [dreg:$0xc];
	[sflag:s22] =	ssyncadd.s32 $0xFFFFEC00  }
0x48: {  	[spmem:s29] =	stream.linear.scatter [tilespmem:s25], [sflag:$0x10], $0x1400, $0x38;
	[tilespmem:$0x1DDB0] =	vst v63  }
0x49: {  	_ =	swait.ge [sflag:s22], $0x1400  }
0x4a: {  	[sflag:s22] =	ssyncset.done $0x0  }
0x4b: {  	s4 =	rddreg [dreg:$0xd];
	[sflag:s22] =	ssyncadd.s32 $0xFFFFEC00  }
0x4c: {  	[spmem:s4] =	stream.linear.scatter [tilespmem:s25], [sflag:$0x10], $0x1400, $0x38;
	[tilespmem:$0x1DDB0] =	vst v63  }
0x4d: {  	_ =	swait.ge [sflag:s22], $0x1400  }
0x4e: {  	[sflag:s22] =	ssyncset.done $0x0  }
0x4f: {  	s6 =	rddreg [dreg:$0xe];
	[sflag:s22] =	ssyncadd.s32 $0xFFFFEC00  }
0x50: {  	[spmem:s6] =	stream.linear.scatter [tilespmem:s25], [sflag:$0x10], $0x1400, $0x38;
	[tilespmem:$0x1DDB0] =	vst v63  }
0x51: {  	_ =	swait.ge [sflag:s22], $0x1400  }
0x52: {  	[sflag:s22] =	ssyncset.done $0x0  }
0x53: {  	s10 =	rddreg [dreg:$0xf];
	[sflag:s22] =	ssyncadd.s32 $0xFFFFEC00  }
0x54: {  	[spmem:s10] =	stream.linear.scatter [tilespmem:s25], [sflag:$0x10], $0x1400, $0x38;
	[tilespmem:$0x1DDB0] =	vst v63  }
0x55: {  	_ =	swait.ge [sflag:s22], $0x1400  }
0x56: {  	[sflag:s22] =	ssyncset.done $0x0  }
0x57: {  	s15 =	rddreg [dreg:$0x10];
	[sflag:s22] =	ssyncadd.s32 $0xFFFFEC00  }
0x58: {  	[spmem:s15] =	stream.linear.scatter [tilespmem:s25], [sflag:$0x10], $0x1000, $0x38;
	[tilespmem:$0x1DDB0] =	vst v63  }
0x59: {  	_ =	swait.ge [sflag:s22], $0x1000  }
0x5a: {  	[sflag:s22] =	ssyncset.done $0x0  }
0x5b: {  	s0 =	simm.s32 @!p1 $0x7530;
	[sflag:s22] =	ssyncadd.s32 $0xFFFFF000  }
0x5c: {  	[spmem:s16] =	stream.linear.scatter @!p1 [tilespmem:s0], [sflag:$0x10], $0x400, $0x38;
	[tilespmem:$0x1DDB0] =	vst v63  }
0x5d: {  	s0 =	simm.s32 @!p1 $0x10  }
0x5e: {  	_ =	swait.ge @!p1 [sflag:s0], $0x400  }
0x5f: {  	[sflag:s0] =	ssyncset.done @!p1 $0x0  }
0x60: {  	[sflag:s0] =	ssyncadd.s32 @!p1 $0xFFFFFC00  }
0x61: {  	s15 =	simm.s32 $0x0;
	[bflag:$0x0] =	sbarrier.arrive $0xFFFF  }
0x62: {  	[tilespmem:s25], [sflag:$0x1] =	stream.indirect.gather [hbm4b:s5+s26], $0x40, s15, s26, $0xb8;
	[tilespmem:$0x1DDB0] =	vst v63  }
0x63: {  	s16 =	simm.s32 $0xD930  }
0x64: {  	[tilespmem:s16], [sflag:$0x6] =	stream.indirect.gather [spmem:s1], $0x40, s17, s26, $0xb8;
	[tilespmem:$0x1DDB0] =	vst v63  }
0x65: {  	s18 =	simm.s32 $0x8930  }
0x66: {  	[tilespmem:s18], [sflag:$0x2] =	stream.indirect.gather [hbm4b:s5+s26], $0x40, s26, s26, $0xb8;
	[tilespmem:$0x1DDB0] =	vst v63  }
0x67: {  	s19 =	simm.s32 $0x4E70;
	s4 =	simm.s32 $0xED30  }
0x68: {  	[tilespmem:s4], [sflag:$0x7] =	stream.indirect.gather [spmem:s1], $0x40, s19, s26, $0xb8;
	[tilespmem:$0x1DDB0] =	vst v63  }
0x69: {  	s20 =	simm.s32 $0xA0;
	s21 =	simm.s32 $0x9D30  }
0x6a: {  	[tilespmem:s21], [sflag:$0x3] =	stream.indirect.gather [hbm4b:s5+s26], $0x40, s20, s26, $0xb8;
	[tilespmem:$0x1DDB0] =	vst v63  }
0x6b: {  	s23 =	simm.s32 $0x4EC0;
	s29 =	simm.s32 $0x10130  }
0x6c: {  	[tilespmem:s29], [sflag:$0x8] =	stream.indirect.gather [spmem:s1], $0x40, s23, s26, $0xb8;
	[tilespmem:$0x1DDB0] =	vst v63  }
.LBB2_4:
0x6d: {  	s17 =	smul.u32 $0x5, s15;
	p2 =	seq.s32 s15, $0x0  }
0x6e: {  	s0 =	simm.s32 @!p2 $0xE  }
0x6f: {  	s16 =	sadd.s32 $0x3, s17;
	_ =	swait.ge @!p2 [sflag:s0], $0x1400  }
0x70: {  	[sflag:s0] =	ssyncset.done @!p2 $0x0;
	s4 =	smul.u32 $0x50, s16  }
0x71: {  	[sflag:s0] =	ssyncadd.s32 @!p2 $0xFFFFEC00  }
0x72: {  	[tilespmem:s31], [sflag:$0x4] =	stream.indirect.gather [hbm4b:s5+s26], $0x40, s4, s26, $0xb8;
	[tilespmem:$0x1DDB0] =	vst v63  }
0x73: {  	s23 =	simm.s32 $0x11530;
	s21 =	sadd.s32 $0x4E20, s4  }
0x74: {  	[tilespmem:s23], [sflag:$0x9] =	stream.indirect.gather [spmem:s1], $0x40, s21, s26, $0xb8;
	[tilespmem:$0x1DDB0] =	vst v63  }
0x75: {  	_ =	swait.ge [sflag:s28], $0x1400  }
0x76: {  	[sflag:s28] =	ssyncset.done $0x0  }
0x77: {  	[sflag:s28] =	ssyncadd.s32 $0xFFFFEC00  }
0x78: {  	_ =	swait.ge [sflag:s30], $0x1400  }
0x79: {  	[sflag:s30] =	ssyncset.done $0x0  }
0x7a: {  	s19 =	simm.s32 $0x7570;
	[sflag:s30] =	ssyncadd.s32 $0xFFFFEC00  }
0x7b: {  	s29 =	simm.s32 $0xD970;
	v1 =	vld [tilespmem:s19+$0x0]  }
0x7c: {  	v2 =	vld [tilespmem:s29+$0x0];
	_ =	sdelay $0x4  }
0x7d: {  	v1 =	vadd.f32 v2, v1  }
0x7e: {  	v3 =	vld [tilespmem:s19+$0xFFFFFFC0]  }
0x7f: {  	v2 =	vld [tilespmem:s29+$0xFFFFFFC0];
	v1 =	vmax.f32 v1, $0.0e+00  }
0x80: {  	[tilespmem:s19+$0x0] =	vst v1;
	v1 =	vld [tilespmem:s19+$0x10]  }
0x81: {  	v4 =	vld [tilespmem:s29+$0x10];
	_ =	sdelay $0x2  }
0x82: {  	s10 =	simm.s32 $0x75F0;
	v5 =	vld [tilespmem:s19+$0xFFFFFFD0]  }
0x83: {  	s18 =	simm.s32 $0xD9F0;
	v2 =	vadd.f32 v2, v3;
	v3 =	vld [tilespmem:s10+$0x0]  }
0x84: {  	v1 =	vadd.f32 v4, v1;
	v4 =	vld [tilespmem:s18+$0x0]  }
0x85: {  	v6 =	vld [tilespmem:s19+$0xFFFFFFE0];
	v2 =	vmax.f32 v2, $0.0e+00  }
0x86: {  	v7 =	vld [tilespmem:s19+$0x20];
	[tilespmem:s19+$0xFFFFFFC0] =	vst v2;
	v1 =	vmax.f32 v1, $0.0e+00  }
0x87: {  	v2 =	vld [tilespmem:s29+$0xFFFFFFD0];
	[tilespmem:s19+$0x10] =	vst v1  }
0x88: {  	v8 =	vld [tilespmem:s29+$0x20]  }
0x89: {  	v1 =	vadd.f32 v4, v3;
	v3 =	vld [tilespmem:s18+$0xFFFFFFC0]  }
0x8a: {  	v4 =	vld [tilespmem:s10+$0xFFFFFFC0]  }
0x8b: {  	s4 =	simm.s32 $0x7670;
	v11 =	vld [tilespmem:s19+$0x30]  }
0x8c: {  	v14 =	vld [tilespmem:s4+$0xFFFFFFC0];
	v2 =	vadd.f32 v2, v5  }
0x8d: {  	v5 =	vld [tilespmem:s10+$0x10];
	v9 =	vmax.f32 v1, $0.0e+00  }
0x8e: {  	v1 =	vld [tilespmem:s19+$0xFFFFFFF0];
	v2 =	vmax.f32 v2, $0.0e+00;
	[tilespmem:s10+$0x0] =	vst v9  }
0x8f: {  	[tilespmem:s19+$0xFFFFFFD0] =	vst v2;
	v7 =	vadd.f32 v8, v7;
	v8 =	vld [tilespmem:s18+$0x10];
	v2 =	vadd.f32 v3, v4  }
0x90: {  	v9 =	vld [tilespmem:s10+$0xFFFFFFD0]  }
0x91: {  	v10 =	vld [tilespmem:s29+$0xFFFFFFE0];
	v2 =	vmax.f32 v2, $0.0e+00  }
0x92: {  	v4 =	vld [tilespmem:s4+$0x0];
	v3 =	vmax.f32 v7, $0.0e+00;
	[tilespmem:s10+$0xFFFFFFC0] =	vst v2  }
0x93: {  	[tilespmem:s19+$0x20] =	vst v3;
	v3 =	vld [tilespmem:s18+$0xFFFFFFD0]  }
0x94: {  	v7 =	vld [tilespmem:s10+$0xFFFFFFE0];
	v2 =	vadd.f32 v8, v5  }
0x95: {  	s20 =	simm.s32 $0xDA70;
	v12 =	vld [tilespmem:s29+$0x30]  }
0x96: {  	v5 =	vld [tilespmem:s20+$0x0];
	v2 =	vmax.f32 v2, $0.0e+00  }
0x97: {  	v8 =	vld [tilespmem:s10+$0x20];
	[tilespmem:s10+$0x10] =	vst v2  }
0x98: {  	v13 =	vld [tilespmem:s18+$0x20];
	v3 =	vadd.f32 v3, v9  }
0x99: {  	v2 =	vld [tilespmem:s10+$0xFFFFFFF0]  }
0x9a: {  	v9 =	vld [tilespmem:s20+$0xFFFFFFC0];
	v3 =	vmax.f32 v3, $0.0e+00  }
0x9b: {  	v5 =	vadd.f32 v5, v4;
	v4 =	vld [tilespmem:s4+$0xFFFFFFD0];
	[tilespmem:s10+$0xFFFFFFD0] =	vst v3  }
0x9c: {  	v62 =	vld [tilespmem:s18+$0xFFFFFFE0]  }
0x9d: {  	v3 =	vmax.f32 v5, $0.0e+00;
	v5 =	vadd.f32 v10, v6;
	v10 =	vld [tilespmem:s4+$0x10];
	v8 =	vadd.f32 v13, v8  }
0x9e: {  	[tilespmem:s4+$0x0] =	vst v3;
	v3 =	vld [tilespmem:s4+$0xFFFFFFE0]  }
0x9f: {  	v63 =	vld [tilespmem:s20+$0x10];
	v6 =	vmax.f32 v8, $0.0e+00;
	v8 =	vadd.f32 v9, v14  }
0xa0: {  	v9 =	vadd.f32 v12, v11;
	[tilespmem:s10+$0x20] =	vst v6;
	v6 =	vmax.f32 v5, $0.0e+00;
	v5 =	vld [tilespmem:s10+$0x30]  }
0xa1: {  	[tilespmem:s19+$0xFFFFFFE0] =	vst v6;
	v6 =	vmax.f32 v8, $0.0e+00;
	v11 =	vadd.f32 v62, v7;
	v7 =	vld [tilespmem:s18+$0x30]  }
0xa2: {  	v9 =	vmax.f32 v9, $0.0e+00;
	[tilespmem:s4+$0xFFFFFFC0] =	vst v6;
	v8 =	vld [tilespmem:s29+$0xFFFFFFF0]  }
0xa3: {  	[tilespmem:s19+$0x30] =	vst v9;
	v9 =	vld [tilespmem:s20+$0xFFFFFFD0];
	v11 =	vmax.f32 v11, $0.0e+00  }
0xa4: {  	s6 =	simm.s32 $0x4;
	s0 =	simm.s32 $0xDA70;
	s21 =	simm.s32 $0x76F0;
	v6 =	vld [tilespmem:s4+$0xFFFFFFF0];
	v10 =	vadd.f32 v63, v10;
	[tilespmem:s10+$0xFFFFFFE0] =	vst v11  }
.LBB2_5:
0xa5: {  	v11 =	vld [tilespmem:s21+$0x0];
	s20 =	sadd.s32 $0x80, s20  }
0xa6: {  	s6 =	sadd.s32 $0x2, s6;
	v12 =	vld [tilespmem:s20+$0x0];
	v10 =	vmax.f32 v10, $0.0e+00;
	v5 =	vadd.f32 v7, v5  }
0xa7: {  	p3 =	slt.u32 s6, $0x4E;
	[tilespmem:s4+$0x10] =	vst v10;
	v7 =	vld [tilespmem:s4+$0x20];
	v8 =	vadd.f32 v8, v1;
	v1 =	vmov v2  }
0xa8: {  	v4 =	vadd.f32 v9, v4;
	v9 =	vld [tilespmem:s0+$0x20];
	v10 =	vmax.f32 v5, $0.0e+00  }
0xa9: {  	v5 =	vld [tilespmem:s20+$0xFFFFFFC0];
	[tilespmem:s10+$0x30] =	vst v10;
	v8 =	vmax.f32 v8, $0.0e+00;
	v2 =	vmov v6  }
0xaa: {  	v6 =	vld [tilespmem:s21+$0xFFFFFFC0];
	v10 =	vmax.f32 v4, $0.0e+00;
	[tilespmem:s19+$0xFFFFFFF0] =	vst v8;
	s19 =	smov.u32 s10;
	s10 =	smov.u32 s4;
	s4 =	smov.u32 s21  }
0xab: {  	v4 =	vld [tilespmem:s21+$0xFFFFFFD0];
	v8 =	vadd.f32 v12, v11;
	[tilespmem:s10+$0xFFFFFFD0] =	vst v10  }
0xac: {  	v10 =	vld [tilespmem:s0+$0xFFFFFFE0]  }
0xad: {  	v11 =	vld [tilespmem:s21+$0xFFFFFFE0];
	v8 =	vmax.f32 v8, $0.0e+00;
	v7 =	vadd.f32 v9, v7  }
0xae: {  	[tilespmem:s21+$0x0] =	vst v8;
	v12 =	vld [tilespmem:s21+$0x10]  }
0xaf: {  	v6 =	vadd.f32 v5, v6;
	v13 =	vld [tilespmem:s20+$0x10];
	v5 =	vmax.f32 v7, $0.0e+00  }
.Ltmp1:
0xb0: {  	[tilespmem:s10+$0x20] =	vst v5;
	v5 =	vld [tilespmem:s10+$0x30];
	(pc) =	sbr.rel @p3 .LBB2_5-.Ltmp1, $4  }
0xb1: {  	v6 =	vmax.f32 v6, $0.0e+00;
	v10 =	vadd.f32 v10, v3;
	v7 =	vld [tilespmem:s0+$0x30]  }
0xb2: {  	[tilespmem:s21+$0xFFFFFFC0] =	vst v6;
	v8 =	vld [tilespmem:s18+$0xFFFFFFF0];
	v3 =	vmov v11;
	s18 =	smov.u32 s0;
	s0 =	smov.u32 s20  }
0xb3: {  	v9 =	vld [tilespmem:s20+$0xFFFFFFD0];
	v11 =	vmax.f32 v10, $0.0e+00  }
0xb4: {  	s21 =	sadd.s32 $0x80, s21;
	v6 =	vld [tilespmem:s4+$0xFFFFFFF0];
	v10 =	vadd.f32 v13, v12;
	[tilespmem:s10+$0xFFFFFFE0] =	vst v11  }
0xb5: {  	_ =	sdelay $0x2  }
0xb6: {  	v10 =	vmax.f32 v10, $0.0e+00;
	v4 =	vadd.f32 v9, v4  }
0xb7: {  	[tilespmem:s4+$0x10] =	vst v10;
	v10 =	vld [tilespmem:s4+$0x20]  }
0xb8: {  	v9 =	vld [tilespmem:s0+$0x20];
	v4 =	vmax.f32 v4, $0.0e+00  }
0xb9: {  	[tilespmem:s4+$0xFFFFFFD0] =	vst v4  }
0xba: {  	v4 =	vld [tilespmem:s0+$0xFFFFFFE0];
	_ =	sdelay $0x2  }
0xbb: {  	v9 =	vadd.f32 v9, v10;
	_ =	sdelay $0x1  }
0xbc: {  	v9 =	vmax.f32 v9, $0.0e+00;
	v3 =	vadd.f32 v4, v3  }
0xbd: {  	[tilespmem:s4+$0x20] =	vst v9;
	v4 =	vld [tilespmem:s4+$0x30]  }
0xbe: {  	v9 =	vld [tilespmem:s0+$0x30];
	v3 =	vmax.f32 v3, $0.0e+00  }
0xbf: {  	v10 =	vld [tilespmem:s18+$0xFFFFFFF0];
	[tilespmem:s4+$0xFFFFFFE0] =	vst v3  }
0xc0: {  	v3 =	vld [tilespmem:s0+$0xFFFFFFF0]  }
0xc1: {  	v5 =	vadd.f32 v7, v5  }
0xc2: {  	v1 =	vadd.f32 v8, v1  }
0xc3: {  	v5 =	vmax.f32 v5, $0.0e+00;
	v4 =	vadd.f32 v9, v4  }
0xc4: {  	[tilespmem:s10+$0x30] =	vst v5;
	v1 =	vmax.f32 v1, $0.0e+00;
	v2 =	vadd.f32 v10, v2  }
0xc5: {  	s6 =	smul.u32 $0x640, s15;
	[tilespmem:s19+$0xFFFFFFF0] =	vst v1;
	v1 =	vmax.f32 v4, $0.0e+00;
	v3 =	vadd.f32 v3, v6  }
0xc6: {  	[tilespmem:s4+$0x30] =	vst v1;
	v1 =	vmax.f32 v2, $0.0e+00  }
0xc7: {  	s20 =	sshra.s32 s6, $0x2;
	[tilespmem:s10+$0xFFFFFFF0] =	vst v1;
	v1 =	vmax.f32 v3, $0.0e+00  }
0xc8: {  	s0 =	sadd.s32 $0x2710, s20;
	[tilespmem:s4+$0xFFFFFFF0] =	vst v1  }
0xc9: {  	[spmem:s2] =	stream.indirect.scatter.add.f32 [tilespmem:s25], [sflag:$0xB], $0x40, s0, s26, $0xb8;
	[tilespmem:$0x1DDB0] =	vst v63  }
0xca: {  	s0 =	simm.s32 @!p2 $0xF  }
0xcb: {  	s17 =	sadd.s32 $0x4, s17;
	_ =	swait.ge @!p2 [sflag:s0], $0x1400  }
0xcc: {  	s18 =	smul.u32 $0x50, s17;
	[sflag:s0] =	ssyncset.done @!p2 $0x0  }
0xcd: {  	[sflag:s0] =	ssyncadd.s32 @!p2 $0xFFFFEC00  }
0xce: {  	[tilespmem:s3], [sflag:$0x5] =	stream.indirect.gather [hbm4b:s5+s26], $0x40, s18, s26, $0xb8;
	[tilespmem:$0x1DDB0] =	vst v63  }
0xcf: {  	s21 =	simm.s32 $0x12930;
	s19 =	sadd.s32 $0x4E20, s18  }
0xd0: {  	[tilespmem:s21], [sflag:$0xA] =	stream.indirect.gather [spmem:s1], $0x40, s19, s26, $0xb8;
	[tilespmem:$0x1DDB0] =	vst v63  }
0xd1: {  	_ =	swait.ge [sflag:s7], $0x1400  }
0xd2: {  	[sflag:s7] =	ssyncset.done $0x0  }
0xd3: {  	[sflag:s7] =	ssyncadd.s32 $0xFFFFEC00  }
0xd4: {  	_ =	swait.ge [sflag:s8], $0x1400  }
0xd5: {  	[sflag:s8] =	ssyncset.done $0x0  }
0xd6: {  	s19 =	simm.s32 $0x89A0;
	[sflag:s8] =	ssyncadd.s32 $0xFFFFEC00  }
0xd7: {  	s23 =	simm.s32 $0xEDA0;
	v1 =	vld [tilespmem:s19+$0xFFFFFFD0]  }
0xd8: {  	v2 =	vld [tilespmem:s23+$0xFFFFFFD0];
	_ =	sdelay $0x4  }
0xd9: {  	v1 =	vadd.f32 v2, v1  }
0xda: {  	v3 =	vld [tilespmem:s19+$0xFFFFFF90]  }
0xdb: {  	v2 =	vld [tilespmem:s23+$0xFFFFFF90];
	v1 =	vmax.f32 v1, $0.0e+00  }
0xdc: {  	[tilespmem:s19+$0xFFFFFFD0] =	vst v1;
	v1 =	vld [tilespmem:s19+$0xFFFFFFE0]  }
0xdd: {  	v4 =	vld [tilespmem:s23+$0xFFFFFFE0];
	_ =	sdelay $0x2  }
0xde: {  	s10 =	simm.s32 $0x8A20;
	v5 =	vld [tilespmem:s19+$0xFFFFFFA0]  }
0xdf: {  	s18 =	simm.s32 $0xEE20;
	v2 =	vadd.f32 v2, v3;
	v3 =	vld [tilespmem:s10+$0xFFFFFFD0]  }
0xe0: {  	v1 =	vadd.f32 v4, v1;
	v4 =	vld [tilespmem:s18+$0xFFFFFFD0]  }
0xe1: {  	v6 =	vld [tilespmem:s19+$0xFFFFFFB0];
	v2 =	vmax.f32 v2, $0.0e+00  }
0xe2: {  	v7 =	vld [tilespmem:s19+$0xFFFFFFF0];
	[tilespmem:s19+$0xFFFFFF90] =	vst v2;
	v1 =	vmax.f32 v1, $0.0e+00  }
0xe3: {  	v2 =	vld [tilespmem:s23+$0xFFFFFFA0];
	[tilespmem:s19+$0xFFFFFFE0] =	vst v1  }
0xe4: {  	v8 =	vld [tilespmem:s23+$0xFFFFFFF0]  }
0xe5: {  	v1 =	vadd.f32 v4, v3;
	v3 =	vld [tilespmem:s18+$0xFFFFFF90]  }
0xe6: {  	v4 =	vld [tilespmem:s10+$0xFFFFFF90]  }
0xe7: {  	s4 =	simm.s32 $0x8AA0;
	v11 =	vld [tilespmem:s19+$0x0]  }
0xe8: {  	v14 =	vld [tilespmem:s4+$0xFFFFFF90];
	v2 =	vadd.f32 v2, v5  }
0xe9: {  	v5 =	vld [tilespmem:s10+$0xFFFFFFE0];
	v9 =	vmax.f32 v1, $0.0e+00  }
0xea: {  	v1 =	vld [tilespmem:s19+$0xFFFFFFC0];
	v2 =	vmax.f32 v2, $0.0e+00;
	[tilespmem:s10+$0xFFFFFFD0] =	vst v9  }
0xeb: {  	[tilespmem:s19+$0xFFFFFFA0] =	vst v2;
	v7 =	vadd.f32 v8, v7;
	v8 =	vld [tilespmem:s18+$0xFFFFFFE0];
	v2 =	vadd.f32 v3, v4  }
0xec: {  	v9 =	vld [tilespmem:s10+$0xFFFFFFA0]  }
0xed: {  	v10 =	vld [tilespmem:s23+$0xFFFFFFB0];
	v2 =	vmax.f32 v2, $0.0e+00  }
0xee: {  	v4 =	vld [tilespmem:s4+$0xFFFFFFD0];
	v3 =	vmax.f32 v7, $0.0e+00;
	[tilespmem:s10+$0xFFFFFF90] =	vst v2  }
0xef: {  	[tilespmem:s19+$0xFFFFFFF0] =	vst v3;
	v3 =	vld [tilespmem:s18+$0xFFFFFFA0]  }
0xf0: {  	v7 =	vld [tilespmem:s10+$0xFFFFFFB0];
	v2 =	vadd.f32 v8, v5  }
0xf1: {  	s21 =	simm.s32 $0xEEA0;
	v12 =	vld [tilespmem:s23+$0x0]  }
0xf2: {  	v5 =	vld [tilespmem:s21+$0xFFFFFFD0];
	v2 =	vmax.f32 v2, $0.0e+00  }
0xf3: {  	v8 =	vld [tilespmem:s10+$0xFFFFFFF0];
	[tilespmem:s10+$0xFFFFFFE0] =	vst v2  }
0xf4: {  	v13 =	vld [tilespmem:s18+$0xFFFFFFF0];
	v3 =	vadd.f32 v3, v9  }
0xf5: {  	v2 =	vld [tilespmem:s10+$0xFFFFFFC0]  }
0xf6: {  	v9 =	vld [tilespmem:s21+$0xFFFFFF90];
	v3 =	vmax.f32 v3, $0.0e+00  }
0xf7: {  	v5 =	vadd.f32 v5, v4;
	v4 =	vld [tilespmem:s4+$0xFFFFFFA0];
	[tilespmem:s10+$0xFFFFFFA0] =	vst v3  }
0xf8: {  	v62 =	vld [tilespmem:s18+$0xFFFFFFB0]  }
0xf9: {  	v3 =	vmax.f32 v5, $0.0e+00;
	v5 =	vadd.f32 v10, v6;
	v10 =	vld [tilespmem:s4+$0xFFFFFFE0];
	v8 =	vadd.f32 v13, v8  }
0xfa: {  	[tilespmem:s4+$0xFFFFFFD0] =	vst v3;
	v3 =	vld [tilespmem:s4+$0xFFFFFFB0]  }
0xfb: {  	v63 =	vld [tilespmem:s21+$0xFFFFFFE0];
	v6 =	vmax.f32 v8, $0.0e+00;
	v8 =	vadd.f32 v9, v14  }
0xfc: {  	v9 =	vadd.f32 v12, v11;
	[tilespmem:s10+$0xFFFFFFF0] =	vst v6;
	v6 =	vmax.f32 v5, $0.0e+00;
	v5 =	vld [tilespmem:s10+$0x0]  }
0xfd: {  	[tilespmem:s19+$0xFFFFFFB0] =	vst v6;
	v6 =	vmax.f32 v8, $0.0e+00;
	v11 =	vadd.f32 v62, v7;
	v7 =	vld [tilespmem:s18+$0x0]  }
0xfe: {  	v9 =	vmax.f32 v9, $0.0e+00;
	[tilespmem:s4+$0xFFFFFF90] =	vst v6;
	v8 =	vld [tilespmem:s23+$0xFFFFFFC0]  }
0xff: {  	[tilespmem:s19+$0x0] =	vst v9;
	v9 =	vld [tilespmem:s21+$0xFFFFFFA0];
	v11 =	vmax.f32 v11, $0.0e+00  }
0x100: {  	s29 =	simm.s32 $0x8B20;
	s6 =	simm.s32 $0x4;
	s0 =	simm.s32 $0xEEA0;
	v6 =	vld [tilespmem:s4+$0xFFFFFFC0];
	v10 =	vadd.f32 v63, v10;
	[tilespmem:s10+$0xFFFFFFB0] =	vst v11  }
.LBB2_7:
0x101: {  	v11 =	vld [tilespmem:s29+$0xFFFFFFD0];
	s21 =	sadd.s32 $0x80, s21  }
0x102: {  	s6 =	sadd.s32 $0x2, s6;
	v12 =	vld [tilespmem:s21+$0xFFFFFFD0];
	v10 =	vmax.f32 v10, $0.0e+00;
	v5 =	vadd.f32 v7, v5  }
0x103: {  	p2 =	slt.u32 s6, $0x4E;
	[tilespmem:s4+$0xFFFFFFE0] =	vst v10;
	v7 =	vld [tilespmem:s4+$0xFFFFFFF0];
	v8 =	vadd.f32 v8, v1;
	v1 =	vmov v2  }
0x104: {  	v4 =	vadd.f32 v9, v4;
	v9 =	vld [tilespmem:s0+$0xFFFFFFF0];
	v10 =	vmax.f32 v5, $0.0e+00  }
0x105: {  	v5 =	vld [tilespmem:s21+$0xFFFFFF90];
	[tilespmem:s10+$0x0] =	vst v10;
	v8 =	vmax.f32 v8, $0.0e+00;
	v2 =	vmov v6  }
0x106: {  	v6 =	vld [tilespmem:s29+$0xFFFFFF90];
	v10 =	vmax.f32 v4, $0.0e+00;
	[tilespmem:s19+$0xFFFFFFC0] =	vst v8;
	s19 =	smov.u32 s10;
	s10 =	smov.u32 s4;
	s4 =	smov.u32 s29  }
0x107: {  	v4 =	vld [tilespmem:s29+$0xFFFFFFA0];
	v8 =	vadd.f32 v12, v11;
	[tilespmem:s10+$0xFFFFFFA0] =	vst v10  }
0x108: {  	v10 =	vld [tilespmem:s0+$0xFFFFFFB0]  }
0x109: {  	v11 =	vld [tilespmem:s29+$0xFFFFFFB0];
	v8 =	vmax.f32 v8, $0.0e+00;
	v7 =	vadd.f32 v9, v7  }
0x10a: {  	[tilespmem:s29+$0xFFFFFFD0] =	vst v8;
	v12 =	vld [tilespmem:s29+$0xFFFFFFE0]  }
0x10b: {  	v6 =	vadd.f32 v5, v6;
	v13 =	vld [tilespmem:s21+$0xFFFFFFE0];
	v5 =	vmax.f32 v7, $0.0e+00  }
.Ltmp2:
0x10c: {  	[tilespmem:s10+$0xFFFFFFF0] =	vst v5;
	v5 =	vld [tilespmem:s10+$0x0];
	(pc) =	sbr.rel @p2 .LBB2_7-.Ltmp2, $4  }
0x10d: {  	v6 =	vmax.f32 v6, $0.0e+00;
	v10 =	vadd.f32 v10, v3;
	v7 =	vld [tilespmem:s0+$0x0]  }
0x10e: {  	[tilespmem:s29+$0xFFFFFF90] =	vst v6;
	v8 =	vld [tilespmem:s18+$0xFFFFFFC0];
	v3 =	vmov v11;
	s18 =	smov.u32 s0;
	s0 =	smov.u32 s21  }
0x10f: {  	v9 =	vld [tilespmem:s21+$0xFFFFFFA0];
	v11 =	vmax.f32 v10, $0.0e+00  }
0x110: {  	s29 =	sadd.s32 $0x80, s29;
	v6 =	vld [tilespmem:s4+$0xFFFFFFC0];
	v10 =	vadd.f32 v13, v12;
	[tilespmem:s10+$0xFFFFFFB0] =	vst v11  }
0x111: {  	_ =	sdelay $0x2  }
0x112: {  	v10 =	vmax.f32 v10, $0.0e+00;
	v4 =	vadd.f32 v9, v4  }
0x113: {  	[tilespmem:s4+$0xFFFFFFE0] =	vst v10;
	v10 =	vld [tilespmem:s4+$0xFFFFFFF0]  }
0x114: {  	v9 =	vld [tilespmem:s0+$0xFFFFFFF0];
	v4 =	vmax.f32 v4, $0.0e+00  }
0x115: {  	[tilespmem:s4+$0xFFFFFFA0] =	vst v4  }
0x116: {  	v4 =	vld [tilespmem:s0+$0xFFFFFFB0];
	_ =	sdelay $0x2  }
0x117: {  	v9 =	vadd.f32 v9, v10;
	_ =	sdelay $0x1  }
0x118: {  	v9 =	vmax.f32 v9, $0.0e+00;
	v3 =	vadd.f32 v4, v3  }
0x119: {  	[tilespmem:s4+$0xFFFFFFF0] =	vst v9;
	v4 =	vld [tilespmem:s4+$0x0]  }
0x11a: {  	v9 =	vld [tilespmem:s0+$0x0];
	v3 =	vmax.f32 v3, $0.0e+00  }
0x11b: {  	v10 =	vld [tilespmem:s18+$0xFFFFFFC0];
	[tilespmem:s4+$0xFFFFFFB0] =	vst v3  }
0x11c: {  	v3 =	vld [tilespmem:s0+$0xFFFFFFC0]  }
0x11d: {  	v5 =	vadd.f32 v7, v5  }
0x11e: {  	v1 =	vadd.f32 v8, v1  }
0x11f: {  	v5 =	vmax.f32 v5, $0.0e+00;
	v4 =	vadd.f32 v9, v4  }
0x120: {  	[tilespmem:s10+$0x0] =	vst v5;
	v1 =	vmax.f32 v1, $0.0e+00;
	v2 =	vadd.f32 v10, v2  }
0x121: {  	[tilespmem:s19+$0xFFFFFFC0] =	vst v1;
	v1 =	vmax.f32 v4, $0.0e+00;
	v3 =	vadd.f32 v3, v6  }
0x122: {  	[tilespmem:s4+$0x0] =	vst v1;
	v1 =	vmax.f32 v2, $0.0e+00  }
0x123: {  	p2 =	seq.s32 s15, $0x18;
	[tilespmem:s10+$0xFFFFFFC0] =	vst v1;
	v1 =	vmax.f32 v3, $0.0e+00  }
0x124: {  	s21 =	simm.s32 $0x8930;
	s19 =	sadd.s32 $0x2760, s20;
	s0 =	simm.s32 @!p2 $0xB;
	[tilespmem:s4+$0xFFFFFFC0] =	vst v1  }
0x125: {  	[spmem:s2] =	stream.indirect.scatter.add.f32 [tilespmem:s21], [sflag:$0xC], $0x40, s19, s26, $0xb8;
	[tilespmem:$0x1DDB0] =	vst v63  }
0x126: {  	s19 =	smul.u32 @!p2 $0x190, s15;
	_ =	swait.ge @!p2 [sflag:s0], $0x1400  }
0x127: {  	s6 =	simm.s32 @!p2 $0x7530;
	[sflag:s0] =	ssyncset.done @!p2 $0x0  }
0x128: {  	s4 =	simm.s32 @!p2 $0x50;
	[sflag:s0] =	ssyncadd.s32 @!p2 $0xFFFFEC00;
	s0 =	sadd.s32 @!p2 $0x190, s19  }
0x129: {  	[tilespmem:s6], [sflag:$0x1] =	stream.indirect.gather @!p2 [hbm4b:s5+s4], $0x40, s0, s4, $0xb8;
	[tilespmem:$0x1DDB0] =	vst v63  }
0x12a: {  	s0 =	sadd.s32 @!p2 $0x4FB0, s19;
	s6 =	simm.s32 @!p2 $0xD930  }
0x12b: {  	[tilespmem:s6], [sflag:$0x6] =	stream.indirect.gather @!p2 [spmem:s1], $0x40, s0, s4, $0xb8;
	[tilespmem:$0x1DDB0] =	vst v63  }
0x12c: {  	_ =	swait.ge [sflag:s9], $0x1400  }
0x12d: {  	[sflag:s9] =	ssyncset.done $0x0  }
0x12e: {  	[sflag:s9] =	ssyncadd.s32 $0xFFFFEC00  }
0x12f: {  	_ =	swait.ge [sflag:s11], $0x1400  }
0x130: {  	[sflag:s11] =	ssyncset.done $0x0  }
0x131: {  	s10 =	simm.s32 $0x9DA0;
	[sflag:s11] =	ssyncadd.s32 $0xFFFFEC00  }
0x132: {  	s23 =	simm.s32 $0x101A0;
	v1 =	vld [tilespmem:s10+$0xFFFFFFD0]  }
0x133: {  	v2 =	vld [tilespmem:s23+$0xFFFFFFD0];
	_ =	sdelay $0x4  }
0x134: {  	v1 =	vadd.f32 v2, v1  }
0x135: {  	v3 =	vld [tilespmem:s10+$0xFFFFFF90]  }
0x136: {  	v2 =	vld [tilespmem:s23+$0xFFFFFF90];
	v1 =	vmax.f32 v1, $0.0e+00  }
0x137: {  	[tilespmem:s10+$0xFFFFFFD0] =	vst v1;
	v1 =	vld [tilespmem:s10+$0xFFFFFFE0]  }
0x138: {  	v4 =	vld [tilespmem:s23+$0xFFFFFFE0];
	_ =	sdelay $0x2  }
0x139: {  	s18 =	simm.s32 $0x9E20;
	v5 =	vld [tilespmem:s10+$0xFFFFFFA0]  }
0x13a: {  	s4 =	simm.s32 $0x10220;
	v2 =	vadd.f32 v2, v3;
	v3 =	vld [tilespmem:s18+$0xFFFFFFD0]  }
0x13b: {  	v1 =	vadd.f32 v4, v1;
	v4 =	vld [tilespmem:s4+$0xFFFFFFD0]  }
0x13c: {  	v6 =	vld [tilespmem:s10+$0xFFFFFFB0];
	v2 =	vmax.f32 v2, $0.0e+00  }
0x13d: {  	v7 =	vld [tilespmem:s10+$0xFFFFFFF0];
	[tilespmem:s10+$0xFFFFFF90] =	vst v2;
	v1 =	vmax.f32 v1, $0.0e+00  }
0x13e: {  	v2 =	vld [tilespmem:s23+$0xFFFFFFA0];
	[tilespmem:s10+$0xFFFFFFE0] =	vst v1  }
0x13f: {  	v8 =	vld [tilespmem:s23+$0xFFFFFFF0]  }
0x140: {  	v1 =	vadd.f32 v4, v3;
	v3 =	vld [tilespmem:s4+$0xFFFFFF90]  }
0x141: {  	v4 =	vld [tilespmem:s18+$0xFFFFFF90]  }
0x142: {  	s21 =	simm.s32 $0x9EA0;
	v11 =	vld [tilespmem:s10+$0x0]  }
0x143: {  	v14 =	vld [tilespmem:s21+$0xFFFFFF90];
	v2 =	vadd.f32 v2, v5  }
0x144: {  	v5 =	vld [tilespmem:s18+$0xFFFFFFE0];
	v9 =	vmax.f32 v1, $0.0e+00  }
0x145: {  	v1 =	vld [tilespmem:s10+$0xFFFFFFC0];
	v2 =	vmax.f32 v2, $0.0e+00;
	[tilespmem:s18+$0xFFFFFFD0] =	vst v9  }
0x146: {  	[tilespmem:s10+$0xFFFFFFA0] =	vst v2;
	v7 =	vadd.f32 v8, v7;
	v8 =	vld [tilespmem:s4+$0xFFFFFFE0];
	v2 =	vadd.f32 v3, v4  }
0x147: {  	v9 =	vld [tilespmem:s18+$0xFFFFFFA0]  }
0x148: {  	v10 =	vld [tilespmem:s23+$0xFFFFFFB0];
	v2 =	vmax.f32 v2, $0.0e+00  }
0x149: {  	v4 =	vld [tilespmem:s21+$0xFFFFFFD0];
	v3 =	vmax.f32 v7, $0.0e+00;
	[tilespmem:s18+$0xFFFFFF90] =	vst v2  }
0x14a: {  	[tilespmem:s10+$0xFFFFFFF0] =	vst v3;
	v3 =	vld [tilespmem:s4+$0xFFFFFFA0]  }
0x14b: {  	v7 =	vld [tilespmem:s18+$0xFFFFFFB0];
	v2 =	vadd.f32 v8, v5  }
0x14c: {  	s0 =	simm.s32 $0x102A0;
	v12 =	vld [tilespmem:s23+$0x0]  }
0x14d: {  	v5 =	vld [tilespmem:s0+$0xFFFFFFD0];
	v2 =	vmax.f32 v2, $0.0e+00  }
0x14e: {  	v8 =	vld [tilespmem:s18+$0xFFFFFFF0];
	[tilespmem:s18+$0xFFFFFFE0] =	vst v2  }
0x14f: {  	v13 =	vld [tilespmem:s4+$0xFFFFFFF0];
	v3 =	vadd.f32 v3, v9  }
0x150: {  	v2 =	vld [tilespmem:s18+$0xFFFFFFC0]  }
0x151: {  	v9 =	vld [tilespmem:s0+$0xFFFFFF90];
	v3 =	vmax.f32 v3, $0.0e+00  }
0x152: {  	v5 =	vadd.f32 v5, v4;
	v4 =	vld [tilespmem:s21+$0xFFFFFFA0];
	[tilespmem:s18+$0xFFFFFFA0] =	vst v3  }
0x153: {  	v62 =	vld [tilespmem:s4+$0xFFFFFFB0]  }
0x154: {  	v3 =	vmax.f32 v5, $0.0e+00;
	v5 =	vadd.f32 v10, v6;
	v10 =	vld [tilespmem:s21+$0xFFFFFFE0];
	v8 =	vadd.f32 v13, v8  }
0x155: {  	[tilespmem:s21+$0xFFFFFFD0] =	vst v3;
	v3 =	vld [tilespmem:s21+$0xFFFFFFB0]  }
0x156: {  	v63 =	vld [tilespmem:s0+$0xFFFFFFE0];
	v6 =	vmax.f32 v8, $0.0e+00;
	v8 =	vadd.f32 v9, v14  }
0x157: {  	v9 =	vadd.f32 v12, v11;
	[tilespmem:s18+$0xFFFFFFF0] =	vst v6;
	v6 =	vmax.f32 v5, $0.0e+00;
	v5 =	vld [tilespmem:s18+$0x0]  }
0x158: {  	[tilespmem:s10+$0xFFFFFFB0] =	vst v6;
	v6 =	vmax.f32 v8, $0.0e+00;
	v11 =	vadd.f32 v62, v7;
	v7 =	vld [tilespmem:s4+$0x0]  }
0x159: {  	v9 =	vmax.f32 v9, $0.0e+00;
	[tilespmem:s21+$0xFFFFFF90] =	vst v6;
	v8 =	vld [tilespmem:s23+$0xFFFFFFC0]  }
0x15a: {  	[tilespmem:s10+$0x0] =	vst v9;
	v9 =	vld [tilespmem:s0+$0xFFFFFFA0];
	v11 =	vmax.f32 v11, $0.0e+00  }
0x15b: {  	s29 =	simm.s32 $0x4;
	s6 =	simm.s32 $0x102A0;
	v6 =	vld [tilespmem:s21+$0xFFFFFFC0];
	s23 =	simm.s32 $0x9F20;
	v10 =	vadd.f32 v63, v10;
	[tilespmem:s18+$0xFFFFFFB0] =	vst v11  }
.LBB2_9:
0x15c: {  	v11 =	vld [tilespmem:s23+$0xFFFFFFD0];
	s0 =	sadd.s32 $0x80, s0  }
0x15d: {  	s29 =	sadd.s32 $0x2, s29;
	v12 =	vld [tilespmem:s0+$0xFFFFFFD0];
	v10 =	vmax.f32 v10, $0.0e+00;
	v5 =	vadd.f32 v7, v5  }
0x15e: {  	p3 =	slt.u32 s29, $0x4E;
	[tilespmem:s21+$0xFFFFFFE0] =	vst v10;
	v7 =	vld [tilespmem:s21+$0xFFFFFFF0];
	v8 =	vadd.f32 v8, v1;
	v1 =	vmov v2  }
0x15f: {  	v4 =	vadd.f32 v9, v4;
	v9 =	vld [tilespmem:s6+$0xFFFFFFF0];
	v10 =	vmax.f32 v5, $0.0e+00  }
0x160: {  	v5 =	vld [tilespmem:s0+$0xFFFFFF90];
	[tilespmem:s18+$0x0] =	vst v10;
	v8 =	vmax.f32 v8, $0.0e+00;
	v2 =	vmov v6  }
0x161: {  	v6 =	vld [tilespmem:s23+$0xFFFFFF90];
	v10 =	vmax.f32 v4, $0.0e+00;
	[tilespmem:s10+$0xFFFFFFC0] =	vst v8;
	s10 =	smov.u32 s18;
	s18 =	smov.u32 s21;
	s21 =	smov.u32 s23  }
0x162: {  	v4 =	vld [tilespmem:s23+$0xFFFFFFA0];
	v8 =	vadd.f32 v12, v11;
	[tilespmem:s18+$0xFFFFFFA0] =	vst v10  }
0x163: {  	v10 =	vld [tilespmem:s6+$0xFFFFFFB0]  }
0x164: {  	v11 =	vld [tilespmem:s23+$0xFFFFFFB0];
	v8 =	vmax.f32 v8, $0.0e+00;
	v7 =	vadd.f32 v9, v7  }
0x165: {  	[tilespmem:s23+$0xFFFFFFD0] =	vst v8;
	v12 =	vld [tilespmem:s23+$0xFFFFFFE0]  }
0x166: {  	v6 =	vadd.f32 v5, v6;
	v13 =	vld [tilespmem:s0+$0xFFFFFFE0];
	v5 =	vmax.f32 v7, $0.0e+00  }
.Ltmp3:
0x167: {  	[tilespmem:s18+$0xFFFFFFF0] =	vst v5;
	v5 =	vld [tilespmem:s18+$0x0];
	(pc) =	sbr.rel @p3 .LBB2_9-.Ltmp3, $4  }
0x168: {  	v6 =	vmax.f32 v6, $0.0e+00;
	v10 =	vadd.f32 v10, v3;
	v7 =	vld [tilespmem:s6+$0x0]  }
0x169: {  	[tilespmem:s23+$0xFFFFFF90] =	vst v6;
	v8 =	vld [tilespmem:s4+$0xFFFFFFC0];
	v3 =	vmov v11;
	s4 =	smov.u32 s6;
	s6 =	smov.u32 s0  }
0x16a: {  	v9 =	vld [tilespmem:s0+$0xFFFFFFA0];
	v11 =	vmax.f32 v10, $0.0e+00  }
0x16b: {  	s23 =	sadd.s32 $0x80, s23;
	v6 =	vld [tilespmem:s21+$0xFFFFFFC0];
	v10 =	vadd.f32 v13, v12;
	[tilespmem:s18+$0xFFFFFFB0] =	vst v11  }
0x16c: {  	_ =	sdelay $0x2  }
0x16d: {  	v10 =	vmax.f32 v10, $0.0e+00;
	v4 =	vadd.f32 v9, v4  }
0x16e: {  	[tilespmem:s21+$0xFFFFFFE0] =	vst v10;
	v10 =	vld [tilespmem:s21+$0xFFFFFFF0]  }
0x16f: {  	v9 =	vld [tilespmem:s6+$0xFFFFFFF0];
	v4 =	vmax.f32 v4, $0.0e+00  }
0x170: {  	[tilespmem:s21+$0xFFFFFFA0] =	vst v4  }
0x171: {  	v4 =	vld [tilespmem:s6+$0xFFFFFFB0];
	_ =	sdelay $0x2  }
0x172: {  	v9 =	vadd.f32 v9, v10;
	_ =	sdelay $0x1  }
0x173: {  	v9 =	vmax.f32 v9, $0.0e+00;
	v3 =	vadd.f32 v4, v3  }
0x174: {  	[tilespmem:s21+$0xFFFFFFF0] =	vst v9;
	v4 =	vld [tilespmem:s21+$0x0]  }
0x175: {  	v9 =	vld [tilespmem:s6+$0x0];
	v3 =	vmax.f32 v3, $0.0e+00  }
0x176: {  	v10 =	vld [tilespmem:s4+$0xFFFFFFC0];
	[tilespmem:s21+$0xFFFFFFB0] =	vst v3  }
0x177: {  	v3 =	vld [tilespmem:s6+$0xFFFFFFC0]  }
0x178: {  	v5 =	vadd.f32 v7, v5  }
0x179: {  	v1 =	vadd.f32 v8, v1  }
0x17a: {  	v5 =	vmax.f32 v5, $0.0e+00;
	v4 =	vadd.f32 v9, v4  }
0x17b: {  	[tilespmem:s18+$0x0] =	vst v5;
	v1 =	vmax.f32 v1, $0.0e+00;
	v2 =	vadd.f32 v10, v2  }
0x17c: {  	[tilespmem:s10+$0xFFFFFFC0] =	vst v1;
	v1 =	vmax.f32 v4, $0.0e+00;
	v3 =	vadd.f32 v3, v6  }
0x17d: {  	[tilespmem:s21+$0x0] =	vst v1;
	v1 =	vmax.f32 v2, $0.0e+00  }
0x17e: {  	[tilespmem:s18+$0xFFFFFFC0] =	vst v1;
	v1 =	vmax.f32 v3, $0.0e+00  }
0x17f: {  	s0 =	sadd.s32 $0x27B0, s20;
	s23 =	simm.s32 $0x9D30;
	[tilespmem:s21+$0xFFFFFFC0] =	vst v1  }
0x180: {  	[spmem:s2] =	stream.indirect.scatter.add.f32 [tilespmem:s23], [sflag:$0xD], $0x40, s0, s26, $0xb8;
	[tilespmem:$0x1DDB0] =	vst v63  }
0x181: {  	s0 =	simm.s32 @!p2 $0xC  }
0x182: {  	_ =	swait.ge @!p2 [sflag:s0], $0x1400  }
0x183: {  	s4 =	simm.s32 @!p2 $0x50;
	[sflag:s0] =	ssyncset.done @!p2 $0x0  }
0x184: {  	s6 =	simm.s32 @!p2 $0x8930;
	[sflag:s0] =	ssyncadd.s32 @!p2 $0xFFFFEC00;
	s0 =	sadd.s32 @!p2 $0x1E0, s19  }
0x185: {  	[tilespmem:s6], [sflag:$0x2] =	stream.indirect.gather @!p2 [hbm4b:s5+s4], $0x40, s0, s4, $0xb8;
	[tilespmem:$0x1DDB0] =	vst v63  }
0x186: {  	s0 =	sadd.s32 @!p2 $0x5000, s19;
	s6 =	simm.s32 @!p2 $0xED30  }
0x187: {  	[tilespmem:s6], [sflag:$0x7] =	stream.indirect.gather @!p2 [spmem:s1], $0x40, s0, s4, $0xb8;
	[tilespmem:$0x1DDB0] =	vst v63  }
0x188: {  	_ =	swait.ge [sflag:s24], $0x1400  }
0x189: {  	[sflag:s24] =	ssyncset.done $0x0  }
0x18a: {  	[sflag:s24] =	ssyncadd.s32 $0xFFFFEC00  }
0x18b: {  	_ =	swait.ge [sflag:s12], $0x1400  }
0x18c: {  	[sflag:s12] =	ssyncset.done $0x0  }
0x18d: {  	s10 =	simm.s32 $0xB1A0;
	[sflag:s12] =	ssyncadd.s32 $0xFFFFEC00  }
0x18e: {  	s29 =	simm.s32 $0x115A0;
	v1 =	vld [tilespmem:s10+$0xFFFFFFD0]  }
0x18f: {  	v2 =	vld [tilespmem:s29+$0xFFFFFFD0];
	_ =	sdelay $0x4  }
0x190: {  	v1 =	vadd.f32 v2, v1  }
0x191: {  	v3 =	vld [tilespmem:s10+$0xFFFFFF90]  }
0x192: {  	v2 =	vld [tilespmem:s29+$0xFFFFFF90];
	v1 =	vmax.f32 v1, $0.0e+00  }
0x193: {  	[tilespmem:s10+$0xFFFFFFD0] =	vst v1;
	v1 =	vld [tilespmem:s10+$0xFFFFFFE0]  }
0x194: {  	v4 =	vld [tilespmem:s29+$0xFFFFFFE0];
	_ =	sdelay $0x2  }
0x195: {  	s20 =	simm.s32 $0xB220;
	v5 =	vld [tilespmem:s10+$0xFFFFFFA0]  }
0x196: {  	s4 =	simm.s32 $0x11620;
	v2 =	vadd.f32 v2, v3;
	v3 =	vld [tilespmem:s20+$0xFFFFFFD0]  }
0x197: {  	v1 =	vadd.f32 v4, v1;
	v4 =	vld [tilespmem:s4+$0xFFFFFFD0]  }
0x198: {  	v6 =	vld [tilespmem:s10+$0xFFFFFFB0];
	v2 =	vmax.f32 v2, $0.0e+00  }
0x199: {  	v7 =	vld [tilespmem:s10+$0xFFFFFFF0];
	[tilespmem:s10+$0xFFFFFF90] =	vst v2;
	v1 =	vmax.f32 v1, $0.0e+00  }
0x19a: {  	v2 =	vld [tilespmem:s29+$0xFFFFFFA0];
	[tilespmem:s10+$0xFFFFFFE0] =	vst v1  }
0x19b: {  	v8 =	vld [tilespmem:s29+$0xFFFFFFF0]  }
0x19c: {  	v1 =	vadd.f32 v4, v3;
	v3 =	vld [tilespmem:s4+$0xFFFFFF90]  }
0x19d: {  	v4 =	vld [tilespmem:s20+$0xFFFFFF90]  }
0x19e: {  	s18 =	simm.s32 $0xB2A0;
	v11 =	vld [tilespmem:s10+$0x0]  }
0x19f: {  	v14 =	vld [tilespmem:s18+$0xFFFFFF90];
	v2 =	vadd.f32 v2, v5  }
0x1a0: {  	v5 =	vld [tilespmem:s20+$0xFFFFFFE0];
	v9 =	vmax.f32 v1, $0.0e+00  }
0x1a1: {  	v1 =	vld [tilespmem:s10+$0xFFFFFFC0];
	v2 =	vmax.f32 v2, $0.0e+00;
	[tilespmem:s20+$0xFFFFFFD0] =	vst v9  }
0x1a2: {  	[tilespmem:s10+$0xFFFFFFA0] =	vst v2;
	v7 =	vadd.f32 v8, v7;
	v8 =	vld [tilespmem:s4+$0xFFFFFFE0];
	v2 =	vadd.f32 v3, v4  }
0x1a3: {  	v9 =	vld [tilespmem:s20+$0xFFFFFFA0]  }
0x1a4: {  	v10 =	vld [tilespmem:s29+$0xFFFFFFB0];
	v2 =	vmax.f32 v2, $0.0e+00  }
0x1a5: {  	v4 =	vld [tilespmem:s18+$0xFFFFFFD0];
	v3 =	vmax.f32 v7, $0.0e+00;
	[tilespmem:s20+$0xFFFFFF90] =	vst v2  }
0x1a6: {  	[tilespmem:s10+$0xFFFFFFF0] =	vst v3;
	v3 =	vld [tilespmem:s4+$0xFFFFFFA0]  }
0x1a7: {  	v7 =	vld [tilespmem:s20+$0xFFFFFFB0];
	v2 =	vadd.f32 v8, v5  }
0x1a8: {  	s0 =	simm.s32 $0x116A0;
	v12 =	vld [tilespmem:s29+$0x0]  }
0x1a9: {  	v5 =	vld [tilespmem:s0+$0xFFFFFFD0];
	v2 =	vmax.f32 v2, $0.0e+00  }
0x1aa: {  	v8 =	vld [tilespmem:s20+$0xFFFFFFF0];
	[tilespmem:s20+$0xFFFFFFE0] =	vst v2  }
0x1ab: {  	v13 =	vld [tilespmem:s4+$0xFFFFFFF0];
	v3 =	vadd.f32 v3, v9  }
0x1ac: {  	v2 =	vld [tilespmem:s20+$0xFFFFFFC0]  }
0x1ad: {  	v9 =	vld [tilespmem:s0+$0xFFFFFF90];
	v3 =	vmax.f32 v3, $0.0e+00  }
0x1ae: {  	v5 =	vadd.f32 v5, v4;
	v4 =	vld [tilespmem:s18+$0xFFFFFFA0];
	[tilespmem:s20+$0xFFFFFFA0] =	vst v3  }
0x1af: {  	v62 =	vld [tilespmem:s4+$0xFFFFFFB0]  }
0x1b0: {  	v3 =	vmax.f32 v5, $0.0e+00;
	v5 =	vadd.f32 v10, v6;
	v10 =	vld [tilespmem:s18+$0xFFFFFFE0];
	v8 =	vadd.f32 v13, v8  }
0x1b1: {  	[tilespmem:s18+$0xFFFFFFD0] =	vst v3;
	v3 =	vld [tilespmem:s18+$0xFFFFFFB0]  }
0x1b2: {  	v63 =	vld [tilespmem:s0+$0xFFFFFFE0];
	v6 =	vmax.f32 v8, $0.0e+00;
	v8 =	vadd.f32 v9, v14  }
0x1b3: {  	v9 =	vadd.f32 v12, v11;
	[tilespmem:s20+$0xFFFFFFF0] =	vst v6;
	v6 =	vmax.f32 v5, $0.0e+00;
	v5 =	vld [tilespmem:s20+$0x0]  }
0x1b4: {  	[tilespmem:s10+$0xFFFFFFB0] =	vst v6;
	v6 =	vmax.f32 v8, $0.0e+00;
	v11 =	vadd.f32 v62, v7;
	v7 =	vld [tilespmem:s4+$0x0]  }
0x1b5: {  	v9 =	vmax.f32 v9, $0.0e+00;
	[tilespmem:s18+$0xFFFFFF90] =	vst v6;
	v8 =	vld [tilespmem:s29+$0xFFFFFFC0]  }
0x1b6: {  	[tilespmem:s10+$0x0] =	vst v9;
	v9 =	vld [tilespmem:s0+$0xFFFFFFA0];
	v11 =	vmax.f32 v11, $0.0e+00  }
0x1b7: {  	s21 =	simm.s32 $0x4;
	s23 =	simm.s32 $0xB320;
	s6 =	simm.s32 $0x116A0;
	v6 =	vld [tilespmem:s18+$0xFFFFFFC0];
	v10 =	vadd.f32 v63, v10;
	[tilespmem:s20+$0xFFFFFFB0] =	vst v11  }
.LBB2_11:
0x1b8: {  	v11 =	vld [tilespmem:s23+$0xFFFFFFD0];
	s0 =	sadd.s32 $0x80, s0  }
0x1b9: {  	s21 =	sadd.s32 $0x2, s21;
	v12 =	vld [tilespmem:s0+$0xFFFFFFD0];
	v10 =	vmax.f32 v10, $0.0e+00;
	v5 =	vadd.f32 v7, v5  }
0x1ba: {  	p3 =	slt.u32 s21, $0x4E;
	[tilespmem:s18+$0xFFFFFFE0] =	vst v10;
	v7 =	vld [tilespmem:s18+$0xFFFFFFF0];
	v8 =	vadd.f32 v8, v1;
	v1 =	vmov v2  }
0x1bb: {  	v4 =	vadd.f32 v9, v4;
	v9 =	vld [tilespmem:s6+$0xFFFFFFF0];
	v10 =	vmax.f32 v5, $0.0e+00  }
0x1bc: {  	v5 =	vld [tilespmem:s0+$0xFFFFFF90];
	[tilespmem:s20+$0x0] =	vst v10;
	v8 =	vmax.f32 v8, $0.0e+00;
	v2 =	vmov v6  }
0x1bd: {  	v6 =	vld [tilespmem:s23+$0xFFFFFF90];
	v10 =	vmax.f32 v4, $0.0e+00;
	[tilespmem:s10+$0xFFFFFFC0] =	vst v8;
	s10 =	smov.u32 s20;
	s20 =	smov.u32 s18;
	s18 =	smov.u32 s23  }
0x1be: {  	v4 =	vld [tilespmem:s23+$0xFFFFFFA0];
	v8 =	vadd.f32 v12, v11;
	[tilespmem:s20+$0xFFFFFFA0] =	vst v10  }
0x1bf: {  	v10 =	vld [tilespmem:s6+$0xFFFFFFB0]  }
0x1c0: {  	v11 =	vld [tilespmem:s23+$0xFFFFFFB0];
	v8 =	vmax.f32 v8, $0.0e+00;
	v7 =	vadd.f32 v9, v7  }
0x1c1: {  	[tilespmem:s23+$0xFFFFFFD0] =	vst v8;
	v12 =	vld [tilespmem:s23+$0xFFFFFFE0]  }
0x1c2: {  	v6 =	vadd.f32 v5, v6;
	v13 =	vld [tilespmem:s0+$0xFFFFFFE0];
	v5 =	vmax.f32 v7, $0.0e+00  }
.Ltmp4:
0x1c3: {  	[tilespmem:s20+$0xFFFFFFF0] =	vst v5;
	v5 =	vld [tilespmem:s20+$0x0];
	(pc) =	sbr.rel @p3 .LBB2_11-.Ltmp4, $4  }
0x1c4: {  	v6 =	vmax.f32 v6, $0.0e+00;
	v10 =	vadd.f32 v10, v3;
	v7 =	vld [tilespmem:s6+$0x0]  }
0x1c5: {  	[tilespmem:s23+$0xFFFFFF90] =	vst v6;
	v8 =	vld [tilespmem:s4+$0xFFFFFFC0];
	v3 =	vmov v11;
	s4 =	smov.u32 s6;
	s6 =	smov.u32 s0  }
0x1c6: {  	v9 =	vld [tilespmem:s0+$0xFFFFFFA0];
	v11 =	vmax.f32 v10, $0.0e+00  }
0x1c7: {  	s23 =	sadd.s32 $0x80, s23;
	v6 =	vld [tilespmem:s18+$0xFFFFFFC0];
	v10 =	vadd.f32 v13, v12;
	[tilespmem:s20+$0xFFFFFFB0] =	vst v11  }
0x1c8: {  	_ =	sdelay $0x2  }
0x1c9: {  	v10 =	vmax.f32 v10, $0.0e+00;
	v4 =	vadd.f32 v9, v4  }
0x1ca: {  	v60 =	vld [tilespmem:s18+$0xFFFFFFF0];
	[tilespmem:s18+$0xFFFFFFE0] =	vst v10  }
0x1cb: {  	v61 =	vld [tilespmem:s6+$0xFFFFFFF0];
	v4 =	vmax.f32 v4, $0.0e+00  }
0x1cc: {  	[tilespmem:s18+$0xFFFFFFA0] =	vst v4  }
0x1cd: {  	v4 =	vld [tilespmem:s6+$0xFFFFFFB0];
	_ =	sdelay $0x2  }
0x1ce: {  	v9 =	vadd.f32 v61, v60;
	_ =	sdelay $0x1  }
0x1cf: {  	v9 =	vmax.f32 v9, $0.0e+00;
	v3 =	vadd.f32 v4, v3  }
0x1d0: {  	[tilespmem:s18+$0xFFFFFFF0] =	vst v9;
	v4 =	vld [tilespmem:s18+$0x0]  }
0x1d1: {  	v9 =	vld [tilespmem:s6+$0x0];
	v3 =	vmax.f32 v3, $0.0e+00  }
0x1d2: {  	v62 =	vld [tilespmem:s4+$0xFFFFFFC0];
	[tilespmem:s18+$0xFFFFFFB0] =	vst v3  }
0x1d3: {  	v3 =	vld [tilespmem:s6+$0xFFFFFFC0]  }
0x1d4: {  	v5 =	vadd.f32 v7, v5  }
0x1d5: {  	v1 =	vadd.f32 v8, v1  }
0x1d6: {  	v5 =	vmax.f32 v5, $0.0e+00;
	v4 =	vadd.f32 v9, v4  }
0x1d7: {  	[tilespmem:s20+$0x0] =	vst v5;
	v1 =	vmax.f32 v1, $0.0e+00;
	v2 =	vadd.f32 v62, v2  }
0x1d8: {  	s0 =	smul.u32 $0x140, s16;
	[tilespmem:s10+$0xFFFFFFC0] =	vst v1;
	v1 =	vmax.f32 v4, $0.0e+00;
	v3 =	vadd.f32 v3, v6  }
0x1d9: {  	[tilespmem:s18+$0x0] =	vst v1;
	v1 =	vmax.f32 v2, $0.0e+00  }
0x1da: {  	s0 =	sshra.s32 s0, $0x2;
	[tilespmem:s20+$0xFFFFFFC0] =	vst v1;
	v1 =	vmax.f32 v3, $0.0e+00  }
0x1db: {  	s0 =	sadd.s32 $0x2710, s0;
	[tilespmem:s18+$0xFFFFFFC0] =	vst v1  }
0x1dc: {  	[spmem:s2] =	stream.indirect.scatter.add.f32 [tilespmem:s31], [sflag:$0xE], $0x40, s0, s26, $0xb8;
	[tilespmem:$0x1DDB0] =	vst v63  }
0x1dd: {  	s0 =	simm.s32 @!p2 $0xD  }
0x1de: {  	_ =	swait.ge @!p2 [sflag:s0], $0x1400  }
0x1df: {  	s4 =	simm.s32 @!p2 $0x50;
	[sflag:s0] =	ssyncset.done @!p2 $0x0  }
0x1e0: {  	s6 =	simm.s32 @!p2 $0x9D30;
	[sflag:s0] =	ssyncadd.s32 @!p2 $0xFFFFEC00;
	s0 =	sadd.s32 @!p2 $0x230, s19  }
0x1e1: {  	[tilespmem:s6], [sflag:$0x3] =	stream.indirect.gather @!p2 [hbm4b:s5+s4], $0x40, s0, s4, $0xb8;
	[tilespmem:$0x1DDB0] =	vst v63  }
0x1e2: {  	s0 =	sadd.s32 @!p2 $0x5050, s19;
	s6 =	simm.s32 @!p2 $0x10130  }
0x1e3: {  	[tilespmem:s6], [sflag:$0x8] =	stream.indirect.gather @!p2 [spmem:s1], $0x40, s0, s4, $0xb8;
	[tilespmem:$0x1DDB0] =	vst v63  }
0x1e4: {  	_ =	swait.ge [sflag:s13], $0x1400  }
0x1e5: {  	[sflag:s13] =	ssyncset.done $0x0  }
0x1e6: {  	[sflag:s13] =	ssyncadd.s32 $0xFFFFEC00  }
0x1e7: {  	_ =	swait.ge [sflag:s14], $0x1400  }
0x1e8: {  	[sflag:s14] =	ssyncset.done $0x0  }
0x1e9: {  	s0 =	simm.s32 $0x0;
	[sflag:s14] =	ssyncadd.s32 $0xFFFFEC00  }
0x1ea: {  	v1 =	vld [tilespmem:s0+$0xC5A0]  }
0x1eb: {  	v2 =	vld [tilespmem:s0+$0x129A0]  }
0x1ec: {  	v3 =	vld [tilespmem:s0+$0xC530]  }
0x1ed: {  	v4 =	vld [tilespmem:s0+$0x12930]  }
0x1ee: {  	v5 =	vld [tilespmem:s0+$0xC540]  }
0x1ef: {  	v6 =	vld [tilespmem:s0+$0x12940]  }
0x1f0: {  	v7 =	vld [tilespmem:s0+$0xC550]  }
0x1f1: {  	v1 =	vadd.f32 v2, v1;
	v2 =	vld [tilespmem:s0+$0x12950]  }
0x1f2: {  	v8 =	vld [tilespmem:s0+$0xC560]  }
0x1f3: {  	v63 =	vld [tilespmem:s0+$0x12960];
	v4 =	vadd.f32 v4, v3  }
0x1f4: {  	v5 =	vadd.f32 v6, v5;
	v3 =	vld [tilespmem:s0+$0x12970];
	v1 =	vmax.f32 v1, $0.0e+00  }
0x1f5: {  	v4 =	vmax.f32 v4, $0.0e+00;
	[tilespmem:s0+$0xC5A0] =	vst v1;
	v1 =	vld [tilespmem:s0+$0xC570]  }
0x1f6: {  	[tilespmem:s0+$0xC530] =	vst v4;
	v4 =	vmax.f32 v5, $0.0e+00;
	v5 =	vld [tilespmem:s0+$0x12980];
	v6 =	vadd.f32 v2, v7  }
0x1f7: {  	v2 =	vld [tilespmem:s0+$0xC580]  }
0x1f8: {  	s4 =	simm.s32 $0x0;
	s6 =	simm.s32 $0x200;
	[tilespmem:s0+$0xC540] =	vst v4;
	v4 =	vld [tilespmem:s0+$0xC590];
	v7 =	vmax.f32 v6, $0.0e+00;
	v6 =	vadd.f32 v63, v8  }
.LBB2_13:
0x1f9: {  	s10 =	sshra.s32 s6, $0x2;
	[tilespmem:s0+$0xC550] =	vst v7;
	v7 =	vld [tilespmem:s0+$0x12990]  }
0x1fa: {  	s4 =	sadd.s32 $0x2, s4;
	v8 =	vld [tilespmem:s10+$0xC5A0];
	v6 =	vmax.f32 v6, $0.0e+00;
	v1 =	vadd.f32 v3, v1  }
0x1fb: {  	p2 =	slt.u32 s4, $0x4E;
	v3 =	vld [tilespmem:s10+$0x129A0];
	[tilespmem:s0+$0xC560] =	vst v6  }
0x1fc: {  	v6 =	vld [tilespmem:s10+$0xC530];
	v1 =	vmax.f32 v1, $0.0e+00;
	v2 =	vadd.f32 v5, v2  }
0x1fd: {  	v5 =	vld [tilespmem:s10+$0x12930];
	[tilespmem:s0+$0xC570] =	vst v1  }
0x1fe: {  	v1 =	vld [tilespmem:s10+$0xC540];
	v2 =	vmax.f32 v2, $0.0e+00;
	v4 =	vadd.f32 v7, v4  }
0x1ff: {  	v7 =	vld [tilespmem:s10+$0x12940];
	[tilespmem:s0+$0xC580] =	vst v2  }
0x200: {  	v2 =	vld [tilespmem:s10+$0xC550];
	v3 =	vadd.f32 v3, v8;
	v4 =	vmax.f32 v4, $0.0e+00  }
0x201: {  	v8 =	vld [tilespmem:s10+$0x12950];
	[tilespmem:s0+$0xC590] =	vst v4;
	s0 =	smov.u32 s10  }
0x202: {  	v4 =	vadd.f32 v5, v6;
	v6 =	vld [tilespmem:s0+$0xC560];
	v3 =	vmax.f32 v3, $0.0e+00  }
0x203: {  	v9 =	vld [tilespmem:s0+$0x12960];
	[tilespmem:s0+$0xC5A0] =	vst v3  }
.Ltmp5:
0x204: {  	v3 =	vmax.f32 v4, $0.0e+00;
	v4 =	vadd.f32 v7, v1;
	v1 =	vld [tilespmem:s0+$0xC570];
	(pc) =	sbr.rel @p2 .LBB2_13-.Ltmp5, $4  }
0x205: {  	[tilespmem:s0+$0xC530] =	vst v3;
	v3 =	vld [tilespmem:s0+$0x12970]  }
0x206: {  	v4 =	vmax.f32 v4, $0.0e+00;
	v7 =	vadd.f32 v8, v2;
	v2 =	vld [tilespmem:s0+$0xC580]  }
0x207: {  	[tilespmem:s0+$0xC540] =	vst v4;
	v5 =	vld [tilespmem:s0+$0x12980]  }
0x208: {  	s6 =	sadd.s32 $0x200, s6;
	v7 =	vmax.f32 v7, $0.0e+00;
	v6 =	vadd.f32 v9, v6;
	v4 =	vld [tilespmem:s0+$0xC590]  }
0x209: {  	v8 =	vld [tilespmem:s0+$0x12990];
	_ =	sdelay $0x2  }
0x20a: {  	s15 =	sadd.s32 $0x1, s15;
	v1 =	vadd.f32 v3, v1  }
0x20b: {  	[tilespmem:s0+$0xC550] =	vst v7;
	s4 =	smul.u32 $0x140, s17;
	v3 =	vmax.f32 v6, $0.0e+00;
	p2 =	sne.s32 s15, $0x19;
	v2 =	vadd.f32 v5, v2  }
.Ltmp6:
0x20c: {  	[tilespmem:s0+$0xC560] =	vst v3;
	v1 =	vmax.f32 v1, $0.0e+00;
	v3 =	vadd.f32 v8, v4;
	(pc) =	sbr.rel @p2 .LBB2_4-.Ltmp6, $4  }
0x20d: {  	[tilespmem:s0+$0xC570] =	vst v1;
	v1 =	vmax.f32 v2, $0.0e+00  }
0x20e: {  	s4 =	sshra.s32 s4, $0x2;
	[tilespmem:s0+$0xC580] =	vst v1;
	v1 =	vmax.f32 v3, $0.0e+00  }
0x20f: {  	s29 =	sadd.s32 $0x2710, s4;
	[tilespmem:s0+$0xC590] =	vst v1  }
0x210: {  	[spmem:s2] =	stream.indirect.scatter.add.f32 [tilespmem:s3], [sflag:$0xF], $0x40, s29, s26, $0xb8;
	[tilespmem:$0x1DDB0] =	vst v63  }
0x211: {  	s0 =	simm.s32 $0xB  }
0x212: {  	_ =	swait.ge [sflag:s0], $0x1400  }
0x213: {  	[sflag:s0] =	ssyncset.done $0x0  }
0x214: {  	s17 =	simm.s32 $0xC;
	[sflag:s0] =	ssyncadd.s32 $0xFFFFEC00  }
0x215: {  	_ =	swait.ge [sflag:s17], $0x1400  }
0x216: {  	[sflag:s17] =	ssyncset.done $0x0  }
0x217: {  	s18 =	simm.s32 $0xD;
	[sflag:s17] =	ssyncadd.s32 $0xFFFFEC00  }
0x218: {  	_ =	swait.ge [sflag:s18], $0x1400  }
0x219: {  	[sflag:s18] =	ssyncset.done $0x0  }
0x21a: {  	s19 =	simm.s32 $0xE;
	[sflag:s18] =	ssyncadd.s32 $0xFFFFEC00  }
0x21b: {  	_ =	swait.ge [sflag:s19], $0x1400  }
0x21c: {  	[sflag:s19] =	ssyncset.done $0x0  }
0x21d: {  	s20 =	simm.s32 $0xF;
	[sflag:s19] =	ssyncadd.s32 $0xFFFFEC00  }
0x21e: {  	_ =	swait.ge [sflag:s20], $0x1400  }
0x21f: {  	[sflag:s20] =	ssyncset.done $0x0  }
0x220: {  	[sflag:s20] =	ssyncadd.s32 $0xFFFFEC00  }
0x221: {  	s21 =	stileid.u32;
	[bflag:$0x0] =	sbarrier.arrive $0xFFFF  }
0x222: {  	s0 =	sshll.u32 s21, $0x6;
	s15 =	rddreg [dreg:$0x9]  }
0x223: {  	s0 =	sor.u32 $0x1C10, s0;
	s6 =	rddreg [dreg:$0x12];
	s4 =	sshrl.u32 s15, $0x3  }
0x224: {  	[hbm:s6], [sflag:s0] =	dma.local [spmem:s4], $0x1380  }
0x225: {  	_ =	swait.ge [sflag:s22], $0x1380  }
0x226: {  	[sflag:s22] =	ssyncset.done $0x0;
	s16 =	rddreg [dreg:$0x11]  }
0x227: {  	s6 =	rddreg [dreg:$0x13];
	[sflag:s22] =	ssyncadd.s32 $0xFFFFEC80;
	s4 =	sshrl.u32 @!p1 s16, $0x3  }
0x228: {  	[hbm:s6], [sflag:s0] =	dma.local @!p1 [spmem:s4], $0x80  }
0x229: {  	s0 =	simm.s32 @!p1 $0x10  }
0x22a: {  	_ =	swait.ge @!p1 [sflag:s0], $0x80  }
0x22b: {  	s23 =	rddreg [dreg:$0x15]  }
0x22c: {  	s29 =	rddreg [dreg:$0x14];
	s6 =	sadd.s32 $0x1, s23  }
0x22d: {  	p2 =	sne.s32 s6, s29  }
.Ltmp7:
0x22e: {  	_ = 	snop;
	(pc) =	sbr.rel @p2 .LBB2_1-.Ltmp7, $3  }
0x22f: {  	_ =	sdelay $0x1  }
0x230: {  	[sflag:s0] =	ssyncset.done @!p1 $0x0  }
0x231: {  	s17 =	simm.s32 $0x4E20;
	[sflag:s0] =	ssyncadd.s32 @!p1 $0xFFFFFF80  }
0x232: {  	_ =	sfence.sel $0x180000  }
0x233: {  	[bflag:$0x0] =	sbarrier.arrive $0xFFFF  }
0x234: {  	_ =	strace $0x9000004A  }
0x235: {  	[bflag:$0x2] =	sbarrier.arrive $0xFFFF  }
0x236: {  	s0 =	rddreg [dreg:$0x4]  }
0x237: {  	s0 =	sadd.s32 @!p0 $0x100000, s0  }
0x238: {  	[sflag:s0] =	ssyncadd.tile.s32 @!p0 $0x1;
	_ =	shalt  }
.Lfunc_end2:
_tile_overlayer_lowered:
.L_overlay_start_2:
0x239: {  	(tag) =	ssettag $0x2  }
0x23a: {  	s0 =	rddreg [dreg:$0x0];
	s2 =	stileid.u32  }
0x23b: {  	s1 =	rddreg [dreg:$0x1];
	p0 =	sne.s32 s2, $0x0  }
0x23c: {  	s3 =	rddreg [dreg:$0x2];
	[bflag:$0x3] =	sbarrier.arrive $0xFFFF;
	s2 =	simm.s32 @!p0 $0x1C10  }
0x23d: {  	[timem:s3], [sflag:s2] =	dma.local @!p0 [hbm:s0], s1  }
0x23e: {  	s0 =	simm.s32 @!p0 $0x10  }
0x23f: {  	_ =	swait.ge @!p0 [sflag:s0], s1  }
0x240: {  	s1 =	ssub.s32 @!p0 $0x0, s1;
	[sflag:s0] =	ssyncset.done @!p0 $0x0  }
0x241: {  	[sflag:s0] =	ssyncadd.s32 @!p0 s1  }
0x242: {  	[bflag:$0x3] =	sbarrier.arrive $0xFFFF  }
0x243: {  	_ =	shalt  }

// kernel: kernel.7.cloned.1.call-start
scs
__scs_entry_jumppad:
0x0: {  	(pc) =	sbr.rel $0x88, $3  }
0x1: {  	(tag) =	ssettag $0x0;
	lr =	simm.s32 $0x1  }
0x2: {  	[smem:$0x3F86] =	sst lr;
	_ =	strace $0xD0000000  }
0x3: {  	_ = 	snop  }
0x4: {  	_ = 	snop  }
0x5: {  	_ = 	snop  }
0x6: {  	_ = 	snop  }
0x7: {  	_ = 	snop  }
__scs_overlays_trampoline_lowered:
0x8: {  	[smem:$0x3F95] =	sst s0  }
0x9: {  	[smem:$0x3F96] =	sst s1  }
0xa: {  	[smem:$0x3F97] =	sst s2  }
0xb: {  	[smem:$0x3F98] =	sst s3  }
0xc: {  	[smem:$0x3F99] =	sst s4  }
0xd: {  	[smem:$0x3F9A] =	sst s5  }
0xe: {  	[smem:$0x3F9B] =	sst s6  }
0xf: {  	[smem:$0x3F9C] =	sst s7  }
0x10: {  	[smem:$0x3F9D] =	sst s8  }
0x11: {  	[smem:$0x3F9E] =	sst s9;
	s0 =	simm.s32 @!p0 $0x0  }
0x12: {  	s1 =	sld [smem:$0x3F84];
	s0 =	simm.s32 @p0 $0x1  }
0x13: {  	[smem:$0x3F9F] =	sst s0;
	s0 =	simm.s32 @!p1 $0x0  }
0x14: {  	s2 =	sld [smem:$0x3F83];
	s0 =	simm.s32 @p1 $0x1  }
0x15: {  	[smem:$0x3FA0] =	sst s0;
	s0 =	simm.s32 @!p2 $0x0  }
0x16: {  	s3 =	sld [smem:$0x3FDB];
	s0 =	simm.s32 @p2 $0x1  }
0x17: {  	s4 =	simm.s32 $0x1BF5;
	[smem:$0x3FA2] =	sst s0  }
0x18: {  	s0 =	sld [smem:$0x3F85];
	_ =	swait.ge [sflag:s4], $0x0  }
0x19: {  	s7 =	sld [smem:$0x3F86]  }
0x1a: {  	s8 =	sadd.s32 $0xFFFFE003, lr  }
0x1b: {  	s9 =	sadd.s32 $0xFFFFFEF7, lr;
	s5 =	simm.s32 $0xFFFFFFFF;
	p2 =	slt.u32 s8, $0xFFFFF086  }
0x1c: {  	p1 =	slt.u32 s9, $0xF7A;
	s5 =	simm.s32 @!p2 $0x0  }
0x1d: {  	s5 =	simm.s32 @p1 $0x1;
	p0 =	seq.s32 s7, s2  }
0x1e: {  	s7 =	smul.u32 @!p0 $0xF7A, s2;
	p2 =	seq.s32 @!p0 s5, $0x0  }
0x1f: {  	s9 =	smul.u32 $0xF7A, s1;
	s8 =	simm.s32 @!p0 $0x1BF5;
	p2 =	por !p2, p0  }
0x20: {  	[sflag:s8] =	ssyncset.s32 @!p0 $0xFFFFF086;
	s6 =	sadd.s32 @!p0 s3, s7;
	s7 =	simm.s32 @!p0 $0x108  }
0x21: {  	s3 =	sadd.s32 s3, s9;
	s6 =	sadd.s32 @!p0 $0x88, s6;
	s7 =	simm.s32 @p2 $0x1082  }
0x22: {  	[simem:s7], [sflag:s8] =	dma.local @!p0 [hbm:s6], $0xF7A  }
0x23: {  	s9 =	sor.u32 $0xD0000000, s2;
	s6 =	simm.s32 $0x108;
	_ =	swait.ge @!p0 [sflag:s8], $0x0  }
0x24: {  	s3 =	sadd.s32 $0x88, s3;
	s6 =	simm.s32 @!p1 $0x1082;
	[sflag:s4] =	ssyncset.s32 $0xFFFFF086  }
0x25: {  	[simem:s6], [sflag:s4] =	dma.local [hbm:s3], $0xF7A  }
0x26: {  	[smem:$0x3F86] =	sst s1;
	(tag) =	ssettag s2;
	_ =	strace s9  }
0x27: {  	s1 =	sld [smem:$0x3F96]  }
0x28: {  	s2 =	sld [smem:$0x3F97]  }
0x29: {  	s4 =	sld [smem:$0x3F99]  }
0x2a: {  	p0 =	seq.s32 s5, $0x0;
	s5 =	sld [smem:$0x3F9A]  }
0x2b: {  	s6 =	sld [smem:$0x3F9B]  }
0x2c: {  	s7 =	sld [smem:$0x3F9C]  }
0x2d: {  	s3 =	simm.s32 $0x108;
	s8 =	sld [smem:$0x3F9D]  }
0x2e: {  	s3 =	simm.s32 @!p0 $0x1082;
	s9 =	sld [smem:$0x3F9E]  }
0x2f: {  	lr =	sadd.s32 s0, s3;
	s0 =	sld [smem:$0x3F95]  }
0x30: {  	s3 =	sld [smem:$0x3F98]  }
0x31: {  	[smem:$0x3FA1] =	sst s10  }
0x32: {  	s10 =	sld [smem:$0x3F9F];
	_ =	sdelay $0x3  }
0x33: {  	p0 =	seq.s32 s10, $0x1;
	s10 =	sld [smem:$0x3FA1];
	_ =	sdelay $0x3  }
0x34: {  	[smem:$0x3FA1] =	sst s10  }
0x35: {  	s10 =	sld [smem:$0x3FA0];
	_ =	sdelay $0x3  }
0x36: {  	p1 =	seq.s32 s10, $0x1;
	s10 =	sld [smem:$0x3FA1];
	_ =	sdelay $0x3  }
0x37: {  	[smem:$0x3FA1] =	sst s10  }
0x38: {  	s10 =	sld [smem:$0x3FA2]  }
0x39: {  	_ = 	snop;
	(pc) =	sbr.ind lr, $3  }
0x3a: {  	_ = 	snop  }
0x3b: {  	_ = 	snop  }
0x3c: {  	p2 =	seq.s32 s10, $0x1;
	s10 =	sld [smem:$0x3FA1]  }
0x3d: {  	_ =	shalt  }
0x3e: {  	_ =	shalt  }
0x3f: {  	_ =	shalt  }
0x40: {  	_ =	shalt  }
0x41: {  	_ =	shalt  }
0x42: {  	_ =	shalt  }
0x43: {  	_ =	shalt  }
0x44: {  	_ =	shalt  }
0x45: {  	_ =	shalt  }
0x46: {  	_ =	shalt  }
0x47: {  	_ =	shalt  }
0x48: {  	_ =	shalt  }
0x49: {  	_ =	shalt  }
0x4a: {  	_ =	shalt  }
0x4b: {  	_ =	shalt  }
0x4c: {  	_ =	shalt  }
0x4d: {  	_ =	shalt  }
0x4e: {  	_ =	shalt  }
0x4f: {  	_ =	shalt  }
0x50: {  	_ =	shalt  }
0x51: {  	_ =	shalt  }
0x52: {  	_ =	shalt  }
0x53: {  	_ =	shalt  }
0x54: {  	_ =	shalt  }
0x55: {  	_ =	shalt  }
0x56: {  	_ =	shalt  }
0x57: {  	_ =	shalt  }
0x58: {  	_ =	shalt  }
0x59: {  	_ =	shalt  }
0x5a: {  	_ =	shalt  }
0x5b: {  	_ =	shalt  }
0x5c: {  	_ =	shalt  }
0x5d: {  	_ =	shalt  }
0x5e: {  	_ =	shalt  }
0x5f: {  	_ =	shalt  }
0x60: {  	_ =	shalt  }
0x61: {  	_ =	shalt  }
0x62: {  	_ =	shalt  }
0x63: {  	_ =	shalt  }
0x64: {  	_ =	shalt  }
0x65: {  	_ =	shalt  }
0x66: {  	_ =	shalt  }
0x67: {  	_ =	shalt  }
0x68: {  	_ =	shalt  }
0x69: {  	_ =	shalt  }
0x6a: {  	_ =	shalt  }
0x6b: {  	_ =	shalt  }
0x6c: {  	_ =	shalt  }
0x6d: {  	_ =	shalt  }
0x6e: {  	_ =	shalt  }
0x6f: {  	_ =	shalt  }
0x70: {  	_ =	shalt  }
0x71: {  	_ =	shalt  }
0x72: {  	_ =	shalt  }
0x73: {  	_ =	shalt  }
0x74: {  	_ =	shalt  }
0x75: {  	_ =	shalt  }
0x76: {  	_ =	shalt  }
0x77: {  	_ =	shalt  }
0x78: {  	_ =	shalt  }
0x79: {  	_ =	shalt  }
0x7a: {  	_ =	shalt  }
0x7b: {  	_ =	shalt  }
0x7c: {  	_ =	shalt  }
0x7d: {  	_ =	shalt  }
0x7e: {  	_ =	shalt  }
0x7f: {  	_ =	shalt  }
0x80: {  	_ =	shalt  }
0x81: {  	_ =	shalt  }
0x82: {  	_ =	shalt  }
0x83: {  	_ =	shalt  }
0x84: {  	_ =	shalt  }
0x85: {  	_ =	shalt  }
0x86: {  	_ =	shalt  }
0x87: {  	_ =	shalt  }
.Lfunc_end0:
.L_simem_size_0:
called_computation_lowered:
.L_overlay_start_0:
0x88: {  	s2 =	sld [smem:$0x3FD9]  }
0x89: {  	s3 =	sld [smem:$0x3FFE];
	_ =	sdelay $0x1  }
0x8a: {  	s1 =	srdreg.scid  }
0x8b: {  	s0 =	sand.u32 $0x1, s1  }
0x8c: {  	s17 =	sshll.u32 s0, $0xA;
	s2 =	sadd.s32 s3, s2  }
0x8d: {  	s2 =	sadd.s32 s2, s17  }
0x8e: {  	[smem:$0x3FAD] =	sst s2  }
0x8f: {  	_ = 	snop  }
0x90: {  	s2 =	sld [smem:$0x3FC7]  }
0x91: {  	s18 =	sld [smem:$0x3FD0];
	(tm) =	ssettm $0x1  }
0x92: {  	s4 =	sld [smem:$0x3FFB];
	_ =	sdelay $0x3  }
0x93: {  	_ =	strace s4  }
0x94: {  	s4 =	sld [smem:$0x3FFC];
	_ =	sdelay $0x3  }
0x95: {  	_ =	strace s4  }
0x96: {  	s4 =	sld [smem:$0x3FFD];
	_ =	sdelay $0x3  }
0x97: {  	_ =	strace s4  }
0x98: {  	_ =	strace $0x8FFFFFFF  }
0x99: {  	s19 =	sld [smem:$0x3FDB];
	_ =	sdelay $0x1  }
0x9a: {  	s5 =	simm.s32 $_scs_section_size  }
0x9b: {  	s6 =	simm.s32 $_size__tile_overlayer_lowered;
	s7 =	simm.s32 $_tile_overlayer_lowered  }
0x9c: {  	s22 =	simm.s32 $0x1BFF;
	s21 =	sshll.u32 s7, $0x1;
	s4 =	sadd.s32 s5, s19  }
0x9d: {  	s8 =	simm.s32 $0x0;
	s20 =	sshll.u32 s6, $0x1;
	s6 =	sadd.s32 s21, s4  }
0x9e: {  	[timem:s8], [sflag:s22] =	dma.local [hbm:s6], s20  }
0x9f: {  	_ =	swait.ge [sflag:s22], s20  }
0xa0: {  	s5 =	ssub.s32 $0x0, s20;
	[sflag:s22] =	ssyncset.done $0x0  }
0xa1: {  	[sflag:s22] =	ssyncadd.s32 s5;
	_ =	sdelay $0x1  }
0xa2: {  	s23 =	simm.s32 $0x1B8B  }
0xa3: {  	_ =	swait.ge [sflag:s23], $0x1  }
0xa4: {  	[sflag:s23] =	ssyncset.done $0x0  }
0xa5: {  	s25 =	simm.s32 $0x1B8E;
	s24 =	sld [smem:$0x3FFE];
	[sflag:s23] =	ssyncadd.s32 $0xFFFFFFFF  }
0xa6: {  	s26 =	simm.s32 $execute0_lowered;
	[smem:$0x3FD2] =	sst s25  }
0xa7: {  	s6 =	sshll.u32 s26, $0x1;
	_ =	strace $0x80000046;
	[dreg:$0x1] =	wrdreg $0xFFFFFFFF  }
0xa8: {  	s28 =	simm.s32 $_size_execute0_lowered;
	s4 =	sadd.s32 s4, s6;
	[dreg:$0x0] =	wrdreg $0x0  }
0xa9: {  	s6 =	sshll.u32 s28, $0x1;
	[dreg:$0x2] =	wrdreg s4  }
0xaa: {  	[dreg:$0x3] =	wrdreg s6  }
0xab: {  	[dreg:$0x4] =	wrdreg $0xC0  }
0xac: {  	_ =	task [dreg:s8], $0x5FFFF  }
0xad: {  	[dreg:$0x1] =	wrdreg $0xFFFFFFFF  }
0xae: {  	[dreg:$0x0] =	wrdreg $0x60  }
0xaf: {  	[dreg:$0x2] =	wrdreg s24  }
0xb0: {  	[dreg:$0x3] =	wrdreg s2  }
0xb1: {  	[dreg:$0x4] =	wrdreg s18  }
0xb2: {  	[dreg:$0x5] =	wrdreg $0x1DD700  }
0xb3: {  	[dreg:$0x6] =	wrdreg $0x141300  }
0xb4: {  	[dreg:$0x7] =	wrdreg $0x9  }
0xb5: {  	_ =	task.clear_ibuf [dreg:s8], $0x8FFFF;
	_ =	strace $0x90000046  }
0xb6: {  	s29 =	simm.s32 $0x9;
	_ =	strace $0x80000048  }
0xb7: {  	_ =	swait.ge [sflag:s29], $0x1  }
0xb8: {  	[sflag:s29] =	ssyncadd.s32 $0xFFFFFFFF  }
0xb9: {  	_ =	strace $0x90000048  }
0xba: {  	_ =	sfence  }
0xbb: {  	s30 =	sld [smem:$0x0];
	_ =	sdelay $0x2  }
0xbc: {  	s31 =	sshll.u32 s1, $0xD;
	s1 =	sshrl.u32 s1, $0x2  }
0xbd: {  	s3 =	sand.u32 $0x4000, s31;
	s1 =	sadd.s32 s1, s30  }
0xbe: {  	s0 =	sor.u32 s3, s0;
	s1 =	sshll.u32 s1, $0x11  }
0xbf: {  	s0 =	sor.u32 s1, s0  }
0xc0: {  	s0 =	sadd.s32 $0x8F2B, s0  }
0xc1: {  	[sflag:s0] =	ssyncadd.remote.s32 $0x1  }
0xc2: {  	_ =	sfence.sel $0xFFFF  }
0xc3: {  	[dreg:$0x0] =	wrdreg $0xFFFFFFFF;
	(pc) =	sbr.abs _section_cstart, $3  }
0xc4: {  	[dreg:$0x1] =	wrdreg $0xFFFFFFFF  }
0xc5: {  	_ =	task.clear_ibuf [dreg:s8], $0x2FFFF;
	_ =	strace $0x9FFFFFFF  }
0xc6: {  	(tm) =	ssettm $0x7FFFFFFF  }
0xc7: {  	_ =	shalt  }
tec
execute0_lowered:
.L_overlay_start_1:
0x0: {  	(tag) =	ssettag $0x1  }
0x1: {  	s0 =	rddreg [dreg:$0x0]  }
0x2: {  	s1 =	rddreg [dreg:$0x1];
	s3 =	srdreg.scid  }
0x3: {  	s2 =	rddreg [dreg:$0x3];
	s11 =	stileid.u32  }
0x4: {  	s6 =	simm.s32 $0x0;
	s30 =	simm.s32 $0xB130;
	s28 =	simm.s32 $0xC530  }
0x5: {  	s13 =	simm.s32 $0x5;
	s4 =	sand.u32 $0x1, s3;
	s3 =	rddreg [dreg:$0x4]  }
0x6: {  	s14 =	simm.s32 $0xA;
	[smem:$0x7FF] =	sst s6;
	s10 =	smul.u32 $0x27000, s11  }
0x7: {  	s6 =	sadd.s32 $0x3400, s0;
	s16 =	smul.u32 $0x9C00, s11;
	p0 =	sne.s32 s11, $0x0  }
0x8: {  	p1 =	sne.s32 s11, $0xF;
	s5 =	sshll.u32 s4, $0x4;
	_ =	strace $0x80000047  }
0x9: {  	s7 =	ssub.s32 $0x2, s4;
	s4 =	smul.u32 $0x9C400, s4;
	s5 =	sor.u32 s11, s5  }
0xa: {  	s9 =	sshrl.u32 s7, $0x1;
	s17 =	sshrl.u32 s10, $0x2;
	s15 =	sadd.s32 s16, s3  }
0xb: {  	s11 =	simm.s32 $0x8;
	s5 =	smul.u32 $0x4E2, s5;
	s7 =	ssub.s32 s7, s9  }
0xc: {  	s18 =	sadd.s32 s17, s3;
	s25 =	sadd.s32 s16, s4;
	s4 =	sshrl.u32 s4, $0x3  }
0xd: {  	s16 =	sadd.s32 $0x9C000, s3;
	s17 =	simm.s32 $0x4E20;
	[dreg:$0x9] =	wrdreg s15  }
0xe: {  	s9 =	simm.s32 $0x3;
	s19 =	sadd.s32 $0x1400, s18;
	[dreg:$0x11] =	wrdreg s16  }
0xf: {  	s20 =	sadd.s32 $0x2800, s18;
	s21 =	sadd.s32 $0x3C00, s18;
	[dreg:$0xa] =	wrdreg s19  }
0x10: {  	s22 =	sadd.s32 $0x5000, s18;
	s23 =	sadd.s32 $0x6400, s18;
	[dreg:$0xb] =	wrdreg s20  }
0x11: {  	s24 =	sadd.s32 $0x7800, s18;
	s26 =	sshrl.u32 s25, $0x3;
	[dreg:$0xc] =	wrdreg s21  }
0x12: {  	s31 =	smax.u32 s7, $0x1;
	s25 =	simm.s32 $0x7530;
	[dreg:$0xd] =	wrdreg s22  }
0x13: {  	s7 =	simm.s32 $0x2;
	s8 =	sadd.s32 s5, s0;
	[dreg:$0xe] =	wrdreg s23  }
0x14: {  	s0 =	sadd.s32 $0x2AA00, s0;
	s1 =	sadd.s32 s1, s5;
	[dreg:$0xf] =	wrdreg s24  }
0x15: {  	[dreg:$0x14] =	wrdreg s31;
	s22 =	simm.s32 $0x10;
	s23 =	simm.s32 $0x6  }
0x16: {  	s24 =	simm.s32 $0x4;
	s12 =	sadd.s32 $0x20C00, s8;
	[dreg:$0x8] =	wrdreg s1  }
0x17: {  	s5 =	simm.s32 $0x0;
	s8 =	sadd.s32 $0x16E00, s8;
	[dreg:$0x6] =	wrdreg s12  }
0x18: {  	s1 =	sadd.s32 $0x8C00, s18;
	s4 =	sadd.s32 s0, s4;
	[dreg:$0x7] =	wrdreg s8  }
0x19: {  	s0 =	sadd.s32 s0, s26;
	s26 =	simm.s32 $0x50;
	[dreg:$0x10] =	wrdreg s1  }
0x1a: {  	[dreg:$0x12] =	wrdreg s0;
	s29 =	sadd.s32 $0x13800, s4;
	s1 =	simm.s32 $0x1  }
0x1b: {  	v0 =	vimm.f32 $0.0e+00;
	s8 =	simm.s32 $0x7;
	s12 =	simm.s32 $0x9;
	[dreg:$0x13] =	wrdreg s29  }
.LBB2_1:
0x1c: {  	[dreg:$0x15] =	wrdreg s5  }
0x1d: {  	s0 =	simm.s32 @!p0 $0x0;
	s4 =	simm.s32 @!p0 $0x13D30;
	s5 =	rddreg [dreg:$0x2]  }
0x1e: {  	[tilespmem:s4], [sflag:$0x10] =	stream.linear.gather @!p0 [hbm4b:s5+s0], $0x400, $0x38;
	[tilespmem:$0x1DDB0] =	vst v63  }
0x1f: {  	s0 =	simm.s32 @!p0 $0x10  }
0x20: {  	_ =	swait.ge @!p0 [sflag:s0], $0x400  }
0x21: {  	[sflag:s0] =	ssyncset.done @!p0 $0x0  }
0x22: {  	[sflag:s0] =	ssyncadd.s32 @!p0 $0xFFFFFC00  }
0x23: {  	[spmem:s2] =	stream.linear.scatter @!p0 [tilespmem:s4], [sflag:$0x10], $0x400, $0x38;
	[tilespmem:$0x1DDB0] =	vst v63  }
0x24: {  	_ =	swait.ge @!p0 [sflag:s0], $0x400  }
0x25: {  	[sflag:s0] =	ssyncset.done @!p0 $0x0  }
0x26: {  	s10 =	simm.s32 $0x0;
	s18 =	rddreg [dreg:$0x6];
	[sflag:s0] =	ssyncadd.s32 @!p0 $0xFFFFFC00  }
0x27: {  	[tilespmem:s10], [sflag:$0x10] =	stream.linear.gather [hbm4b:s18+s10], $0x2710, $0x38;
	[tilespmem:$0x1DDB0] =	vst v63  }
0x28: {  	_ =	swait.ge [sflag:s22], $0x2710  }
0x29: {  	[sflag:s22] =	ssyncset.done $0x0  }
0x2a: {  	s20 =	simm.s32 $0x2710;
	s19 =	rddreg [dreg:$0x7];
	[sflag:s22] =	ssyncadd.s32 $0xFFFFD8F0  }
0x2b: {  	[tilespmem:s20], [sflag:$0x10] =	stream.linear.gather [hbm4b:s19+s10], $0x2710, $0x38;
	[tilespmem:$0x1DDB0] =	vst v63  }
0x2c: {  	_ =	swait.ge [sflag:s22], $0x2710  }
0x2d: {  	[sflag:s22] =	ssyncset.done $0x0  }
0x2e: {  	s29 =	sand.u32 $0x7F00, s10;
	s21 =	rddreg [dreg:$0x8];
	[sflag:s22] =	ssyncadd.s32 $0xFFFFD8F0  }
0x2f: {  	[tilespmem:s17], [sflag:$0x10] =	stream.linear.gather [hbm4b:s21+s10], $0x2710, $0x38;
	[tilespmem:$0x1DDB0] =	vst v63  }
0x30: {  	s31 =	sshrl.u32 s29, $0x2;
	s4 =	sand.u32 $0x30, s10;
	_ =	swait.ge [sflag:s22], $0x2710  }
0x31: {  	s5 =	sor.u32 s4, s31;
	[sflag:s22] =	ssyncset.done $0x0  }
0x32: {  	s4 =	simm.s32 $0x0;
	s0 =	simm.s32 $0x40;
	[sflag:s22] =	ssyncadd.s32 $0xFFFFD8F0  }
.LBB2_2:
0x33: {  	p2 =	sne.s32 s0, $0x4FC0  }
0x34: {  	[tilespmem:s5+$0x7530] =	vst v0;
	s4 =	sadd.s32 $0x10, s4;
	s5 =	smov.u32 s0;
	s0 =	sadd.s32 $0x40, s0  }
.Ltmp0:
0x35: {  	(pc) =	sbr.rel @p2 .LBB2_2-.Ltmp0, $4  }
0x36: {  	_ = 	snop  }
0x37: {  	s5 =	sand.u32 $0x7F00, s5  }
0x38: {  	s10 =	sand.u32 $0x30, s4;
	s5 =	sshrl.u32 s5, $0x2  }
0x39: {  	s5 =	sor.u32 s10, s5  }
0x3a: {  	[tilespmem:s5+$0x7530] =	vst v0  }
0x3b: {  	[spmem:s15] =	stream.linear.scatter [tilespmem:s25], [sflag:$0x10], $0x1400, $0x38;
	[tilespmem:$0x1DDB0] =	vst v63  }
0x3c: {  	_ =	swait.ge [sflag:s22], $0x1400  }
0x3d: {  	[sflag:s22] =	ssyncset.done $0x0  }
0x3e: {  	s0 =	rddreg [dreg:$0xa];
	[sflag:s22] =	ssyncadd.s32 $0xFFFFEC00  }
0x3f: {  	[spmem:s0] =	stream.linear.scatter [tilespmem:s25], [sflag:$0x10], $0x1400, $0x38;
	[tilespmem:$0x1DDB0] =	vst v63  }
0x40: {  	_ =	swait.ge [sflag:s22], $0x1400  }
0x41: {  	[sflag:s22] =	ssyncset.done $0x0  }
0x42: {  	s29 =	rddreg [dreg:$0xb];
	[sflag:s22] =	ssyncadd.s32 $0xFFFFEC00  }
0x43: {  	[spmem:s29] =	stream.linear.scatter [tilespmem:s25], [sflag:$0x10], $0x1400, $0x38;
	[tilespmem:$0x1DDB0] =	vst v63  }
0x44: {  	_ =	swait.ge [sflag:s22], $0x1400  }
0x45: {  	[sflag:s22] =	ssyncset.done $0x0  }
0x46: {  	s31 =	rddreg [dreg:$0xc];
	[sflag:s22] =	ssyncadd.s32 $0xFFFFEC00  }
0x47: {  	[spmem:s31] =	stream.linear.scatter [tilespmem:s25], [sflag:$0x10], $0x1400, $0x38;
	[tilespmem:$0x1DDB0] =	vst v63  }
0x48: {  	_ =	swait.ge [sflag:s22], $0x1400  }
0x49: {  	[sflag:s22] =	ssyncset.done $0x0  }
0x4a: {  	s4 =	rddreg [dreg:$0xd];
	[sflag:s22] =	ssyncadd.s32 $0xFFFFEC00  }
0x4b: {  	[spmem:s4] =	stream.linear.scatter [tilespmem:s25], [sflag:$0x10], $0x1400, $0x38;
	[tilespmem:$0x1DDB0] =	vst v63  }
0x4c: {  	_ =	swait.ge [sflag:s22], $0x1400  }
0x4d: {  	[sflag:s22] =	ssyncset.done $0x0  }
0x4e: {  	s5 =	rddreg [dreg:$0xe];
	[sflag:s22] =	ssyncadd.s32 $0xFFFFEC00  }
0x4f: {  	[spmem:s5] =	stream.linear.scatter [tilespmem:s25], [sflag:$0x10], $0x1400, $0x38;
	[tilespmem:$0x1DDB0] =	vst v63  }
0x50: {  	_ =	swait.ge [sflag:s22], $0x1400  }
0x51: {  	[sflag:s22] =	ssyncset.done $0x0  }
0x52: {  	s10 =	rddreg [dreg:$0xf];
	[sflag:s22] =	ssyncadd.s32 $0xFFFFEC00  }
0x53: {  	[spmem:s10] =	stream.linear.scatter [tilespmem:s25], [sflag:$0x10], $0x1400, $0x38;
	[tilespmem:$0x1DDB0] =	vst v63  }
0x54: {  	_ =	swait.ge [sflag:s22], $0x1400  }
0x55: {  	[sflag:s22] =	ssyncset.done $0x0  }
0x56: {  	s15 =	rddreg [dreg:$0x10];
	[sflag:s22] =	ssyncadd.s32 $0xFFFFEC00  }
0x57: {  	[spmem:s15] =	stream.linear.scatter [tilespmem:s25], [sflag:$0x10], $0x1000, $0x38;
	[tilespmem:$0x1DDB0] =	vst v63  }
0x58: {  	_ =	swait.ge [sflag:s22], $0x1000  }
0x59: {  	[sflag:s22] =	ssyncset.done $0x0  }
0x5a: {  	s0 =	simm.s32 @!p1 $0x7530;
	[sflag:s22] =	ssyncadd.s32 $0xFFFFF000  }
0x5b: {  	[spmem:s16] =	stream.linear.scatter @!p1 [tilespmem:s0], [sflag:$0x10], $0x400, $0x38;
	[tilespmem:$0x1DDB0] =	vst v63  }
0x5c: {  	s0 =	simm.s32 @!p1 $0x10  }
0x5d: {  	_ =	swait.ge @!p1 [sflag:s0], $0x400  }
0x5e: {  	[sflag:s0] =	ssyncset.done @!p1 $0x0  }
0x5f: {  	[sflag:s0] =	ssyncadd.s32 @!p1 $0xFFFFFC00  }
0x60: {  	s15 =	simm.s32 $0x0;
	[bflag:$0x0] =	sbarrier.arrive $0xFFFF  }
0x61: {  	[tilespmem:s25], [sflag:$0x1] =	stream.indirect.gather [hbm4b:s6+s26], $0x40, s15, s26, $0xb8;
	[tilespmem:$0x1DDB0] =	vst v63  }
0x62: {  	s16 =	simm.s32 $0xD930  }
0x63: {  	[tilespmem:s16], [sflag:$0x6] =	stream.indirect.gather [spmem:s2], $0x40, s17, s26, $0xb8;
	[tilespmem:$0x1DDB0] =	vst v63  }
0x64: {  	s18 =	simm.s32 $0x8930  }
0x65: {  	[tilespmem:s18], [sflag:$0x2] =	stream.indirect.gather [hbm4b:s6+s26], $0x40, s26, s26, $0xb8;
	[tilespmem:$0x1DDB0] =	vst v63  }
0x66: {  	s19 =	simm.s32 $0x4E70;
	s4 =	simm.s32 $0xED30  }
0x67: {  	[tilespmem:s4], [sflag:$0x7] =	stream.indirect.gather [spmem:s2], $0x40, s19, s26, $0xb8;
	[tilespmem:$0x1DDB0] =	vst v63  }
0x68: {  	s20 =	simm.s32 $0xA0;
	s21 =	simm.s32 $0x9D30  }
0x69: {  	[tilespmem:s21], [sflag:$0x3] =	stream.indirect.gather [hbm4b:s6+s26], $0x40, s20, s26, $0xb8;
	[tilespmem:$0x1DDB0] =	vst v63  }
0x6a: {  	s29 =	simm.s32 $0x4EC0;
	s31 =	simm.s32 $0x10130  }
0x6b: {  	[tilespmem:s31], [sflag:$0x8] =	stream.indirect.gather [spmem:s2], $0x40, s29, s26, $0xb8;
	[tilespmem:$0x1DDB0] =	vst v63  }
.LBB2_4:
0x6c: {  	s17 =	smul.u32 $0x5, s15;
	p2 =	seq.s32 s15, $0x0  }
0x6d: {  	s0 =	simm.s32 @!p2 $0xE  }
0x6e: {  	s16 =	sadd.s32 $0x3, s17;
	_ =	swait.ge @!p2 [sflag:s0], $0x1400  }
0x6f: {  	[sflag:s0] =	ssyncset.done @!p2 $0x0;
	s4 =	smul.u32 $0x50, s16  }
0x70: {  	[sflag:s0] =	ssyncadd.s32 @!p2 $0xFFFFEC00  }
0x71: {  	[tilespmem:s30], [sflag:$0x4] =	stream.indirect.gather [hbm4b:s6+s26], $0x40, s4, s26, $0xb8;
	[tilespmem:$0x1DDB0] =	vst v63  }
0x72: {  	s21 =	simm.s32 $0x11530;
	s20 =	sadd.s32 $0x4E20, s4  }
0x73: {  	[tilespmem:s21], [sflag:$0x9] =	stream.indirect.gather [spmem:s2], $0x40, s20, s26, $0xb8;
	[tilespmem:$0x1DDB0] =	vst v63  }
0x74: {  	_ =	swait.ge [sflag:s1], $0x1400  }
0x75: {  	[sflag:s1] =	ssyncset.done $0x0  }
0x76: {  	[sflag:s1] =	ssyncadd.s32 $0xFFFFEC00  }
0x77: {  	_ =	swait.ge [sflag:s23], $0x1400  }
0x78: {  	[sflag:s23] =	ssyncset.done $0x0  }
0x79: {  	s19 =	simm.s32 $0x7570;
	[sflag:s23] =	ssyncadd.s32 $0xFFFFEC00  }
0x7a: {  	s31 =	simm.s32 $0xD970;
	v1 =	vld [tilespmem:s19+$0x0]  }
0x7b: {  	v2 =	vld [tilespmem:s31+$0x0];
	_ =	sdelay $0x4  }
0x7c: {  	v1 =	vadd.f32 v2, v1  }
0x7d: {  	v3 =	vld [tilespmem:s19+$0xFFFFFFC0]  }
0x7e: {  	v2 =	vld [tilespmem:s31+$0xFFFFFFC0];
	v1 =	vmax.f32 v1, $0.0e+00  }
0x7f: {  	[tilespmem:s19+$0x0] =	vst v1;
	v1 =	vld [tilespmem:s19+$0x10]  }
0x80: {  	v4 =	vld [tilespmem:s31+$0x10];
	_ =	sdelay $0x2  }
0x81: {  	s10 =	simm.s32 $0x75F0;
	v5 =	vld [tilespmem:s19+$0xFFFFFFD0]  }
0x82: {  	s18 =	simm.s32 $0xD9F0;
	v2 =	vadd.f32 v2, v3;
	v3 =	vld [tilespmem:s10+$0x0]  }
0x83: {  	v1 =	vadd.f32 v4, v1;
	v4 =	vld [tilespmem:s18+$0x0]  }
0x84: {  	v6 =	vld [tilespmem:s19+$0xFFFFFFE0];
	v2 =	vmax.f32 v2, $0.0e+00  }
0x85: {  	v7 =	vld [tilespmem:s19+$0x20];
	[tilespmem:s19+$0xFFFFFFC0] =	vst v2;
	v1 =	vmax.f32 v1, $0.0e+00  }
0x86: {  	v2 =	vld [tilespmem:s31+$0xFFFFFFD0];
	[tilespmem:s19+$0x10] =	vst v1  }
0x87: {  	v8 =	vld [tilespmem:s31+$0x20]  }
0x88: {  	v1 =	vadd.f32 v4, v3;
	v3 =	vld [tilespmem:s18+$0xFFFFFFC0]  }
0x89: {  	v4 =	vld [tilespmem:s10+$0xFFFFFFC0]  }
0x8a: {  	s5 =	simm.s32 $0x7670;
	v11 =	vld [tilespmem:s19+$0x30]  }
0x8b: {  	v14 =	vld [tilespmem:s5+$0xFFFFFFC0];
	v2 =	vadd.f32 v2, v5  }
0x8c: {  	v5 =	vld [tilespmem:s10+$0x10];
	v9 =	vmax.f32 v1, $0.0e+00  }
0x8d: {  	v1 =	vld [tilespmem:s19+$0xFFFFFFF0];
	v2 =	vmax.f32 v2, $0.0e+00;
	[tilespmem:s10+$0x0] =	vst v9  }
0x8e: {  	[tilespmem:s19+$0xFFFFFFD0] =	vst v2;
	v7 =	vadd.f32 v8, v7;
	v8 =	vld [tilespmem:s18+$0x10];
	v2 =	vadd.f32 v3, v4  }
0x8f: {  	v9 =	vld [tilespmem:s10+$0xFFFFFFD0]  }
0x90: {  	v10 =	vld [tilespmem:s31+$0xFFFFFFE0];
	v2 =	vmax.f32 v2, $0.0e+00  }
0x91: {  	v4 =	vld [tilespmem:s5+$0x0];
	v3 =	vmax.f32 v7, $0.0e+00;
	[tilespmem:s10+$0xFFFFFFC0] =	vst v2  }
0x92: {  	[tilespmem:s19+$0x20] =	vst v3;
	v3 =	vld [tilespmem:s18+$0xFFFFFFD0]  }
0x93: {  	v7 =	vld [tilespmem:s10+$0xFFFFFFE0];
	v2 =	vadd.f32 v8, v5  }
0x94: {  	s20 =	simm.s32 $0xDA70;
	v12 =	vld [tilespmem:s31+$0x30]  }
0x95: {  	v5 =	vld [tilespmem:s20+$0x0];
	v2 =	vmax.f32 v2, $0.0e+00  }
0x96: {  	v8 =	vld [tilespmem:s10+$0x20];
	[tilespmem:s10+$0x10] =	vst v2  }
0x97: {  	v13 =	vld [tilespmem:s18+$0x20];
	v3 =	vadd.f32 v3, v9  }
0x98: {  	v2 =	vld [tilespmem:s10+$0xFFFFFFF0]  }
0x99: {  	v9 =	vld [tilespmem:s20+$0xFFFFFFC0];
	v3 =	vmax.f32 v3, $0.0e+00  }
0x9a: {  	v5 =	vadd.f32 v5, v4;
	v4 =	vld [tilespmem:s5+$0xFFFFFFD0];
	[tilespmem:s10+$0xFFFFFFD0] =	vst v3  }
0x9b: {  	v62 =	vld [tilespmem:s18+$0xFFFFFFE0]  }
0x9c: {  	v3 =	vmax.f32 v5, $0.0e+00;
	v5 =	vadd.f32 v10, v6;
	v10 =	vld [tilespmem:s5+$0x10];
	v8 =	vadd.f32 v13, v8  }
0x9d: {  	[tilespmem:s5+$0x0] =	vst v3;
	v3 =	vld [tilespmem:s5+$0xFFFFFFE0]  }
0x9e: {  	v63 =	vld [tilespmem:s20+$0x10];
	v6 =	vmax.f32 v8, $0.0e+00;
	v8 =	vadd.f32 v9, v14  }
0x9f: {  	v9 =	vadd.f32 v12, v11;
	[tilespmem:s10+$0x20] =	vst v6;
	v6 =	vmax.f32 v5, $0.0e+00;
	v5 =	vld [tilespmem:s10+$0x30]  }
0xa0: {  	[tilespmem:s19+$0xFFFFFFE0] =	vst v6;
	v6 =	vmax.f32 v8, $0.0e+00;
	v11 =	vadd.f32 v62, v7;
	v7 =	vld [tilespmem:s18+$0x30]  }
0xa1: {  	v9 =	vmax.f32 v9, $0.0e+00;
	[tilespmem:s5+$0xFFFFFFC0] =	vst v6;
	v8 =	vld [tilespmem:s31+$0xFFFFFFF0]  }
0xa2: {  	[tilespmem:s19+$0x30] =	vst v9;
	v9 =	vld [tilespmem:s20+$0xFFFFFFD0];
	v11 =	vmax.f32 v11, $0.0e+00  }
0xa3: {  	s29 =	simm.s32 $0x76F0;
	s4 =	simm.s32 $0x4;
	s21 =	simm.s32 $0xDA70;
	v6 =	vld [tilespmem:s5+$0xFFFFFFF0];
	v10 =	vadd.f32 v63, v10;
	[tilespmem:s10+$0xFFFFFFE0] =	vst v11  }
.LBB2_5:
0xa4: {  	v11 =	vld [tilespmem:s29+$0x0];
	s20 =	sadd.s32 $0x80, s20  }
0xa5: {  	s4 =	sadd.s32 $0x2, s4;
	v12 =	vld [tilespmem:s20+$0x0];
	v10 =	vmax.f32 v10, $0.0e+00;
	v5 =	vadd.f32 v7, v5  }
0xa6: {  	p3 =	slt.u32 s4, $0x4E;
	[tilespmem:s5+$0x10] =	vst v10;
	v7 =	vld [tilespmem:s5+$0x20];
	v8 =	vadd.f32 v8, v1;
	v1 =	vmov v2  }
0xa7: {  	v4 =	vadd.f32 v9, v4;
	v9 =	vld [tilespmem:s21+$0x20];
	v10 =	vmax.f32 v5, $0.0e+00  }
0xa8: {  	v5 =	vld [tilespmem:s20+$0xFFFFFFC0];
	[tilespmem:s10+$0x30] =	vst v10;
	v8 =	vmax.f32 v8, $0.0e+00;
	v2 =	vmov v6  }
0xa9: {  	v6 =	vld [tilespmem:s29+$0xFFFFFFC0];
	v10 =	vmax.f32 v4, $0.0e+00;
	[tilespmem:s19+$0xFFFFFFF0] =	vst v8;
	s19 =	smov.u32 s10;
	s10 =	smov.u32 s5;
	s5 =	smov.u32 s29  }
0xaa: {  	v4 =	vld [tilespmem:s29+$0xFFFFFFD0];
	v8 =	vadd.f32 v12, v11;
	[tilespmem:s10+$0xFFFFFFD0] =	vst v10  }
0xab: {  	v10 =	vld [tilespmem:s21+$0xFFFFFFE0]  }
0xac: {  	v11 =	vld [tilespmem:s29+$0xFFFFFFE0];
	v8 =	vmax.f32 v8, $0.0e+00;
	v7 =	vadd.f32 v9, v7  }
0xad: {  	[tilespmem:s29+$0x0] =	vst v8;
	v12 =	vld [tilespmem:s29+$0x10]  }
0xae: {  	v6 =	vadd.f32 v5, v6;
	v13 =	vld [tilespmem:s20+$0x10];
	v5 =	vmax.f32 v7, $0.0e+00  }
.Ltmp1:
0xaf: {  	[tilespmem:s10+$0x20] =	vst v5;
	v5 =	vld [tilespmem:s10+$0x30];
	(pc) =	sbr.rel @p3 .LBB2_5-.Ltmp1, $4  }
0xb0: {  	v6 =	vmax.f32 v6, $0.0e+00;
	v10 =	vadd.f32 v10, v3;
	v7 =	vld [tilespmem:s21+$0x30]  }
0xb1: {  	[tilespmem:s29+$0xFFFFFFC0] =	vst v6;
	v8 =	vld [tilespmem:s18+$0xFFFFFFF0];
	v3 =	vmov v11;
	s18 =	smov.u32 s21;
	s21 =	smov.u32 s20  }
0xb2: {  	v9 =	vld [tilespmem:s20+$0xFFFFFFD0];
	v11 =	vmax.f32 v10, $0.0e+00  }
0xb3: {  	s29 =	sadd.s32 $0x80, s29;
	v6 =	vld [tilespmem:s5+$0xFFFFFFF0];
	v10 =	vadd.f32 v13, v12;
	[tilespmem:s10+$0xFFFFFFE0] =	vst v11  }
0xb4: {  	_ =	sdelay $0x2  }
0xb5: {  	v10 =	vmax.f32 v10, $0.0e+00;
	v4 =	vadd.f32 v9, v4  }
0xb6: {  	[tilespmem:s5+$0x10] =	vst v10;
	v10 =	vld [tilespmem:s5+$0x20]  }
0xb7: {  	v9 =	vld [tilespmem:s21+$0x20];
	v4 =	vmax.f32 v4, $0.0e+00  }
0xb8: {  	[tilespmem:s5+$0xFFFFFFD0] =	vst v4  }
0xb9: {  	v4 =	vld [tilespmem:s21+$0xFFFFFFE0];
	_ =	sdelay $0x2  }
0xba: {  	v9 =	vadd.f32 v9, v10;
	_ =	sdelay $0x1  }
0xbb: {  	v9 =	vmax.f32 v9, $0.0e+00;
	v3 =	vadd.f32 v4, v3  }
0xbc: {  	[tilespmem:s5+$0x20] =	vst v9;
	v4 =	vld [tilespmem:s5+$0x30]  }
0xbd: {  	v9 =	vld [tilespmem:s21+$0x30];
	v3 =	vmax.f32 v3, $0.0e+00  }
0xbe: {  	v10 =	vld [tilespmem:s18+$0xFFFFFFF0];
	[tilespmem:s5+$0xFFFFFFE0] =	vst v3  }
0xbf: {  	v3 =	vld [tilespmem:s21+$0xFFFFFFF0]  }
0xc0: {  	v5 =	vadd.f32 v7, v5  }
0xc1: {  	v1 =	vadd.f32 v8, v1  }
0xc2: {  	v5 =	vmax.f32 v5, $0.0e+00;
	v4 =	vadd.f32 v9, v4  }
0xc3: {  	[tilespmem:s10+$0x30] =	vst v5;
	v1 =	vmax.f32 v1, $0.0e+00;
	v2 =	vadd.f32 v10, v2  }
0xc4: {  	s0 =	smul.u32 $0x640, s15;
	[tilespmem:s19+$0xFFFFFFF0] =	vst v1;
	v1 =	vmax.f32 v4, $0.0e+00;
	v3 =	vadd.f32 v3, v6  }
0xc5: {  	[tilespmem:s5+$0x30] =	vst v1;
	v1 =	vmax.f32 v2, $0.0e+00  }
0xc6: {  	s20 =	sshra.s32 s0, $0x2;
	[tilespmem:s10+$0xFFFFFFF0] =	vst v1;
	v1 =	vmax.f32 v3, $0.0e+00  }
0xc7: {  	s0 =	sadd.s32 $0x2710, s20;
	[tilespmem:s5+$0xFFFFFFF0] =	vst v1  }
0xc8: {  	[spmem:s3] =	stream.indirect.scatter.add.f32 [tilespmem:s25], [sflag:$0xB], $0x40, s0, s26, $0xb8;
	[tilespmem:$0x1DDB0] =	vst v63  }
0xc9: {  	s0 =	simm.s32 @!p2 $0xF  }
0xca: {  	s17 =	sadd.s32 $0x4, s17;
	_ =	swait.ge @!p2 [sflag:s0], $0x1400  }
0xcb: {  	s4 =	smul.u32 $0x50, s17;
	[sflag:s0] =	ssyncset.done @!p2 $0x0  }
0xcc: {  	[sflag:s0] =	ssyncadd.s32 @!p2 $0xFFFFEC00  }
0xcd: {  	[tilespmem:s28], [sflag:$0x5] =	stream.indirect.gather [hbm4b:s6+s26], $0x40, s4, s26, $0xb8;
	[tilespmem:$0x1DDB0] =	vst v63  }
0xce: {  	s19 =	sadd.s32 $0x4E20, s4;
	s21 =	simm.s32 $0x12930  }
0xcf: {  	[tilespmem:s21], [sflag:$0xA] =	stream.indirect.gather [spmem:s2], $0x40, s19, s26, $0xb8;
	[tilespmem:$0x1DDB0] =	vst v63  }
0xd0: {  	_ =	swait.ge [sflag:s7], $0x1400  }
0xd1: {  	[sflag:s7] =	ssyncset.done $0x0  }
0xd2: {  	[sflag:s7] =	ssyncadd.s32 $0xFFFFEC00  }
0xd3: {  	_ =	swait.ge [sflag:s8], $0x1400  }
0xd4: {  	[sflag:s8] =	ssyncset.done $0x0  }
0xd5: {  	s19 =	simm.s32 $0x89A0;
	[sflag:s8] =	ssyncadd.s32 $0xFFFFEC00  }
0xd6: {  	s0 =	simm.s32 $0xEDA0;
	v1 =	vld [tilespmem:s19+$0xFFFFFFD0]  }
0xd7: {  	v2 =	vld [tilespmem:s0+$0xFFFFFFD0];
	_ =	sdelay $0x4  }
0xd8: {  	v1 =	vadd.f32 v2, v1  }
0xd9: {  	v3 =	vld [tilespmem:s19+$0xFFFFFF90]  }
0xda: {  	v2 =	vld [tilespmem:s0+$0xFFFFFF90];
	v1 =	vmax.f32 v1, $0.0e+00  }
0xdb: {  	[tilespmem:s19+$0xFFFFFFD0] =	vst v1;
	v1 =	vld [tilespmem:s19+$0xFFFFFFE0]  }
0xdc: {  	v4 =	vld [tilespmem:s0+$0xFFFFFFE0];
	_ =	sdelay $0x2  }
0xdd: {  	s10 =	simm.s32 $0x8A20;
	v5 =	vld [tilespmem:s19+$0xFFFFFFA0]  }
0xde: {  	s18 =	simm.s32 $0xEE20;
	v2 =	vadd.f32 v2, v3;
	v3 =	vld [tilespmem:s10+$0xFFFFFFD0]  }
0xdf: {  	v1 =	vadd.f32 v4, v1;
	v4 =	vld [tilespmem:s18+$0xFFFFFFD0]  }
0xe0: {  	v6 =	vld [tilespmem:s19+$0xFFFFFFB0];
	v2 =	vmax.f32 v2, $0.0e+00  }
0xe1: {  	v7 =	vld [tilespmem:s19+$0xFFFFFFF0];
	[tilespmem:s19+$0xFFFFFF90] =	vst v2;
	v1 =	vmax.f32 v1, $0.0e+00  }
0xe2: {  	v2 =	vld [tilespmem:s0+$0xFFFFFFA0];
	[tilespmem:s19+$0xFFFFFFE0] =	vst v1  }
0xe3: {  	v8 =	vld [tilespmem:s0+$0xFFFFFFF0]  }
0xe4: {  	v1 =	vadd.f32 v4, v3;
	v3 =	vld [tilespmem:s18+$0xFFFFFF90]  }
0xe5: {  	v4 =	vld [tilespmem:s10+$0xFFFFFF90]  }
0xe6: {  	s5 =	simm.s32 $0x8AA0;
	v11 =	vld [tilespmem:s19+$0x0]  }
0xe7: {  	v14 =	vld [tilespmem:s5+$0xFFFFFF90];
	v2 =	vadd.f32 v2, v5  }
0xe8: {  	v5 =	vld [tilespmem:s10+$0xFFFFFFE0];
	v9 =	vmax.f32 v1, $0.0e+00  }
0xe9: {  	v1 =	vld [tilespmem:s19+$0xFFFFFFC0];
	v2 =	vmax.f32 v2, $0.0e+00;
	[tilespmem:s10+$0xFFFFFFD0] =	vst v9  }
0xea: {  	[tilespmem:s19+$0xFFFFFFA0] =	vst v2;
	v7 =	vadd.f32 v8, v7;
	v8 =	vld [tilespmem:s18+$0xFFFFFFE0];
	v2 =	vadd.f32 v3, v4  }
0xeb: {  	v9 =	vld [tilespmem:s10+$0xFFFFFFA0]  }
0xec: {  	v10 =	vld [tilespmem:s0+$0xFFFFFFB0];
	v2 =	vmax.f32 v2, $0.0e+00  }
0xed: {  	v4 =	vld [tilespmem:s5+$0xFFFFFFD0];
	v3 =	vmax.f32 v7, $0.0e+00;
	[tilespmem:s10+$0xFFFFFF90] =	vst v2  }
0xee: {  	[tilespmem:s19+$0xFFFFFFF0] =	vst v3;
	v3 =	vld [tilespmem:s18+$0xFFFFFFA0]  }
0xef: {  	v7 =	vld [tilespmem:s10+$0xFFFFFFB0];
	v2 =	vadd.f32 v8, v5  }
0xf0: {  	s21 =	simm.s32 $0xEEA0;
	v12 =	vld [tilespmem:s0+$0x0]  }
0xf1: {  	v5 =	vld [tilespmem:s21+$0xFFFFFFD0];
	v2 =	vmax.f32 v2, $0.0e+00  }
0xf2: {  	v8 =	vld [tilespmem:s10+$0xFFFFFFF0];
	[tilespmem:s10+$0xFFFFFFE0] =	vst v2  }
0xf3: {  	v13 =	vld [tilespmem:s18+$0xFFFFFFF0];
	v3 =	vadd.f32 v3, v9  }
0xf4: {  	v2 =	vld [tilespmem:s10+$0xFFFFFFC0]  }
0xf5: {  	v9 =	vld [tilespmem:s21+$0xFFFFFF90];
	v3 =	vmax.f32 v3, $0.0e+00  }
0xf6: {  	v5 =	vadd.f32 v5, v4;
	v4 =	vld [tilespmem:s5+$0xFFFFFFA0];
	[tilespmem:s10+$0xFFFFFFA0] =	vst v3  }
0xf7: {  	v62 =	vld [tilespmem:s18+$0xFFFFFFB0]  }
0xf8: {  	v3 =	vmax.f32 v5, $0.0e+00;
	v5 =	vadd.f32 v10, v6;
	v10 =	vld [tilespmem:s5+$0xFFFFFFE0];
	v8 =	vadd.f32 v13, v8  }
0xf9: {  	[tilespmem:s5+$0xFFFFFFD0] =	vst v3;
	v3 =	vld [tilespmem:s5+$0xFFFFFFB0]  }
0xfa: {  	v63 =	vld [tilespmem:s21+$0xFFFFFFE0];
	v6 =	vmax.f32 v8, $0.0e+00;
	v8 =	vadd.f32 v9, v14  }
0xfb: {  	v9 =	vadd.f32 v12, v11;
	[tilespmem:s10+$0xFFFFFFF0] =	vst v6;
	v6 =	vmax.f32 v5, $0.0e+00;
	v5 =	vld [tilespmem:s10+$0x0]  }
0xfc: {  	[tilespmem:s19+$0xFFFFFFB0] =	vst v6;
	v6 =	vmax.f32 v8, $0.0e+00;
	v11 =	vadd.f32 v62, v7;
	v7 =	vld [tilespmem:s18+$0x0]  }
0xfd: {  	v9 =	vmax.f32 v9, $0.0e+00;
	[tilespmem:s5+$0xFFFFFF90] =	vst v6;
	v8 =	vld [tilespmem:s0+$0xFFFFFFC0]  }
0xfe: {  	[tilespmem:s19+$0x0] =	vst v9;
	v9 =	vld [tilespmem:s21+$0xFFFFFFA0];
	v11 =	vmax.f32 v11, $0.0e+00  }
0xff: {  	s29 =	simm.s32 $0x8B20;
	s31 =	simm.s32 $0xEEA0;
	s4 =	simm.s32 $0x4;
	v6 =	vld [tilespmem:s5+$0xFFFFFFC0];
	v10 =	vadd.f32 v63, v10;
	[tilespmem:s10+$0xFFFFFFB0] =	vst v11  }
.LBB2_7:
0x100: {  	v11 =	vld [tilespmem:s29+$0xFFFFFFD0];
	s21 =	sadd.s32 $0x80, s21  }
0x101: {  	s4 =	sadd.s32 $0x2, s4;
	v12 =	vld [tilespmem:s21+$0xFFFFFFD0];
	v10 =	vmax.f32 v10, $0.0e+00;
	v5 =	vadd.f32 v7, v5  }
0x102: {  	p2 =	slt.u32 s4, $0x4E;
	[tilespmem:s5+$0xFFFFFFE0] =	vst v10;
	v7 =	vld [tilespmem:s5+$0xFFFFFFF0];
	v8 =	vadd.f32 v8, v1;
	v1 =	vmov v2  }
0x103: {  	v4 =	vadd.f32 v9, v4;
	v9 =	vld [tilespmem:s31+$0xFFFFFFF0];
	v10 =	vmax.f32 v5, $0.0e+00  }
0x104: {  	v5 =	vld [tilespmem:s21+$0xFFFFFF90];
	[tilespmem:s10+$0x0] =	vst v10;
	v8 =	vmax.f32 v8, $0.0e+00;
	v2 =	vmov v6  }
0x105: {  	v6 =	vld [tilespmem:s29+$0xFFFFFF90];
	v10 =	vmax.f32 v4, $0.0e+00;
	[tilespmem:s19+$0xFFFFFFC0] =	vst v8;
	s19 =	smov.u32 s10;
	s10 =	smov.u32 s5;
	s5 =	smov.u32 s29  }
0x106: {  	v4 =	vld [tilespmem:s29+$0xFFFFFFA0];
	v8 =	vadd.f32 v12, v11;
	[tilespmem:s10+$0xFFFFFFA0] =	vst v10  }
0x107: {  	v10 =	vld [tilespmem:s31+$0xFFFFFFB0]  }
0x108: {  	v11 =	vld [tilespmem:s29+$0xFFFFFFB0];
	v8 =	vmax.f32 v8, $0.0e+00;
	v7 =	vadd.f32 v9, v7  }
0x109: {  	[tilespmem:s29+$0xFFFFFFD0] =	vst v8;
	v12 =	vld [tilespmem:s29+$0xFFFFFFE0]  }
0x10a: {  	v6 =	vadd.f32 v5, v6;
	v13 =	vld [tilespmem:s21+$0xFFFFFFE0];
	v5 =	vmax.f32 v7, $0.0e+00  }
.Ltmp2:
0x10b: {  	[tilespmem:s10+$0xFFFFFFF0] =	vst v5;
	v5 =	vld [tilespmem:s10+$0x0];
	(pc) =	sbr.rel @p2 .LBB2_7-.Ltmp2, $4  }
0x10c: {  	v6 =	vmax.f32 v6, $0.0e+00;
	v10 =	vadd.f32 v10, v3;
	v7 =	vld [tilespmem:s31+$0x0]  }
0x10d: {  	[tilespmem:s29+$0xFFFFFF90] =	vst v6;
	v8 =	vld [tilespmem:s18+$0xFFFFFFC0];
	v3 =	vmov v11;
	s18 =	smov.u32 s31;
	s31 =	smov.u32 s21  }
0x10e: {  	v9 =	vld [tilespmem:s21+$0xFFFFFFA0];
	v11 =	vmax.f32 v10, $0.0e+00  }
0x10f: {  	s29 =	sadd.s32 $0x80, s29;
	v6 =	vld [tilespmem:s5+$0xFFFFFFC0];
	v10 =	vadd.f32 v13, v12;
	[tilespmem:s10+$0xFFFFFFB0] =	vst v11  }
0x110: {  	_ =	sdelay $0x2  }
0x111: {  	v10 =	vmax.f32 v10, $0.0e+00;
	v4 =	vadd.f32 v9, v4  }
0x112: {  	[tilespmem:s5+$0xFFFFFFE0] =	vst v10;
	v10 =	vld [tilespmem:s5+$0xFFFFFFF0]  }
0x113: {  	v9 =	vld [tilespmem:s31+$0xFFFFFFF0];
	v4 =	vmax.f32 v4, $0.0e+00  }
0x114: {  	[tilespmem:s5+$0xFFFFFFA0] =	vst v4  }
0x115: {  	v4 =	vld [tilespmem:s31+$0xFFFFFFB0];
	_ =	sdelay $0x2  }
0x116: {  	v9 =	vadd.f32 v9, v10;
	_ =	sdelay $0x1  }
0x117: {  	v9 =	vmax.f32 v9, $0.0e+00;
	v3 =	vadd.f32 v4, v3  }
0x118: {  	[tilespmem:s5+$0xFFFFFFF0] =	vst v9;
	v4 =	vld [tilespmem:s5+$0x0]  }
0x119: {  	v9 =	vld [tilespmem:s31+$0x0];
	v3 =	vmax.f32 v3, $0.0e+00  }
0x11a: {  	v10 =	vld [tilespmem:s18+$0xFFFFFFC0];
	[tilespmem:s5+$0xFFFFFFB0] =	vst v3  }
0x11b: {  	v3 =	vld [tilespmem:s31+$0xFFFFFFC0]  }
0x11c: {  	v5 =	vadd.f32 v7, v5  }
0x11d: {  	v1 =	vadd.f32 v8, v1  }
0x11e: {  	v5 =	vmax.f32 v5, $0.0e+00;
	v4 =	vadd.f32 v9, v4  }
0x11f: {  	[tilespmem:s10+$0x0] =	vst v5;
	v1 =	vmax.f32 v1, $0.0e+00;
	v2 =	vadd.f32 v10, v2  }
0x120: {  	[tilespmem:s19+$0xFFFFFFC0] =	vst v1;
	v1 =	vmax.f32 v4, $0.0e+00;
	v3 =	vadd.f32 v3, v6  }
0x121: {  	[tilespmem:s5+$0x0] =	vst v1;
	v1 =	vmax.f32 v2, $0.0e+00  }
0x122: {  	[tilespmem:s10+$0xFFFFFFC0] =	vst v1;
	v1 =	vmax.f32 v3, $0.0e+00  }
0x123: {  	s0 =	sadd.s32 $0x2760, s20;
	s4 =	simm.s32 $0x8930;
	p2 =	seq.s32 s15, $0x18;
	[tilespmem:s5+$0xFFFFFFC0] =	vst v1  }
0x124: {  	[spmem:s3] =	stream.indirect.scatter.add.f32 [tilespmem:s4], [sflag:$0xC], $0x40, s0, s26, $0xb8;
	[tilespmem:$0x1DDB0] =	vst v63  }
0x125: {  	s0 =	simm.s32 @!p2 $0xB  }
0x126: {  	s19 =	smul.u32 @!p2 $0x190, s15;
	_ =	swait.ge @!p2 [sflag:s0], $0x1400  }
0x127: {  	s5 =	simm.s32 @!p2 $0x7530;
	[sflag:s0] =	ssyncset.done @!p2 $0x0  }
0x128: {  	s4 =	simm.s32 @!p2 $0x50;
	[sflag:s0] =	ssyncadd.s32 @!p2 $0xFFFFEC00;
	s0 =	sadd.s32 @!p2 $0x190, s19  }
0x129: {  	[tilespmem:s5], [sflag:$0x1] =	stream.indirect.gather @!p2 [hbm4b:s6+s4], $0x40, s0, s4, $0xb8;
	[tilespmem:$0x1DDB0] =	vst v63  }
0x12a: {  	s0 =	sadd.s32 @!p2 $0x4FB0, s19;
	s5 =	simm.s32 @!p2 $0xD930  }
0x12b: {  	[tilespmem:s5], [sflag:$0x6] =	stream.indirect.gather @!p2 [spmem:s2], $0x40, s0, s4, $0xb8;
	[tilespmem:$0x1DDB0] =	vst v63  }
0x12c: {  	_ =	swait.ge [sflag:s9], $0x1400  }
0x12d: {  	[sflag:s9] =	ssyncset.done $0x0  }
0x12e: {  	[sflag:s9] =	ssyncadd.s32 $0xFFFFEC00  }
0x12f: {  	_ =	swait.ge [sflag:s11], $0x1400  }
0x130: {  	[sflag:s11] =	ssyncset.done $0x0  }
0x131: {  	s10 =	simm.s32 $0x9DA0;
	[sflag:s11] =	ssyncadd.s32 $0xFFFFEC00  }
0x132: {  	s0 =	simm.s32 $0x101A0;
	v1 =	vld [tilespmem:s10+$0xFFFFFFD0]  }
0x133: {  	v2 =	vld [tilespmem:s0+$0xFFFFFFD0];
	_ =	sdelay $0x4  }
0x134: {  	v1 =	vadd.f32 v2, v1  }
0x135: {  	v3 =	vld [tilespmem:s10+$0xFFFFFF90]  }
0x136: {  	v2 =	vld [tilespmem:s0+$0xFFFFFF90];
	v1 =	vmax.f32 v1, $0.0e+00  }
0x137: {  	[tilespmem:s10+$0xFFFFFFD0] =	vst v1;
	v1 =	vld [tilespmem:s10+$0xFFFFFFE0]  }
0x138: {  	v4 =	vld [tilespmem:s0+$0xFFFFFFE0];
	_ =	sdelay $0x2  }
0x139: {  	s18 =	simm.s32 $0x9E20;
	v5 =	vld [tilespmem:s10+$0xFFFFFFA0]  }
0x13a: {  	s5 =	simm.s32 $0x10220;
	v2 =	vadd.f32 v2, v3;
	v3 =	vld [tilespmem:s18+$0xFFFFFFD0]  }
0x13b: {  	v1 =	vadd.f32 v4, v1;
	v4 =	vld [tilespmem:s5+$0xFFFFFFD0]  }
0x13c: {  	v6 =	vld [tilespmem:s10+$0xFFFFFFB0];
	v2 =	vmax.f32 v2, $0.0e+00  }
0x13d: {  	v7 =	vld [tilespmem:s10+$0xFFFFFFF0];
	[tilespmem:s10+$0xFFFFFF90] =	vst v2;
	v1 =	vmax.f32 v1, $0.0e+00  }
0x13e: {  	v2 =	vld [tilespmem:s0+$0xFFFFFFA0];
	[tilespmem:s10+$0xFFFFFFE0] =	vst v1  }
0x13f: {  	v8 =	vld [tilespmem:s0+$0xFFFFFFF0]  }
0x140: {  	v1 =	vadd.f32 v4, v3;
	v3 =	vld [tilespmem:s5+$0xFFFFFF90]  }
0x141: {  	v4 =	vld [tilespmem:s18+$0xFFFFFF90]  }
0x142: {  	s21 =	simm.s32 $0x9EA0;
	v11 =	vld [tilespmem:s10+$0x0]  }
0x143: {  	v14 =	vld [tilespmem:s21+$0xFFFFFF90];
	v2 =	vadd.f32 v2, v5  }
0x144: {  	v5 =	vld [tilespmem:s18+$0xFFFFFFE0];
	v9 =	vmax.f32 v1, $0.0e+00  }
0x145: {  	v1 =	vld [tilespmem:s10+$0xFFFFFFC0];
	v2 =	vmax.f32 v2, $0.0e+00;
	[tilespmem:s18+$0xFFFFFFD0] =	vst v9  }
0x146: {  	[tilespmem:s10+$0xFFFFFFA0] =	vst v2;
	v7 =	vadd.f32 v8, v7;
	v8 =	vld [tilespmem:s5+$0xFFFFFFE0];
	v2 =	vadd.f32 v3, v4  }
0x147: {  	v9 =	vld [tilespmem:s18+$0xFFFFFFA0]  }
0x148: {  	v10 =	vld [tilespmem:s0+$0xFFFFFFB0];
	v2 =	vmax.f32 v2, $0.0e+00  }
0x149: {  	v4 =	vld [tilespmem:s21+$0xFFFFFFD0];
	v3 =	vmax.f32 v7, $0.0e+00;
	[tilespmem:s18+$0xFFFFFF90] =	vst v2  }
0x14a: {  	[tilespmem:s10+$0xFFFFFFF0] =	vst v3;
	v3 =	vld [tilespmem:s5+$0xFFFFFFA0]  }
0x14b: {  	v7 =	vld [tilespmem:s18+$0xFFFFFFB0];
	v2 =	vadd.f32 v8, v5  }
0x14c: {  	s31 =	simm.s32 $0x102A0;
	v12 =	vld [tilespmem:s0+$0x0]  }
0x14d: {  	v5 =	vld [tilespmem:s31+$0xFFFFFFD0];
	v2 =	vmax.f32 v2, $0.0e+00  }
0x14e: {  	v8 =	vld [tilespmem:s18+$0xFFFFFFF0];
	[tilespmem:s18+$0xFFFFFFE0] =	vst v2  }
0x14f: {  	v13 =	vld [tilespmem:s5+$0xFFFFFFF0];
	v3 =	vadd.f32 v3, v9  }
0x150: {  	v2 =	vld [tilespmem:s18+$0xFFFFFFC0]  }
0x151: {  	v9 =	vld [tilespmem:s31+$0xFFFFFF90];
	v3 =	vmax.f32 v3, $0.0e+00  }
0x152: {  	v5 =	vadd.f32 v5, v4;
	v4 =	vld [tilespmem:s21+$0xFFFFFFA0];
	[tilespmem:s18+$0xFFFFFFA0] =	vst v3  }
0x153: {  	v62 =	vld [tilespmem:s5+$0xFFFFFFB0]  }
0x154: {  	v3 =	vmax.f32 v5, $0.0e+00;
	v5 =	vadd.f32 v10, v6;
	v10 =	vld [tilespmem:s21+$0xFFFFFFE0];
	v8 =	vadd.f32 v13, v8  }
0x155: {  	[tilespmem:s21+$0xFFFFFFD0] =	vst v3;
	v3 =	vld [tilespmem:s21+$0xFFFFFFB0]  }
0x156: {  	v63 =	vld [tilespmem:s31+$0xFFFFFFE0];
	v6 =	vmax.f32 v8, $0.0e+00;
	v8 =	vadd.f32 v9, v14  }
0x157: {  	v9 =	vadd.f32 v12, v11;
	[tilespmem:s18+$0xFFFFFFF0] =	vst v6;
	v6 =	vmax.f32 v5, $0.0e+00;
	v5 =	vld [tilespmem:s18+$0x0]  }
0x158: {  	[tilespmem:s10+$0xFFFFFFB0] =	vst v6;
	v6 =	vmax.f32 v8, $0.0e+00;
	v11 =	vadd.f32 v62, v7;
	v7 =	vld [tilespmem:s5+$0x0]  }
0x159: {  	v9 =	vmax.f32 v9, $0.0e+00;
	[tilespmem:s21+$0xFFFFFF90] =	vst v6;
	v8 =	vld [tilespmem:s0+$0xFFFFFFC0]  }
0x15a: {  	[tilespmem:s10+$0x0] =	vst v9;
	v9 =	vld [tilespmem:s31+$0xFFFFFFA0];
	v11 =	vmax.f32 v11, $0.0e+00  }
0x15b: {  	s29 =	simm.s32 $0x4;
	s4 =	simm.s32 $0x102A0;
	v6 =	vld [tilespmem:s21+$0xFFFFFFC0];
	s0 =	simm.s32 $0x9F20;
	v10 =	vadd.f32 v63, v10;
	[tilespmem:s18+$0xFFFFFFB0] =	vst v11  }
.LBB2_9:
0x15c: {  	v11 =	vld [tilespmem:s0+$0xFFFFFFD0];
	s31 =	sadd.s32 $0x80, s31  }
0x15d: {  	s29 =	sadd.s32 $0x2, s29;
	v12 =	vld [tilespmem:s31+$0xFFFFFFD0];
	v10 =	vmax.f32 v10, $0.0e+00;
	v5 =	vadd.f32 v7, v5  }
0x15e: {  	p3 =	slt.u32 s29, $0x4E;
	[tilespmem:s21+$0xFFFFFFE0] =	vst v10;
	v7 =	vld [tilespmem:s21+$0xFFFFFFF0];
	v8 =	vadd.f32 v8, v1;
	v1 =	vmov v2  }
0x15f: {  	v4 =	vadd.f32 v9, v4;
	v9 =	vld [tilespmem:s4+$0xFFFFFFF0];
	v10 =	vmax.f32 v5, $0.0e+00  }
0x160: {  	v5 =	vld [tilespmem:s31+$0xFFFFFF90];
	[tilespmem:s18+$0x0] =	vst v10;
	v8 =	vmax.f32 v8, $0.0e+00;
	v2 =	vmov v6  }
0x161: {  	v6 =	vld [tilespmem:s0+$0xFFFFFF90];
	v10 =	vmax.f32 v4, $0.0e+00;
	[tilespmem:s10+$0xFFFFFFC0] =	vst v8;
	s10 =	smov.u32 s18;
	s18 =	smov.u32 s21;
	s21 =	smov.u32 s0  }
0x162: {  	v4 =	vld [tilespmem:s0+$0xFFFFFFA0];
	v8 =	vadd.f32 v12, v11;
	[tilespmem:s18+$0xFFFFFFA0] =	vst v10  }
0x163: {  	v10 =	vld [tilespmem:s4+$0xFFFFFFB0]  }
0x164: {  	v11 =	vld [tilespmem:s0+$0xFFFFFFB0];
	v8 =	vmax.f32 v8, $0.0e+00;
	v7 =	vadd.f32 v9, v7  }
0x165: {  	[tilespmem:s0+$0xFFFFFFD0] =	vst v8;
	v12 =	vld [tilespmem:s0+$0xFFFFFFE0]  }
0x166: {  	v6 =	vadd.f32 v5, v6;
	v13 =	vld [tilespmem:s31+$0xFFFFFFE0];
	v5 =	vmax.f32 v7, $0.0e+00  }
.Ltmp3:
0x167: {  	[tilespmem:s18+$0xFFFFFFF0] =	vst v5;
	v5 =	vld [tilespmem:s18+$0x0];
	(pc) =	sbr.rel @p3 .LBB2_9-.Ltmp3, $4  }
0x168: {  	v6 =	vmax.f32 v6, $0.0e+00;
	v10 =	vadd.f32 v10, v3;
	v7 =	vld [tilespmem:s4+$0x0]  }
0x169: {  	[tilespmem:s0+$0xFFFFFF90] =	vst v6;
	v8 =	vld [tilespmem:s5+$0xFFFFFFC0];
	v3 =	vmov v11;
	s5 =	smov.u32 s4;
	s4 =	smov.u32 s31  }
0x16a: {  	v9 =	vld [tilespmem:s31+$0xFFFFFFA0];
	v11 =	vmax.f32 v10, $0.0e+00  }
0x16b: {  	s0 =	sadd.s32 $0x80, s0;
	v6 =	vld [tilespmem:s21+$0xFFFFFFC0];
	v10 =	vadd.f32 v13, v12;
	[tilespmem:s18+$0xFFFFFFB0] =	vst v11  }
0x16c: {  	_ =	sdelay $0x2  }
0x16d: {  	v10 =	vmax.f32 v10, $0.0e+00;
	v4 =	vadd.f32 v9, v4  }
0x16e: {  	[tilespmem:s21+$0xFFFFFFE0] =	vst v10;
	v10 =	vld [tilespmem:s21+$0xFFFFFFF0]  }
0x16f: {  	v9 =	vld [tilespmem:s4+$0xFFFFFFF0];
	v4 =	vmax.f32 v4, $0.0e+00  }
0x170: {  	[tilespmem:s21+$0xFFFFFFA0] =	vst v4  }
0x171: {  	v4 =	vld [tilespmem:s4+$0xFFFFFFB0];
	_ =	sdelay $0x2  }
0x172: {  	v9 =	vadd.f32 v9, v10;
	_ =	sdelay $0x1  }
0x173: {  	v9 =	vmax.f32 v9, $0.0e+00;
	v3 =	vadd.f32 v4, v3  }
0x174: {  	[tilespmem:s21+$0xFFFFFFF0] =	vst v9;
	v4 =	vld [tilespmem:s21+$0x0]  }
0x175: {  	v9 =	vld [tilespmem:s4+$0x0];
	v3 =	vmax.f32 v3, $0.0e+00  }
0x176: {  	v10 =	vld [tilespmem:s5+$0xFFFFFFC0];
	[tilespmem:s21+$0xFFFFFFB0] =	vst v3  }
0x177: {  	v3 =	vld [tilespmem:s4+$0xFFFFFFC0]  }
0x178: {  	v5 =	vadd.f32 v7, v5  }
0x179: {  	v1 =	vadd.f32 v8, v1  }
0x17a: {  	v5 =	vmax.f32 v5, $0.0e+00;
	v4 =	vadd.f32 v9, v4  }
0x17b: {  	[tilespmem:s18+$0x0] =	vst v5;
	v1 =	vmax.f32 v1, $0.0e+00;
	v2 =	vadd.f32 v10, v2  }
0x17c: {  	[tilespmem:s10+$0xFFFFFFC0] =	vst v1;
	v1 =	vmax.f32 v4, $0.0e+00;
	v3 =	vadd.f32 v3, v6  }
0x17d: {  	[tilespmem:s21+$0x0] =	vst v1;
	v1 =	vmax.f32 v2, $0.0e+00  }
0x17e: {  	[tilespmem:s18+$0xFFFFFFC0] =	vst v1;
	v1 =	vmax.f32 v3, $0.0e+00  }
0x17f: {  	s0 =	sadd.s32 $0x27B0, s20;
	[tilespmem:s21+$0xFFFFFFC0] =	vst v1;
	s21 =	simm.s32 $0x9D30  }
0x180: {  	[spmem:s3] =	stream.indirect.scatter.add.f32 [tilespmem:s21], [sflag:$0xD], $0x40, s0, s26, $0xb8;
	[tilespmem:$0x1DDB0] =	vst v63  }
0x181: {  	s0 =	simm.s32 @!p2 $0xC  }
0x182: {  	_ =	swait.ge @!p2 [sflag:s0], $0x1400  }
0x183: {  	s5 =	simm.s32 @!p2 $0x8930;
	[sflag:s0] =	ssyncset.done @!p2 $0x0  }
0x184: {  	s4 =	simm.s32 @!p2 $0x50;
	[sflag:s0] =	ssyncadd.s32 @!p2 $0xFFFFEC00;
	s0 =	sadd.s32 @!p2 $0x1E0, s19  }
0x185: {  	[tilespmem:s5], [sflag:$0x2] =	stream.indirect.gather @!p2 [hbm4b:s6+s4], $0x40, s0, s4, $0xb8;
	[tilespmem:$0x1DDB0] =	vst v63  }
0x186: {  	s0 =	sadd.s32 @!p2 $0x5000, s19;
	s5 =	simm.s32 @!p2 $0xED30  }
0x187: {  	[tilespmem:s5], [sflag:$0x7] =	stream.indirect.gather @!p2 [spmem:s2], $0x40, s0, s4, $0xb8;
	[tilespmem:$0x1DDB0] =	vst v63  }
0x188: {  	_ =	swait.ge [sflag:s24], $0x1400  }
0x189: {  	[sflag:s24] =	ssyncset.done $0x0  }
0x18a: {  	[sflag:s24] =	ssyncadd.s32 $0xFFFFEC00  }
0x18b: {  	_ =	swait.ge [sflag:s12], $0x1400  }
0x18c: {  	[sflag:s12] =	ssyncset.done $0x0  }
0x18d: {  	s10 =	simm.s32 $0xB1A0;
	[sflag:s12] =	ssyncadd.s32 $0xFFFFEC00  }
0x18e: {  	s31 =	simm.s32 $0x115A0;
	v1 =	vld [tilespmem:s10+$0xFFFFFFD0]  }
0x18f: {  	v2 =	vld [tilespmem:s31+$0xFFFFFFD0];
	_ =	sdelay $0x4  }
0x190: {  	v1 =	vadd.f32 v2, v1  }
0x191: {  	v3 =	vld [tilespmem:s10+$0xFFFFFF90]  }
0x192: {  	v2 =	vld [tilespmem:s31+$0xFFFFFF90];
	v1 =	vmax.f32 v1, $0.0e+00  }
0x193: {  	[tilespmem:s10+$0xFFFFFFD0] =	vst v1;
	v1 =	vld [tilespmem:s10+$0xFFFFFFE0]  }
0x194: {  	v4 =	vld [tilespmem:s31+$0xFFFFFFE0];
	_ =	sdelay $0x2  }
0x195: {  	s20 =	simm.s32 $0xB220;
	v5 =	vld [tilespmem:s10+$0xFFFFFFA0]  }
0x196: {  	s5 =	simm.s32 $0x11620;
	v2 =	vadd.f32 v2, v3;
	v3 =	vld [tilespmem:s20+$0xFFFFFFD0]  }
0x197: {  	v1 =	vadd.f32 v4, v1;
	v4 =	vld [tilespmem:s5+$0xFFFFFFD0]  }
0x198: {  	v6 =	vld [tilespmem:s10+$0xFFFFFFB0];
	v2 =	vmax.f32 v2, $0.0e+00  }
0x199: {  	v7 =	vld [tilespmem:s10+$0xFFFFFFF0];
	[tilespmem:s10+$0xFFFFFF90] =	vst v2;
	v1 =	vmax.f32 v1, $0.0e+00  }
0x19a: {  	v2 =	vld [tilespmem:s31+$0xFFFFFFA0];
	[tilespmem:s10+$0xFFFFFFE0] =	vst v1  }
0x19b: {  	v8 =	vld [tilespmem:s31+$0xFFFFFFF0]  }
0x19c: {  	v1 =	vadd.f32 v4, v3;
	v3 =	vld [tilespmem:s5+$0xFFFFFF90]  }
0x19d: {  	v4 =	vld [tilespmem:s20+$0xFFFFFF90]  }
0x19e: {  	s18 =	simm.s32 $0xB2A0;
	v11 =	vld [tilespmem:s10+$0x0]  }
0x19f: {  	v14 =	vld [tilespmem:s18+$0xFFFFFF90];
	v2 =	vadd.f32 v2, v5  }
0x1a0: {  	v5 =	vld [tilespmem:s20+$0xFFFFFFE0];
	v9 =	vmax.f32 v1, $0.0e+00  }
0x1a1: {  	v1 =	vld [tilespmem:s10+$0xFFFFFFC0];
	v2 =	vmax.f32 v2, $0.0e+00;
	[tilespmem:s20+$0xFFFFFFD0] =	vst v9  }
0x1a2: {  	[tilespmem:s10+$0xFFFFFFA0] =	vst v2;
	v7 =	vadd.f32 v8, v7;
	v8 =	vld [tilespmem:s5+$0xFFFFFFE0];
	v2 =	vadd.f32 v3, v4  }
0x1a3: {  	v9 =	vld [tilespmem:s20+$0xFFFFFFA0]  }
0x1a4: {  	v10 =	vld [tilespmem:s31+$0xFFFFFFB0];
	v2 =	vmax.f32 v2, $0.0e+00  }
0x1a5: {  	v4 =	vld [tilespmem:s18+$0xFFFFFFD0];
	v3 =	vmax.f32 v7, $0.0e+00;
	[tilespmem:s20+$0xFFFFFF90] =	vst v2  }
0x1a6: {  	[tilespmem:s10+$0xFFFFFFF0] =	vst v3;
	v3 =	vld [tilespmem:s5+$0xFFFFFFA0]  }
0x1a7: {  	v7 =	vld [tilespmem:s20+$0xFFFFFFB0];
	v2 =	vadd.f32 v8, v5  }
0x1a8: {  	s21 =	simm.s32 $0x116A0;
	v12 =	vld [tilespmem:s31+$0x0]  }
0x1a9: {  	v5 =	vld [tilespmem:s21+$0xFFFFFFD0];
	v2 =	vmax.f32 v2, $0.0e+00  }
0x1aa: {  	v8 =	vld [tilespmem:s20+$0xFFFFFFF0];
	[tilespmem:s20+$0xFFFFFFE0] =	vst v2  }
0x1ab: {  	v13 =	vld [tilespmem:s5+$0xFFFFFFF0];
	v3 =	vadd.f32 v3, v9  }
0x1ac: {  	v2 =	vld [tilespmem:s20+$0xFFFFFFC0]  }
0x1ad: {  	v9 =	vld [tilespmem:s21+$0xFFFFFF90];
	v3 =	vmax.f32 v3, $0.0e+00  }
0x1ae: {  	v5 =	vadd.f32 v5, v4;
	v4 =	vld [tilespmem:s18+$0xFFFFFFA0];
	[tilespmem:s20+$0xFFFFFFA0] =	vst v3  }
0x1af: {  	v62 =	vld [tilespmem:s5+$0xFFFFFFB0]  }
0x1b0: {  	v3 =	vmax.f32 v5, $0.0e+00;
	v5 =	vadd.f32 v10, v6;
	v10 =	vld [tilespmem:s18+$0xFFFFFFE0];
	v8 =	vadd.f32 v13, v8  }
0x1b1: {  	[tilespmem:s18+$0xFFFFFFD0] =	vst v3;
	v3 =	vld [tilespmem:s18+$0xFFFFFFB0]  }
0x1b2: {  	v63 =	vld [tilespmem:s21+$0xFFFFFFE0];
	v6 =	vmax.f32 v8, $0.0e+00;
	v8 =	vadd.f32 v9, v14  }
0x1b3: {  	v9 =	vadd.f32 v12, v11;
	[tilespmem:s20+$0xFFFFFFF0] =	vst v6;
	v6 =	vmax.f32 v5, $0.0e+00;
	v5 =	vld [tilespmem:s20+$0x0]  }
0x1b4: {  	[tilespmem:s10+$0xFFFFFFB0] =	vst v6;
	v6 =	vmax.f32 v8, $0.0e+00;
	v11 =	vadd.f32 v62, v7;
	v7 =	vld [tilespmem:s5+$0x0]  }
0x1b5: {  	v9 =	vmax.f32 v9, $0.0e+00;
	[tilespmem:s18+$0xFFFFFF90] =	vst v6;
	v8 =	vld [tilespmem:s31+$0xFFFFFFC0]  }
0x1b6: {  	[tilespmem:s10+$0x0] =	vst v9;
	v9 =	vld [tilespmem:s21+$0xFFFFFFA0];
	v11 =	vmax.f32 v11, $0.0e+00  }
0x1b7: {  	s29 =	simm.s32 $0x4;
	s0 =	simm.s32 $0xB320;
	s4 =	simm.s32 $0x116A0;
	v6 =	vld [tilespmem:s18+$0xFFFFFFC0];
	v10 =	vadd.f32 v63, v10;
	[tilespmem:s20+$0xFFFFFFB0] =	vst v11  }
.LBB2_11:
0x1b8: {  	v11 =	vld [tilespmem:s0+$0xFFFFFFD0];
	s21 =	sadd.s32 $0x80, s21  }
0x1b9: {  	s29 =	sadd.s32 $0x2, s29;
	v12 =	vld [tilespmem:s21+$0xFFFFFFD0];
	v10 =	vmax.f32 v10, $0.0e+00;
	v5 =	vadd.f32 v7, v5  }
0x1ba: {  	p3 =	slt.u32 s29, $0x4E;
	[tilespmem:s18+$0xFFFFFFE0] =	vst v10;
	v7 =	vld [tilespmem:s18+$0xFFFFFFF0];
	v8 =	vadd.f32 v8, v1;
	v1 =	vmov v2  }
0x1bb: {  	v4 =	vadd.f32 v9, v4;
	v9 =	vld [tilespmem:s4+$0xFFFFFFF0];
	v10 =	vmax.f32 v5, $0.0e+00  }
0x1bc: {  	v5 =	vld [tilespmem:s21+$0xFFFFFF90];
	[tilespmem:s20+$0x0] =	vst v10;
	v8 =	vmax.f32 v8, $0.0e+00;
	v2 =	vmov v6  }
0x1bd: {  	v6 =	vld [tilespmem:s0+$0xFFFFFF90];
	v10 =	vmax.f32 v4, $0.0e+00;
	[tilespmem:s10+$0xFFFFFFC0] =	vst v8;
	s10 =	smov.u32 s20;
	s20 =	smov.u32 s18;
	s18 =	smov.u32 s0  }
0x1be: {  	v4 =	vld [tilespmem:s0+$0xFFFFFFA0];
	v8 =	vadd.f32 v12, v11;
	[tilespmem:s20+$0xFFFFFFA0] =	vst v10  }
0x1bf: {  	v10 =	vld [tilespmem:s4+$0xFFFFFFB0]  }
0x1c0: {  	v11 =	vld [tilespmem:s0+$0xFFFFFFB0];
	v8 =	vmax.f32 v8, $0.0e+00;
	v7 =	vadd.f32 v9, v7  }
0x1c1: {  	[tilespmem:s0+$0xFFFFFFD0] =	vst v8;
	v12 =	vld [tilespmem:s0+$0xFFFFFFE0]  }
0x1c2: {  	v6 =	vadd.f32 v5, v6;
	v13 =	vld [tilespmem:s21+$0xFFFFFFE0];
	v5 =	vmax.f32 v7, $0.0e+00  }
.Ltmp4:
0x1c3: {  	[tilespmem:s20+$0xFFFFFFF0] =	vst v5;
	v5 =	vld [tilespmem:s20+$0x0];
	(pc) =	sbr.rel @p3 .LBB2_11-.Ltmp4, $4  }
0x1c4: {  	v6 =	vmax.f32 v6, $0.0e+00;
	v10 =	vadd.f32 v10, v3;
	v7 =	vld [tilespmem:s4+$0x0]  }
0x1c5: {  	[tilespmem:s0+$0xFFFFFF90] =	vst v6;
	v8 =	vld [tilespmem:s5+$0xFFFFFFC0];
	v3 =	vmov v11;
	s5 =	smov.u32 s4;
	s4 =	smov.u32 s21  }
0x1c6: {  	v9 =	vld [tilespmem:s21+$0xFFFFFFA0];
	v11 =	vmax.f32 v10, $0.0e+00  }
0x1c7: {  	s0 =	sadd.s32 $0x80, s0;
	v6 =	vld [tilespmem:s18+$0xFFFFFFC0];
	v10 =	vadd.f32 v13, v12;
	[tilespmem:s20+$0xFFFFFFB0] =	vst v11  }
0x1c8: {  	_ =	sdelay $0x2  }
0x1c9: {  	v10 =	vmax.f32 v10, $0.0e+00;
	v4 =	vadd.f32 v9, v4  }
0x1ca: {  	v60 =	vld [tilespmem:s18+$0xFFFFFFF0];
	[tilespmem:s18+$0xFFFFFFE0] =	vst v10  }
0x1cb: {  	v61 =	vld [tilespmem:s4+$0xFFFFFFF0];
	v4 =	vmax.f32 v4, $0.0e+00  }
0x1cc: {  	[tilespmem:s18+$0xFFFFFFA0] =	vst v4  }
0x1cd: {  	v4 =	vld [tilespmem:s4+$0xFFFFFFB0];
	_ =	sdelay $0x2  }
0x1ce: {  	v9 =	vadd.f32 v61, v60;
	_ =	sdelay $0x1  }
0x1cf: {  	v9 =	vmax.f32 v9, $0.0e+00;
	v3 =	vadd.f32 v4, v3  }
0x1d0: {  	[tilespmem:s18+$0xFFFFFFF0] =	vst v9;
	v4 =	vld [tilespmem:s18+$0x0]  }
0x1d1: {  	v9 =	vld [tilespmem:s4+$0x0];
	v3 =	vmax.f32 v3, $0.0e+00  }
0x1d2: {  	v62 =	vld [tilespmem:s5+$0xFFFFFFC0];
	[tilespmem:s18+$0xFFFFFFB0] =	vst v3  }
0x1d3: {  	v3 =	vld [tilespmem:s4+$0xFFFFFFC0]  }
0x1d4: {  	v5 =	vadd.f32 v7, v5  }
0x1d5: {  	v1 =	vadd.f32 v8, v1  }
0x1d6: {  	v5 =	vmax.f32 v5, $0.0e+00;
	v4 =	vadd.f32 v9, v4  }
0x1d7: {  	[tilespmem:s20+$0x0] =	vst v5;
	v1 =	vmax.f32 v1, $0.0e+00;
	v2 =	vadd.f32 v62, v2  }
0x1d8: {  	s0 =	smul.u32 $0x140, s16;
	[tilespmem:s10+$0xFFFFFFC0] =	vst v1;
	v1 =	vmax.f32 v4, $0.0e+00;
	v3 =	vadd.f32 v3, v6  }
0x1d9: {  	[tilespmem:s18+$0x0] =	vst v1;
	v1 =	vmax.f32 v2, $0.0e+00  }
0x1da: {  	s0 =	sshra.s32 s0, $0x2;
	[tilespmem:s20+$0xFFFFFFC0] =	vst v1;
	v1 =	vmax.f32 v3, $0.0e+00  }
0x1db: {  	s0 =	sadd.s32 $0x2710, s0;
	[tilespmem:s18+$0xFFFFFFC0] =	vst v1  }
0x1dc: {  	[spmem:s3] =	stream.indirect.scatter.add.f32 [tilespmem:s30], [sflag:$0xE], $0x40, s0, s26, $0xb8;
	[tilespmem:$0x1DDB0] =	vst v63  }
0x1dd: {  	s0 =	simm.s32 @!p2 $0xD  }
0x1de: {  	_ =	swait.ge @!p2 [sflag:s0], $0x1400  }
0x1df: {  	s5 =	simm.s32 @!p2 $0x9D30;
	[sflag:s0] =	ssyncset.done @!p2 $0x0  }
0x1e0: {  	s4 =	simm.s32 @!p2 $0x50;
	[sflag:s0] =	ssyncadd.s32 @!p2 $0xFFFFEC00;
	s0 =	sadd.s32 @!p2 $0x230, s19  }
0x1e1: {  	[tilespmem:s5], [sflag:$0x3] =	stream.indirect.gather @!p2 [hbm4b:s6+s4], $0x40, s0, s4, $0xb8;
	[tilespmem:$0x1DDB0] =	vst v63  }
0x1e2: {  	s0 =	sadd.s32 @!p2 $0x5050, s19;
	s5 =	simm.s32 @!p2 $0x10130  }
0x1e3: {  	[tilespmem:s5], [sflag:$0x8] =	stream.indirect.gather @!p2 [spmem:s2], $0x40, s0, s4, $0xb8;
	[tilespmem:$0x1DDB0] =	vst v63  }
0x1e4: {  	_ =	swait.ge [sflag:s13], $0x1400  }
0x1e5: {  	[sflag:s13] =	ssyncset.done $0x0  }
0x1e6: {  	[sflag:s13] =	ssyncadd.s32 $0xFFFFEC00  }
0x1e7: {  	_ =	swait.ge [sflag:s14], $0x1400  }
0x1e8: {  	[sflag:s14] =	ssyncset.done $0x0  }
0x1e9: {  	s5 =	simm.s32 $0x0;
	[sflag:s14] =	ssyncadd.s32 $0xFFFFEC00  }
0x1ea: {  	v1 =	vld [tilespmem:s5+$0xC5A0]  }
0x1eb: {  	v2 =	vld [tilespmem:s5+$0x129A0]  }
0x1ec: {  	v3 =	vld [tilespmem:s5+$0xC530]  }
0x1ed: {  	v4 =	vld [tilespmem:s5+$0x12930]  }
0x1ee: {  	v5 =	vld [tilespmem:s5+$0xC540]  }
0x1ef: {  	v6 =	vld [tilespmem:s5+$0x12940]  }
0x1f0: {  	v7 =	vld [tilespmem:s5+$0xC550]  }
0x1f1: {  	v1 =	vadd.f32 v2, v1;
	v2 =	vld [tilespmem:s5+$0x12950]  }
0x1f2: {  	v8 =	vld [tilespmem:s5+$0xC560]  }
0x1f3: {  	v63 =	vld [tilespmem:s5+$0x12960];
	v4 =	vadd.f32 v4, v3  }
0x1f4: {  	v5 =	vadd.f32 v6, v5;
	v3 =	vld [tilespmem:s5+$0x12970];
	v1 =	vmax.f32 v1, $0.0e+00  }
0x1f5: {  	v4 =	vmax.f32 v4, $0.0e+00;
	[tilespmem:s5+$0xC5A0] =	vst v1;
	v1 =	vld [tilespmem:s5+$0xC570]  }
0x1f6: {  	[tilespmem:s5+$0xC530] =	vst v4;
	v4 =	vmax.f32 v5, $0.0e+00;
	v5 =	vld [tilespmem:s5+$0x12980];
	v6 =	vadd.f32 v2, v7  }
0x1f7: {  	v2 =	vld [tilespmem:s5+$0xC580]  }
0x1f8: {  	s0 =	simm.s32 $0x0;
	s4 =	simm.s32 $0x200;
	[tilespmem:s5+$0xC540] =	vst v4;
	v4 =	vld [tilespmem:s5+$0xC590];
	v7 =	vmax.f32 v6, $0.0e+00;
	v6 =	vadd.f32 v63, v8  }
.LBB2_13:
0x1f9: {  	s10 =	sshra.s32 s4, $0x2;
	[tilespmem:s5+$0xC550] =	vst v7;
	v7 =	vld [tilespmem:s5+$0x12990]  }
0x1fa: {  	s0 =	sadd.s32 $0x2, s0;
	v8 =	vld [tilespmem:s10+$0xC5A0];
	v6 =	vmax.f32 v6, $0.0e+00;
	v1 =	vadd.f32 v3, v1  }
0x1fb: {  	p2 =	slt.u32 s0, $0x4E;
	v3 =	vld [tilespmem:s10+$0x129A0];
	[tilespmem:s5+$0xC560] =	vst v6  }
0x1fc: {  	v6 =	vld [tilespmem:s10+$0xC530];
	v1 =	vmax.f32 v1, $0.0e+00;
	v2 =	vadd.f32 v5, v2  }
0x1fd: {  	v5 =	vld [tilespmem:s10+$0x12930];
	[tilespmem:s5+$0xC570] =	vst v1  }
0x1fe: {  	v1 =	vld [tilespmem:s10+$0xC540];
	v2 =	vmax.f32 v2, $0.0e+00;
	v4 =	vadd.f32 v7, v4  }
0x1ff: {  	v7 =	vld [tilespmem:s10+$0x12940];
	[tilespmem:s5+$0xC580] =	vst v2  }
0x200: {  	v2 =	vld [tilespmem:s10+$0xC550];
	v3 =	vadd.f32 v3, v8;
	v4 =	vmax.f32 v4, $0.0e+00  }
0x201: {  	v8 =	vld [tilespmem:s10+$0x12950];
	[tilespmem:s5+$0xC590] =	vst v4;
	s5 =	smov.u32 s10  }
0x202: {  	v4 =	vadd.f32 v5, v6;
	v6 =	vld [tilespmem:s5+$0xC560];
	v3 =	vmax.f32 v3, $0.0e+00  }
0x203: {  	v9 =	vld [tilespmem:s5+$0x12960];
	[tilespmem:s5+$0xC5A0] =	vst v3  }
.Ltmp5:
0x204: {  	v3 =	vmax.f32 v4, $0.0e+00;
	v4 =	vadd.f32 v7, v1;
	v1 =	vld [tilespmem:s5+$0xC570];
	(pc) =	sbr.rel @p2 .LBB2_13-.Ltmp5, $4  }
0x205: {  	[tilespmem:s5+$0xC530] =	vst v3;
	v3 =	vld [tilespmem:s5+$0x12970]  }
0x206: {  	v4 =	vmax.f32 v4, $0.0e+00;
	v7 =	vadd.f32 v8, v2;
	v2 =	vld [tilespmem:s5+$0xC580]  }
0x207: {  	[tilespmem:s5+$0xC540] =	vst v4;
	v5 =	vld [tilespmem:s5+$0x12980]  }
0x208: {  	s4 =	sadd.s32 $0x200, s4;
	v7 =	vmax.f32 v7, $0.0e+00;
	v6 =	vadd.f32 v9, v6;
	v4 =	vld [tilespmem:s5+$0xC590]  }
0x209: {  	v8 =	vld [tilespmem:s5+$0x12990];
	_ =	sdelay $0x2  }
0x20a: {  	s15 =	sadd.s32 $0x1, s15;
	v1 =	vadd.f32 v3, v1  }
0x20b: {  	[tilespmem:s5+$0xC550] =	vst v7;
	s0 =	smul.u32 $0x140, s17;
	v3 =	vmax.f32 v6, $0.0e+00;
	p2 =	sne.s32 s15, $0x19;
	v2 =	vadd.f32 v5, v2  }
.Ltmp6:
0x20c: {  	[tilespmem:s5+$0xC560] =	vst v3;
	v1 =	vmax.f32 v1, $0.0e+00;
	v3 =	vadd.f32 v8, v4;
	(pc) =	sbr.rel @p2 .LBB2_4-.Ltmp6, $4  }
0x20d: {  	[tilespmem:s5+$0xC570] =	vst v1;
	v1 =	vmax.f32 v2, $0.0e+00  }
0x20e: {  	s0 =	sshra.s32 s0, $0x2;
	[tilespmem:s5+$0xC580] =	vst v1;
	v1 =	vmax.f32 v3, $0.0e+00  }
0x20f: {  	s0 =	sadd.s32 $0x2710, s0;
	[tilespmem:s5+$0xC590] =	vst v1  }
0x210: {  	[spmem:s3] =	stream.indirect.scatter.add.f32 [tilespmem:s28], [sflag:$0xF], $0x40, s0, s26, $0xb8;
	[tilespmem:$0x1DDB0] =	vst v63  }
0x211: {  	s0 =	simm.s32 $0xB  }
0x212: {  	_ =	swait.ge [sflag:s0], $0x1400  }
0x213: {  	[sflag:s0] =	ssyncset.done $0x0  }
0x214: {  	s17 =	simm.s32 $0xC;
	[sflag:s0] =	ssyncadd.s32 $0xFFFFEC00  }
0x215: {  	_ =	swait.ge [sflag:s17], $0x1400  }
0x216: {  	[sflag:s17] =	ssyncset.done $0x0  }
0x217: {  	s18 =	simm.s32 $0xD;
	[sflag:s17] =	ssyncadd.s32 $0xFFFFEC00  }
0x218: {  	_ =	swait.ge [sflag:s18], $0x1400  }
0x219: {  	[sflag:s18] =	ssyncset.done $0x0  }
0x21a: {  	s19 =	simm.s32 $0xE;
	[sflag:s18] =	ssyncadd.s32 $0xFFFFEC00  }
0x21b: {  	_ =	swait.ge [sflag:s19], $0x1400  }
0x21c: {  	[sflag:s19] =	ssyncset.done $0x0  }
0x21d: {  	s20 =	simm.s32 $0xF;
	[sflag:s19] =	ssyncadd.s32 $0xFFFFEC00  }
0x21e: {  	_ =	swait.ge [sflag:s20], $0x1400  }
0x21f: {  	[sflag:s20] =	ssyncset.done $0x0  }
0x220: {  	[sflag:s20] =	ssyncadd.s32 $0xFFFFEC00  }
0x221: {  	s21 =	stileid.u32;
	[bflag:$0x0] =	sbarrier.arrive $0xFFFF  }
0x222: {  	s0 =	sshll.u32 s21, $0x6;
	s15 =	rddreg [dreg:$0x9]  }
0x223: {  	s0 =	sor.u32 $0x1C10, s0;
	s5 =	rddreg [dreg:$0x12];
	s4 =	sshrl.u32 s15, $0x3  }
0x224: {  	[hbm:s5], [sflag:s0] =	dma.local [spmem:s4], $0x1380  }
0x225: {  	_ =	swait.ge [sflag:s22], $0x1380  }
0x226: {  	[sflag:s22] =	ssyncset.done $0x0;
	s16 =	rddreg [dreg:$0x11]  }
0x227: {  	s5 =	rddreg [dreg:$0x13];
	[sflag:s22] =	ssyncadd.s32 $0xFFFFEC80;
	s4 =	sshrl.u32 @!p1 s16, $0x3  }
0x228: {  	[hbm:s5], [sflag:s0] =	dma.local @!p1 [spmem:s4], $0x80  }
0x229: {  	s0 =	simm.s32 @!p1 $0x10  }
0x22a: {  	_ =	swait.ge @!p1 [sflag:s0], $0x80  }
0x22b: {  	s29 =	rddreg [dreg:$0x15]  }
0x22c: {  	s31 =	rddreg [dreg:$0x14];
	s5 =	sadd.s32 $0x1, s29  }
0x22d: {  	p2 =	sne.s32 s5, s31  }
.Ltmp7:
0x22e: {  	_ = 	snop;
	(pc) =	sbr.rel @p2 .LBB2_1-.Ltmp7, $3  }
0x22f: {  	_ =	sdelay $0x1  }
0x230: {  	[sflag:s0] =	ssyncset.done @!p1 $0x0  }
0x231: {  	s17 =	simm.s32 $0x4E20;
	[sflag:s0] =	ssyncadd.s32 @!p1 $0xFFFFFF80  }
0x232: {  	_ =	sfence.sel $0x180000  }
0x233: {  	[bflag:$0x0] =	sbarrier.arrive $0xFFFF  }
0x234: {  	_ =	strace $0x90000047  }
0x235: {  	[bflag:$0x2] =	sbarrier.arrive $0xFFFF  }
0x236: {  	s0 =	rddreg [dreg:$0x5]  }
0x237: {  	s0 =	sadd.s32 @!p0 $0x100000, s0  }
0x238: {  	[sflag:s0] =	ssyncadd.tile.s32 @!p0 $0x1;
	_ =	shalt  }
.Lfunc_end2:
_tile_overlayer_lowered:
.L_overlay_start_2:
0x239: {  	(tag) =	ssettag $0x2  }
0x23a: {  	s0 =	rddreg [dreg:$0x0];
	s2 =	stileid.u32  }
0x23b: {  	s1 =	rddreg [dreg:$0x1];
	p0 =	sne.s32 s2, $0x0  }
0x23c: {  	s3 =	rddreg [dreg:$0x2];
	[bflag:$0x3] =	sbarrier.arrive $0xFFFF;
	s2 =	simm.s32 @!p0 $0x1C10  }
0x23d: {  	[timem:s3], [sflag:s2] =	dma.local @!p0 [hbm:s0], s1  }
0x23e: {  	s0 =	simm.s32 @!p0 $0x10  }
0x23f: {  	_ =	swait.ge @!p0 [sflag:s0], s1  }
0x240: {  	s1 =	ssub.s32 @!p0 $0x0, s1;
	[sflag:s0] =	ssyncset.done @!p0 $0x0  }
0x241: {  	[sflag:s0] =	ssyncadd.s32 @!p0 s1  }
0x242: {  	[bflag:$0x3] =	sbarrier.arrive $0xFFFF  }
0x243: {  	_ =	shalt  }

</sc_bundles>
